<compile_context>
chip_gen: v7x
topology: tpu7x:2x2x1
jax: 0.10.2.dev20260603
libtpu: 0.0.44.dev20260713+nightly
codegen_flags: <defaults>
</compile_context>

<pallas_src>
import functools

import jax
import jax.numpy as jnp
from jax import lax
from jax.experimental import pallas as pl
from jax.experimental.pallas import tpu as pltpu
from jax.experimental.pallas import tpu_sc as plsc

_NC = 2
_NS = 16
_L = 16


def _k1_body(q_ref, k_ref, w_ref, gi_ref, *, S, NB, h, B2):
    q = q_ref[0]
    k = k_ref[0]
    dot = lax.dot_general(k, q, (((1,), (1,)), ((), ())),
                          preferred_element_type=jnp.float32)
    kn = jnp.sum(k * k, axis=1, keepdims=True)
    ones8 = jnp.ones((8, q.shape[1]), jnp.float32)
    qn8 = lax.dot_general(ones8, q * q, (((1,), (1,)), ((), ())),
                          preferred_element_type=jnp.float32)
    dist = kn + qn8[0:1, :] - 2.0 * dot

    inf = jnp.float32(jnp.inf)
    m0 = jnp.min(dist, axis=0, keepdims=True)
    c0 = dist == m0
    d1 = jnp.where(c0, inf, dist)
    m1 = jnp.min(d1, axis=0, keepdims=True)
    c1 = d1 == m1
    d2 = jnp.where(c1, inf, d1)
    m2 = jnp.min(d2, axis=0, keepdims=True)
    c2 = d2 == m2

    ii = lax.broadcasted_iota(jnp.int32, (S, NB), 0)
    i0 = jnp.min(jnp.where(c0, ii, S), axis=0, keepdims=True)
    i1 = jnp.min(jnp.where(c1, ii, S), axis=0, keepdims=True)
    i2 = jnp.min(jnp.where(c2, ii, S), axis=0, keepdims=True)

    r0 = 1.0 / (m0 + 1e-8)
    r1 = 1.0 / (m1 + 1e-8)
    r2 = 1.0 / (m2 + 1e-8)
    rnorm = r0 + r1 + r2

    zrow = jnp.zeros((5, NB), jnp.float32)
    w8 = jnp.concatenate([r0 / rnorm, r1 / rnorm, r2 / rnorm, zrow],
                         axis=0)
    eye = jnp.eye(8, 16, dtype=jnp.float32)
    w_ref[0] = lax.dot_general(w8, eye, (((0,), (0,)), ((), ())),
                               preferred_element_type=jnp.float32)
    goff = (pl.program_id(0) + h * B2) * S
    zrow_i = jnp.zeros((5, NB), jnp.int32)
    gi_ref[0] = jnp.concatenate([i0 + goff, i1 + goff, i2 + goff, zrow_i],
                                axis=0)


def _sc_interp_body(table_ref, gi_ref, w_ref, out_ref,
                    i0a, i1a, i2a, w_a, r0a, r1a, r2a,
                    i0b, i1b, i2b, w_b, r0b, r1b, r2b,
                    out_v, sema, semb,
                    *, N, D2, RPW, C):
    wid = lax.axis_index("s") * _NC + lax.axis_index("c")
    wpb = N // RPW
    bh = wid // wpb
    n0 = (wid % wpb) * RPW
    nchunks = RPW // C
    nj = D2 // _L
    bufs = ((i0a, i1a, i2a, w_a, r0a, r1a, r2a, sema),
            (i0b, i1b, i2b, w_b, r0b, r1b, r2b, semb))

    def issue(c, p):
        i0, i1, i2, w_v, r0, r1, r2, sem = bufs[p]
        nbase = n0 + c * C
        pltpu.sync_copy(gi_ref.at[bh * 8 + 0, pl.ds(nbase, C)], i0)
        pltpu.sync_copy(gi_ref.at[bh * 8 + 1, pl.ds(nbase, C)], i1)
        pltpu.sync_copy(gi_ref.at[bh * 8 + 2, pl.ds(nbase, C)], i2)
        pltpu.sync_copy(w_ref.at[pl.ds(bh * N + nbase, C)], w_v)
        return (pltpu.async_copy(table_ref.at[i0], r0, sem),
                pltpu.async_copy(table_ref.at[i1], r1, sem),
                pltpu.async_copy(table_ref.at[i2], r2, sem))

    def consume(c, p, cps):
        i0, i1, i2, w_v, r0, r1, r2, sem = bufs[p]
        for cp in cps:
            cp.wait()

        def row_body(n, _):
            wrow = w_v[n, pl.ds(0, _L)]
            w0n = jnp.full((_L,), wrow[0], jnp.float32)
            w1n = jnp.full((_L,), wrow[1], jnp.float32)
            w2n = jnp.full((_L,), wrow[2], jnp.float32)
            for j in range(nj):
                sl = pl.ds(j * _L, _L)
                out_v[n, sl] = (w0n * r0[n, sl] + w1n * r1[n, sl]
                                + w2n * r2[n, sl])
            return 0

        lax.fori_loop(0, C, row_body, 0)
        pltpu.sync_copy(out_v, out_ref.at[pl.ds(bh * N + n0 + c * C, C)])

    def pair_body(g, _):
        c0 = 2 * g
        cpa = issue(c0, 0)
        cpb = issue(c0 + 1, 1)
        consume(c0, 0, cpa)
        consume(c0 + 1, 1, cpb)
        return 0

    lax.fori_loop(0, nchunks // 2, pair_body, 0)


def _k2_body(ip_ref, p1_ref, w0p_ref, w0i_ref, z1_ref, sums_ref):
    ip = ip_ref[0].astype(jnp.bfloat16)
    z1 = (lax.dot_general(w0i_ref[...], ip, (((1,), (1,)), ((), ())),
                          preferred_element_type=jnp.float32)
          + lax.dot_general(w0p_ref[...], p1_ref[0], (((1,), (0,)), ((), ())),
                            preferred_element_type=jnp.float32))
    z1_ref[0] = z1.astype(jnp.bfloat16)
    part = jnp.concatenate(
        [jnp.sum(z1, axis=1, keepdims=True),
         jnp.sum(z1 * z1, axis=1, keepdims=True)], axis=1)
    first = (pl.program_id(0) == 0) & (pl.program_id(1) == 0)

    @pl.when(first)
    def _():
        sums_ref[...] = part

    @pl.when(jnp.logical_not(first))
    def _():
        sums_ref[...] = sums_ref[...] + part


def _k3_body(z1a_ref, z1b_ref, sums_ref, g_ref, be_ref, w1_ref,
             z2_ref, sums2_ref, *, count, B2):
    s = sums_ref[:, 0:1]
    sq = sums_ref[:, 1:2]
    mu = s / count
    var = sq / count - mu * mu
    inv = g_ref[...] * lax.rsqrt(var + 1e-5)
    shift = be_ref[...] - mu * inv
    sel = pl.program_id(0) < B2
    z1 = jnp.where(sel, z1a_ref[0], z1b_ref[0]).astype(jnp.float32)
    h = jnp.maximum(z1 * inv + shift, 0.0).astype(jnp.bfloat16)
    z2 = lax.dot_general(w1_ref[...], h, (((1,), (0,)), ((), ())),
                         preferred_element_type=jnp.float32)
    z2_ref[0] = z2.astype(jnp.bfloat16)
    part = jnp.concatenate(
        [jnp.sum(z2, axis=1, keepdims=True),
         jnp.sum(z2 * z2, axis=1, keepdims=True)], axis=1)
    first = (pl.program_id(0) == 0) & (pl.program_id(1) == 0)

    @pl.when(first)
    def _():
        sums2_ref[...] = part

    @pl.when(jnp.logical_not(first))
    def _():
        sums2_ref[...] = sums2_ref[...] + part


def _k4_body(z2_ref, sums_ref, g_ref, be_ref, y_ref, *, count):
    s = sums_ref[:, 0:1]
    sq = sums_ref[:, 1:2]
    mu = s / count
    var = sq / count - mu * mu
    inv = g_ref[...] * lax.rsqrt(var + 1e-5)
    shift = be_ref[...] - mu * inv
    z2 = z2_ref[0].astype(jnp.float32)
    y_ref[0] = jnp.maximum(z2 * inv + shift, 0.0)


def kernel(xyz1, xyz2, points1, points2, feat1, feat2,
           W0, b0, g0, be0, W1, b1, g1, be1):
    B, _, N = xyz1.shape
    S = xyz2.shape[2]
    D1 = points1.shape[1]
    D2 = points2.shape[1]
    CF = feat1.shape[2]
    C1 = W0.shape[0]
    C2 = W1.shape[0]
    NB = min(256, N)
    NJ = N // NB
    C = 3 + CF
    CP = ((C + 7) // 8) * 8

    x1t = jnp.transpose(xyz1, (0, 2, 1))
    x2t = jnp.transpose(xyz2, (0, 2, 1))
    q = jnp.concatenate(
        [x1t, feat1, jnp.zeros((B, N, CP - C), jnp.float32)], axis=2)
    kq = jnp.concatenate(
        [x2t, feat2, jnp.zeros((B, S, CP - C), jnp.float32)], axis=2)
    table = jnp.transpose(points2, (0, 2, 1)).reshape(B * S, D2)
    p1b = points1.astype(jnp.bfloat16)
    w0p = W0[:, :D1].astype(jnp.bfloat16)
    w0i = W0[:, D1:].astype(jnp.bfloat16)
    w1b = W1.astype(jnp.bfloat16)
    g0c = g0[:, None]
    be0c = be0[:, None]
    g1c = g1[:, None]
    be1c = be1[:, None]

    B2 = B // 2
    R = B2 * N
    NW = _NC * _NS
    RPW = R // NW
    CC = 32
    z1s = []
    sums1 = None
    for h in range(2):
        wh, gih = pl.pallas_call(
            functools.partial(_k1_body, S=S, NB=NB, h=h, B2=B2),
            grid=(B2, NJ),
            in_specs=[
                pl.BlockSpec((1, NB, CP),
                             lambda b, j, h=h: (b + h * B2, j, 0)),
                pl.BlockSpec((1, S, CP),
                             lambda b, j, h=h: (b + h * B2, 0, 0)),
            ],
            out_specs=[
                pl.BlockSpec((1, NB, 16), lambda b, j: (b, j, 0)),
                pl.BlockSpec((1, 8, NB), lambda b, j: (b, 0, j)),
            ],
            out_shape=[
                jax.ShapeDtypeStruct((B2, N, 16), jnp.float32),
                jax.ShapeDtypeStruct((B2, 8, N), jnp.int32),
            ],
        )(q, kq)

        sc = functools.partial(
            pl.kernel,
            mesh=plsc.VectorSubcoreMesh(core_axis_name="c",
                                        subcore_axis_name="s"),
            out_type=jax.ShapeDtypeStruct((R, D2), jnp.float32),
            scratch_types=(
                2 * [pltpu.VMEM((CC,), jnp.int32),
                     pltpu.VMEM((CC,), jnp.int32),
                     pltpu.VMEM((CC,), jnp.int32),
                     pltpu.VMEM((CC, 16), jnp.float32),
                     pltpu.VMEM((CC, D2), jnp.float32),
                     pltpu.VMEM((CC, D2), jnp.float32),
                     pltpu.VMEM((CC, D2), jnp.float32)]
                + [pltpu.VMEM((CC, D2), jnp.float32),
                   pltpu.SemaphoreType.DMA,
                   pltpu.SemaphoreType.DMA]
            ),
        )(functools.partial(_sc_interp_body, N=N, D2=D2, RPW=RPW, C=CC))
        interp = sc(table, gih.reshape(B2 * 8, N),
                    wh.reshape(B2 * N, 16)).reshape(B2, N, D2)

        z1h, s1h = pl.pallas_call(
            _k2_body,
            grid=(B2, NJ),
            in_specs=[
                pl.BlockSpec((1, NB, D2), lambda b, j: (b, j, 0)),
                pl.BlockSpec((1, D1, NB),
                             lambda b, j, h=h: (b + h * B2, 0, j)),
                pl.BlockSpec((C1, D1), lambda b, j: (0, 0)),
                pl.BlockSpec((C1, D2), lambda b, j: (0, 0)),
            ],
            out_specs=[
                pl.BlockSpec((1, C1, NB), lambda b, j: (b, 0, j)),
                pl.BlockSpec((C1, 2), lambda b, j: (0, 0)),
            ],
            out_shape=[
                jax.ShapeDtypeStruct((B2, C1, N), jnp.bfloat16),
                jax.ShapeDtypeStruct((C1, 2), jnp.float32),
            ],
        )(interp, p1b, w0p, w0i)
        z1s.append(z1h)
        sums1 = s1h if sums1 is None else sums1 + s1h

    count = float(B * N)
    z2, sums2 = pl.pallas_call(
        functools.partial(_k3_body, count=count, B2=B2),
        grid=(B, NJ),
        in_specs=[
            pl.BlockSpec((1, C1, NB), lambda b, j: (b % B2, 0, j)),
            pl.BlockSpec((1, C1, NB), lambda b, j: (b % B2, 0, j)),
            pl.BlockSpec((C1, 2), lambda b, j: (0, 0)),
            pl.BlockSpec((C1, 1), lambda b, j: (0, 0)),
            pl.BlockSpec((C1, 1), lambda b, j: (0, 0)),
            pl.BlockSpec((C2, C1), lambda b, j: (0, 0)),
        ],
        out_specs=[
            pl.BlockSpec((1, C2, NB), lambda b, j: (b, 0, j)),
            pl.BlockSpec((C2, 2), lambda b, j: (0, 0)),
        ],
        out_shape=[
            jax.ShapeDtypeStruct((B, C2, N), jnp.bfloat16),
            jax.ShapeDtypeStruct((C2, 2), jnp.float32),
        ],
    )(z1s[0], z1s[1], sums1, g0c, be0c, w1b)

    y = pl.pallas_call(
        functools.partial(_k4_body, count=count),
        grid=(B, NJ),
        in_specs=[
            pl.BlockSpec((1, C2, NB), lambda b, j: (b, 0, j)),
            pl.BlockSpec((C2, 2), lambda b, j: (0, 0)),
            pl.BlockSpec((C2, 1), lambda b, j: (0, 0)),
            pl.BlockSpec((C2, 1), lambda b, j: (0, 0)),
        ],
        out_specs=pl.BlockSpec((1, C2, NB), lambda b, j: (b, 0, j)),
        out_shape=jax.ShapeDtypeStruct((B, C2, N), jnp.float32),
    )(z2, sums2, g1c, be1c)

    return y

# --- scband reference (transcript-rebuilt; emitter-appended) ---
"""Pipeline reference for scband-point-net-feature-propagation-72756745994766 (READ-ONLY COPY).

The authoritative reference and input builder live on the scoring server;
editing this copy changes nothing except your own understanding.
"""

import jax, jax.numpy as jnp
import numpy as np

B, N, S = 16, 4096, 1024
D1, D2, CF = 128, 256, 64
IN_CH = D1 + D2
MLP = [256, 256]


def _sqdist(src, dst):
    # src: [B,N,C], dst: [B,M,C] -> [B,N,M]
    d = -2.0 * jnp.matmul(src, jnp.transpose(dst, (0, 2, 1)))
    d = d + jnp.sum(src ** 2, axis=-1)[:, :, None]
    d = d + jnp.sum(dst ** 2, axis=-1)[:, None, :]
    return d


def setup_inputs(seed: int = 0) -> dict:
    key = jax.random.key(seed)
    ks = jax.random.split(key, 16)
    inp = {
        "xyz1": jax.random.normal(ks[0], (B, 3, N), dtype=jnp.float32),
        "xyz2": jax.random.normal(ks[1], (B, 3, S), dtype=jnp.float32),
        "points1": jax.random.normal(ks[2], (B, D1, N), dtype=jnp.float32),
        "points2": jax.random.normal(ks[3], (B, D2, S), dtype=jnp.float32),
        "feat1": jax.random.normal(ks[4], (B, N, CF), dtype=jnp.float32),
        "feat2": jax.random.normal(ks[5], (B, S, CF), dtype=jnp.float32),
    }
    # mlp params: conv1d kernel-size-1 weights + batchnorm affine params
    last = IN_CH
    for i, oc in enumerate(MLP):
        inp[f"W{i}"] = jax.random.normal(ks[6 + 2 * i], (oc, last), dtype=jnp.float32) * (1.0 / np.sqrt(last))
        inp[f"b{i}"] = jnp.zeros((oc,), dtype=jnp.float32)
        inp[f"g{i}"] = jnp.ones((oc,), dtype=jnp.float32)
        inp[f"be{i}"] = jnp.zeros((oc,), dtype=jnp.float32)
        last = oc
    return inp


def reference(xyz1, xyz2, points1, points2, feat1, feat2,
              W0, b0, g0, be0, W1, b1, g1, be1):
    x1 = jnp.transpose(xyz1, (0, 2, 1))  # [B,N,3]
    x2 = jnp.transpose(xyz2, (0, 2, 1))  # [B,S,3]
    p2 = jnp.transpose(points2, (0, 2, 1))  # [B,S,D2]
    dists1 = _sqdist(x1, x2)
    dists2 = _sqdist(feat1, feat2)
    dist = dists1 + dists2  # [B,N,S]
    # 3 smallest distances -> top_k of negated
    neg_top, idx = jax.lax.top_k(-dist, 3)  # [B,N,3]
    dist3 = -neg_top
    dist_recip = 1.0 / (dist3 + 1e-8)
    norm = jnp.sum(dist_recip, axis=2, keepdims=True)
    weight = dist_recip / norm  # [B,N,3]
    gathered = jax.vmap(lambda pts, ix: pts[ix])(p2, idx)  # [B,N,3,D2]
    interpolated = jnp.sum(gathered * weight[:, :, :, None], axis=2)  # [B,N,D2]
    p1 = jnp.transpose(points1, (0, 2, 1))  # [B,N,D1]
    new_points = jnp.concatenate([p1, interpolated], axis=-1)  # [B,N,D1+D2]
    y = jnp.transpose(new_points, (0, 2, 1))  # [B,C,N]
    for (W, b, g, be) in ((W0, b0, g0, be0), (W1, b1, g1, be1)):
        y = jnp.einsum('oi,bin->bon', W, y) + b[None, :, None]
        mu = jnp.mean(y, axis=(0, 2))
        var = jnp.var(y, axis=(0, 2))
        y = (y - mu[None, :, None]) / jnp.sqrt(var[None, :, None] + 1e-5)
        y = g[None, :, None] * y + be[None, :, None]
        y = jax.nn.relu(y)
    return y

if __name__ == "__main__":
    import jax
    _d = setup_inputs()
    print(jax.jit(kernel)(*tuple(_d.values())))

</pallas_src>

<mosaic_0001>
#map = affine_map<(d0, d1) -> (0, 0)>
module attributes {stable_mosaic.version = 14 : i64} {
  func.func @_sc_interp_body(%arg0: i32, %arg1: i32, %arg2: memref<16384x256xf32, #tpu.memory_space<hbm>>, %arg3: memref<64x4096xi32, #tpu.memory_space<hbm>>, %arg4: memref<32768x16xf32, #tpu.memory_space<hbm>>, %arg5: memref<32768x256xf32, #tpu.memory_space<hbm>>, %arg6: memref<32xi32, #tpu.memory_space<vmem>>, %arg7: memref<32xi32, #tpu.memory_space<vmem>>, %arg8: memref<32xi32, #tpu.memory_space<vmem>>, %arg9: memref<32x16xf32, #tpu.memory_space<vmem>>, %arg10: memref<32x256xf32, #tpu.memory_space<vmem>>, %arg11: memref<32x256xf32, #tpu.memory_space<vmem>>, %arg12: memref<32x256xf32, #tpu.memory_space<vmem>>, %arg13: memref<32xi32, #tpu.memory_space<vmem>>, %arg14: memref<32xi32, #tpu.memory_space<vmem>>, %arg15: memref<32xi32, #tpu.memory_space<vmem>>, %arg16: memref<32x16xf32, #tpu.memory_space<vmem>>, %arg17: memref<32x256xf32, #tpu.memory_space<vmem>>, %arg18: memref<32x256xf32, #tpu.memory_space<vmem>>, %arg19: memref<32x256xf32, #tpu.memory_space<vmem>>, %arg20: memref<32x256xf32, #tpu.memory_space<vmem>>, %arg21: memref<!tpu.dma_semaphore, #tpu.memory_space<semaphore_mem>>, %arg22: memref<!tpu.dma_semaphore, #tpu.memory_space<semaphore_mem>>) attributes {dimension_semantics = [#tpu.dimension_semantics<core_parallel>, #tpu.dimension_semantics<subcore_parallel>], iteration_bounds = array<i64: 2, 16>, scalar_prefetch = 0 : i64, scratch_operands = 17 : i64, tpu.core_type = #tpu.core_type<sc_vector_subcore>, window_params = [{transform_indices = #map}, {transform_indices = #map}, {transform_indices = #map}, {transform_indices = #map}]} {
    %mul3A = arith.constant 2 : i32
    %mul3A_0 = arith.muli %arg1, %mul3A : i32
    %add3A = arith.addi %mul3A_0, %arg0 : i32
    %jit3A = arith.constant 4 : i32
    %div3A = arith.divsi %add3A, %jit3A : i32
    %sign3A = arith.constant 0 : i32
    %sign3A_1 = arith.cmpi sgt, %add3A, %sign3A : i32
    %sign3A_2 = arith.extui %sign3A_1 : i1 to i32
    %sign3A_3 = arith.constant 0 : i32
    %sign3A_4 = arith.cmpi slt, %add3A, %sign3A_3 : i32
    %sign3A_5 = arith.extui %sign3A_4 : i1 to i32
    %sign3A_6 = arith.subi %sign3A_2, %sign3A_5 : i32
    %sign3A_7 = arith.constant 0 : i32
    %sign3A_8 = arith.cmpi sgt, %jit3A, %sign3A_7 : i32
    %sign3A_9 = arith.extui %sign3A_8 : i1 to i32
    %sign3A_10 = arith.constant 0 : i32
    %sign3A_11 = arith.cmpi slt, %jit3A, %sign3A_10 : i32
    %sign3A_12 = arith.extui %sign3A_11 : i1 to i32
    %sign3A_13 = arith.subi %sign3A_9, %sign3A_12 : i32
    %ne3A = arith.cmpi ne, %sign3A_6, %sign3A_13 : i32
    %rem3A = arith.remsi %add3A, %jit3A : i32
    %ne3A_14 = arith.constant 0 : i32
    %ne3A_15 = arith.cmpi ne, %rem3A, %ne3A_14 : i32
    %and3A = arith.andi %ne3A, %ne3A_15 : i1
    %sub3A = arith.constant 1 : i32
    %sub3A_16 = arith.subi %div3A, %sub3A : i32
    %select_n3A = arith.select %and3A, %sub3A_16, %div3A : i32
    %jit3A_17 = arith.constant 4 : i32
    %eq3A = arith.constant 0 : i32
    %eq3A_18 = arith.cmpi eq, %jit3A_17, %eq3A : i32
    %jit3A_19 = arith.constant 1 : i32
    %select_n3A_20 = arith.select %eq3A_18, %jit3A_19, %jit3A_17 : i32
    %rem3A_21 = arith.remsi %add3A, %select_n3A_20 : i32
    %ne3A_22 = arith.constant 0 : i32
    %ne3A_23 = arith.cmpi ne, %rem3A_21, %ne3A_22 : i32
    %lt3A = arith.constant 0 : i32
    %lt3A_24 = arith.cmpi slt, %rem3A_21, %lt3A : i32
    %lt3A_25 = arith.constant 0 : i32
    %lt3A_26 = arith.cmpi slt, %select_n3A_20, %lt3A_25 : i32
    %ne3A_27 = arith.xori %lt3A_24, %lt3A_26 : i1
    %and3A_28 = arith.andi %ne3A_27, %ne3A_23 : i1
    %add3A_29 = arith.addi %rem3A_21, %select_n3A_20 : i32
    %select_n3A_30 = arith.select %and3A_28, %add3A_29, %rem3A_21 : i32
    %mul3A_31 = arith.constant 1024 : i32
    %mul3A_32 = arith.muli %select_n3A_30, %mul3A_31 : i32
    %scan3A = arith.constant 0 : i32
    %scan3A_33 = arith.constant 0 : i32
    %scan3A_34 = arith.constant 16 : i32
    %scan3A_35 = arith.addi %scan3A_33, %scan3A_34 : i32
    %scan3A_36 = arith.constant 1 : i32
    %scan3A_37 = scf.for %scan3A_39 = %scan3A_33 to %scan3A_35 step %scan3A_36 iter_args(%scan3A_40 = %scan3A) -> (i32)  : i32 {
      %mul3A_41 = arith.constant 2 : i32
      %mul3A_42 = arith.muli %mul3A_41, %scan3A_39 : i32
      %mul3A_43 = arith.constant 32 : i32
      %mul3A_44 = arith.muli %mul3A_42, %mul3A_43 : i32
      %add3A_45 = arith.addi %mul3A_32, %mul3A_44 : i32
      %mul3A_46 = arith.constant 8 : i32
      %mul3A_47 = arith.muli %select_n3A, %mul3A_46 : i32
      %add3A_48 = arith.constant 0 : i32
      %add3A_49 = arith.addi %mul3A_47, %add3A_48 : i32
      "tpu.region"() ({
        %run_scoped3A = tpu.sem_alloc : memref<!tpu.dma_semaphore, #tpu.memory_space<semaphore_mem>>
        %dma_start3A_144 = tpu.memref_slice %arg3[%add3A_49, %add3A_45] : memref<64x4096xi32, #tpu.memory_space<hbm>> -> memref<1x32xi32, #tpu.memory_space<hbm>>
        %dma_start3A_145 = tpu.memref_squeeze %dma_start3A_144 : memref<1x32xi32, #tpu.memory_space<hbm>> -> memref<32xi32, #tpu.memory_space<hbm>>
        %dma_start3A_146 = tpu.memref_slice %arg3[%add3A_49, %add3A_45] : memref<64x4096xi32, #tpu.memory_space<hbm>> -> memref<1x32xi32, #tpu.memory_space<hbm>>
        %dma_start3A_147 = tpu.memref_squeeze %dma_start3A_146 : memref<1x32xi32, #tpu.memory_space<hbm>> -> memref<32xi32, #tpu.memory_space<hbm>>
        tpu.enqueue_dma source(%dma_start3A_147 : memref<32xi32, #tpu.memory_space<hbm>>) target(%arg6 : memref<32xi32, #tpu.memory_space<vmem>>) target_semaphore(%run_scoped3A : memref<!tpu.dma_semaphore, #tpu.memory_space<semaphore_mem>>)
        %dma_wait3A_148 = tpu.memref_slice %arg3[%add3A_49, %add3A_45] : memref<64x4096xi32, #tpu.memory_space<hbm>> -> memref<1x32xi32, #tpu.memory_space<hbm>>
        %dma_wait3A_149 = tpu.memref_squeeze %dma_wait3A_148 : memref<1x32xi32, #tpu.memory_space<hbm>> -> memref<32xi32, #tpu.memory_space<hbm>>
        %dma_wait3A_150 = tpu.memref_slice %arg3[%add3A_49, %add3A_45] : memref<64x4096xi32, #tpu.memory_space<hbm>> -> memref<1x32xi32, #tpu.memory_space<hbm>>
        %dma_wait3A_151 = tpu.memref_squeeze %dma_wait3A_150 : memref<1x32xi32, #tpu.memory_space<hbm>> -> memref<32xi32, #tpu.memory_space<hbm>>
        tpu.wait_dma2 semaphore(%run_scoped3A : memref<!tpu.dma_semaphore, #tpu.memory_space<semaphore_mem>>) src(%dma_wait3A_151 : memref<32xi32, #tpu.memory_space<hbm>>) dst(%arg6 : memref<32xi32, #tpu.memory_space<vmem>>)
        tpu.yield
      }) : () -> ()
      %mul3A_50 = arith.constant 8 : i32
      %mul3A_51 = arith.muli %select_n3A, %mul3A_50 : i32
      %add3A_52 = arith.constant 1 : i32
      %add3A_53 = arith.addi %mul3A_51, %add3A_52 : i32
      "tpu.region"() ({
        %run_scoped3A = tpu.sem_alloc : memref<!tpu.dma_semaphore, #tpu.memory_space<semaphore_mem>>
        %dma_start3A_144 = tpu.memref_slice %arg3[%add3A_53, %add3A_45] : memref<64x4096xi32, #tpu.memory_space<hbm>> -> memref<1x32xi32, #tpu.memory_space<hbm>>
        %dma_start3A_145 = tpu.memref_squeeze %dma_start3A_144 : memref<1x32xi32, #tpu.memory_space<hbm>> -> memref<32xi32, #tpu.memory_space<hbm>>
        %dma_start3A_146 = tpu.memref_slice %arg3[%add3A_53, %add3A_45] : memref<64x4096xi32, #tpu.memory_space<hbm>> -> memref<1x32xi32, #tpu.memory_space<hbm>>
        %dma_start3A_147 = tpu.memref_squeeze %dma_start3A_146 : memref<1x32xi32, #tpu.memory_space<hbm>> -> memref<32xi32, #tpu.memory_space<hbm>>
        tpu.enqueue_dma source(%dma_start3A_147 : memref<32xi32, #tpu.memory_space<hbm>>) target(%arg7 : memref<32xi32, #tpu.memory_space<vmem>>) target_semaphore(%run_scoped3A : memref<!tpu.dma_semaphore, #tpu.memory_space<semaphore_mem>>)
        %dma_wait3A_148 = tpu.memref_slice %arg3[%add3A_53, %add3A_45] : memref<64x4096xi32, #tpu.memory_space<hbm>> -> memref<1x32xi32, #tpu.memory_space<hbm>>
        %dma_wait3A_149 = tpu.memref_squeeze %dma_wait3A_148 : memref<1x32xi32, #tpu.memory_space<hbm>> -> memref<32xi32, #tpu.memory_space<hbm>>
        %dma_wait3A_150 = tpu.memref_slice %arg3[%add3A_53, %add3A_45] : memref<64x4096xi32, #tpu.memory_space<hbm>> -> memref<1x32xi32, #tpu.memory_space<hbm>>
        %dma_wait3A_151 = tpu.memref_squeeze %dma_wait3A_150 : memref<1x32xi32, #tpu.memory_space<hbm>> -> memref<32xi32, #tpu.memory_space<hbm>>
        tpu.wait_dma2 semaphore(%run_scoped3A : memref<!tpu.dma_semaphore, #tpu.memory_space<semaphore_mem>>) src(%dma_wait3A_151 : memref<32xi32, #tpu.memory_space<hbm>>) dst(%arg7 : memref<32xi32, #tpu.memory_space<vmem>>)
        tpu.yield
      }) : () -> ()
      %mul3A_54 = arith.constant 8 : i32
      %mul3A_55 = arith.muli %select_n3A, %mul3A_54 : i32
      %add3A_56 = arith.constant 2 : i32
      %add3A_57 = arith.addi %mul3A_55, %add3A_56 : i32
      "tpu.region"() ({
        %run_scoped3A = tpu.sem_alloc : memref<!tpu.dma_semaphore, #tpu.memory_space<semaphore_mem>>
        %dma_start3A_144 = tpu.memref_slice %arg3[%add3A_57, %add3A_45] : memref<64x4096xi32, #tpu.memory_space<hbm>> -> memref<1x32xi32, #tpu.memory_space<hbm>>
        %dma_start3A_145 = tpu.memref_squeeze %dma_start3A_144 : memref<1x32xi32, #tpu.memory_space<hbm>> -> memref<32xi32, #tpu.memory_space<hbm>>
        %dma_start3A_146 = tpu.memref_slice %arg3[%add3A_57, %add3A_45] : memref<64x4096xi32, #tpu.memory_space<hbm>> -> memref<1x32xi32, #tpu.memory_space<hbm>>
        %dma_start3A_147 = tpu.memref_squeeze %dma_start3A_146 : memref<1x32xi32, #tpu.memory_space<hbm>> -> memref<32xi32, #tpu.memory_space<hbm>>
        tpu.enqueue_dma source(%dma_start3A_147 : memref<32xi32, #tpu.memory_space<hbm>>) target(%arg8 : memref<32xi32, #tpu.memory_space<vmem>>) target_semaphore(%run_scoped3A : memref<!tpu.dma_semaphore, #tpu.memory_space<semaphore_mem>>)
        %dma_wait3A_148 = tpu.memref_slice %arg3[%add3A_57, %add3A_45] : memref<64x4096xi32, #tpu.memory_space<hbm>> -> memref<1x32xi32, #tpu.memory_space<hbm>>
        %dma_wait3A_149 = tpu.memref_squeeze %dma_wait3A_148 : memref<1x32xi32, #tpu.memory_space<hbm>> -> memref<32xi32, #tpu.memory_space<hbm>>
        %dma_wait3A_150 = tpu.memref_slice %arg3[%add3A_57, %add3A_45] : memref<64x4096xi32, #tpu.memory_space<hbm>> -> memref<1x32xi32, #tpu.memory_space<hbm>>
        %dma_wait3A_151 = tpu.memref_squeeze %dma_wait3A_150 : memref<1x32xi32, #tpu.memory_space<hbm>> -> memref<32xi32, #tpu.memory_space<hbm>>
        tpu.wait_dma2 semaphore(%run_scoped3A : memref<!tpu.dma_semaphore, #tpu.memory_space<semaphore_mem>>) src(%dma_wait3A_151 : memref<32xi32, #tpu.memory_space<hbm>>) dst(%arg8 : memref<32xi32, #tpu.memory_space<vmem>>)
        tpu.yield
      }) : () -> ()
      %mul3A_58 = arith.constant 4096 : i32
      %mul3A_59 = arith.muli %select_n3A, %mul3A_58 : i32
      %add3A_60 = arith.addi %mul3A_59, %add3A_45 : i32
      "tpu.region"() ({
        %run_scoped3A = tpu.sem_alloc : memref<!tpu.dma_semaphore, #tpu.memory_space<semaphore_mem>>
        %dma_start3A_144 = arith.constant 0 : i32
        %dma_start3A_145 = tpu.memref_slice %arg4[%add3A_60, %dma_start3A_144] : memref<32768x16xf32, #tpu.memory_space<hbm>> -> memref<32x16xf32, #tpu.memory_space<hbm>>
        %dma_start3A_146 = arith.constant 0 : i32
        %dma_start3A_147 = tpu.memref_slice %arg4[%add3A_60, %dma_start3A_146] : memref<32768x16xf32, #tpu.memory_space<hbm>> -> memref<32x16xf32, #tpu.memory_space<hbm>>
        tpu.enqueue_dma source(%dma_start3A_147 : memref<32x16xf32, #tpu.memory_space<hbm>>) target(%arg9 : memref<32x16xf32, #tpu.memory_space<vmem>>) target_semaphore(%run_scoped3A : memref<!tpu.dma_semaphore, #tpu.memory_space<semaphore_mem>>)
        %dma_wait3A_148 = arith.constant 0 : i32
        %dma_wait3A_149 = tpu.memref_slice %arg4[%add3A_60, %dma_wait3A_148] : memref<32768x16xf32, #tpu.memory_space<hbm>> -> memref<32x16xf32, #tpu.memory_space<hbm>>
        %dma_wait3A_150 = arith.constant 0 : i32
        %dma_wait3A_151 = tpu.memref_slice %arg4[%add3A_60, %dma_wait3A_150] : memref<32768x16xf32, #tpu.memory_space<hbm>> -> memref<32x16xf32, #tpu.memory_space<hbm>>
        tpu.wait_dma2 semaphore(%run_scoped3A : memref<!tpu.dma_semaphore, #tpu.memory_space<semaphore_mem>>) src(%dma_wait3A_151 : memref<32x16xf32, #tpu.memory_space<hbm>>) dst(%arg9 : memref<32x16xf32, #tpu.memory_space<vmem>>)
        tpu.yield
      }) : () -> ()
      %dma_start3A = arith.constant 0 : i32
      %dma_start3A_61 = arith.constant 0 : i32
      %dma_start3A_62 = tpu.memref_slice %arg2[%dma_start3A, %dma_start3A_61] : memref<16384x256xf32, #tpu.memory_space<hbm>> -> memref<16384x256xf32, #tpu.memory_space<hbm>>
      tpu.enqueue_indirect_dma source(%dma_start3A_62 : memref<16384x256xf32, #tpu.memory_space<hbm>>) target(%arg10 : memref<32x256xf32, #tpu.memory_space<vmem>>) offsets(%arg6 : memref<32xi32, #tpu.memory_space<vmem>>) semaphore(%arg21 : memref<!tpu.dma_semaphore, #tpu.memory_space<semaphore_mem>>)
      %dma_start3A_63 = arith.constant 0 : i32
      %dma_start3A_64 = arith.constant 0 : i32
      %dma_start3A_65 = tpu.memref_slice %arg2[%dma_start3A_63, %dma_start3A_64] : memref<16384x256xf32, #tpu.memory_space<hbm>> -> memref<16384x256xf32, #tpu.memory_space<hbm>>
      tpu.enqueue_indirect_dma source(%dma_start3A_65 : memref<16384x256xf32, #tpu.memory_space<hbm>>) target(%arg11 : memref<32x256xf32, #tpu.memory_space<vmem>>) offsets(%arg7 : memref<32xi32, #tpu.memory_space<vmem>>) semaphore(%arg21 : memref<!tpu.dma_semaphore, #tpu.memory_space<semaphore_mem>>)
      %dma_start3A_66 = arith.constant 0 : i32
      %dma_start3A_67 = arith.constant 0 : i32
      %dma_start3A_68 = tpu.memref_slice %arg2[%dma_start3A_66, %dma_start3A_67] : memref<16384x256xf32, #tpu.memory_space<hbm>> -> memref<16384x256xf32, #tpu.memory_space<hbm>>
      tpu.enqueue_indirect_dma source(%dma_start3A_68 : memref<16384x256xf32, #tpu.memory_space<hbm>>) target(%arg12 : memref<32x256xf32, #tpu.memory_space<vmem>>) offsets(%arg8 : memref<32xi32, #tpu.memory_space<vmem>>) semaphore(%arg21 : memref<!tpu.dma_semaphore, #tpu.memory_space<semaphore_mem>>)
      %add3A_69 = arith.constant 1 : i32
      %add3A_70 = arith.addi %mul3A_42, %add3A_69 : i32
      %mul3A_71 = arith.constant 32 : i32
      %mul3A_72 = arith.muli %add3A_70, %mul3A_71 : i32
      %add3A_73 = arith.addi %mul3A_32, %mul3A_72 : i32
      %mul3A_74 = arith.constant 8 : i32
      %mul3A_75 = arith.muli %select_n3A, %mul3A_74 : i32
      %add3A_76 = arith.constant 0 : i32
      %add3A_77 = arith.addi %mul3A_75, %add3A_76 : i32
      "tpu.region"() ({
        %run_scoped3A = tpu.sem_alloc : memref<!tpu.dma_semaphore, #tpu.memory_space<semaphore_mem>>
        %dma_start3A_144 = tpu.memref_slice %arg3[%add3A_77, %add3A_73] : memref<64x4096xi32, #tpu.memory_space<hbm>> -> memref<1x32xi32, #tpu.memory_space<hbm>>
        %dma_start3A_145 = tpu.memref_squeeze %dma_start3A_144 : memref<1x32xi32, #tpu.memory_space<hbm>> -> memref<32xi32, #tpu.memory_space<hbm>>
        %dma_start3A_146 = tpu.memref_slice %arg3[%add3A_77, %add3A_73] : memref<64x4096xi32, #tpu.memory_space<hbm>> -> memref<1x32xi32, #tpu.memory_space<hbm>>
        %dma_start3A_147 = tpu.memref_squeeze %dma_start3A_146 : memref<1x32xi32, #tpu.memory_space<hbm>> -> memref<32xi32, #tpu.memory_space<hbm>>
        tpu.enqueue_dma source(%dma_start3A_147 : memref<32xi32, #tpu.memory_space<hbm>>) target(%arg13 : memref<32xi32, #tpu.memory_space<vmem>>) target_semaphore(%run_scoped3A : memref<!tpu.dma_semaphore, #tpu.memory_space<semaphore_mem>>)
        %dma_wait3A_148 = tpu.memref_slice %arg3[%add3A_77, %add3A_73] : memref<64x4096xi32, #tpu.memory_space<hbm>> -> memref<1x32xi32, #tpu.memory_space<hbm>>
        %dma_wait3A_149 = tpu.memref_squeeze %dma_wait3A_148 : memref<1x32xi32, #tpu.memory_space<hbm>> -> memref<32xi32, #tpu.memory_space<hbm>>
        %dma_wait3A_150 = tpu.memref_slice %arg3[%add3A_77, %add3A_73] : memref<64x4096xi32, #tpu.memory_space<hbm>> -> memref<1x32xi32, #tpu.memory_space<hbm>>
        %dma_wait3A_151 = tpu.memref_squeeze %dma_wait3A_150 : memref<1x32xi32, #tpu.memory_space<hbm>> -> memref<32xi32, #tpu.memory_space<hbm>>
        tpu.wait_dma2 semaphore(%run_scoped3A : memref<!tpu.dma_semaphore, #tpu.memory_space<semaphore_mem>>) src(%dma_wait3A_151 : memref<32xi32, #tpu.memory_space<hbm>>) dst(%arg13 : memref<32xi32, #tpu.memory_space<vmem>>)
        tpu.yield
      }) : () -> ()
      %mul3A_78 = arith.constant 8 : i32
      %mul3A_79 = arith.muli %select_n3A, %mul3A_78 : i32
      %add3A_80 = arith.constant 1 : i32
      %add3A_81 = arith.addi %mul3A_79, %add3A_80 : i32
      "tpu.region"() ({
        %run_scoped3A = tpu.sem_alloc : memref<!tpu.dma_semaphore, #tpu.memory_space<semaphore_mem>>
        %dma_start3A_144 = tpu.memref_slice %arg3[%add3A_81, %add3A_73] : memref<64x4096xi32, #tpu.memory_space<hbm>> -> memref<1x32xi32, #tpu.memory_space<hbm>>
        %dma_start3A_145 = tpu.memref_squeeze %dma_start3A_144 : memref<1x32xi32, #tpu.memory_space<hbm>> -> memref<32xi32, #tpu.memory_space<hbm>>
        %dma_start3A_146 = tpu.memref_slice %arg3[%add3A_81, %add3A_73] : memref<64x4096xi32, #tpu.memory_space<hbm>> -> memref<1x32xi32, #tpu.memory_space<hbm>>
        %dma_start3A_147 = tpu.memref_squeeze %dma_start3A_146 : memref<1x32xi32, #tpu.memory_space<hbm>> -> memref<32xi32, #tpu.memory_space<hbm>>
        tpu.enqueue_dma source(%dma_start3A_147 : memref<32xi32, #tpu.memory_space<hbm>>) target(%arg14 : memref<32xi32, #tpu.memory_space<vmem>>) target_semaphore(%run_scoped3A : memref<!tpu.dma_semaphore, #tpu.memory_space<semaphore_mem>>)
        %dma_wait3A_148 = tpu.memref_slice %arg3[%add3A_81, %add3A_73] : memref<64x4096xi32, #tpu.memory_space<hbm>> -> memref<1x32xi32, #tpu.memory_space<hbm>>
        %dma_wait3A_149 = tpu.memref_squeeze %dma_wait3A_148 : memref<1x32xi32, #tpu.memory_space<hbm>> -> memref<32xi32, #tpu.memory_space<hbm>>
        %dma_wait3A_150 = tpu.memref_slice %arg3[%add3A_81, %add3A_73] : memref<64x4096xi32, #tpu.memory_space<hbm>> -> memref<1x32xi32, #tpu.memory_space<hbm>>
        %dma_wait3A_151 = tpu.memref_squeeze %dma_wait3A_150 : memref<1x32xi32, #tpu.memory_space<hbm>> -> memref<32xi32, #tpu.memory_space<hbm>>
        tpu.wait_dma2 semaphore(%run_scoped3A : memref<!tpu.dma_semaphore, #tpu.memory_space<semaphore_mem>>) src(%dma_wait3A_151 : memref<32xi32, #tpu.memory_space<hbm>>) dst(%arg14 : memref<32xi32, #tpu.memory_space<vmem>>)
        tpu.yield
      }) : () -> ()
      %mul3A_82 = arith.constant 8 : i32
      %mul3A_83 = arith.muli %select_n3A, %mul3A_82 : i32
      %add3A_84 = arith.constant 2 : i32
      %add3A_85 = arith.addi %mul3A_83, %add3A_84 : i32
      "tpu.region"() ({
        %run_scoped3A = tpu.sem_alloc : memref<!tpu.dma_semaphore, #tpu.memory_space<semaphore_mem>>
        %dma_start3A_144 = tpu.memref_slice %arg3[%add3A_85, %add3A_73] : memref<64x4096xi32, #tpu.memory_space<hbm>> -> memref<1x32xi32, #tpu.memory_space<hbm>>
        %dma_start3A_145 = tpu.memref_squeeze %dma_start3A_144 : memref<1x32xi32, #tpu.memory_space<hbm>> -> memref<32xi32, #tpu.memory_space<hbm>>
        %dma_start3A_146 = tpu.memref_slice %arg3[%add3A_85, %add3A_73] : memref<64x4096xi32, #tpu.memory_space<hbm>> -> memref<1x32xi32, #tpu.memory_space<hbm>>
        %dma_start3A_147 = tpu.memref_squeeze %dma_start3A_146 : memref<1x32xi32, #tpu.memory_space<hbm>> -> memref<32xi32, #tpu.memory_space<hbm>>
        tpu.enqueue_dma source(%dma_start3A_147 : memref<32xi32, #tpu.memory_space<hbm>>) target(%arg15 : memref<32xi32, #tpu.memory_space<vmem>>) target_semaphore(%run_scoped3A : memref<!tpu.dma_semaphore, #tpu.memory_space<semaphore_mem>>)
        %dma_wait3A_148 = tpu.memref_slice %arg3[%add3A_85, %add3A_73] : memref<64x4096xi32, #tpu.memory_space<hbm>> -> memref<1x32xi32, #tpu.memory_space<hbm>>
        %dma_wait3A_149 = tpu.memref_squeeze %dma_wait3A_148 : memref<1x32xi32, #tpu.memory_space<hbm>> -> memref<32xi32, #tpu.memory_space<hbm>>
        %dma_wait3A_150 = tpu.memref_slice %arg3[%add3A_85, %add3A_73] : memref<64x4096xi32, #tpu.memory_space<hbm>> -> memref<1x32xi32, #tpu.memory_space<hbm>>
        %dma_wait3A_151 = tpu.memref_squeeze %dma_wait3A_150 : memref<1x32xi32, #tpu.memory_space<hbm>> -> memref<32xi32, #tpu.memory_space<hbm>>
        tpu.wait_dma2 semaphore(%run_scoped3A : memref<!tpu.dma_semaphore, #tpu.memory_space<semaphore_mem>>) src(%dma_wait3A_151 : memref<32xi32, #tpu.memory_space<hbm>>) dst(%arg15 : memref<32xi32, #tpu.memory_space<vmem>>)
        tpu.yield
      }) : () -> ()
      %mul3A_86 = arith.constant 4096 : i32
      %mul3A_87 = arith.muli %select_n3A, %mul3A_86 : i32
      %add3A_88 = arith.addi %mul3A_87, %add3A_73 : i32
      "tpu.region"() ({
        %run_scoped3A = tpu.sem_alloc : memref<!tpu.dma_semaphore, #tpu.memory_space<semaphore_mem>>
        %dma_start3A_144 = arith.constant 0 : i32
        %dma_start3A_145 = tpu.memref_slice %arg4[%add3A_88, %dma_start3A_144] : memref<32768x16xf32, #tpu.memory_space<hbm>> -> memref<32x16xf32, #tpu.memory_space<hbm>>
        %dma_start3A_146 = arith.constant 0 : i32
        %dma_start3A_147 = tpu.memref_slice %arg4[%add3A_88, %dma_start3A_146] : memref<32768x16xf32, #tpu.memory_space<hbm>> -> memref<32x16xf32, #tpu.memory_space<hbm>>
        tpu.enqueue_dma source(%dma_start3A_147 : memref<32x16xf32, #tpu.memory_space<hbm>>) target(%arg16 : memref<32x16xf32, #tpu.memory_space<vmem>>) target_semaphore(%run_scoped3A : memref<!tpu.dma_semaphore, #tpu.memory_space<semaphore_mem>>)
        %dma_wait3A_148 = arith.constant 0 : i32
        %dma_wait3A_149 = tpu.memref_slice %arg4[%add3A_88, %dma_wait3A_148] : memref<32768x16xf32, #tpu.memory_space<hbm>> -> memref<32x16xf32, #tpu.memory_space<hbm>>
        %dma_wait3A_150 = arith.constant 0 : i32
        %dma_wait3A_151 = tpu.memref_slice %arg4[%add3A_88, %dma_wait3A_150] : memref<32768x16xf32, #tpu.memory_space<hbm>> -> memref<32x16xf32, #tpu.memory_space<hbm>>
        tpu.wait_dma2 semaphore(%run_scoped3A : memref<!tpu.dma_semaphore, #tpu.memory_space<semaphore_mem>>) src(%dma_wait3A_151 : memref<32x16xf32, #tpu.memory_space<hbm>>) dst(%arg16 : memref<32x16xf32, #tpu.memory_space<vmem>>)
        tpu.yield
      }) : () -> ()
      %dma_start3A_89 = arith.constant 0 : i32
      %dma_start3A_90 = arith.constant 0 : i32
      %dma_start3A_91 = tpu.memref_slice %arg2[%dma_start3A_89, %dma_start3A_90] : memref<16384x256xf32, #tpu.memory_space<hbm>> -> memref<16384x256xf32, #tpu.memory_space<hbm>>
      tpu.enqueue_indirect_dma source(%dma_start3A_91 : memref<16384x256xf32, #tpu.memory_space<hbm>>) target(%arg17 : memref<32x256xf32, #tpu.memory_space<vmem>>) offsets(%arg13 : memref<32xi32, #tpu.memory_space<vmem>>) semaphore(%arg22 : memref<!tpu.dma_semaphore, #tpu.memory_space<semaphore_mem>>)
      %dma_start3A_92 = arith.constant 0 : i32
      %dma_start3A_93 = arith.constant 0 : i32
      %dma_start3A_94 = tpu.memref_slice %arg2[%dma_start3A_92, %dma_start3A_93] : memref<16384x256xf32, #tpu.memory_space<hbm>> -> memref<16384x256xf32, #tpu.memory_space<hbm>>
      tpu.enqueue_indirect_dma source(%dma_start3A_94 : memref<16384x256xf32, #tpu.memory_space<hbm>>) target(%arg18 : memref<32x256xf32, #tpu.memory_space<vmem>>) offsets(%arg14 : memref<32xi32, #tpu.memory_space<vmem>>) semaphore(%arg22 : memref<!tpu.dma_semaphore, #tpu.memory_space<semaphore_mem>>)
      %dma_start3A_95 = arith.constant 0 : i32
      %dma_start3A_96 = arith.constant 0 : i32
      %dma_start3A_97 = tpu.memref_slice %arg2[%dma_start3A_95, %dma_start3A_96] : memref<16384x256xf32, #tpu.memory_space<hbm>> -> memref<16384x256xf32, #tpu.memory_space<hbm>>
      tpu.enqueue_indirect_dma source(%dma_start3A_97 : memref<16384x256xf32, #tpu.memory_space<hbm>>) target(%arg19 : memref<32x256xf32, #tpu.memory_space<vmem>>) offsets(%arg15 : memref<32xi32, #tpu.memory_space<vmem>>) semaphore(%arg22 : memref<!tpu.dma_semaphore, #tpu.memory_space<semaphore_mem>>)
      %dma_wait3A = arith.constant 0 : i32
      %dma_wait3A_98 = arith.constant 0 : i32
      %dma_wait3A_99 = tpu.memref_slice %arg2[%dma_wait3A, %dma_wait3A_98] : memref<16384x256xf32, #tpu.memory_space<hbm>> -> memref<16384x256xf32, #tpu.memory_space<hbm>>
      tpu.wait_indirect_dma semaphore(%arg21 : memref<!tpu.dma_semaphore, #tpu.memory_space<semaphore_mem>>) src(%dma_wait3A_99 : memref<16384x256xf32, #tpu.memory_space<hbm>>) dst(%arg10 : memref<32x256xf32, #tpu.memory_space<vmem>>)
      %dma_wait3A_100 = arith.constant 0 : i32
      %dma_wait3A_101 = arith.constant 0 : i32
      %dma_wait3A_102 = tpu.memref_slice %arg2[%dma_wait3A_100, %dma_wait3A_101] : memref<16384x256xf32, #tpu.memory_space<hbm>> -> memref<16384x256xf32, #tpu.memory_space<hbm>>
      tpu.wait_indirect_dma semaphore(%arg21 : memref<!tpu.dma_semaphore, #tpu.memory_space<semaphore_mem>>) src(%dma_wait3A_102 : memref<16384x256xf32, #tpu.memory_space<hbm>>) dst(%arg11 : memref<32x256xf32, #tpu.memory_space<vmem>>)
      %dma_wait3A_103 = arith.constant 0 : i32
      %dma_wait3A_104 = arith.constant 0 : i32
      %dma_wait3A_105 = tpu.memref_slice %arg2[%dma_wait3A_103, %dma_wait3A_104] : memref<16384x256xf32, #tpu.memory_space<hbm>> -> memref<16384x256xf32, #tpu.memory_space<hbm>>
      tpu.wait_indirect_dma semaphore(%arg21 : memref<!tpu.dma_semaphore, #tpu.memory_space<semaphore_mem>>) src(%dma_wait3A_105 : memref<16384x256xf32, #tpu.memory_space<hbm>>) dst(%arg12 : memref<32x256xf32, #tpu.memory_space<vmem>>)
      %scan3A_106 = arith.constant 0 : i32
      %scan3A_107 = arith.constant 0 : i32
      %scan3A_108 = arith.constant 32 : i32
      %scan3A_109 = arith.addi %scan3A_107, %scan3A_108 : i32
      %scan3A_110 = arith.constant 1 : i32
      %scan3A_111 = scf.for %scan3A_144 = %scan3A_107 to %scan3A_109 step %scan3A_110 iter_args(%scan3A_145 = %scan3A_106) -> (i32)  : i32 {
        %get3A = arith.index_cast %scan3A_144 : i32 to index
        %get3A_146 = arith.constant 0 : index
        %get3A_147 = tpu.vector_load %arg9[%get3A, %get3A_146] {strides = array<i32>} : memref<32x16xf32, #tpu.memory_space<vmem>>, vector<1x16xf32>,
        %get3A_148 = vector.shape_cast %get3A_147 : vector<1x16xf32> to vector<16xf32>
        %slice3A = vector.extract_strided_slice %get3A_148 {offsets = [0], sizes = [1], strides = [1]} : vector<16xf32> to vector<1xf32>
        %squeeze3A = vector.extract %slice3A[0] : f32 from vector<1xf32>
        %broadcast_in_dim3A = vector.broadcast %squeeze3A : f32 to vector<16xf32>
        %slice3A_149 = vector.extract_strided_slice %get3A_148 {offsets = [1], sizes = [1], strides = [1]} : vector<16xf32> to vector<1xf32>
        %squeeze3A_150 = vector.extract %slice3A_149[0] : f32 from vector<1xf32>
        %broadcast_in_dim3A_151 = vector.broadcast %squeeze3A_150 : f32 to vector<16xf32>
        %slice3A_152 = vector.extract_strided_slice %get3A_148 {offsets = [2], sizes = [1], strides = [1]} : vector<16xf32> to vector<1xf32>
        %squeeze3A_153 = vector.extract %slice3A_152[0] : f32 from vector<1xf32>
        %broadcast_in_dim3A_154 = vector.broadcast %squeeze3A_153 : f32 to vector<16xf32>
        %get3A_155 = arith.index_cast %scan3A_144 : i32 to index
        %get3A_156 = arith.constant 0 : index
        %get3A_157 = tpu.vector_load %arg10[%get3A_155, %get3A_156] {strides = array<i32>} : memref<32x256xf32, #tpu.memory_space<vmem>>, vector<1x16xf32>,
        %get3A_158 = vector.shape_cast %get3A_157 : vector<1x16xf32> to vector<16xf32>
        %mul3A_159 = arith.mulf %broadcast_in_dim3A, %get3A_158 : vector<16xf32>
        %get3A_160 = arith.index_cast %scan3A_144 : i32 to index
        %get3A_161 = arith.constant 0 : index
        %get3A_162 = tpu.vector_load %arg11[%get3A_160, %get3A_161] {strides = array<i32>} : memref<32x256xf32, #tpu.memory_space<vmem>>, vector<1x16xf32>,
        %get3A_163 = vector.shape_cast %get3A_162 : vector<1x16xf32> to vector<16xf32>
        %mul3A_164 = arith.mulf %broadcast_in_dim3A_151, %get3A_163 : vector<16xf32>
        %add3A_165 = arith.addf %mul3A_159, %mul3A_164 : vector<16xf32>
        %get3A_166 = arith.index_cast %scan3A_144 : i32 to index
        %get3A_167 = arith.constant 0 : index
        %get3A_168 = tpu.vector_load %arg12[%get3A_166, %get3A_167] {strides = array<i32>} : memref<32x256xf32, #tpu.memory_space<vmem>>, vector<1x16xf32>,
        %get3A_169 = vector.shape_cast %get3A_168 : vector<1x16xf32> to vector<16xf32>
        %mul3A_170 = arith.mulf %broadcast_in_dim3A_154, %get3A_169 : vector<16xf32>
        %add3A_171 = arith.addf %add3A_165, %mul3A_170 : vector<16xf32>
        %swap3A = arith.index_cast %scan3A_144 : i32 to index
        %swap3A_172 = arith.constant 0 : index
        %swap3A_173 = tpu.vector_load %arg20[%swap3A, %swap3A_172] {strides = array<i32>} : memref<32x256xf32, #tpu.memory_space<vmem>>, vector<1x16xf32>,
        %swap3A_174 = vector.shape_cast %swap3A_173 : vector<1x16xf32> to vector<16xf32>
        %swap3A_175 = vector.shape_cast %add3A_171 : vector<16xf32> to vector<1x16xf32>
        tpu.vector_store %arg20[%swap3A, %swap3A_172], %swap3A_175 {strides = array<i32>} : memref<32x256xf32, #tpu.memory_space<vmem>>, vector<1x16xf32>,
        %get3A_176 = arith.index_cast %scan3A_144 : i32 to index
        %get3A_177 = arith.constant 16 : index
        %get3A_178 = tpu.vector_load %arg10[%get3A_176, %get3A_177] {strides = array<i32>} : memref<32x256xf32, #tpu.memory_space<vmem>>, vector<1x16xf32>,
        %get3A_179 = vector.shape_cast %get3A_178 : vector<1x16xf32> to vector<16xf32>
        %mul3A_180 = arith.mulf %broadcast_in_dim3A, %get3A_179 : vector<16xf32>
        %get3A_181 = arith.index_cast %scan3A_144 : i32 to index
        %get3A_182 = arith.constant 16 : index
        %get3A_183 = tpu.vector_load %arg11[%get3A_181, %get3A_182] {strides = array<i32>} : memref<32x256xf32, #tpu.memory_space<vmem>>, vector<1x16xf32>,
        %get3A_184 = vector.shape_cast %get3A_183 : vector<1x16xf32> to vector<16xf32>
        %mul3A_185 = arith.mulf %broadcast_in_dim3A_151, %get3A_184 : vector<16xf32>
        %add3A_186 = arith.addf %mul3A_180, %mul3A_185 : vector<16xf32>
        %get3A_187 = arith.index_cast %scan3A_144 : i32 to index
        %get3A_188 = arith.constant 16 : index
        %get3A_189 = tpu.vector_load %arg12[%get3A_187, %get3A_188] {strides = array<i32>} : memref<32x256xf32, #tpu.memory_space<vmem>>, vector<1x16xf32>,
        %get3A_190 = vector.shape_cast %get3A_189 : vector<1x16xf32> to vector<16xf32>
        %mul3A_191 = arith.mulf %broadcast_in_dim3A_154, %get3A_190 : vector<16xf32>
        %add3A_192 = arith.addf %add3A_186, %mul3A_191 : vector<16xf32>
        %swap3A_193 = arith.index_cast %scan3A_144 : i32 to index
        %swap3A_194 = arith.constant 16 : index
        %swap3A_195 = tpu.vector_load %arg20[%swap3A_193, %swap3A_194] {strides = array<i32>} : memref<32x256xf32, #tpu.memory_space<vmem>>, vector<1x16xf32>,
        %swap3A_196 = vector.shape_cast %swap3A_195 : vector<1x16xf32> to vector<16xf32>
        %swap3A_197 = vector.shape_cast %add3A_192 : vector<16xf32> to vector<1x16xf32>
        tpu.vector_store %arg20[%swap3A_193, %swap3A_194], %swap3A_197 {strides = array<i32>} : memref<32x256xf32, #tpu.memory_space<vmem>>, vector<1x16xf32>,
        %get3A_198 = arith.index_cast %scan3A_144 : i32 to index
        %get3A_199 = arith.constant 32 : index
        %get3A_200 = tpu.vector_load %arg10[%get3A_198, %get3A_199] {strides = array<i32>} : memref<32x256xf32, #tpu.memory_space<vmem>>, vector<1x16xf32>,
        %get3A_201 = vector.shape_cast %get3A_200 : vector<1x16xf32> to vector<16xf32>
        %mul3A_202 = arith.mulf %broadcast_in_dim3A, %get3A_201 : vector<16xf32>
        %get3A_203 = arith.index_cast %scan3A_144 : i32 to index
        %get3A_204 = arith.constant 32 : index
        %get3A_205 = tpu.vector_load %arg11[%get3A_203, %get3A_204] {strides = array<i32>} : memref<32x256xf32, #tpu.memory_space<vmem>>, vector<1x16xf32>,
        %get3A_206 = vector.shape_cast %get3A_205 : vector<1x16xf32> to vector<16xf32>
        %mul3A_207 = arith.mulf %broadcast_in_dim3A_151, %get3A_206 : vector<16xf32>
        %add3A_208 = arith.addf %mul3A_202, %mul3A_207 : vector<16xf32>
        %get3A_209 = arith.index_cast %scan3A_144 : i32 to index
        %get3A_210 = arith.constant 32 : index
        %get3A_211 = tpu.vector_load %arg12[%get3A_209, %get3A_210] {strides = array<i32>} : memref<32x256xf32, #tpu.memory_space<vmem>>, vector<1x16xf32>,
        %get3A_212 = vector.shape_cast %get3A_211 : vector<1x16xf32> to vector<16xf32>
        %mul3A_213 = arith.mulf %broadcast_in_dim3A_154, %get3A_212 : vector<16xf32>
        %add3A_214 = arith.addf %add3A_208, %mul3A_213 : vector<16xf32>
        %swap3A_215 = arith.index_cast %scan3A_144 : i32 to index
        %swap3A_216 = arith.constant 32 : index
        %swap3A_217 = tpu.vector_load %arg20[%swap3A_215, %swap3A_216] {strides = array<i32>} : memref<32x256xf32, #tpu.memory_space<vmem>>, vector<1x16xf32>,
        %swap3A_218 = vector.shape_cast %swap3A_217 : vector<1x16xf32> to vector<16xf32>
        %swap3A_219 = vector.shape_cast %add3A_214 : vector<16xf32> to vector<1x16xf32>
        tpu.vector_store %arg20[%swap3A_215, %swap3A_216], %swap3A_219 {strides = array<i32>} : memref<32x256xf32, #tpu.memory_space<vmem>>, vector<1x16xf32>,
        %get3A_220 = arith.index_cast %scan3A_144 : i32 to index
        %get3A_221 = arith.constant 48 : index
        %get3A_222 = tpu.vector_load %arg10[%get3A_220, %get3A_221] {strides = array<i32>} : memref<32x256xf32, #tpu.memory_space<vmem>>, vector<1x16xf32>,
        %get3A_223 = vector.shape_cast %get3A_222 : vector<1x16xf32> to vector<16xf32>
        %mul3A_224 = arith.mulf %broadcast_in_dim3A, %get3A_223 : vector<16xf32>
        %get3A_225 = arith.index_cast %scan3A_144 : i32 to index
        %get3A_226 = arith.constant 48 : index
        %get3A_227 = tpu.vector_load %arg11[%get3A_225, %get3A_226] {strides = array<i32>} : memref<32x256xf32, #tpu.memory_space<vmem>>, vector<1x16xf32>,
        %get3A_228 = vector.shape_cast %get3A_227 : vector<1x16xf32> to vector<16xf32>
        %mul3A_229 = arith.mulf %broadcast_in_dim3A_151, %get3A_228 : vector<16xf32>
        %add3A_230 = arith.addf %mul3A_224, %mul3A_229 : vector<16xf32>
        %get3A_231 = arith.index_cast %scan3A_144 : i32 to index
        %get3A_232 = arith.constant 48 : index
        %get3A_233 = tpu.vector_load %arg12[%get3A_231, %get3A_232] {strides = array<i32>} : memref<32x256xf32, #tpu.memory_space<vmem>>, vector<1x16xf32>,
        %get3A_234 = vector.shape_cast %get3A_233 : vector<1x16xf32> to vector<16xf32>
        %mul3A_235 = arith.mulf %broadcast_in_dim3A_154, %get3A_234 : vector<16xf32>
        %add3A_236 = arith.addf %add3A_230, %mul3A_235 : vector<16xf32>
        %swap3A_237 = arith.index_cast %scan3A_144 : i32 to index
        %swap3A_238 = arith.constant 48 : index
        %swap3A_239 = tpu.vector_load %arg20[%swap3A_237, %swap3A_238] {strides = array<i32>} : memref<32x256xf32, #tpu.memory_space<vmem>>, vector<1x16xf32>,
        %swap3A_240 = vector.shape_cast %swap3A_239 : vector<1x16xf32> to vector<16xf32>
        %swap3A_241 = vector.shape_cast %add3A_236 : vector<16xf32> to vector<1x16xf32>
        tpu.vector_store %arg20[%swap3A_237, %swap3A_238], %swap3A_241 {strides = array<i32>} : memref<32x256xf32, #tpu.memory_space<vmem>>, vector<1x16xf32>,
        %get3A_242 = arith.index_cast %scan3A_144 : i32 to index
        %get3A_243 = arith.constant 64 : index
        %get3A_244 = tpu.vector_load %arg10[%get3A_242, %get3A_243] {strides = array<i32>} : memref<32x256xf32, #tpu.memory_space<vmem>>, vector<1x16xf32>,
        %get3A_245 = vector.shape_cast %get3A_244 : vector<1x16xf32> to vector<16xf32>
        %mul3A_246 = arith.mulf %broadcast_in_dim3A, %get3A_245 : vector<16xf32>
        %get3A_247 = arith.index_cast %scan3A_144 : i32 to index
        %get3A_248 = arith.constant 64 : index
        %get3A_249 = tpu.vector_load %arg11[%get3A_247, %get3A_248] {strides = array<i32>} : memref<32x256xf32, #tpu.memory_space<vmem>>, vector<1x16xf32>,
        %get3A_250 = vector.shape_cast %get3A_249 : vector<1x16xf32> to vector<16xf32>
        %mul3A_251 = arith.mulf %broadcast_in_dim3A_151, %get3A_250 : vector<16xf32>
        %add3A_252 = arith.addf %mul3A_246, %mul3A_251 : vector<16xf32>
        %get3A_253 = arith.index_cast %scan3A_144 : i32 to index
        %get3A_254 = arith.constant 64 : index
        %get3A_255 = tpu.vector_load %arg12[%get3A_253, %get3A_254] {strides = array<i32>} : memref<32x256xf32, #tpu.memory_space<vmem>>, vector<1x16xf32>,
        %get3A_256 = vector.shape_cast %get3A_255 : vector<1x16xf32> to vector<16xf32>
        %mul3A_257 = arith.mulf %broadcast_in_dim3A_154, %get3A_256 : vector<16xf32>
        %add3A_258 = arith.addf %add3A_252, %mul3A_257 : vector<16xf32>
        %swap3A_259 = arith.index_cast %scan3A_144 : i32 to index
        %swap3A_260 = arith.constant 64 : index
        %swap3A_261 = tpu.vector_load %arg20[%swap3A_259, %swap3A_260] {strides = array<i32>} : memref<32x256xf32, #tpu.memory_space<vmem>>, vector<1x16xf32>,
        %swap3A_262 = vector.shape_cast %swap3A_261 : vector<1x16xf32> to vector<16xf32>
        %swap3A_263 = vector.shape_cast %add3A_258 : vector<16xf32> to vector<1x16xf32>
        tpu.vector_store %arg20[%swap3A_259, %swap3A_260], %swap3A_263 {strides = array<i32>} : memref<32x256xf32, #tpu.memory_space<vmem>>, vector<1x16xf32>,
        %get3A_264 = arith.index_cast %scan3A_144 : i32 to index
        %get3A_265 = arith.constant 80 : index
        %get3A_266 = tpu.vector_load %arg10[%get3A_264, %get3A_265] {strides = array<i32>} : memref<32x256xf32, #tpu.memory_space<vmem>>, vector<1x16xf32>,
        %get3A_267 = vector.shape_cast %get3A_266 : vector<1x16xf32> to vector<16xf32>
        %mul3A_268 = arith.mulf %broadcast_in_dim3A, %get3A_267 : vector<16xf32>
        %get3A_269 = arith.index_cast %scan3A_144 : i32 to index
        %get3A_270 = arith.constant 80 : index
        %get3A_271 = tpu.vector_load %arg11[%get3A_269, %get3A_270] {strides = array<i32>} : memref<32x256xf32, #tpu.memory_space<vmem>>, vector<1x16xf32>,
        %get3A_272 = vector.shape_cast %get3A_271 : vector<1x16xf32> to vector<16xf32>
        %mul3A_273 = arith.mulf %broadcast_in_dim3A_151, %get3A_272 : vector<16xf32>
        %add3A_274 = arith.addf %mul3A_268, %mul3A_273 : vector<16xf32>
        %get3A_275 = arith.index_cast %scan3A_144 : i32 to index
        %get3A_276 = arith.constant 80 : index
        %get3A_277 = tpu.vector_load %arg12[%get3A_275, %get3A_276] {strides = array<i32>} : memref<32x256xf32, #tpu.memory_space<vmem>>, vector<1x16xf32>,
        %get3A_278 = vector.shape_cast %get3A_277 : vector<1x16xf32> to vector<16xf32>
        %mul3A_279 = arith.mulf %broadcast_in_dim3A_154, %get3A_278 : vector<16xf32>
        %add3A_280 = arith.addf %add3A_274, %mul3A_279 : vector<16xf32>
        %swap3A_281 = arith.index_cast %scan3A_144 : i32 to index
        %swap3A_282 = arith.constant 80 : index
        %swap3A_283 = tpu.vector_load %arg20[%swap3A_281, %swap3A_282] {strides = array<i32>} : memref<32x256xf32, #tpu.memory_space<vmem>>, vector<1x16xf32>,
        %swap3A_284 = vector.shape_cast %swap3A_283 : vector<1x16xf32> to vector<16xf32>
        %swap3A_285 = vector.shape_cast %add3A_280 : vector<16xf32> to vector<1x16xf32>
        tpu.vector_store %arg20[%swap3A_281, %swap3A_282], %swap3A_285 {strides = array<i32>} : memref<32x256xf32, #tpu.memory_space<vmem>>, vector<1x16xf32>,
        %get3A_286 = arith.index_cast %scan3A_144 : i32 to index
        %get3A_287 = arith.constant 96 : index
        %get3A_288 = tpu.vector_load %arg10[%get3A_286, %get3A_287] {strides = array<i32>} : memref<32x256xf32, #tpu.memory_space<vmem>>, vector<1x16xf32>,
        %get3A_289 = vector.shape_cast %get3A_288 : vector<1x16xf32> to vector<16xf32>
        %mul3A_290 = arith.mulf %broadcast_in_dim3A, %get3A_289 : vector<16xf32>
        %get3A_291 = arith.index_cast %scan3A_144 : i32 to index
        %get3A_292 = arith.constant 96 : index
        %get3A_293 = tpu.vector_load %arg11[%get3A_291, %get3A_292] {strides = array<i32>} : memref<32x256xf32, #tpu.memory_space<vmem>>, vector<1x16xf32>,
        %get3A_294 = vector.shape_cast %get3A_293 : vector<1x16xf32> to vector<16xf32>
        %mul3A_295 = arith.mulf %broadcast_in_dim3A_151, %get3A_294 : vector<16xf32>
        %add3A_296 = arith.addf %mul3A_290, %mul3A_295 : vector<16xf32>
        %get3A_297 = arith.index_cast %scan3A_144 : i32 to index
        %get3A_298 = arith.constant 96 : index
        %get3A_299 = tpu.vector_load %arg12[%get3A_297, %get3A_298] {strides = array<i32>} : memref<32x256xf32, #tpu.memory_space<vmem>>, vector<1x16xf32>,
        %get3A_300 = vector.shape_cast %get3A_299 : vector<1x16xf32> to vector<16xf32>
        %mul3A_301 = arith.mulf %broadcast_in_dim3A_154, %get3A_300 : vector<16xf32>
        %add3A_302 = arith.addf %add3A_296, %mul3A_301 : vector<16xf32>
        %swap3A_303 = arith.index_cast %scan3A_144 : i32 to index
        %swap3A_304 = arith.constant 96 : index
        %swap3A_305 = tpu.vector_load %arg20[%swap3A_303, %swap3A_304] {strides = array<i32>} : memref<32x256xf32, #tpu.memory_space<vmem>>, vector<1x16xf32>,
        %swap3A_306 = vector.shape_cast %swap3A_305 : vector<1x16xf32> to vector<16xf32>
        %swap3A_307 = vector.shape_cast %add3A_302 : vector<16xf32> to vector<1x16xf32>
        tpu.vector_store %arg20[%swap3A_303, %swap3A_304], %swap3A_307 {strides = array<i32>} : memref<32x256xf32, #tpu.memory_space<vmem>>, vector<1x16xf32>,
        %get3A_308 = arith.index_cast %scan3A_144 : i32 to index
        %get3A_309 = arith.constant 112 : index
        %get3A_310 = tpu.vector_load %arg10[%get3A_308, %get3A_309] {strides = array<i32>} : memref<32x256xf32, #tpu.memory_space<vmem>>, vector<1x16xf32>,
        %get3A_311 = vector.shape_cast %get3A_310 : vector<1x16xf32> to vector<16xf32>
        %mul3A_312 = arith.mulf %broadcast_in_dim3A, %get3A_311 : vector<16xf32>
        %get3A_313 = arith.index_cast %scan3A_144 : i32 to index
        %get3A_314 = arith.constant 112 : index
        %get3A_315 = tpu.vector_load %arg11[%get3A_313, %get3A_314] {strides = array<i32>} : memref<32x256xf32, #tpu.memory_space<vmem>>, vector<1x16xf32>,
        %get3A_316 = vector.shape_cast %get3A_315 : vector<1x16xf32> to vector<16xf32>
        %mul3A_317 = arith.mulf %broadcast_in_dim3A_151, %get3A_316 : vector<16xf32>
        %add3A_318 = arith.addf %mul3A_312, %mul3A_317 : vector<16xf32>
        %get3A_319 = arith.index_cast %scan3A_144 : i32 to index
        %get3A_320 = arith.constant 112 : index
        %get3A_321 = tpu.vector_load %arg12[%get3A_319, %get3A_320] {strides = array<i32>} : memref<32x256xf32, #tpu.memory_space<vmem>>, vector<1x16xf32>,
        %get3A_322 = vector.shape_cast %get3A_321 : vector<1x16xf32> to vector<16xf32>
        %mul3A_323 = arith.mulf %broadcast_in_dim3A_154, %get3A_322 : vector<16xf32>
        %add3A_324 = arith.addf %add3A_318, %mul3A_323 : vector<16xf32>
        %swap3A_325 = arith.index_cast %scan3A_144 : i32 to index
        %swap3A_326 = arith.constant 112 : index
        %swap3A_327 = tpu.vector_load %arg20[%swap3A_325, %swap3A_326] {strides = array<i32>} : memref<32x256xf32, #tpu.memory_space<vmem>>, vector<1x16xf32>,
        %swap3A_328 = vector.shape_cast %swap3A_327 : vector<1x16xf32> to vector<16xf32>
        %swap3A_329 = vector.shape_cast %add3A_324 : vector<16xf32> to vector<1x16xf32>
        tpu.vector_store %arg20[%swap3A_325, %swap3A_326], %swap3A_329 {strides = array<i32>} : memref<32x256xf32, #tpu.memory_space<vmem>>, vector<1x16xf32>,
        %get3A_330 = arith.index_cast %scan3A_144 : i32 to index
        %get3A_331 = arith.constant 128 : index
        %get3A_332 = tpu.vector_load %arg10[%get3A_330, %get3A_331] {strides = array<i32>} : memref<32x256xf32, #tpu.memory_space<vmem>>, vector<1x16xf32>,
        %get3A_333 = vector.shape_cast %get3A_332 : vector<1x16xf32> to vector<16xf32>
        %mul3A_334 = arith.mulf %broadcast_in_dim3A, %get3A_333 : vector<16xf32>
        %get3A_335 = arith.index_cast %scan3A_144 : i32 to index
        %get3A_336 = arith.constant 128 : index
        %get3A_337 = tpu.vector_load %arg11[%get3A_335, %get3A_336] {strides = array<i32>} : memref<32x256xf32, #tpu.memory_space<vmem>>, vector<1x16xf32>,
        %get3A_338 = vector.shape_cast %get3A_337 : vector<1x16xf32> to vector<16xf32>
        %mul3A_339 = arith.mulf %broadcast_in_dim3A_151, %get3A_338 : vector<16xf32>
        %add3A_340 = arith.addf %mul3A_334, %mul3A_339 : vector<16xf32>
        %get3A_341 = arith.index_cast %scan3A_144 : i32 to index
        %get3A_342 = arith.constant 128 : index
        %get3A_343 = tpu.vector_load %arg12[%get3A_341, %get3A_342] {strides = array<i32>} : memref<32x256xf32, #tpu.memory_space<vmem>>, vector<1x16xf32>,
        %get3A_344 = vector.shape_cast %get3A_343 : vector<1x16xf32> to vector<16xf32>
        %mul3A_345 = arith.mulf %broadcast_in_dim3A_154, %get3A_344 : vector<16xf32>
        %add3A_346 = arith.addf %add3A_340, %mul3A_345 : vector<16xf32>
        %swap3A_347 = arith.index_cast %scan3A_144 : i32 to index
        %swap3A_348 = arith.constant 128 : index
        %swap3A_349 = tpu.vector_load %arg20[%swap3A_347, %swap3A_348] {strides = array<i32>} : memref<32x256xf32, #tpu.memory_space<vmem>>, vector<1x16xf32>,
        %swap3A_350 = vector.shape_cast %swap3A_349 : vector<1x16xf32> to vector<16xf32>
        %swap3A_351 = vector.shape_cast %add3A_346 : vector<16xf32> to vector<1x16xf32>
        tpu.vector_store %arg20[%swap3A_347, %swap3A_348], %swap3A_351 {strides = array<i32>} : memref<32x256xf32, #tpu.memory_space<vmem>>, vector<1x16xf32>,
        %get3A_352 = arith.index_cast %scan3A_144 : i32 to index
        %get3A_353 = arith.constant 144 : index
        %get3A_354 = tpu.vector_load %arg10[%get3A_352, %get3A_353] {strides = array<i32>} : memref<32x256xf32, #tpu.memory_space<vmem>>, vector<1x16xf32>,
        %get3A_355 = vector.shape_cast %get3A_354 : vector<1x16xf32> to vector<16xf32>
        %mul3A_356 = arith.mulf %broadcast_in_dim3A, %get3A_355 : vector<16xf32>
        %get3A_357 = arith.index_cast %scan3A_144 : i32 to index
        %get3A_358 = arith.constant 144 : index
        %get3A_359 = tpu.vector_load %arg11[%get3A_357, %get3A_358] {strides = array<i32>} : memref<32x256xf32, #tpu.memory_space<vmem>>, vector<1x16xf32>,
        %get3A_360 = vector.shape_cast %get3A_359 : vector<1x16xf32> to vector<16xf32>
        %mul3A_361 = arith.mulf %broadcast_in_dim3A_151, %get3A_360 : vector<16xf32>
        %add3A_362 = arith.addf %mul3A_356, %mul3A_361 : vector<16xf32>
        %get3A_363 = arith.index_cast %scan3A_144 : i32 to index
        %get3A_364 = arith.constant 144 : index
        %get3A_365 = tpu.vector_load %arg12[%get3A_363, %get3A_364] {strides = array<i32>} : memref<32x256xf32, #tpu.memory_space<vmem>>, vector<1x16xf32>,
        %get3A_366 = vector.shape_cast %get3A_365 : vector<1x16xf32> to vector<16xf32>
        %mul3A_367 = arith.mulf %broadcast_in_dim3A_154, %get3A_366 : vector<16xf32>
        %add3A_368 = arith.addf %add3A_362, %mul3A_367 : vector<16xf32>
        %swap3A_369 = arith.index_cast %scan3A_144 : i32 to index
        %swap3A_370 = arith.constant 144 : index
        %swap3A_371 = tpu.vector_load %arg20[%swap3A_369, %swap3A_370] {strides = array<i32>} : memref<32x256xf32, #tpu.memory_space<vmem>>, vector<1x16xf32>,
        %swap3A_372 = vector.shape_cast %swap3A_371 : vector<1x16xf32> to vector<16xf32>
        %swap3A_373 = vector.shape_cast %add3A_368 : vector<16xf32> to vector<1x16xf32>
        tpu.vector_store %arg20[%swap3A_369, %swap3A_370], %swap3A_373 {strides = array<i32>} : memref<32x256xf32, #tpu.memory_space<vmem>>, vector<1x16xf32>,
        %get3A_374 = arith.index_cast %scan3A_144 : i32 to index
        %get3A_375 = arith.constant 160 : index
        %get3A_376 = tpu.vector_load %arg10[%get3A_374, %get3A_375] {strides = array<i32>} : memref<32x256xf32, #tpu.memory_space<vmem>>, vector<1x16xf32>,
        %get3A_377 = vector.shape_cast %get3A_376 : vector<1x16xf32> to vector<16xf32>
        %mul3A_378 = arith.mulf %broadcast_in_dim3A, %get3A_377 : vector<16xf32>
        %get3A_379 = arith.index_cast %scan3A_144 : i32 to index
        %get3A_380 = arith.constant 160 : index
        %get3A_381 = tpu.vector_load %arg11[%get3A_379, %get3A_380] {strides = array<i32>} : memref<32x256xf32, #tpu.memory_space<vmem>>, vector<1x16xf32>,
        %get3A_382 = vector.shape_cast %get3A_381 : vector<1x16xf32> to vector<16xf32>
        %mul3A_383 = arith.mulf %broadcast_in_dim3A_151, %get3A_382 : vector<16xf32>
        %add3A_384 = arith.addf %mul3A_378, %mul3A_383 : vector<16xf32>
        %get3A_385 = arith.index_cast %scan3A_144 : i32 to index
        %get3A_386 = arith.constant 160 : index
        %get3A_387 = tpu.vector_load %arg12[%get3A_385, %get3A_386] {strides = array<i32>} : memref<32x256xf32, #tpu.memory_space<vmem>>, vector<1x16xf32>,
        %get3A_388 = vector.shape_cast %get3A_387 : vector<1x16xf32> to vector<16xf32>
        %mul3A_389 = arith.mulf %broadcast_in_dim3A_154, %get3A_388 : vector<16xf32>
        %add3A_390 = arith.addf %add3A_384, %mul3A_389 : vector<16xf32>
        %swap3A_391 = arith.index_cast %scan3A_144 : i32 to index
        %swap3A_392 = arith.constant 160 : index
        %swap3A_393 = tpu.vector_load %arg20[%swap3A_391, %swap3A_392] {strides = array<i32>} : memref<32x256xf32, #tpu.memory_space<vmem>>, vector<1x16xf32>,
        %swap3A_394 = vector.shape_cast %swap3A_393 : vector<1x16xf32> to vector<16xf32>
        %swap3A_395 = vector.shape_cast %add3A_390 : vector<16xf32> to vector<1x16xf32>
        tpu.vector_store %arg20[%swap3A_391, %swap3A_392], %swap3A_395 {strides = array<i32>} : memref<32x256xf32, #tpu.memory_space<vmem>>, vector<1x16xf32>,
        %get3A_396 = arith.index_cast %scan3A_144 : i32 to index
        %get3A_397 = arith.constant 176 : index
        %get3A_398 = tpu.vector_load %arg10[%get3A_396, %get3A_397] {strides = array<i32>} : memref<32x256xf32, #tpu.memory_space<vmem>>, vector<1x16xf32>,
        %get3A_399 = vector.shape_cast %get3A_398 : vector<1x16xf32> to vector<16xf32>
        %mul3A_400 = arith.mulf %broadcast_in_dim3A, %get3A_399 : vector<16xf32>
        %get3A_401 = arith.index_cast %scan3A_144 : i32 to index
        %get3A_402 = arith.constant 176 : index
        %get3A_403 = tpu.vector_load %arg11[%get3A_401, %get3A_402] {strides = array<i32>} : memref<32x256xf32, #tpu.memory_space<vmem>>, vector<1x16xf32>,
        %get3A_404 = vector.shape_cast %get3A_403 : vector<1x16xf32> to vector<16xf32>
        %mul3A_405 = arith.mulf %broadcast_in_dim3A_151, %get3A_404 : vector<16xf32>
        %add3A_406 = arith.addf %mul3A_400, %mul3A_405 : vector<16xf32>
        %get3A_407 = arith.index_cast %scan3A_144 : i32 to index
        %get3A_408 = arith.constant 176 : index
        %get3A_409 = tpu.vector_load %arg12[%get3A_407, %get3A_408] {strides = array<i32>} : memref<32x256xf32, #tpu.memory_space<vmem>>, vector<1x16xf32>,
        %get3A_410 = vector.shape_cast %get3A_409 : vector<1x16xf32> to vector<16xf32>
        %mul3A_411 = arith.mulf %broadcast_in_dim3A_154, %get3A_410 : vector<16xf32>
        %add3A_412 = arith.addf %add3A_406, %mul3A_411 : vector<16xf32>
        %swap3A_413 = arith.index_cast %scan3A_144 : i32 to index
        %swap3A_414 = arith.constant 176 : index
        %swap3A_415 = tpu.vector_load %arg20[%swap3A_413, %swap3A_414] {strides = array<i32>} : memref<32x256xf32, #tpu.memory_space<vmem>>, vector<1x16xf32>,
        %swap3A_416 = vector.shape_cast %swap3A_415 : vector<1x16xf32> to vector<16xf32>
        %swap3A_417 = vector.shape_cast %add3A_412 : vector<16xf32> to vector<1x16xf32>
        tpu.vector_store %arg20[%swap3A_413, %swap3A_414], %swap3A_417 {strides = array<i32>} : memref<32x256xf32, #tpu.memory_space<vmem>>, vector<1x16xf32>,
        %get3A_418 = arith.index_cast %scan3A_144 : i32 to index
        %get3A_419 = arith.constant 192 : index
        %get3A_420 = tpu.vector_load %arg10[%get3A_418, %get3A_419] {strides = array<i32>} : memref<32x256xf32, #tpu.memory_space<vmem>>, vector<1x16xf32>,
        %get3A_421 = vector.shape_cast %get3A_420 : vector<1x16xf32> to vector<16xf32>
        %mul3A_422 = arith.mulf %broadcast_in_dim3A, %get3A_421 : vector<16xf32>
        %get3A_423 = arith.index_cast %scan3A_144 : i32 to index
        %get3A_424 = arith.constant 192 : index
        %get3A_425 = tpu.vector_load %arg11[%get3A_423, %get3A_424] {strides = array<i32>} : memref<32x256xf32, #tpu.memory_space<vmem>>, vector<1x16xf32>,
        %get3A_426 = vector.shape_cast %get3A_425 : vector<1x16xf32> to vector<16xf32>
        %mul3A_427 = arith.mulf %broadcast_in_dim3A_151, %get3A_426 : vector<16xf32>
        %add3A_428 = arith.addf %mul3A_422, %mul3A_427 : vector<16xf32>
        %get3A_429 = arith.index_cast %scan3A_144 : i32 to index
        %get3A_430 = arith.constant 192 : index
        %get3A_431 = tpu.vector_load %arg12[%get3A_429, %get3A_430] {strides = array<i32>} : memref<32x256xf32, #tpu.memory_space<vmem>>, vector<1x16xf32>,
        %get3A_432 = vector.shape_cast %get3A_431 : vector<1x16xf32> to vector<16xf32>
        %mul3A_433 = arith.mulf %broadcast_in_dim3A_154, %get3A_432 : vector<16xf32>
        %add3A_434 = arith.addf %add3A_428, %mul3A_433 : vector<16xf32>
        %swap3A_435 = arith.index_cast %scan3A_144 : i32 to index
        %swap3A_436 = arith.constant 192 : index
        %swap3A_437 = tpu.vector_load %arg20[%swap3A_435, %swap3A_436] {strides = array<i32>} : memref<32x256xf32, #tpu.memory_space<vmem>>, vector<1x16xf32>,
        %swap3A_438 = vector.shape_cast %swap3A_437 : vector<1x16xf32> to vector<16xf32>
        %swap3A_439 = vector.shape_cast %add3A_434 : vector<16xf32> to vector<1x16xf32>
        tpu.vector_store %arg20[%swap3A_435, %swap3A_436], %swap3A_439 {strides = array<i32>} : memref<32x256xf32, #tpu.memory_space<vmem>>, vector<1x16xf32>,
        %get3A_440 = arith.index_cast %scan3A_144 : i32 to index
        %get3A_441 = arith.constant 208 : index
        %get3A_442 = tpu.vector_load %arg10[%get3A_440, %get3A_441] {strides = array<i32>} : memref<32x256xf32, #tpu.memory_space<vmem>>, vector<1x16xf32>,
        %get3A_443 = vector.shape_cast %get3A_442 : vector<1x16xf32> to vector<16xf32>
        %mul3A_444 = arith.mulf %broadcast_in_dim3A, %get3A_443 : vector<16xf32>
        %get3A_445 = arith.index_cast %scan3A_144 : i32 to index
        %get3A_446 = arith.constant 208 : index
        %get3A_447 = tpu.vector_load %arg11[%get3A_445, %get3A_446] {strides = array<i32>} : memref<32x256xf32, #tpu.memory_space<vmem>>, vector<1x16xf32>,
        %get3A_448 = vector.shape_cast %get3A_447 : vector<1x16xf32> to vector<16xf32>
        %mul3A_449 = arith.mulf %broadcast_in_dim3A_151, %get3A_448 : vector<16xf32>
        %add3A_450 = arith.addf %mul3A_444, %mul3A_449 : vector<16xf32>
        %get3A_451 = arith.index_cast %scan3A_144 : i32 to index
        %get3A_452 = arith.constant 208 : index
        %get3A_453 = tpu.vector_load %arg12[%get3A_451, %get3A_452] {strides = array<i32>} : memref<32x256xf32, #tpu.memory_space<vmem>>, vector<1x16xf32>,
        %get3A_454 = vector.shape_cast %get3A_453 : vector<1x16xf32> to vector<16xf32>
        %mul3A_455 = arith.mulf %broadcast_in_dim3A_154, %get3A_454 : vector<16xf32>
        %add3A_456 = arith.addf %add3A_450, %mul3A_455 : vector<16xf32>
        %swap3A_457 = arith.index_cast %scan3A_144 : i32 to index
        %swap3A_458 = arith.constant 208 : index
        %swap3A_459 = tpu.vector_load %arg20[%swap3A_457, %swap3A_458] {strides = array<i32>} : memref<32x256xf32, #tpu.memory_space<vmem>>, vector<1x16xf32>,
        %swap3A_460 = vector.shape_cast %swap3A_459 : vector<1x16xf32> to vector<16xf32>
        %swap3A_461 = vector.shape_cast %add3A_456 : vector<16xf32> to vector<1x16xf32>
        tpu.vector_store %arg20[%swap3A_457, %swap3A_458], %swap3A_461 {strides = array<i32>} : memref<32x256xf32, #tpu.memory_space<vmem>>, vector<1x16xf32>,
        %get3A_462 = arith.index_cast %scan3A_144 : i32 to index
        %get3A_463 = arith.constant 224 : index
        %get3A_464 = tpu.vector_load %arg10[%get3A_462, %get3A_463] {strides = array<i32>} : memref<32x256xf32, #tpu.memory_space<vmem>>, vector<1x16xf32>,
        %get3A_465 = vector.shape_cast %get3A_464 : vector<1x16xf32> to vector<16xf32>
        %mul3A_466 = arith.mulf %broadcast_in_dim3A, %get3A_465 : vector<16xf32>
        %get3A_467 = arith.index_cast %scan3A_144 : i32 to index
        %get3A_468 = arith.constant 224 : index
        %get3A_469 = tpu.vector_load %arg11[%get3A_467, %get3A_468] {strides = array<i32>} : memref<32x256xf32, #tpu.memory_space<vmem>>, vector<1x16xf32>,
        %get3A_470 = vector.shape_cast %get3A_469 : vector<1x16xf32> to vector<16xf32>
        %mul3A_471 = arith.mulf %broadcast_in_dim3A_151, %get3A_470 : vector<16xf32>
        %add3A_472 = arith.addf %mul3A_466, %mul3A_471 : vector<16xf32>
        %get3A_473 = arith.index_cast %scan3A_144 : i32 to index
        %get3A_474 = arith.constant 224 : index
        %get3A_475 = tpu.vector_load %arg12[%get3A_473, %get3A_474] {strides = array<i32>} : memref<32x256xf32, #tpu.memory_space<vmem>>, vector<1x16xf32>,
        %get3A_476 = vector.shape_cast %get3A_475 : vector<1x16xf32> to vector<16xf32>
        %mul3A_477 = arith.mulf %broadcast_in_dim3A_154, %get3A_476 : vector<16xf32>
        %add3A_478 = arith.addf %add3A_472, %mul3A_477 : vector<16xf32>
        %swap3A_479 = arith.index_cast %scan3A_144 : i32 to index
        %swap3A_480 = arith.constant 224 : index
        %swap3A_481 = tpu.vector_load %arg20[%swap3A_479, %swap3A_480] {strides = array<i32>} : memref<32x256xf32, #tpu.memory_space<vmem>>, vector<1x16xf32>,
        %swap3A_482 = vector.shape_cast %swap3A_481 : vector<1x16xf32> to vector<16xf32>
        %swap3A_483 = vector.shape_cast %add3A_478 : vector<16xf32> to vector<1x16xf32>
        tpu.vector_store %arg20[%swap3A_479, %swap3A_480], %swap3A_483 {strides = array<i32>} : memref<32x256xf32, #tpu.memory_space<vmem>>, vector<1x16xf32>,
        %get3A_484 = arith.index_cast %scan3A_144 : i32 to index
        %get3A_485 = arith.constant 240 : index
        %get3A_486 = tpu.vector_load %arg10[%get3A_484, %get3A_485] {strides = array<i32>} : memref<32x256xf32, #tpu.memory_space<vmem>>, vector<1x16xf32>,
        %get3A_487 = vector.shape_cast %get3A_486 : vector<1x16xf32> to vector<16xf32>
        %mul3A_488 = arith.mulf %broadcast_in_dim3A, %get3A_487 : vector<16xf32>
        %get3A_489 = arith.index_cast %scan3A_144 : i32 to index
        %get3A_490 = arith.constant 240 : index
        %get3A_491 = tpu.vector_load %arg11[%get3A_489, %get3A_490] {strides = array<i32>} : memref<32x256xf32, #tpu.memory_space<vmem>>, vector<1x16xf32>,
        %get3A_492 = vector.shape_cast %get3A_491 : vector<1x16xf32> to vector<16xf32>
        %mul3A_493 = arith.mulf %broadcast_in_dim3A_151, %get3A_492 : vector<16xf32>
        %add3A_494 = arith.addf %mul3A_488, %mul3A_493 : vector<16xf32>
        %get3A_495 = arith.index_cast %scan3A_144 : i32 to index
        %get3A_496 = arith.constant 240 : index
        %get3A_497 = tpu.vector_load %arg12[%get3A_495, %get3A_496] {strides = array<i32>} : memref<32x256xf32, #tpu.memory_space<vmem>>, vector<1x16xf32>,
        %get3A_498 = vector.shape_cast %get3A_497 : vector<1x16xf32> to vector<16xf32>
        %mul3A_499 = arith.mulf %broadcast_in_dim3A_154, %get3A_498 : vector<16xf32>
        %add3A_500 = arith.addf %add3A_494, %mul3A_499 : vector<16xf32>
        %swap3A_501 = arith.index_cast %scan3A_144 : i32 to index
        %swap3A_502 = arith.constant 240 : index
        %swap3A_503 = tpu.vector_load %arg20[%swap3A_501, %swap3A_502] {strides = array<i32>} : memref<32x256xf32, #tpu.memory_space<vmem>>, vector<1x16xf32>,
        %swap3A_504 = vector.shape_cast %swap3A_503 : vector<1x16xf32> to vector<16xf32>
        %swap3A_505 = vector.shape_cast %add3A_500 : vector<16xf32> to vector<1x16xf32>
        tpu.vector_store %arg20[%swap3A_501, %swap3A_502], %swap3A_505 {strides = array<i32>} : memref<32x256xf32, #tpu.memory_space<vmem>>, vector<1x16xf32>,
        %scan3A_506 = arith.constant 0 : i32
        scf.yield %scan3A_506 : i32
      }
      %scan3A_112 = arith.constant 32 : i32
      %mul3A_113 = arith.constant 4096 : i32
      %mul3A_114 = arith.muli %select_n3A, %mul3A_113 : i32
      %add3A_115 = arith.addi %mul3A_114, %mul3A_32 : i32
      %mul3A_116 = arith.constant 32 : i32
      %mul3A_117 = arith.muli %mul3A_42, %mul3A_116 : i32
      %add3A_118 = arith.addi %add3A_115, %mul3A_117 : i32
      "tpu.region"() ({
        %run_scoped3A = tpu.sem_alloc : memref<!tpu.dma_semaphore, #tpu.memory_space<semaphore_mem>>
        %dma_start3A_144 = arith.constant 0 : i32
        %dma_start3A_145 = tpu.memref_slice %arg5[%add3A_118, %dma_start3A_144] : memref<32768x256xf32, #tpu.memory_space<hbm>> -> memref<32x256xf32, #tpu.memory_space<hbm>>
        %dma_start3A_146 = arith.constant 0 : i32
        %dma_start3A_147 = tpu.memref_slice %arg5[%add3A_118, %dma_start3A_146] : memref<32768x256xf32, #tpu.memory_space<hbm>> -> memref<32x256xf32, #tpu.memory_space<hbm>>
        tpu.enqueue_dma source(%arg20 : memref<32x256xf32, #tpu.memory_space<vmem>>) target(%dma_start3A_147 : memref<32x256xf32, #tpu.memory_space<hbm>>) target_semaphore(%run_scoped3A : memref<!tpu.dma_semaphore, #tpu.memory_space<semaphore_mem>>)
        %dma_wait3A_148 = arith.constant 0 : i32
        %dma_wait3A_149 = tpu.memref_slice %arg5[%add3A_118, %dma_wait3A_148] : memref<32768x256xf32, #tpu.memory_space<hbm>> -> memref<32x256xf32, #tpu.memory_space<hbm>>
        %dma_wait3A_150 = arith.constant 0 : i32
        %dma_wait3A_151 = tpu.memref_slice %arg5[%add3A_118, %dma_wait3A_150] : memref<32768x256xf32, #tpu.memory_space<hbm>> -> memref<32x256xf32, #tpu.memory_space<hbm>>
        tpu.wait_dma2 semaphore(%run_scoped3A : memref<!tpu.dma_semaphore, #tpu.memory_space<semaphore_mem>>) src(%arg20 : memref<32x256xf32, #tpu.memory_space<vmem>>) dst(%dma_wait3A_151 : memref<32x256xf32, #tpu.memory_space<hbm>>)
        tpu.yield
      }) : () -> ()
      %add3A_119 = arith.constant 1 : i32
      %add3A_120 = arith.addi %mul3A_42, %add3A_119 : i32
      %dma_wait3A_121 = arith.constant 0 : i32
      %dma_wait3A_122 = arith.constant 0 : i32
      %dma_wait3A_123 = tpu.memref_slice %arg2[%dma_wait3A_121, %dma_wait3A_122] : memref<16384x256xf32, #tpu.memory_space<hbm>> -> memref<16384x256xf32, #tpu.memory_space<hbm>>
      tpu.wait_indirect_dma semaphore(%arg22 : memref<!tpu.dma_semaphore, #tpu.memory_space<semaphore_mem>>) src(%dma_wait3A_123 : memref<16384x256xf32, #tpu.memory_space<hbm>>) dst(%arg17 : memref<32x256xf32, #tpu.memory_space<vmem>>)
      %dma_wait3A_124 = arith.constant 0 : i32
      %dma_wait3A_125 = arith.constant 0 : i32
      %dma_wait3A_126 = tpu.memref_slice %arg2[%dma_wait3A_124, %dma_wait3A_125] : memref<16384x256xf32, #tpu.memory_space<hbm>> -> memref<16384x256xf32, #tpu.memory_space<hbm>>
      tpu.wait_indirect_dma semaphore(%arg22 : memref<!tpu.dma_semaphore, #tpu.memory_space<semaphore_mem>>) src(%dma_wait3A_126 : memref<16384x256xf32, #tpu.memory_space<hbm>>) dst(%arg18 : memref<32x256xf32, #tpu.memory_space<vmem>>)
      %dma_wait3A_127 = arith.constant 0 : i32
      %dma_wait3A_128 = arith.constant 0 : i32
      %dma_wait3A_129 = tpu.memref_slice %arg2[%dma_wait3A_127, %dma_wait3A_128] : memref<16384x256xf32, #tpu.memory_space<hbm>> -> memref<16384x256xf32, #tpu.memory_space<hbm>>
      tpu.wait_indirect_dma semaphore(%arg22 : memref<!tpu.dma_semaphore, #tpu.memory_space<semaphore_mem>>) src(%dma_wait3A_129 : memref<16384x256xf32, #tpu.memory_space<hbm>>) dst(%arg19 : memref<32x256xf32, #tpu.memory_space<vmem>>)
      %scan3A_130 = arith.constant 0 : i32
      %scan3A_131 = arith.constant 0 : i32
      %scan3A_132 = arith.constant 32 : i32
      %scan3A_133 = arith.addi %scan3A_131, %scan3A_132 : i32
      %scan3A_134 = arith.constant 1 : i32
      %scan3A_135 = scf.for %scan3A_144 = %scan3A_131 to %scan3A_133 step %scan3A_134 iter_args(%scan3A_145 = %scan3A_130) -> (i32)  : i32 {
        %get3A = arith.index_cast %scan3A_144 : i32 to index
        %get3A_146 = arith.constant 0 : index
        %get3A_147 = tpu.vector_load %arg16[%get3A, %get3A_146] {strides = array<i32>} : memref<32x16xf32, #tpu.memory_space<vmem>>, vector<1x16xf32>,
        %get3A_148 = vector.shape_cast %get3A_147 : vector<1x16xf32> to vector<16xf32>
        %slice3A = vector.extract_strided_slice %get3A_148 {offsets = [0], sizes = [1], strides = [1]} : vector<16xf32> to vector<1xf32>
        %squeeze3A = vector.extract %slice3A[0] : f32 from vector<1xf32>
        %broadcast_in_dim3A = vector.broadcast %squeeze3A : f32 to vector<16xf32>
        %slice3A_149 = vector.extract_strided_slice %get3A_148 {offsets = [1], sizes = [1], strides = [1]} : vector<16xf32> to vector<1xf32>
        %squeeze3A_150 = vector.extract %slice3A_149[0] : f32 from vector<1xf32>
        %broadcast_in_dim3A_151 = vector.broadcast %squeeze3A_150 : f32 to vector<16xf32>
        %slice3A_152 = vector.extract_strided_slice %get3A_148 {offsets = [2], sizes = [1], strides = [1]} : vector<16xf32> to vector<1xf32>
        %squeeze3A_153 = vector.extract %slice3A_152[0] : f32 from vector<1xf32>
        %broadcast_in_dim3A_154 = vector.broadcast %squeeze3A_153 : f32 to vector<16xf32>
        %get3A_155 = arith.index_cast %scan3A_144 : i32 to index
        %get3A_156 = arith.constant 0 : index
        %get3A_157 = tpu.vector_load %arg17[%get3A_155, %get3A_156] {strides = array<i32>} : memref<32x256xf32, #tpu.memory_space<vmem>>, vector<1x16xf32>,
        %get3A_158 = vector.shape_cast %get3A_157 : vector<1x16xf32> to vector<16xf32>
        %mul3A_159 = arith.mulf %broadcast_in_dim3A, %get3A_158 : vector<16xf32>
        %get3A_160 = arith.index_cast %scan3A_144 : i32 to index
        %get3A_161 = arith.constant 0 : index
        %get3A_162 = tpu.vector_load %arg18[%get3A_160, %get3A_161] {strides = array<i32>} : memref<32x256xf32, #tpu.memory_space<vmem>>, vector<1x16xf32>,
        %get3A_163 = vector.shape_cast %get3A_162 : vector<1x16xf32> to vector<16xf32>
        %mul3A_164 = arith.mulf %broadcast_in_dim3A_151, %get3A_163 : vector<16xf32>
        %add3A_165 = arith.addf %mul3A_159, %mul3A_164 : vector<16xf32>
        %get3A_166 = arith.index_cast %scan3A_144 : i32 to index
        %get3A_167 = arith.constant 0 : index
        %get3A_168 = tpu.vector_load %arg19[%get3A_166, %get3A_167] {strides = array<i32>} : memref<32x256xf32, #tpu.memory_space<vmem>>, vector<1x16xf32>,
        %get3A_169 = vector.shape_cast %get3A_168 : vector<1x16xf32> to vector<16xf32>
        %mul3A_170 = arith.mulf %broadcast_in_dim3A_154, %get3A_169 : vector<16xf32>
        %add3A_171 = arith.addf %add3A_165, %mul3A_170 : vector<16xf32>
        %swap3A = arith.index_cast %scan3A_144 : i32 to index
        %swap3A_172 = arith.constant 0 : index
        %swap3A_173 = tpu.vector_load %arg20[%swap3A, %swap3A_172] {strides = array<i32>} : memref<32x256xf32, #tpu.memory_space<vmem>>, vector<1x16xf32>,
        %swap3A_174 = vector.shape_cast %swap3A_173 : vector<1x16xf32> to vector<16xf32>
        %swap3A_175 = vector.shape_cast %add3A_171 : vector<16xf32> to vector<1x16xf32>
        tpu.vector_store %arg20[%swap3A, %swap3A_172], %swap3A_175 {strides = array<i32>} : memref<32x256xf32, #tpu.memory_space<vmem>>, vector<1x16xf32>,
        %get3A_176 = arith.index_cast %scan3A_144 : i32 to index
        %get3A_177 = arith.constant 16 : index
        %get3A_178 = tpu.vector_load %arg17[%get3A_176, %get3A_177] {strides = array<i32>} : memref<32x256xf32, #tpu.memory_space<vmem>>, vector<1x16xf32>,
        %get3A_179 = vector.shape_cast %get3A_178 : vector<1x16xf32> to vector<16xf32>
        %mul3A_180 = arith.mulf %broadcast_in_dim3A, %get3A_179 : vector<16xf32>
        %get3A_181 = arith.index_cast %scan3A_144 : i32 to index
        %get3A_182 = arith.constant 16 : index
        %get3A_183 = tpu.vector_load %arg18[%get3A_181, %get3A_182] {strides = array<i32>} : memref<32x256xf32, #tpu.memory_space<vmem>>, vector<1x16xf32>,
        %get3A_184 = vector.shape_cast %get3A_183 : vector<1x16xf32> to vector<16xf32>
        %mul3A_185 = arith.mulf %broadcast_in_dim3A_151, %get3A_184 : vector<16xf32>
        %add3A_186 = arith.addf %mul3A_180, %mul3A_185 : vector<16xf32>
        %get3A_187 = arith.index_cast %scan3A_144 : i32 to index
        %get3A_188 = arith.constant 16 : index
        %get3A_189 = tpu.vector_load %arg19[%get3A_187, %get3A_188] {strides = array<i32>} : memref<32x256xf32, #tpu.memory_space<vmem>>, vector<1x16xf32>,
        %get3A_190 = vector.shape_cast %get3A_189 : vector<1x16xf32> to vector<16xf32>
        %mul3A_191 = arith.mulf %broadcast_in_dim3A_154, %get3A_190 : vector<16xf32>
        %add3A_192 = arith.addf %add3A_186, %mul3A_191 : vector<16xf32>
        %swap3A_193 = arith.index_cast %scan3A_144 : i32 to index
        %swap3A_194 = arith.constant 16 : index
        %swap3A_195 = tpu.vector_load %arg20[%swap3A_193, %swap3A_194] {strides = array<i32>} : memref<32x256xf32, #tpu.memory_space<vmem>>, vector<1x16xf32>,
        %swap3A_196 = vector.shape_cast %swap3A_195 : vector<1x16xf32> to vector<16xf32>
        %swap3A_197 = vector.shape_cast %add3A_192 : vector<16xf32> to vector<1x16xf32>
        tpu.vector_store %arg20[%swap3A_193, %swap3A_194], %swap3A_197 {strides = array<i32>} : memref<32x256xf32, #tpu.memory_space<vmem>>, vector<1x16xf32>,
        %get3A_198 = arith.index_cast %scan3A_144 : i32 to index
        %get3A_199 = arith.constant 32 : index
        %get3A_200 = tpu.vector_load %arg17[%get3A_198, %get3A_199] {strides = array<i32>} : memref<32x256xf32, #tpu.memory_space<vmem>>, vector<1x16xf32>,
        %get3A_201 = vector.shape_cast %get3A_200 : vector<1x16xf32> to vector<16xf32>
        %mul3A_202 = arith.mulf %broadcast_in_dim3A, %get3A_201 : vector<16xf32>
        %get3A_203 = arith.index_cast %scan3A_144 : i32 to index
        %get3A_204 = arith.constant 32 : index
        %get3A_205 = tpu.vector_load %arg18[%get3A_203, %get3A_204] {strides = array<i32>} : memref<32x256xf32, #tpu.memory_space<vmem>>, vector<1x16xf32>,
        %get3A_206 = vector.shape_cast %get3A_205 : vector<1x16xf32> to vector<16xf32>
        %mul3A_207 = arith.mulf %broadcast_in_dim3A_151, %get3A_206 : vector<16xf32>
        %add3A_208 = arith.addf %mul3A_202, %mul3A_207 : vector<16xf32>
        %get3A_209 = arith.index_cast %scan3A_144 : i32 to index
        %get3A_210 = arith.constant 32 : index
        %get3A_211 = tpu.vector_load %arg19[%get3A_209, %get3A_210] {strides = array<i32>} : memref<32x256xf32, #tpu.memory_space<vmem>>, vector<1x16xf32>,
        %get3A_212 = vector.shape_cast %get3A_211 : vector<1x16xf32> to vector<16xf32>
        %mul3A_213 = arith.mulf %broadcast_in_dim3A_154, %get3A_212 : vector<16xf32>
        %add3A_214 = arith.addf %add3A_208, %mul3A_213 : vector<16xf32>
        %swap3A_215 = arith.index_cast %scan3A_144 : i32 to index
        %swap3A_216 = arith.constant 32 : index
        %swap3A_217 = tpu.vector_load %arg20[%swap3A_215, %swap3A_216] {strides = array<i32>} : memref<32x256xf32, #tpu.memory_space<vmem>>, vector<1x16xf32>,
        %swap3A_218 = vector.shape_cast %swap3A_217 : vector<1x16xf32> to vector<16xf32>
        %swap3A_219 = vector.shape_cast %add3A_214 : vector<16xf32> to vector<1x16xf32>
        tpu.vector_store %arg20[%swap3A_215, %swap3A_216], %swap3A_219 {strides = array<i32>} : memref<32x256xf32, #tpu.memory_space<vmem>>, vector<1x16xf32>,
        %get3A_220 = arith.index_cast %scan3A_144 : i32 to index
        %get3A_221 = arith.constant 48 : index
        %get3A_222 = tpu.vector_load %arg17[%get3A_220, %get3A_221] {strides = array<i32>} : memref<32x256xf32, #tpu.memory_space<vmem>>, vector<1x16xf32>,
        %get3A_223 = vector.shape_cast %get3A_222 : vector<1x16xf32> to vector<16xf32>
        %mul3A_224 = arith.mulf %broadcast_in_dim3A, %get3A_223 : vector<16xf32>
        %get3A_225 = arith.index_cast %scan3A_144 : i32 to index
        %get3A_226 = arith.constant 48 : index
        %get3A_227 = tpu.vector_load %arg18[%get3A_225, %get3A_226] {strides = array<i32>} : memref<32x256xf32, #tpu.memory_space<vmem>>, vector<1x16xf32>,
        %get3A_228 = vector.shape_cast %get3A_227 : vector<1x16xf32> to vector<16xf32>
        %mul3A_229 = arith.mulf %broadcast_in_dim3A_151, %get3A_228 : vector<16xf32>
        %add3A_230 = arith.addf %mul3A_224, %mul3A_229 : vector<16xf32>
        %get3A_231 = arith.index_cast %scan3A_144 : i32 to index
        %get3A_232 = arith.constant 48 : index
        %get3A_233 = tpu.vector_load %arg19[%get3A_231, %get3A_232] {strides = array<i32>} : memref<32x256xf32, #tpu.memory_space<vmem>>, vector<1x16xf32>,
        %get3A_234 = vector.shape_cast %get3A_233 : vector<1x16xf32> to vector<16xf32>
        %mul3A_235 = arith.mulf %broadcast_in_dim3A_154, %get3A_234 : vector<16xf32>
        %add3A_236 = arith.addf %add3A_230, %mul3A_235 : vector<16xf32>
        %swap3A_237 = arith.index_cast %scan3A_144 : i32 to index
        %swap3A_238 = arith.constant 48 : index
        %swap3A_239 = tpu.vector_load %arg20[%swap3A_237, %swap3A_238] {strides = array<i32>} : memref<32x256xf32, #tpu.memory_space<vmem>>, vector<1x16xf32>,
        %swap3A_240 = vector.shape_cast %swap3A_239 : vector<1x16xf32> to vector<16xf32>
        %swap3A_241 = vector.shape_cast %add3A_236 : vector<16xf32> to vector<1x16xf32>
        tpu.vector_store %arg20[%swap3A_237, %swap3A_238], %swap3A_241 {strides = array<i32>} : memref<32x256xf32, #tpu.memory_space<vmem>>, vector<1x16xf32>,
        %get3A_242 = arith.index_cast %scan3A_144 : i32 to index
        %get3A_243 = arith.constant 64 : index
        %get3A_244 = tpu.vector_load %arg17[%get3A_242, %get3A_243] {strides = array<i32>} : memref<32x256xf32, #tpu.memory_space<vmem>>, vector<1x16xf32>,
        %get3A_245 = vector.shape_cast %get3A_244 : vector<1x16xf32> to vector<16xf32>
        %mul3A_246 = arith.mulf %broadcast_in_dim3A, %get3A_245 : vector<16xf32>
        %get3A_247 = arith.index_cast %scan3A_144 : i32 to index
        %get3A_248 = arith.constant 64 : index
        %get3A_249 = tpu.vector_load %arg18[%get3A_247, %get3A_248] {strides = array<i32>} : memref<32x256xf32, #tpu.memory_space<vmem>>, vector<1x16xf32>,
        %get3A_250 = vector.shape_cast %get3A_249 : vector<1x16xf32> to vector<16xf32>
        %mul3A_251 = arith.mulf %broadcast_in_dim3A_151, %get3A_250 : vector<16xf32>
        %add3A_252 = arith.addf %mul3A_246, %mul3A_251 : vector<16xf32>
        %get3A_253 = arith.index_cast %scan3A_144 : i32 to index
        %get3A_254 = arith.constant 64 : index
        %get3A_255 = tpu.vector_load %arg19[%get3A_253, %get3A_254] {strides = array<i32>} : memref<32x256xf32, #tpu.memory_space<vmem>>, vector<1x16xf32>,
        %get3A_256 = vector.shape_cast %get3A_255 : vector<1x16xf32> to vector<16xf32>
        %mul3A_257 = arith.mulf %broadcast_in_dim3A_154, %get3A_256 : vector<16xf32>
        %add3A_258 = arith.addf %add3A_252, %mul3A_257 : vector<16xf32>
        %swap3A_259 = arith.index_cast %scan3A_144 : i32 to index
        %swap3A_260 = arith.constant 64 : index
        %swap3A_261 = tpu.vector_load %arg20[%swap3A_259, %swap3A_260] {strides = array<i32>} : memref<32x256xf32, #tpu.memory_space<vmem>>, vector<1x16xf32>,
        %swap3A_262 = vector.shape_cast %swap3A_261 : vector<1x16xf32> to vector<16xf32>
        %swap3A_263 = vector.shape_cast %add3A_258 : vector<16xf32> to vector<1x16xf32>
        tpu.vector_store %arg20[%swap3A_259, %swap3A_260], %swap3A_263 {strides = array<i32>} : memref<32x256xf32, #tpu.memory_space<vmem>>, vector<1x16xf32>,
        %get3A_264 = arith.index_cast %scan3A_144 : i32 to index
        %get3A_265 = arith.constant 80 : index
        %get3A_266 = tpu.vector_load %arg17[%get3A_264, %get3A_265] {strides = array<i32>} : memref<32x256xf32, #tpu.memory_space<vmem>>, vector<1x16xf32>,
        %get3A_267 = vector.shape_cast %get3A_266 : vector<1x16xf32> to vector<16xf32>
        %mul3A_268 = arith.mulf %broadcast_in_dim3A, %get3A_267 : vector<16xf32>
        %get3A_269 = arith.index_cast %scan3A_144 : i32 to index
        %get3A_270 = arith.constant 80 : index
        %get3A_271 = tpu.vector_load %arg18[%get3A_269, %get3A_270] {strides = array<i32>} : memref<32x256xf32, #tpu.memory_space<vmem>>, vector<1x16xf32>,
        %get3A_272 = vector.shape_cast %get3A_271 : vector<1x16xf32> to vector<16xf32>
        %mul3A_273 = arith.mulf %broadcast_in_dim3A_151, %get3A_272 : vector<16xf32>
        %add3A_274 = arith.addf %mul3A_268, %mul3A_273 : vector<16xf32>
        %get3A_275 = arith.index_cast %scan3A_144 : i32 to index
        %get3A_276 = arith.constant 80 : index
        %get3A_277 = tpu.vector_load %arg19[%get3A_275, %get3A_276] {strides = array<i32>} : memref<32x256xf32, #tpu.memory_space<vmem>>, vector<1x16xf32>,
        %get3A_278 = vector.shape_cast %get3A_277 : vector<1x16xf32> to vector<16xf32>
        %mul3A_279 = arith.mulf %broadcast_in_dim3A_154, %get3A_278 : vector<16xf32>
        %add3A_280 = arith.addf %add3A_274, %mul3A_279 : vector<16xf32>
        %swap3A_281 = arith.index_cast %scan3A_144 : i32 to index
        %swap3A_282 = arith.constant 80 : index
        %swap3A_283 = tpu.vector_load %arg20[%swap3A_281, %swap3A_282] {strides = array<i32>} : memref<32x256xf32, #tpu.memory_space<vmem>>, vector<1x16xf32>,
        %swap3A_284 = vector.shape_cast %swap3A_283 : vector<1x16xf32> to vector<16xf32>
        %swap3A_285 = vector.shape_cast %add3A_280 : vector<16xf32> to vector<1x16xf32>
        tpu.vector_store %arg20[%swap3A_281, %swap3A_282], %swap3A_285 {strides = array<i32>} : memref<32x256xf32, #tpu.memory_space<vmem>>, vector<1x16xf32>,
        %get3A_286 = arith.index_cast %scan3A_144 : i32 to index
        %get3A_287 = arith.constant 96 : index
        %get3A_288 = tpu.vector_load %arg17[%get3A_286, %get3A_287] {strides = array<i32>} : memref<32x256xf32, #tpu.memory_space<vmem>>, vector<1x16xf32>,
        %get3A_289 = vector.shape_cast %get3A_288 : vector<1x16xf32> to vector<16xf32>
        %mul3A_290 = arith.mulf %broadcast_in_dim3A, %get3A_289 : vector<16xf32>
        %get3A_291 = arith.index_cast %scan3A_144 : i32 to index
        %get3A_292 = arith.constant 96 : index
        %get3A_293 = tpu.vector_load %arg18[%get3A_291, %get3A_292] {strides = array<i32>} : memref<32x256xf32, #tpu.memory_space<vmem>>, vector<1x16xf32>,
        %get3A_294 = vector.shape_cast %get3A_293 : vector<1x16xf32> to vector<16xf32>
        %mul3A_295 = arith.mulf %broadcast_in_dim3A_151, %get3A_294 : vector<16xf32>
        %add3A_296 = arith.addf %mul3A_290, %mul3A_295 : vector<16xf32>
        %get3A_297 = arith.index_cast %scan3A_144 : i32 to index
        %get3A_298 = arith.constant 96 : index
        %get3A_299 = tpu.vector_load %arg19[%get3A_297, %get3A_298] {strides = array<i32>} : memref<32x256xf32, #tpu.memory_space<vmem>>, vector<1x16xf32>,
        %get3A_300 = vector.shape_cast %get3A_299 : vector<1x16xf32> to vector<16xf32>
        %mul3A_301 = arith.mulf %broadcast_in_dim3A_154, %get3A_300 : vector<16xf32>
        %add3A_302 = arith.addf %add3A_296, %mul3A_301 : vector<16xf32>
        %swap3A_303 = arith.index_cast %scan3A_144 : i32 to index
        %swap3A_304 = arith.constant 96 : index
        %swap3A_305 = tpu.vector_load %arg20[%swap3A_303, %swap3A_304] {strides = array<i32>} : memref<32x256xf32, #tpu.memory_space<vmem>>, vector<1x16xf32>,
        %swap3A_306 = vector.shape_cast %swap3A_305 : vector<1x16xf32> to vector<16xf32>
        %swap3A_307 = vector.shape_cast %add3A_302 : vector<16xf32> to vector<1x16xf32>
        tpu.vector_store %arg20[%swap3A_303, %swap3A_304], %swap3A_307 {strides = array<i32>} : memref<32x256xf32, #tpu.memory_space<vmem>>, vector<1x16xf32>,
        %get3A_308 = arith.index_cast %scan3A_144 : i32 to index
        %get3A_309 = arith.constant 112 : index
        %get3A_310 = tpu.vector_load %arg17[%get3A_308, %get3A_309] {strides = array<i32>} : memref<32x256xf32, #tpu.memory_space<vmem>>, vector<1x16xf32>,
        %get3A_311 = vector.shape_cast %get3A_310 : vector<1x16xf32> to vector<16xf32>
        %mul3A_312 = arith.mulf %broadcast_in_dim3A, %get3A_311 : vector<16xf32>
        %get3A_313 = arith.index_cast %scan3A_144 : i32 to index
        %get3A_314 = arith.constant 112 : index
        %get3A_315 = tpu.vector_load %arg18[%get3A_313, %get3A_314] {strides = array<i32>} : memref<32x256xf32, #tpu.memory_space<vmem>>, vector<1x16xf32>,
        %get3A_316 = vector.shape_cast %get3A_315 : vector<1x16xf32> to vector<16xf32>
        %mul3A_317 = arith.mulf %broadcast_in_dim3A_151, %get3A_316 : vector<16xf32>
        %add3A_318 = arith.addf %mul3A_312, %mul3A_317 : vector<16xf32>
        %get3A_319 = arith.index_cast %scan3A_144 : i32 to index
        %get3A_320 = arith.constant 112 : index
        %get3A_321 = tpu.vector_load %arg19[%get3A_319, %get3A_320] {strides = array<i32>} : memref<32x256xf32, #tpu.memory_space<vmem>>, vector<1x16xf32>,
        %get3A_322 = vector.shape_cast %get3A_321 : vector<1x16xf32> to vector<16xf32>
        %mul3A_323 = arith.mulf %broadcast_in_dim3A_154, %get3A_322 : vector<16xf32>
        %add3A_324 = arith.addf %add3A_318, %mul3A_323 : vector<16xf32>
        %swap3A_325 = arith.index_cast %scan3A_144 : i32 to index
        %swap3A_326 = arith.constant 112 : index
        %swap3A_327 = tpu.vector_load %arg20[%swap3A_325, %swap3A_326] {strides = array<i32>} : memref<32x256xf32, #tpu.memory_space<vmem>>, vector<1x16xf32>,
        %swap3A_328 = vector.shape_cast %swap3A_327 : vector<1x16xf32> to vector<16xf32>
        %swap3A_329 = vector.shape_cast %add3A_324 : vector<16xf32> to vector<1x16xf32>
        tpu.vector_store %arg20[%swap3A_325, %swap3A_326], %swap3A_329 {strides = array<i32>} : memref<32x256xf32, #tpu.memory_space<vmem>>, vector<1x16xf32>,
        %get3A_330 = arith.index_cast %scan3A_144 : i32 to index
        %get3A_331 = arith.constant 128 : index
        %get3A_332 = tpu.vector_load %arg17[%get3A_330, %get3A_331] {strides = array<i32>} : memref<32x256xf32, #tpu.memory_space<vmem>>, vector<1x16xf32>,
        %get3A_333 = vector.shape_cast %get3A_332 : vector<1x16xf32> to vector<16xf32>
        %mul3A_334 = arith.mulf %broadcast_in_dim3A, %get3A_333 : vector<16xf32>
        %get3A_335 = arith.index_cast %scan3A_144 : i32 to index
        %get3A_336 = arith.constant 128 : index
        %get3A_337 = tpu.vector_load %arg18[%get3A_335, %get3A_336] {strides = array<i32>} : memref<32x256xf32, #tpu.memory_space<vmem>>, vector<1x16xf32>,
        %get3A_338 = vector.shape_cast %get3A_337 : vector<1x16xf32> to vector<16xf32>
        %mul3A_339 = arith.mulf %broadcast_in_dim3A_151, %get3A_338 : vector<16xf32>
        %add3A_340 = arith.addf %mul3A_334, %mul3A_339 : vector<16xf32>
        %get3A_341 = arith.index_cast %scan3A_144 : i32 to index
        %get3A_342 = arith.constant 128 : index
        %get3A_343 = tpu.vector_load %arg19[%get3A_341, %get3A_342] {strides = array<i32>} : memref<32x256xf32, #tpu.memory_space<vmem>>, vector<1x16xf32>,
        %get3A_344 = vector.shape_cast %get3A_343 : vector<1x16xf32> to vector<16xf32>
        %mul3A_345 = arith.mulf %broadcast_in_dim3A_154, %get3A_344 : vector<16xf32>
        %add3A_346 = arith.addf %add3A_340, %mul3A_345 : vector<16xf32>
        %swap3A_347 = arith.index_cast %scan3A_144 : i32 to index
        %swap3A_348 = arith.constant 128 : index
        %swap3A_349 = tpu.vector_load %arg20[%swap3A_347, %swap3A_348] {strides = array<i32>} : memref<32x256xf32, #tpu.memory_space<vmem>>, vector<1x16xf32>,
        %swap3A_350 = vector.shape_cast %swap3A_349 : vector<1x16xf32> to vector<16xf32>
        %swap3A_351 = vector.shape_cast %add3A_346 : vector<16xf32> to vector<1x16xf32>
        tpu.vector_store %arg20[%swap3A_347, %swap3A_348], %swap3A_351 {strides = array<i32>} : memref<32x256xf32, #tpu.memory_space<vmem>>, vector<1x16xf32>,
        %get3A_352 = arith.index_cast %scan3A_144 : i32 to index
        %get3A_353 = arith.constant 144 : index
        %get3A_354 = tpu.vector_load %arg17[%get3A_352, %get3A_353] {strides = array<i32>} : memref<32x256xf32, #tpu.memory_space<vmem>>, vector<1x16xf32>,
        %get3A_355 = vector.shape_cast %get3A_354 : vector<1x16xf32> to vector<16xf32>
        %mul3A_356 = arith.mulf %broadcast_in_dim3A, %get3A_355 : vector<16xf32>
        %get3A_357 = arith.index_cast %scan3A_144 : i32 to index
        %get3A_358 = arith.constant 144 : index
        %get3A_359 = tpu.vector_load %arg18[%get3A_357, %get3A_358] {strides = array<i32>} : memref<32x256xf32, #tpu.memory_space<vmem>>, vector<1x16xf32>,
        %get3A_360 = vector.shape_cast %get3A_359 : vector<1x16xf32> to vector<16xf32>
        %mul3A_361 = arith.mulf %broadcast_in_dim3A_151, %get3A_360 : vector<16xf32>
        %add3A_362 = arith.addf %mul3A_356, %mul3A_361 : vector<16xf32>
        %get3A_363 = arith.index_cast %scan3A_144 : i32 to index
        %get3A_364 = arith.constant 144 : index
        %get3A_365 = tpu.vector_load %arg19[%get3A_363, %get3A_364] {strides = array<i32>} : memref<32x256xf32, #tpu.memory_space<vmem>>, vector<1x16xf32>,
        %get3A_366 = vector.shape_cast %get3A_365 : vector<1x16xf32> to vector<16xf32>
        %mul3A_367 = arith.mulf %broadcast_in_dim3A_154, %get3A_366 : vector<16xf32>
        %add3A_368 = arith.addf %add3A_362, %mul3A_367 : vector<16xf32>
        %swap3A_369 = arith.index_cast %scan3A_144 : i32 to index
        %swap3A_370 = arith.constant 144 : index
        %swap3A_371 = tpu.vector_load %arg20[%swap3A_369, %swap3A_370] {strides = array<i32>} : memref<32x256xf32, #tpu.memory_space<vmem>>, vector<1x16xf32>,
        %swap3A_372 = vector.shape_cast %swap3A_371 : vector<1x16xf32> to vector<16xf32>
        %swap3A_373 = vector.shape_cast %add3A_368 : vector<16xf32> to vector<1x16xf32>
        tpu.vector_store %arg20[%swap3A_369, %swap3A_370], %swap3A_373 {strides = array<i32>} : memref<32x256xf32, #tpu.memory_space<vmem>>, vector<1x16xf32>,
        %get3A_374 = arith.index_cast %scan3A_144 : i32 to index
        %get3A_375 = arith.constant 160 : index
        %get3A_376 = tpu.vector_load %arg17[%get3A_374, %get3A_375] {strides = array<i32>} : memref<32x256xf32, #tpu.memory_space<vmem>>, vector<1x16xf32>,
        %get3A_377 = vector.shape_cast %get3A_376 : vector<1x16xf32> to vector<16xf32>
        %mul3A_378 = arith.mulf %broadcast_in_dim3A, %get3A_377 : vector<16xf32>
        %get3A_379 = arith.index_cast %scan3A_144 : i32 to index
        %get3A_380 = arith.constant 160 : index
        %get3A_381 = tpu.vector_load %arg18[%get3A_379, %get3A_380] {strides = array<i32>} : memref<32x256xf32, #tpu.memory_space<vmem>>, vector<1x16xf32>,
        %get3A_382 = vector.shape_cast %get3A_381 : vector<1x16xf32> to vector<16xf32>
        %mul3A_383 = arith.mulf %broadcast_in_dim3A_151, %get3A_382 : vector<16xf32>
        %add3A_384 = arith.addf %mul3A_378, %mul3A_383 : vector<16xf32>
        %get3A_385 = arith.index_cast %scan3A_144 : i32 to index
        %get3A_386 = arith.constant 160 : index
        %get3A_387 = tpu.vector_load %arg19[%get3A_385, %get3A_386] {strides = array<i32>} : memref<32x256xf32, #tpu.memory_space<vmem>>, vector<1x16xf32>,
        %get3A_388 = vector.shape_cast %get3A_387 : vector<1x16xf32> to vector<16xf32>
        %mul3A_389 = arith.mulf %broadcast_in_dim3A_154, %get3A_388 : vector<16xf32>
        %add3A_390 = arith.addf %add3A_384, %mul3A_389 : vector<16xf32>
        %swap3A_391 = arith.index_cast %scan3A_144 : i32 to index
        %swap3A_392 = arith.constant 160 : index
        %swap3A_393 = tpu.vector_load %arg20[%swap3A_391, %swap3A_392] {strides = array<i32>} : memref<32x256xf32, #tpu.memory_space<vmem>>, vector<1x16xf32>,
        %swap3A_394 = vector.shape_cast %swap3A_393 : vector<1x16xf32> to vector<16xf32>
        %swap3A_395 = vector.shape_cast %add3A_390 : vector<16xf32> to vector<1x16xf32>
        tpu.vector_store %arg20[%swap3A_391, %swap3A_392], %swap3A_395 {strides = array<i32>} : memref<32x256xf32, #tpu.memory_space<vmem>>, vector<1x16xf32>,
        %get3A_396 = arith.index_cast %scan3A_144 : i32 to index
        %get3A_397 = arith.constant 176 : index
        %get3A_398 = tpu.vector_load %arg17[%get3A_396, %get3A_397] {strides = array<i32>} : memref<32x256xf32, #tpu.memory_space<vmem>>, vector<1x16xf32>,
        %get3A_399 = vector.shape_cast %get3A_398 : vector<1x16xf32> to vector<16xf32>
        %mul3A_400 = arith.mulf %broadcast_in_dim3A, %get3A_399 : vector<16xf32>
        %get3A_401 = arith.index_cast %scan3A_144 : i32 to index
        %get3A_402 = arith.constant 176 : index
        %get3A_403 = tpu.vector_load %arg18[%get3A_401, %get3A_402] {strides = array<i32>} : memref<32x256xf32, #tpu.memory_space<vmem>>, vector<1x16xf32>,
        %get3A_404 = vector.shape_cast %get3A_403 : vector<1x16xf32> to vector<16xf32>
        %mul3A_405 = arith.mulf %broadcast_in_dim3A_151, %get3A_404 : vector<16xf32>
        %add3A_406 = arith.addf %mul3A_400, %mul3A_405 : vector<16xf32>
        %get3A_407 = arith.index_cast %scan3A_144 : i32 to index
        %get3A_408 = arith.constant 176 : index
        %get3A_409 = tpu.vector_load %arg19[%get3A_407, %get3A_408] {strides = array<i32>} : memref<32x256xf32, #tpu.memory_space<vmem>>, vector<1x16xf32>,
        %get3A_410 = vector.shape_cast %get3A_409 : vector<1x16xf32> to vector<16xf32>
        %mul3A_411 = arith.mulf %broadcast_in_dim3A_154, %get3A_410 : vector<16xf32>
        %add3A_412 = arith.addf %add3A_406, %mul3A_411 : vector<16xf32>
        %swap3A_413 = arith.index_cast %scan3A_144 : i32 to index
        %swap3A_414 = arith.constant 176 : index
        %swap3A_415 = tpu.vector_load %arg20[%swap3A_413, %swap3A_414] {strides = array<i32>} : memref<32x256xf32, #tpu.memory_space<vmem>>, vector<1x16xf32>,
        %swap3A_416 = vector.shape_cast %swap3A_415 : vector<1x16xf32> to vector<16xf32>
        %swap3A_417 = vector.shape_cast %add3A_412 : vector<16xf32> to vector<1x16xf32>
        tpu.vector_store %arg20[%swap3A_413, %swap3A_414], %swap3A_417 {strides = array<i32>} : memref<32x256xf32, #tpu.memory_space<vmem>>, vector<1x16xf32>,
        %get3A_418 = arith.index_cast %scan3A_144 : i32 to index
        %get3A_419 = arith.constant 192 : index
        %get3A_420 = tpu.vector_load %arg17[%get3A_418, %get3A_419] {strides = array<i32>} : memref<32x256xf32, #tpu.memory_space<vmem>>, vector<1x16xf32>,
        %get3A_421 = vector.shape_cast %get3A_420 : vector<1x16xf32> to vector<16xf32>
        %mul3A_422 = arith.mulf %broadcast_in_dim3A, %get3A_421 : vector<16xf32>
        %get3A_423 = arith.index_cast %scan3A_144 : i32 to index
        %get3A_424 = arith.constant 192 : index
        %get3A_425 = tpu.vector_load %arg18[%get3A_423, %get3A_424] {strides = array<i32>} : memref<32x256xf32, #tpu.memory_space<vmem>>, vector<1x16xf32>,
        %get3A_426 = vector.shape_cast %get3A_425 : vector<1x16xf32> to vector<16xf32>
        %mul3A_427 = arith.mulf %broadcast_in_dim3A_151, %get3A_426 : vector<16xf32>
        %add3A_428 = arith.addf %mul3A_422, %mul3A_427 : vector<16xf32>
        %get3A_429 = arith.index_cast %scan3A_144 : i32 to index
        %get3A_430 = arith.constant 192 : index
        %get3A_431 = tpu.vector_load %arg19[%get3A_429, %get3A_430] {strides = array<i32>} : memref<32x256xf32, #tpu.memory_space<vmem>>, vector<1x16xf32>,
        %get3A_432 = vector.shape_cast %get3A_431 : vector<1x16xf32> to vector<16xf32>
        %mul3A_433 = arith.mulf %broadcast_in_dim3A_154, %get3A_432 : vector<16xf32>
        %add3A_434 = arith.addf %add3A_428, %mul3A_433 : vector<16xf32>
        %swap3A_435 = arith.index_cast %scan3A_144 : i32 to index
        %swap3A_436 = arith.constant 192 : index
        %swap3A_437 = tpu.vector_load %arg20[%swap3A_435, %swap3A_436] {strides = array<i32>} : memref<32x256xf32, #tpu.memory_space<vmem>>, vector<1x16xf32>,
        %swap3A_438 = vector.shape_cast %swap3A_437 : vector<1x16xf32> to vector<16xf32>
        %swap3A_439 = vector.shape_cast %add3A_434 : vector<16xf32> to vector<1x16xf32>
        tpu.vector_store %arg20[%swap3A_435, %swap3A_436], %swap3A_439 {strides = array<i32>} : memref<32x256xf32, #tpu.memory_space<vmem>>, vector<1x16xf32>,
        %get3A_440 = arith.index_cast %scan3A_144 : i32 to index
        %get3A_441 = arith.constant 208 : index
        %get3A_442 = tpu.vector_load %arg17[%get3A_440, %get3A_441] {strides = array<i32>} : memref<32x256xf32, #tpu.memory_space<vmem>>, vector<1x16xf32>,
        %get3A_443 = vector.shape_cast %get3A_442 : vector<1x16xf32> to vector<16xf32>
        %mul3A_444 = arith.mulf %broadcast_in_dim3A, %get3A_443 : vector<16xf32>
        %get3A_445 = arith.index_cast %scan3A_144 : i32 to index
        %get3A_446 = arith.constant 208 : index
        %get3A_447 = tpu.vector_load %arg18[%get3A_445, %get3A_446] {strides = array<i32>} : memref<32x256xf32, #tpu.memory_space<vmem>>, vector<1x16xf32>,
        %get3A_448 = vector.shape_cast %get3A_447 : vector<1x16xf32> to vector<16xf32>
        %mul3A_449 = arith.mulf %broadcast_in_dim3A_151, %get3A_448 : vector<16xf32>
        %add3A_450 = arith.addf %mul3A_444, %mul3A_449 : vector<16xf32>
        %get3A_451 = arith.index_cast %scan3A_144 : i32 to index
        %get3A_452 = arith.constant 208 : index
        %get3A_453 = tpu.vector_load %arg19[%get3A_451, %get3A_452] {strides = array<i32>} : memref<32x256xf32, #tpu.memory_space<vmem>>, vector<1x16xf32>,
        %get3A_454 = vector.shape_cast %get3A_453 : vector<1x16xf32> to vector<16xf32>
        %mul3A_455 = arith.mulf %broadcast_in_dim3A_154, %get3A_454 : vector<16xf32>
        %add3A_456 = arith.addf %add3A_450, %mul3A_455 : vector<16xf32>
        %swap3A_457 = arith.index_cast %scan3A_144 : i32 to index
        %swap3A_458 = arith.constant 208 : index
        %swap3A_459 = tpu.vector_load %arg20[%swap3A_457, %swap3A_458] {strides = array<i32>} : memref<32x256xf32, #tpu.memory_space<vmem>>, vector<1x16xf32>,
        %swap3A_460 = vector.shape_cast %swap3A_459 : vector<1x16xf32> to vector<16xf32>
        %swap3A_461 = vector.shape_cast %add3A_456 : vector<16xf32> to vector<1x16xf32>
        tpu.vector_store %arg20[%swap3A_457, %swap3A_458], %swap3A_461 {strides = array<i32>} : memref<32x256xf32, #tpu.memory_space<vmem>>, vector<1x16xf32>,
        %get3A_462 = arith.index_cast %scan3A_144 : i32 to index
        %get3A_463 = arith.constant 224 : index
        %get3A_464 = tpu.vector_load %arg17[%get3A_462, %get3A_463] {strides = array<i32>} : memref<32x256xf32, #tpu.memory_space<vmem>>, vector<1x16xf32>,
        %get3A_465 = vector.shape_cast %get3A_464 : vector<1x16xf32> to vector<16xf32>
        %mul3A_466 = arith.mulf %broadcast_in_dim3A, %get3A_465 : vector<16xf32>
        %get3A_467 = arith.index_cast %scan3A_144 : i32 to index
        %get3A_468 = arith.constant 224 : index
        %get3A_469 = tpu.vector_load %arg18[%get3A_467, %get3A_468] {strides = array<i32>} : memref<32x256xf32, #tpu.memory_space<vmem>>, vector<1x16xf32>,
        %get3A_470 = vector.shape_cast %get3A_469 : vector<1x16xf32> to vector<16xf32>
        %mul3A_471 = arith.mulf %broadcast_in_dim3A_151, %get3A_470 : vector<16xf32>
        %add3A_472 = arith.addf %mul3A_466, %mul3A_471 : vector<16xf32>
        %get3A_473 = arith.index_cast %scan3A_144 : i32 to index
        %get3A_474 = arith.constant 224 : index
        %get3A_475 = tpu.vector_load %arg19[%get3A_473, %get3A_474] {strides = array<i32>} : memref<32x256xf32, #tpu.memory_space<vmem>>, vector<1x16xf32>,
        %get3A_476 = vector.shape_cast %get3A_475 : vector<1x16xf32> to vector<16xf32>
        %mul3A_477 = arith.mulf %broadcast_in_dim3A_154, %get3A_476 : vector<16xf32>
        %add3A_478 = arith.addf %add3A_472, %mul3A_477 : vector<16xf32>
        %swap3A_479 = arith.index_cast %scan3A_144 : i32 to index
        %swap3A_480 = arith.constant 224 : index
        %swap3A_481 = tpu.vector_load %arg20[%swap3A_479, %swap3A_480] {strides = array<i32>} : memref<32x256xf32, #tpu.memory_space<vmem>>, vector<1x16xf32>,
        %swap3A_482 = vector.shape_cast %swap3A_481 : vector<1x16xf32> to vector<16xf32>
        %swap3A_483 = vector.shape_cast %add3A_478 : vector<16xf32> to vector<1x16xf32>
        tpu.vector_store %arg20[%swap3A_479, %swap3A_480], %swap3A_483 {strides = array<i32>} : memref<32x256xf32, #tpu.memory_space<vmem>>, vector<1x16xf32>,
        %get3A_484 = arith.index_cast %scan3A_144 : i32 to index
        %get3A_485 = arith.constant 240 : index
        %get3A_486 = tpu.vector_load %arg17[%get3A_484, %get3A_485] {strides = array<i32>} : memref<32x256xf32, #tpu.memory_space<vmem>>, vector<1x16xf32>,
        %get3A_487 = vector.shape_cast %get3A_486 : vector<1x16xf32> to vector<16xf32>
        %mul3A_488 = arith.mulf %broadcast_in_dim3A, %get3A_487 : vector<16xf32>
        %get3A_489 = arith.index_cast %scan3A_144 : i32 to index
        %get3A_490 = arith.constant 240 : index
        %get3A_491 = tpu.vector_load %arg18[%get3A_489, %get3A_490] {strides = array<i32>} : memref<32x256xf32, #tpu.memory_space<vmem>>, vector<1x16xf32>,
        %get3A_492 = vector.shape_cast %get3A_491 : vector<1x16xf32> to vector<16xf32>
        %mul3A_493 = arith.mulf %broadcast_in_dim3A_151, %get3A_492 : vector<16xf32>
        %add3A_494 = arith.addf %mul3A_488, %mul3A_493 : vector<16xf32>
        %get3A_495 = arith.index_cast %scan3A_144 : i32 to index
        %get3A_496 = arith.constant 240 : index
        %get3A_497 = tpu.vector_load %arg19[%get3A_495, %get3A_496] {strides = array<i32>} : memref<32x256xf32, #tpu.memory_space<vmem>>, vector<1x16xf32>,
        %get3A_498 = vector.shape_cast %get3A_497 : vector<1x16xf32> to vector<16xf32>
        %mul3A_499 = arith.mulf %broadcast_in_dim3A_154, %get3A_498 : vector<16xf32>
        %add3A_500 = arith.addf %add3A_494, %mul3A_499 : vector<16xf32>
        %swap3A_501 = arith.index_cast %scan3A_144 : i32 to index
        %swap3A_502 = arith.constant 240 : index
        %swap3A_503 = tpu.vector_load %arg20[%swap3A_501, %swap3A_502] {strides = array<i32>} : memref<32x256xf32, #tpu.memory_space<vmem>>, vector<1x16xf32>,
        %swap3A_504 = vector.shape_cast %swap3A_503 : vector<1x16xf32> to vector<16xf32>
        %swap3A_505 = vector.shape_cast %add3A_500 : vector<16xf32> to vector<1x16xf32>
        tpu.vector_store %arg20[%swap3A_501, %swap3A_502], %swap3A_505 {strides = array<i32>} : memref<32x256xf32, #tpu.memory_space<vmem>>, vector<1x16xf32>,
        %scan3A_506 = arith.constant 0 : i32
        scf.yield %scan3A_506 : i32
      }
      %scan3A_136 = arith.constant 32 : i32
      %mul3A_137 = arith.constant 4096 : i32
      %mul3A_138 = arith.muli %select_n3A, %mul3A_137 : i32
      %add3A_139 = arith.addi %mul3A_138, %mul3A_32 : i32
      %mul3A_140 = arith.constant 32 : i32
      %mul3A_141 = arith.muli %add3A_120, %mul3A_140 : i32
      %add3A_142 = arith.addi %add3A_139, %mul3A_141 : i32
      "tpu.region"() ({
        %run_scoped3A = tpu.sem_alloc : memref<!tpu.dma_semaphore, #tpu.memory_space<semaphore_mem>>
        %dma_start3A_144 = arith.constant 0 : i32
        %dma_start3A_145 = tpu.memref_slice %arg5[%add3A_142, %dma_start3A_144] : memref<32768x256xf32, #tpu.memory_space<hbm>> -> memref<32x256xf32, #tpu.memory_space<hbm>>
        %dma_start3A_146 = arith.constant 0 : i32
        %dma_start3A_147 = tpu.memref_slice %arg5[%add3A_142, %dma_start3A_146] : memref<32768x256xf32, #tpu.memory_space<hbm>> -> memref<32x256xf32, #tpu.memory_space<hbm>>
        tpu.enqueue_dma source(%arg20 : memref<32x256xf32, #tpu.memory_space<vmem>>) target(%dma_start3A_147 : memref<32x256xf32, #tpu.memory_space<hbm>>) target_semaphore(%run_scoped3A : memref<!tpu.dma_semaphore, #tpu.memory_space<semaphore_mem>>)
        %dma_wait3A_148 = arith.constant 0 : i32
        %dma_wait3A_149 = tpu.memref_slice %arg5[%add3A_142, %dma_wait3A_148] : memref<32768x256xf32, #tpu.memory_space<hbm>> -> memref<32x256xf32, #tpu.memory_space<hbm>>
        %dma_wait3A_150 = arith.constant 0 : i32
        %dma_wait3A_151 = tpu.memref_slice %arg5[%add3A_142, %dma_wait3A_150] : memref<32768x256xf32, #tpu.memory_space<hbm>> -> memref<32x256xf32, #tpu.memory_space<hbm>>
        tpu.wait_dma2 semaphore(%run_scoped3A : memref<!tpu.dma_semaphore, #tpu.memory_space<semaphore_mem>>) src(%arg20 : memref<32x256xf32, #tpu.memory_space<vmem>>) dst(%dma_wait3A_151 : memref<32x256xf32, #tpu.memory_space<hbm>>)
        tpu.yield
      }) : () -> ()
      %scan3A_143 = arith.constant 0 : i32
      scf.yield %scan3A_143 : i32
    }
    %scan3A_38 = arith.constant 16 : i32
    return
  }
}

#map = affine_map<(d0, d1) -> (0, 0)>
module attributes {stable_mosaic.version = 14 : i64} {
  func.func @_sc_interp_body(%arg0: i32, %arg1: i32, %arg2: memref<16384x256xf32, #tpu.memory_space<hbm>>, %arg3: memref<64x4096xi32, #tpu.memory_space<hbm>>, %arg4: memref<32768x16xf32, #tpu.memory_space<hbm>>, %arg5: memref<32768x256xf32, #tpu.memory_space<hbm>>, %arg6: memref<32xi32, #tpu.memory_space<vmem>>, %arg7: memref<32xi32, #tpu.memory_space<vmem>>, %arg8: memref<32xi32, #tpu.memory_space<vmem>>, %arg9: memref<32x16xf32, #tpu.memory_space<vmem>>, %arg10: memref<32x256xf32, #tpu.memory_space<vmem>>, %arg11: memref<32x256xf32, #tpu.memory_space<vmem>>, %arg12: memref<32x256xf32, #tpu.memory_space<vmem>>, %arg13: memref<32xi32, #tpu.memory_space<vmem>>, %arg14: memref<32xi32, #tpu.memory_space<vmem>>, %arg15: memref<32xi32, #tpu.memory_space<vmem>>, %arg16: memref<32x16xf32, #tpu.memory_space<vmem>>, %arg17: memref<32x256xf32, #tpu.memory_space<vmem>>, %arg18: memref<32x256xf32, #tpu.memory_space<vmem>>, %arg19: memref<32x256xf32, #tpu.memory_space<vmem>>, %arg20: memref<32x256xf32, #tpu.memory_space<vmem>>, %arg21: memref<!tpu.dma_semaphore, #tpu.memory_space<semaphore_mem>>, %arg22: memref<!tpu.dma_semaphore, #tpu.memory_space<semaphore_mem>>) attributes {dimension_semantics = [#tpu.dimension_semantics<core_parallel>, #tpu.dimension_semantics<subcore_parallel>], iteration_bounds = array<i64: 2, 16>, scalar_prefetch = 0 : i64, scratch_operands = 17 : i64, tpu.core_type = #tpu.core_type<sc_vector_subcore>, window_params = [{transform_indices = #map}, {transform_indices = #map}, {transform_indices = #map}, {transform_indices = #map}]} {
    %mul3A = arith.constant 2 : i32
    %mul3A_0 = arith.muli %arg1, %mul3A : i32
    %add3A = arith.addi %mul3A_0, %arg0 : i32
    %jit3A = arith.constant 4 : i32
    %div3A = arith.divsi %add3A, %jit3A : i32
    %sign3A = arith.constant 0 : i32
    %sign3A_1 = arith.cmpi sgt, %add3A, %sign3A : i32
    %sign3A_2 = arith.extui %sign3A_1 : i1 to i32
    %sign3A_3 = arith.constant 0 : i32
    %sign3A_4 = arith.cmpi slt, %add3A, %sign3A_3 : i32
    %sign3A_5 = arith.extui %sign3A_4 : i1 to i32
    %sign3A_6 = arith.subi %sign3A_2, %sign3A_5 : i32
    %sign3A_7 = arith.constant 0 : i32
    %sign3A_8 = arith.cmpi sgt, %jit3A, %sign3A_7 : i32
    %sign3A_9 = arith.extui %sign3A_8 : i1 to i32
    %sign3A_10 = arith.constant 0 : i32
    %sign3A_11 = arith.cmpi slt, %jit3A, %sign3A_10 : i32
    %sign3A_12 = arith.extui %sign3A_11 : i1 to i32
    %sign3A_13 = arith.subi %sign3A_9, %sign3A_12 : i32
    %ne3A = arith.cmpi ne, %sign3A_6, %sign3A_13 : i32
    %rem3A = arith.remsi %add3A, %jit3A : i32
    %ne3A_14 = arith.constant 0 : i32
    %ne3A_15 = arith.cmpi ne, %rem3A, %ne3A_14 : i32
    %and3A = arith.andi %ne3A, %ne3A_15 : i1
    %sub3A = arith.constant 1 : i32
    %sub3A_16 = arith.subi %div3A, %sub3A : i32
    %select_n3A = arith.select %and3A, %sub3A_16, %div3A : i32
    %jit3A_17 = arith.constant 4 : i32
    %eq3A = arith.constant 0 : i32
    %eq3A_18 = arith.cmpi eq, %jit3A_17, %eq3A : i32
    %jit3A_19 = arith.constant 1 : i32
    %select_n3A_20 = arith.select %eq3A_18, %jit3A_19, %jit3A_17 : i32
    %rem3A_21 = arith.remsi %add3A, %select_n3A_20 : i32
    %ne3A_22 = arith.constant 0 : i32
    %ne3A_23 = arith.cmpi ne, %rem3A_21, %ne3A_22 : i32
    %lt3A = arith.constant 0 : i32
    %lt3A_24 = arith.cmpi slt, %rem3A_21, %lt3A : i32
    %lt3A_25 = arith.constant 0 : i32
    %lt3A_26 = arith.cmpi slt, %select_n3A_20, %lt3A_25 : i32
    %ne3A_27 = arith.xori %lt3A_24, %lt3A_26 : i1
    %and3A_28 = arith.andi %ne3A_27, %ne3A_23 : i1
    %add3A_29 = arith.addi %rem3A_21, %select_n3A_20 : i32
    %select_n3A_30 = arith.select %and3A_28, %add3A_29, %rem3A_21 : i32
    %mul3A_31 = arith.constant 1024 : i32
    %mul3A_32 = arith.muli %select_n3A_30, %mul3A_31 : i32
    %scan3A = arith.constant 0 : i32
    %scan3A_33 = arith.constant 0 : i32
    %scan3A_34 = arith.constant 16 : i32
    %scan3A_35 = arith.addi %scan3A_33, %scan3A_34 : i32
    %scan3A_36 = arith.constant 1 : i32
    %scan3A_37 = scf.for %scan3A_39 = %scan3A_33 to %scan3A_35 step %scan3A_36 iter_args(%scan3A_40 = %scan3A) -> (i32)  : i32 {
      %mul3A_41 = arith.constant 2 : i32
      %mul3A_42 = arith.muli %mul3A_41, %scan3A_39 : i32
      %mul3A_43 = arith.constant 32 : i32
      %mul3A_44 = arith.muli %mul3A_42, %mul3A_43 : i32
      %add3A_45 = arith.addi %mul3A_32, %mul3A_44 : i32
      %mul3A_46 = arith.constant 8 : i32
      %mul3A_47 = arith.muli %select_n3A, %mul3A_46 : i32
      %add3A_48 = arith.constant 0 : i32
      %add3A_49 = arith.addi %mul3A_47, %add3A_48 : i32
      "tpu.region"() ({
        %run_scoped3A = tpu.sem_alloc : memref<!tpu.dma_semaphore, #tpu.memory_space<semaphore_mem>>
        %dma_start3A_144 = tpu.memref_slice %arg3[%add3A_49, %add3A_45] : memref<64x4096xi32, #tpu.memory_space<hbm>> -> memref<1x32xi32, #tpu.memory_space<hbm>>
        %dma_start3A_145 = tpu.memref_squeeze %dma_start3A_144 : memref<1x32xi32, #tpu.memory_space<hbm>> -> memref<32xi32, #tpu.memory_space<hbm>>
        %dma_start3A_146 = tpu.memref_slice %arg3[%add3A_49, %add3A_45] : memref<64x4096xi32, #tpu.memory_space<hbm>> -> memref<1x32xi32, #tpu.memory_space<hbm>>
        %dma_start3A_147 = tpu.memref_squeeze %dma_start3A_146 : memref<1x32xi32, #tpu.memory_space<hbm>> -> memref<32xi32, #tpu.memory_space<hbm>>
        tpu.enqueue_dma source(%dma_start3A_147 : memref<32xi32, #tpu.memory_space<hbm>>) target(%arg6 : memref<32xi32, #tpu.memory_space<vmem>>) target_semaphore(%run_scoped3A : memref<!tpu.dma_semaphore, #tpu.memory_space<semaphore_mem>>)
        %dma_wait3A_148 = tpu.memref_slice %arg3[%add3A_49, %add3A_45] : memref<64x4096xi32, #tpu.memory_space<hbm>> -> memref<1x32xi32, #tpu.memory_space<hbm>>
        %dma_wait3A_149 = tpu.memref_squeeze %dma_wait3A_148 : memref<1x32xi32, #tpu.memory_space<hbm>> -> memref<32xi32, #tpu.memory_space<hbm>>
        %dma_wait3A_150 = tpu.memref_slice %arg3[%add3A_49, %add3A_45] : memref<64x4096xi32, #tpu.memory_space<hbm>> -> memref<1x32xi32, #tpu.memory_space<hbm>>
        %dma_wait3A_151 = tpu.memref_squeeze %dma_wait3A_150 : memref<1x32xi32, #tpu.memory_space<hbm>> -> memref<32xi32, #tpu.memory_space<hbm>>
        tpu.wait_dma2 semaphore(%run_scoped3A : memref<!tpu.dma_semaphore, #tpu.memory_space<semaphore_mem>>) src(%dma_wait3A_151 : memref<32xi32, #tpu.memory_space<hbm>>) dst(%arg6 : memref<32xi32, #tpu.memory_space<vmem>>)
        tpu.yield
      }) : () -> ()
      %mul3A_50 = arith.constant 8 : i32
      %mul3A_51 = arith.muli %select_n3A, %mul3A_50 : i32
      %add3A_52 = arith.constant 1 : i32
      %add3A_53 = arith.addi %mul3A_51, %add3A_52 : i32
      "tpu.region"() ({
        %run_scoped3A = tpu.sem_alloc : memref<!tpu.dma_semaphore, #tpu.memory_space<semaphore_mem>>
        %dma_start3A_144 = tpu.memref_slice %arg3[%add3A_53, %add3A_45] : memref<64x4096xi32, #tpu.memory_space<hbm>> -> memref<1x32xi32, #tpu.memory_space<hbm>>
        %dma_start3A_145 = tpu.memref_squeeze %dma_start3A_144 : memref<1x32xi32, #tpu.memory_space<hbm>> -> memref<32xi32, #tpu.memory_space<hbm>>
        %dma_start3A_146 = tpu.memref_slice %arg3[%add3A_53, %add3A_45] : memref<64x4096xi32, #tpu.memory_space<hbm>> -> memref<1x32xi32, #tpu.memory_space<hbm>>
        %dma_start3A_147 = tpu.memref_squeeze %dma_start3A_146 : memref<1x32xi32, #tpu.memory_space<hbm>> -> memref<32xi32, #tpu.memory_space<hbm>>
        tpu.enqueue_dma source(%dma_start3A_147 : memref<32xi32, #tpu.memory_space<hbm>>) target(%arg7 : memref<32xi32, #tpu.memory_space<vmem>>) target_semaphore(%run_scoped3A : memref<!tpu.dma_semaphore, #tpu.memory_space<semaphore_mem>>)
        %dma_wait3A_148 = tpu.memref_slice %arg3[%add3A_53, %add3A_45] : memref<64x4096xi32, #tpu.memory_space<hbm>> -> memref<1x32xi32, #tpu.memory_space<hbm>>
        %dma_wait3A_149 = tpu.memref_squeeze %dma_wait3A_148 : memref<1x32xi32, #tpu.memory_space<hbm>> -> memref<32xi32, #tpu.memory_space<hbm>>
        %dma_wait3A_150 = tpu.memref_slice %arg3[%add3A_53, %add3A_45] : memref<64x4096xi32, #tpu.memory_space<hbm>> -> memref<1x32xi32, #tpu.memory_space<hbm>>
        %dma_wait3A_151 = tpu.memref_squeeze %dma_wait3A_150 : memref<1x32xi32, #tpu.memory_space<hbm>> -> memref<32xi32, #tpu.memory_space<hbm>>
        tpu.wait_dma2 semaphore(%run_scoped3A : memref<!tpu.dma_semaphore, #tpu.memory_space<semaphore_mem>>) src(%dma_wait3A_151 : memref<32xi32, #tpu.memory_space<hbm>>) dst(%arg7 : memref<32xi32, #tpu.memory_space<vmem>>)
        tpu.yield
      }) : () -> ()
      %mul3A_54 = arith.constant 8 : i32
      %mul3A_55 = arith.muli %select_n3A, %mul3A_54 : i32
      %add3A_56 = arith.constant 2 : i32
      %add3A_57 = arith.addi %mul3A_55, %add3A_56 : i32
      "tpu.region"() ({
        %run_scoped3A = tpu.sem_alloc : memref<!tpu.dma_semaphore, #tpu.memory_space<semaphore_mem>>
        %dma_start3A_144 = tpu.memref_slice %arg3[%add3A_57, %add3A_45] : memref<64x4096xi32, #tpu.memory_space<hbm>> -> memref<1x32xi32, #tpu.memory_space<hbm>>
        %dma_start3A_145 = tpu.memref_squeeze %dma_start3A_144 : memref<1x32xi32, #tpu.memory_space<hbm>> -> memref<32xi32, #tpu.memory_space<hbm>>
        %dma_start3A_146 = tpu.memref_slice %arg3[%add3A_57, %add3A_45] : memref<64x4096xi32, #tpu.memory_space<hbm>> -> memref<1x32xi32, #tpu.memory_space<hbm>>
        %dma_start3A_147 = tpu.memref_squeeze %dma_start3A_146 : memref<1x32xi32, #tpu.memory_space<hbm>> -> memref<32xi32, #tpu.memory_space<hbm>>
        tpu.enqueue_dma source(%dma_start3A_147 : memref<32xi32, #tpu.memory_space<hbm>>) target(%arg8 : memref<32xi32, #tpu.memory_space<vmem>>) target_semaphore(%run_scoped3A : memref<!tpu.dma_semaphore, #tpu.memory_space<semaphore_mem>>)
        %dma_wait3A_148 = tpu.memref_slice %arg3[%add3A_57, %add3A_45] : memref<64x4096xi32, #tpu.memory_space<hbm>> -> memref<1x32xi32, #tpu.memory_space<hbm>>
        %dma_wait3A_149 = tpu.memref_squeeze %dma_wait3A_148 : memref<1x32xi32, #tpu.memory_space<hbm>> -> memref<32xi32, #tpu.memory_space<hbm>>
        %dma_wait3A_150 = tpu.memref_slice %arg3[%add3A_57, %add3A_45] : memref<64x4096xi32, #tpu.memory_space<hbm>> -> memref<1x32xi32, #tpu.memory_space<hbm>>
        %dma_wait3A_151 = tpu.memref_squeeze %dma_wait3A_150 : memref<1x32xi32, #tpu.memory_space<hbm>> -> memref<32xi32, #tpu.memory_space<hbm>>
        tpu.wait_dma2 semaphore(%run_scoped3A : memref<!tpu.dma_semaphore, #tpu.memory_space<semaphore_mem>>) src(%dma_wait3A_151 : memref<32xi32, #tpu.memory_space<hbm>>) dst(%arg8 : memref<32xi32, #tpu.memory_space<vmem>>)
        tpu.yield
      }) : () -> ()
      %mul3A_58 = arith.constant 4096 : i32
      %mul3A_59 = arith.muli %select_n3A, %mul3A_58 : i32
      %add3A_60 = arith.addi %mul3A_59, %add3A_45 : i32
      "tpu.region"() ({
        %run_scoped3A = tpu.sem_alloc : memref<!tpu.dma_semaphore, #tpu.memory_space<semaphore_mem>>
        %dma_start3A_144 = arith.constant 0 : i32
        %dma_start3A_145 = tpu.memref_slice %arg4[%add3A_60, %dma_start3A_144] : memref<32768x16xf32, #tpu.memory_space<hbm>> -> memref<32x16xf32, #tpu.memory_space<hbm>>
        %dma_start3A_146 = arith.constant 0 : i32
        %dma_start3A_147 = tpu.memref_slice %arg4[%add3A_60, %dma_start3A_146] : memref<32768x16xf32, #tpu.memory_space<hbm>> -> memref<32x16xf32, #tpu.memory_space<hbm>>
        tpu.enqueue_dma source(%dma_start3A_147 : memref<32x16xf32, #tpu.memory_space<hbm>>) target(%arg9 : memref<32x16xf32, #tpu.memory_space<vmem>>) target_semaphore(%run_scoped3A : memref<!tpu.dma_semaphore, #tpu.memory_space<semaphore_mem>>)
        %dma_wait3A_148 = arith.constant 0 : i32
        %dma_wait3A_149 = tpu.memref_slice %arg4[%add3A_60, %dma_wait3A_148] : memref<32768x16xf32, #tpu.memory_space<hbm>> -> memref<32x16xf32, #tpu.memory_space<hbm>>
        %dma_wait3A_150 = arith.constant 0 : i32
        %dma_wait3A_151 = tpu.memref_slice %arg4[%add3A_60, %dma_wait3A_150] : memref<32768x16xf32, #tpu.memory_space<hbm>> -> memref<32x16xf32, #tpu.memory_space<hbm>>
        tpu.wait_dma2 semaphore(%run_scoped3A : memref<!tpu.dma_semaphore, #tpu.memory_space<semaphore_mem>>) src(%dma_wait3A_151 : memref<32x16xf32, #tpu.memory_space<hbm>>) dst(%arg9 : memref<32x16xf32, #tpu.memory_space<vmem>>)
        tpu.yield
      }) : () -> ()
      %dma_start3A = arith.constant 0 : i32
      %dma_start3A_61 = arith.constant 0 : i32
      %dma_start3A_62 = tpu.memref_slice %arg2[%dma_start3A, %dma_start3A_61] : memref<16384x256xf32, #tpu.memory_space<hbm>> -> memref<16384x256xf32, #tpu.memory_space<hbm>>
      tpu.enqueue_indirect_dma source(%dma_start3A_62 : memref<16384x256xf32, #tpu.memory_space<hbm>>) target(%arg10 : memref<32x256xf32, #tpu.memory_space<vmem>>) offsets(%arg6 : memref<32xi32, #tpu.memory_space<vmem>>) semaphore(%arg21 : memref<!tpu.dma_semaphore, #tpu.memory_space<semaphore_mem>>)
      %dma_start3A_63 = arith.constant 0 : i32
      %dma_start3A_64 = arith.constant 0 : i32
      %dma_start3A_65 = tpu.memref_slice %arg2[%dma_start3A_63, %dma_start3A_64] : memref<16384x256xf32, #tpu.memory_space<hbm>> -> memref<16384x256xf32, #tpu.memory_space<hbm>>
      tpu.enqueue_indirect_dma source(%dma_start3A_65 : memref<16384x256xf32, #tpu.memory_space<hbm>>) target(%arg11 : memref<32x256xf32, #tpu.memory_space<vmem>>) offsets(%arg7 : memref<32xi32, #tpu.memory_space<vmem>>) semaphore(%arg21 : memref<!tpu.dma_semaphore, #tpu.memory_space<semaphore_mem>>)
      %dma_start3A_66 = arith.constant 0 : i32
      %dma_start3A_67 = arith.constant 0 : i32
      %dma_start3A_68 = tpu.memref_slice %arg2[%dma_start3A_66, %dma_start3A_67] : memref<16384x256xf32, #tpu.memory_space<hbm>> -> memref<16384x256xf32, #tpu.memory_space<hbm>>
      tpu.enqueue_indirect_dma source(%dma_start3A_68 : memref<16384x256xf32, #tpu.memory_space<hbm>>) target(%arg12 : memref<32x256xf32, #tpu.memory_space<vmem>>) offsets(%arg8 : memref<32xi32, #tpu.memory_space<vmem>>) semaphore(%arg21 : memref<!tpu.dma_semaphore, #tpu.memory_space<semaphore_mem>>)
      %add3A_69 = arith.constant 1 : i32
      %add3A_70 = arith.addi %mul3A_42, %add3A_69 : i32
      %mul3A_71 = arith.constant 32 : i32
      %mul3A_72 = arith.muli %add3A_70, %mul3A_71 : i32
      %add3A_73 = arith.addi %mul3A_32, %mul3A_72 : i32
      %mul3A_74 = arith.constant 8 : i32
      %mul3A_75 = arith.muli %select_n3A, %mul3A_74 : i32
      %add3A_76 = arith.constant 0 : i32
      %add3A_77 = arith.addi %mul3A_75, %add3A_76 : i32
      "tpu.region"() ({
        %run_scoped3A = tpu.sem_alloc : memref<!tpu.dma_semaphore, #tpu.memory_space<semaphore_mem>>
        %dma_start3A_144 = tpu.memref_slice %arg3[%add3A_77, %add3A_73] : memref<64x4096xi32, #tpu.memory_space<hbm>> -> memref<1x32xi32, #tpu.memory_space<hbm>>
        %dma_start3A_145 = tpu.memref_squeeze %dma_start3A_144 : memref<1x32xi32, #tpu.memory_space<hbm>> -> memref<32xi32, #tpu.memory_space<hbm>>
        %dma_start3A_146 = tpu.memref_slice %arg3[%add3A_77, %add3A_73] : memref<64x4096xi32, #tpu.memory_space<hbm>> -> memref<1x32xi32, #tpu.memory_space<hbm>>
        %dma_start3A_147 = tpu.memref_squeeze %dma_start3A_146 : memref<1x32xi32, #tpu.memory_space<hbm>> -> memref<32xi32, #tpu.memory_space<hbm>>
        tpu.enqueue_dma source(%dma_start3A_147 : memref<32xi32, #tpu.memory_space<hbm>>) target(%arg13 : memref<32xi32, #tpu.memory_space<vmem>>) target_semaphore(%run_scoped3A : memref<!tpu.dma_semaphore, #tpu.memory_space<semaphore_mem>>)
        %dma_wait3A_148 = tpu.memref_slice %arg3[%add3A_77, %add3A_73] : memref<64x4096xi32, #tpu.memory_space<hbm>> -> memref<1x32xi32, #tpu.memory_space<hbm>>
        %dma_wait3A_149 = tpu.memref_squeeze %dma_wait3A_148 : memref<1x32xi32, #tpu.memory_space<hbm>> -> memref<32xi32, #tpu.memory_space<hbm>>
        %dma_wait3A_150 = tpu.memref_slice %arg3[%add3A_77, %add3A_73] : memref<64x4096xi32, #tpu.memory_space<hbm>> -> memref<1x32xi32, #tpu.memory_space<hbm>>
        %dma_wait3A_151 = tpu.memref_squeeze %dma_wait3A_150 : memref<1x32xi32, #tpu.memory_space<hbm>> -> memref<32xi32, #tpu.memory_space<hbm>>
        tpu.wait_dma2 semaphore(%run_scoped3A : memref<!tpu.dma_semaphore, #tpu.memory_space<semaphore_mem>>) src(%dma_wait3A_151 : memref<32xi32, #tpu.memory_space<hbm>>) dst(%arg13 : memref<32xi32, #tpu.memory_space<vmem>>)
        tpu.yield
      }) : () -> ()
      %mul3A_78 = arith.constant 8 : i32
      %mul3A_79 = arith.muli %select_n3A, %mul3A_78 : i32
      %add3A_80 = arith.constant 1 : i32
      %add3A_81 = arith.addi %mul3A_79, %add3A_80 : i32
      "tpu.region"() ({
        %run_scoped3A = tpu.sem_alloc : memref<!tpu.dma_semaphore, #tpu.memory_space<semaphore_mem>>
        %dma_start3A_144 = tpu.memref_slice %arg3[%add3A_81, %add3A_73] : memref<64x4096xi32, #tpu.memory_space<hbm>> -> memref<1x32xi32, #tpu.memory_space<hbm>>
        %dma_start3A_145 = tpu.memref_squeeze %dma_start3A_144 : memref<1x32xi32, #tpu.memory_space<hbm>> -> memref<32xi32, #tpu.memory_space<hbm>>
        %dma_start3A_146 = tpu.memref_slice %arg3[%add3A_81, %add3A_73] : memref<64x4096xi32, #tpu.memory_space<hbm>> -> memref<1x32xi32, #tpu.memory_space<hbm>>
        %dma_start3A_147 = tpu.memref_squeeze %dma_start3A_146 : memref<1x32xi32, #tpu.memory_space<hbm>> -> memref<32xi32, #tpu.memory_space<hbm>>
        tpu.enqueue_dma source(%dma_start3A_147 : memref<32xi32, #tpu.memory_space<hbm>>) target(%arg14 : memref<32xi32, #tpu.memory_space<vmem>>) target_semaphore(%run_scoped3A : memref<!tpu.dma_semaphore, #tpu.memory_space<semaphore_mem>>)
        %dma_wait3A_148 = tpu.memref_slice %arg3[%add3A_81, %add3A_73] : memref<64x4096xi32, #tpu.memory_space<hbm>> -> memref<1x32xi32, #tpu.memory_space<hbm>>
        %dma_wait3A_149 = tpu.memref_squeeze %dma_wait3A_148 : memref<1x32xi32, #tpu.memory_space<hbm>> -> memref<32xi32, #tpu.memory_space<hbm>>
        %dma_wait3A_150 = tpu.memref_slice %arg3[%add3A_81, %add3A_73] : memref<64x4096xi32, #tpu.memory_space<hbm>> -> memref<1x32xi32, #tpu.memory_space<hbm>>
        %dma_wait3A_151 = tpu.memref_squeeze %dma_wait3A_150 : memref<1x32xi32, #tpu.memory_space<hbm>> -> memref<32xi32, #tpu.memory_space<hbm>>
        tpu.wait_dma2 semaphore(%run_scoped3A : memref<!tpu.dma_semaphore, #tpu.memory_space<semaphore_mem>>) src(%dma_wait3A_151 : memref<32xi32, #tpu.memory_space<hbm>>) dst(%arg14 : memref<32xi32, #tpu.memory_space<vmem>>)
        tpu.yield
      }) : () -> ()
      %mul3A_82 = arith.constant 8 : i32
      %mul3A_83 = arith.muli %select_n3A, %mul3A_82 : i32
      %add3A_84 = arith.constant 2 : i32
      %add3A_85 = arith.addi %mul3A_83, %add3A_84 : i32
      "tpu.region"() ({
        %run_scoped3A = tpu.sem_alloc : memref<!tpu.dma_semaphore, #tpu.memory_space<semaphore_mem>>
        %dma_start3A_144 = tpu.memref_slice %arg3[%add3A_85, %add3A_73] : memref<64x4096xi32, #tpu.memory_space<hbm>> -> memref<1x32xi32, #tpu.memory_space<hbm>>
        %dma_start3A_145 = tpu.memref_squeeze %dma_start3A_144 : memref<1x32xi32, #tpu.memory_space<hbm>> -> memref<32xi32, #tpu.memory_space<hbm>>
        %dma_start3A_146 = tpu.memref_slice %arg3[%add3A_85, %add3A_73] : memref<64x4096xi32, #tpu.memory_space<hbm>> -> memref<1x32xi32, #tpu.memory_space<hbm>>
        %dma_start3A_147 = tpu.memref_squeeze %dma_start3A_146 : memref<1x32xi32, #tpu.memory_space<hbm>> -> memref<32xi32, #tpu.memory_space<hbm>>
        tpu.enqueue_dma source(%dma_start3A_147 : memref<32xi32, #tpu.memory_space<hbm>>) target(%arg15 : memref<32xi32, #tpu.memory_space<vmem>>) target_semaphore(%run_scoped3A : memref<!tpu.dma_semaphore, #tpu.memory_space<semaphore_mem>>)
        %dma_wait3A_148 = tpu.memref_slice %arg3[%add3A_85, %add3A_73] : memref<64x4096xi32, #tpu.memory_space<hbm>> -> memref<1x32xi32, #tpu.memory_space<hbm>>
        %dma_wait3A_149 = tpu.memref_squeeze %dma_wait3A_148 : memref<1x32xi32, #tpu.memory_space<hbm>> -> memref<32xi32, #tpu.memory_space<hbm>>
        %dma_wait3A_150 = tpu.memref_slice %arg3[%add3A_85, %add3A_73] : memref<64x4096xi32, #tpu.memory_space<hbm>> -> memref<1x32xi32, #tpu.memory_space<hbm>>
        %dma_wait3A_151 = tpu.memref_squeeze %dma_wait3A_150 : memref<1x32xi32, #tpu.memory_space<hbm>> -> memref<32xi32, #tpu.memory_space<hbm>>
        tpu.wait_dma2 semaphore(%run_scoped3A : memref<!tpu.dma_semaphore, #tpu.memory_space<semaphore_mem>>) src(%dma_wait3A_151 : memref<32xi32, #tpu.memory_space<hbm>>) dst(%arg15 : memref<32xi32, #tpu.memory_space<vmem>>)
        tpu.yield
      }) : () -> ()
      %mul3A_86 = arith.constant 4096 : i32
      %mul3A_87 = arith.muli %select_n3A, %mul3A_86 : i32
      %add3A_88 = arith.addi %mul3A_87, %add3A_73 : i32
      "tpu.region"() ({
        %run_scoped3A = tpu.sem_alloc : memref<!tpu.dma_semaphore, #tpu.memory_space<semaphore_mem>>
        %dma_start3A_144 = arith.constant 0 : i32
        %dma_start3A_145 = tpu.memref_slice %arg4[%add3A_88, %dma_start3A_144] : memref<32768x16xf32, #tpu.memory_space<hbm>> -> memref<32x16xf32, #tpu.memory_space<hbm>>
        %dma_start3A_146 = arith.constant 0 : i32
        %dma_start3A_147 = tpu.memref_slice %arg4[%add3A_88, %dma_start3A_146] : memref<32768x16xf32, #tpu.memory_space<hbm>> -> memref<32x16xf32, #tpu.memory_space<hbm>>
        tpu.enqueue_dma source(%dma_start3A_147 : memref<32x16xf32, #tpu.memory_space<hbm>>) target(%arg16 : memref<32x16xf32, #tpu.memory_space<vmem>>) target_semaphore(%run_scoped3A : memref<!tpu.dma_semaphore, #tpu.memory_space<semaphore_mem>>)
        %dma_wait3A_148 = arith.constant 0 : i32
        %dma_wait3A_149 = tpu.memref_slice %arg4[%add3A_88, %dma_wait3A_148] : memref<32768x16xf32, #tpu.memory_space<hbm>> -> memref<32x16xf32, #tpu.memory_space<hbm>>
        %dma_wait3A_150 = arith.constant 0 : i32
        %dma_wait3A_151 = tpu.memref_slice %arg4[%add3A_88, %dma_wait3A_150] : memref<32768x16xf32, #tpu.memory_space<hbm>> -> memref<32x16xf32, #tpu.memory_space<hbm>>
        tpu.wait_dma2 semaphore(%run_scoped3A : memref<!tpu.dma_semaphore, #tpu.memory_space<semaphore_mem>>) src(%dma_wait3A_151 : memref<32x16xf32, #tpu.memory_space<hbm>>) dst(%arg16 : memref<32x16xf32, #tpu.memory_space<vmem>>)
        tpu.yield
      }) : () -> ()
      %dma_start3A_89 = arith.constant 0 : i32
      %dma_start3A_90 = arith.constant 0 : i32
      %dma_start3A_91 = tpu.memref_slice %arg2[%dma_start3A_89, %dma_start3A_90] : memref<16384x256xf32, #tpu.memory_space<hbm>> -> memref<16384x256xf32, #tpu.memory_space<hbm>>
      tpu.enqueue_indirect_dma source(%dma_start3A_91 : memref<16384x256xf32, #tpu.memory_space<hbm>>) target(%arg17 : memref<32x256xf32, #tpu.memory_space<vmem>>) offsets(%arg13 : memref<32xi32, #tpu.memory_space<vmem>>) semaphore(%arg22 : memref<!tpu.dma_semaphore, #tpu.memory_space<semaphore_mem>>)
      %dma_start3A_92 = arith.constant 0 : i32
      %dma_start3A_93 = arith.constant 0 : i32
      %dma_start3A_94 = tpu.memref_slice %arg2[%dma_start3A_92, %dma_start3A_93] : memref<16384x256xf32, #tpu.memory_space<hbm>> -> memref<16384x256xf32, #tpu.memory_space<hbm>>
      tpu.enqueue_indirect_dma source(%dma_start3A_94 : memref<16384x256xf32, #tpu.memory_space<hbm>>) target(%arg18 : memref<32x256xf32, #tpu.memory_space<vmem>>) offsets(%arg14 : memref<32xi32, #tpu.memory_space<vmem>>) semaphore(%arg22 : memref<!tpu.dma_semaphore, #tpu.memory_space<semaphore_mem>>)
      %dma_start3A_95 = arith.constant 0 : i32
      %dma_start3A_96 = arith.constant 0 : i32
      %dma_start3A_97 = tpu.memref_slice %arg2[%dma_start3A_95, %dma_start3A_96] : memref<16384x256xf32, #tpu.memory_space<hbm>> -> memref<16384x256xf32, #tpu.memory_space<hbm>>
      tpu.enqueue_indirect_dma source(%dma_start3A_97 : memref<16384x256xf32, #tpu.memory_space<hbm>>) target(%arg19 : memref<32x256xf32, #tpu.memory_space<vmem>>) offsets(%arg15 : memref<32xi32, #tpu.memory_space<vmem>>) semaphore(%arg22 : memref<!tpu.dma_semaphore, #tpu.memory_space<semaphore_mem>>)
      %dma_wait3A = arith.constant 0 : i32
      %dma_wait3A_98 = arith.constant 0 : i32
      %dma_wait3A_99 = tpu.memref_slice %arg2[%dma_wait3A, %dma_wait3A_98] : memref<16384x256xf32, #tpu.memory_space<hbm>> -> memref<16384x256xf32, #tpu.memory_space<hbm>>
      tpu.wait_indirect_dma semaphore(%arg21 : memref<!tpu.dma_semaphore, #tpu.memory_space<semaphore_mem>>) src(%dma_wait3A_99 : memref<16384x256xf32, #tpu.memory_space<hbm>>) dst(%arg10 : memref<32x256xf32, #tpu.memory_space<vmem>>)
      %dma_wait3A_100 = arith.constant 0 : i32
      %dma_wait3A_101 = arith.constant 0 : i32
      %dma_wait3A_102 = tpu.memref_slice %arg2[%dma_wait3A_100, %dma_wait3A_101] : memref<16384x256xf32, #tpu.memory_space<hbm>> -> memref<16384x256xf32, #tpu.memory_space<hbm>>
      tpu.wait_indirect_dma semaphore(%arg21 : memref<!tpu.dma_semaphore, #tpu.memory_space<semaphore_mem>>) src(%dma_wait3A_102 : memref<16384x256xf32, #tpu.memory_space<hbm>>) dst(%arg11 : memref<32x256xf32, #tpu.memory_space<vmem>>)
      %dma_wait3A_103 = arith.constant 0 : i32
      %dma_wait3A_104 = arith.constant 0 : i32
      %dma_wait3A_105 = tpu.memref_slice %arg2[%dma_wait3A_103, %dma_wait3A_104] : memref<16384x256xf32, #tpu.memory_space<hbm>> -> memref<16384x256xf32, #tpu.memory_space<hbm>>
      tpu.wait_indirect_dma semaphore(%arg21 : memref<!tpu.dma_semaphore, #tpu.memory_space<semaphore_mem>>) src(%dma_wait3A_105 : memref<16384x256xf32, #tpu.memory_space<hbm>>) dst(%arg12 : memref<32x256xf32, #tpu.memory_space<vmem>>)
      %scan3A_106 = arith.constant 0 : i32
      %scan3A_107 = arith.constant 0 : i32
      %scan3A_108 = arith.constant 32 : i32
      %scan3A_109 = arith.addi %scan3A_107, %scan3A_108 : i32
      %scan3A_110 = arith.constant 1 : i32
      %scan3A_111 = scf.for %scan3A_144 = %scan3A_107 to %scan3A_109 step %scan3A_110 iter_args(%scan3A_145 = %scan3A_106) -> (i32)  : i32 {
        %get3A = arith.index_cast %scan3A_144 : i32 to index
        %get3A_146 = arith.constant 0 : index
        %get3A_147 = tpu.vector_load %arg9[%get3A, %get3A_146] {strides = array<i32>} : memref<32x16xf32, #tpu.memory_space<vmem>>, vector<1x16xf32>,
        %get3A_148 = vector.shape_cast %get3A_147 : vector<1x16xf32> to vector<16xf32>
        %slice3A = vector.extract_strided_slice %get3A_148 {offsets = [0], sizes = [1], strides = [1]} : vector<16xf32> to vector<1xf32>
        %squeeze3A = vector.extract %slice3A[0] : f32 from vector<1xf32>
        %broadcast_in_dim3A = vector.broadcast %squeeze3A : f32 to vector<16xf32>
        %slice3A_149 = vector.extract_strided_slice %get3A_148 {offsets = [1], sizes = [1], strides = [1]} : vector<16xf32> to vector<1xf32>
        %squeeze3A_150 = vector.extract %slice3A_149[0] : f32 from vector<1xf32>
        %broadcast_in_dim3A_151 = vector.broadcast %squeeze3A_150 : f32 to vector<16xf32>
        %slice3A_152 = vector.extract_strided_slice %get3A_148 {offsets = [2], sizes = [1], strides = [1]} : vector<16xf32> to vector<1xf32>
        %squeeze3A_153 = vector.extract %slice3A_152[0] : f32 from vector<1xf32>
        %broadcast_in_dim3A_154 = vector.broadcast %squeeze3A_153 : f32 to vector<16xf32>
        %get3A_155 = arith.index_cast %scan3A_144 : i32 to index
        %get3A_156 = arith.constant 0 : index
        %get3A_157 = tpu.vector_load %arg10[%get3A_155, %get3A_156] {strides = array<i32>} : memref<32x256xf32, #tpu.memory_space<vmem>>, vector<1x16xf32>,
        %get3A_158 = vector.shape_cast %get3A_157 : vector<1x16xf32> to vector<16xf32>
        %mul3A_159 = arith.mulf %broadcast_in_dim3A, %get3A_158 : vector<16xf32>
        %get3A_160 = arith.index_cast %scan3A_144 : i32 to index
        %get3A_161 = arith.constant 0 : index
        %get3A_162 = tpu.vector_load %arg11[%get3A_160, %get3A_161] {strides = array<i32>} : memref<32x256xf32, #tpu.memory_space<vmem>>, vector<1x16xf32>,
        %get3A_163 = vector.shape_cast %get3A_162 : vector<1x16xf32> to vector<16xf32>
        %mul3A_164 = arith.mulf %broadcast_in_dim3A_151, %get3A_163 : vector<16xf32>
        %add3A_165 = arith.addf %mul3A_159, %mul3A_164 : vector<16xf32>
        %get3A_166 = arith.index_cast %scan3A_144 : i32 to index
        %get3A_167 = arith.constant 0 : index
        %get3A_168 = tpu.vector_load %arg12[%get3A_166, %get3A_167] {strides = array<i32>} : memref<32x256xf32, #tpu.memory_space<vmem>>, vector<1x16xf32>,
        %get3A_169 = vector.shape_cast %get3A_168 : vector<1x16xf32> to vector<16xf32>
        %mul3A_170 = arith.mulf %broadcast_in_dim3A_154, %get3A_169 : vector<16xf32>
        %add3A_171 = arith.addf %add3A_165, %mul3A_170 : vector<16xf32>
        %swap3A = arith.index_cast %scan3A_144 : i32 to index
        %swap3A_172 = arith.constant 0 : index
        %swap3A_173 = tpu.vector_load %arg20[%swap3A, %swap3A_172] {strides = array<i32>} : memref<32x256xf32, #tpu.memory_space<vmem>>, vector<1x16xf32>,
        %swap3A_174 = vector.shape_cast %swap3A_173 : vector<1x16xf32> to vector<16xf32>
        %swap3A_175 = vector.shape_cast %add3A_171 : vector<16xf32> to vector<1x16xf32>
        tpu.vector_store %arg20[%swap3A, %swap3A_172], %swap3A_175 {strides = array<i32>} : memref<32x256xf32, #tpu.memory_space<vmem>>, vector<1x16xf32>,
        %get3A_176 = arith.index_cast %scan3A_144 : i32 to index
        %get3A_177 = arith.constant 16 : index
        %get3A_178 = tpu.vector_load %arg10[%get3A_176, %get3A_177] {strides = array<i32>} : memref<32x256xf32, #tpu.memory_space<vmem>>, vector<1x16xf32>,
        %get3A_179 = vector.shape_cast %get3A_178 : vector<1x16xf32> to vector<16xf32>
        %mul3A_180 = arith.mulf %broadcast_in_dim3A, %get3A_179 : vector<16xf32>
        %get3A_181 = arith.index_cast %scan3A_144 : i32 to index
        %get3A_182 = arith.constant 16 : index
        %get3A_183 = tpu.vector_load %arg11[%get3A_181, %get3A_182] {strides = array<i32>} : memref<32x256xf32, #tpu.memory_space<vmem>>, vector<1x16xf32>,
        %get3A_184 = vector.shape_cast %get3A_183 : vector<1x16xf32> to vector<16xf32>
        %mul3A_185 = arith.mulf %broadcast_in_dim3A_151, %get3A_184 : vector<16xf32>
        %add3A_186 = arith.addf %mul3A_180, %mul3A_185 : vector<16xf32>
        %get3A_187 = arith.index_cast %scan3A_144 : i32 to index
        %get3A_188 = arith.constant 16 : index
        %get3A_189 = tpu.vector_load %arg12[%get3A_187, %get3A_188] {strides = array<i32>} : memref<32x256xf32, #tpu.memory_space<vmem>>, vector<1x16xf32>,
        %get3A_190 = vector.shape_cast %get3A_189 : vector<1x16xf32> to vector<16xf32>
        %mul3A_191 = arith.mulf %broadcast_in_dim3A_154, %get3A_190 : vector<16xf32>
        %add3A_192 = arith.addf %add3A_186, %mul3A_191 : vector<16xf32>
        %swap3A_193 = arith.index_cast %scan3A_144 : i32 to index
        %swap3A_194 = arith.constant 16 : index
        %swap3A_195 = tpu.vector_load %arg20[%swap3A_193, %swap3A_194] {strides = array<i32>} : memref<32x256xf32, #tpu.memory_space<vmem>>, vector<1x16xf32>,
        %swap3A_196 = vector.shape_cast %swap3A_195 : vector<1x16xf32> to vector<16xf32>
        %swap3A_197 = vector.shape_cast %add3A_192 : vector<16xf32> to vector<1x16xf32>
        tpu.vector_store %arg20[%swap3A_193, %swap3A_194], %swap3A_197 {strides = array<i32>} : memref<32x256xf32, #tpu.memory_space<vmem>>, vector<1x16xf32>,
        %get3A_198 = arith.index_cast %scan3A_144 : i32 to index
        %get3A_199 = arith.constant 32 : index
        %get3A_200 = tpu.vector_load %arg10[%get3A_198, %get3A_199] {strides = array<i32>} : memref<32x256xf32, #tpu.memory_space<vmem>>, vector<1x16xf32>,
        %get3A_201 = vector.shape_cast %get3A_200 : vector<1x16xf32> to vector<16xf32>
        %mul3A_202 = arith.mulf %broadcast_in_dim3A, %get3A_201 : vector<16xf32>
        %get3A_203 = arith.index_cast %scan3A_144 : i32 to index
        %get3A_204 = arith.constant 32 : index
        %get3A_205 = tpu.vector_load %arg11[%get3A_203, %get3A_204] {strides = array<i32>} : memref<32x256xf32, #tpu.memory_space<vmem>>, vector<1x16xf32>,
        %get3A_206 = vector.shape_cast %get3A_205 : vector<1x16xf32> to vector<16xf32>
        %mul3A_207 = arith.mulf %broadcast_in_dim3A_151, %get3A_206 : vector<16xf32>
        %add3A_208 = arith.addf %mul3A_202, %mul3A_207 : vector<16xf32>
        %get3A_209 = arith.index_cast %scan3A_144 : i32 to index
        %get3A_210 = arith.constant 32 : index
        %get3A_211 = tpu.vector_load %arg12[%get3A_209, %get3A_210] {strides = array<i32>} : memref<32x256xf32, #tpu.memory_space<vmem>>, vector<1x16xf32>,
        %get3A_212 = vector.shape_cast %get3A_211 : vector<1x16xf32> to vector<16xf32>
        %mul3A_213 = arith.mulf %broadcast_in_dim3A_154, %get3A_212 : vector<16xf32>
        %add3A_214 = arith.addf %add3A_208, %mul3A_213 : vector<16xf32>
        %swap3A_215 = arith.index_cast %scan3A_144 : i32 to index
        %swap3A_216 = arith.constant 32 : index
        %swap3A_217 = tpu.vector_load %arg20[%swap3A_215, %swap3A_216] {strides = array<i32>} : memref<32x256xf32, #tpu.memory_space<vmem>>, vector<1x16xf32>,
        %swap3A_218 = vector.shape_cast %swap3A_217 : vector<1x16xf32> to vector<16xf32>
        %swap3A_219 = vector.shape_cast %add3A_214 : vector<16xf32> to vector<1x16xf32>
        tpu.vector_store %arg20[%swap3A_215, %swap3A_216], %swap3A_219 {strides = array<i32>} : memref<32x256xf32, #tpu.memory_space<vmem>>, vector<1x16xf32>,
        %get3A_220 = arith.index_cast %scan3A_144 : i32 to index
        %get3A_221 = arith.constant 48 : index
        %get3A_222 = tpu.vector_load %arg10[%get3A_220, %get3A_221] {strides = array<i32>} : memref<32x256xf32, #tpu.memory_space<vmem>>, vector<1x16xf32>,
        %get3A_223 = vector.shape_cast %get3A_222 : vector<1x16xf32> to vector<16xf32>
        %mul3A_224 = arith.mulf %broadcast_in_dim3A, %get3A_223 : vector<16xf32>
        %get3A_225 = arith.index_cast %scan3A_144 : i32 to index
        %get3A_226 = arith.constant 48 : index
        %get3A_227 = tpu.vector_load %arg11[%get3A_225, %get3A_226] {strides = array<i32>} : memref<32x256xf32, #tpu.memory_space<vmem>>, vector<1x16xf32>,
        %get3A_228 = vector.shape_cast %get3A_227 : vector<1x16xf32> to vector<16xf32>
        %mul3A_229 = arith.mulf %broadcast_in_dim3A_151, %get3A_228 : vector<16xf32>
        %add3A_230 = arith.addf %mul3A_224, %mul3A_229 : vector<16xf32>
        %get3A_231 = arith.index_cast %scan3A_144 : i32 to index
        %get3A_232 = arith.constant 48 : index
        %get3A_233 = tpu.vector_load %arg12[%get3A_231, %get3A_232] {strides = array<i32>} : memref<32x256xf32, #tpu.memory_space<vmem>>, vector<1x16xf32>,
        %get3A_234 = vector.shape_cast %get3A_233 : vector<1x16xf32> to vector<16xf32>
        %mul3A_235 = arith.mulf %broadcast_in_dim3A_154, %get3A_234 : vector<16xf32>
        %add3A_236 = arith.addf %add3A_230, %mul3A_235 : vector<16xf32>
        %swap3A_237 = arith.index_cast %scan3A_144 : i32 to index
        %swap3A_238 = arith.constant 48 : index
        %swap3A_239 = tpu.vector_load %arg20[%swap3A_237, %swap3A_238] {strides = array<i32>} : memref<32x256xf32, #tpu.memory_space<vmem>>, vector<1x16xf32>,
        %swap3A_240 = vector.shape_cast %swap3A_239 : vector<1x16xf32> to vector<16xf32>
        %swap3A_241 = vector.shape_cast %add3A_236 : vector<16xf32> to vector<1x16xf32>
        tpu.vector_store %arg20[%swap3A_237, %swap3A_238], %swap3A_241 {strides = array<i32>} : memref<32x256xf32, #tpu.memory_space<vmem>>, vector<1x16xf32>,
        %get3A_242 = arith.index_cast %scan3A_144 : i32 to index
        %get3A_243 = arith.constant 64 : index
        %get3A_244 = tpu.vector_load %arg10[%get3A_242, %get3A_243] {strides = array<i32>} : memref<32x256xf32, #tpu.memory_space<vmem>>, vector<1x16xf32>,
        %get3A_245 = vector.shape_cast %get3A_244 : vector<1x16xf32> to vector<16xf32>
        %mul3A_246 = arith.mulf %broadcast_in_dim3A, %get3A_245 : vector<16xf32>
        %get3A_247 = arith.index_cast %scan3A_144 : i32 to index
        %get3A_248 = arith.constant 64 : index
        %get3A_249 = tpu.vector_load %arg11[%get3A_247, %get3A_248] {strides = array<i32>} : memref<32x256xf32, #tpu.memory_space<vmem>>, vector<1x16xf32>,
        %get3A_250 = vector.shape_cast %get3A_249 : vector<1x16xf32> to vector<16xf32>
        %mul3A_251 = arith.mulf %broadcast_in_dim3A_151, %get3A_250 : vector<16xf32>
        %add3A_252 = arith.addf %mul3A_246, %mul3A_251 : vector<16xf32>
        %get3A_253 = arith.index_cast %scan3A_144 : i32 to index
        %get3A_254 = arith.constant 64 : index
        %get3A_255 = tpu.vector_load %arg12[%get3A_253, %get3A_254] {strides = array<i32>} : memref<32x256xf32, #tpu.memory_space<vmem>>, vector<1x16xf32>,
        %get3A_256 = vector.shape_cast %get3A_255 : vector<1x16xf32> to vector<16xf32>
        %mul3A_257 = arith.mulf %broadcast_in_dim3A_154, %get3A_256 : vector<16xf32>
        %add3A_258 = arith.addf %add3A_252, %mul3A_257 : vector<16xf32>
        %swap3A_259 = arith.index_cast %scan3A_144 : i32 to index
        %swap3A_260 = arith.constant 64 : index
        %swap3A_261 = tpu.vector_load %arg20[%swap3A_259, %swap3A_260] {strides = array<i32>} : memref<32x256xf32, #tpu.memory_space<vmem>>, vector<1x16xf32>,
        %swap3A_262 = vector.shape_cast %swap3A_261 : vector<1x16xf32> to vector<16xf32>
        %swap3A_263 = vector.shape_cast %add3A_258 : vector<16xf32> to vector<1x16xf32>
        tpu.vector_store %arg20[%swap3A_259, %swap3A_260], %swap3A_263 {strides = array<i32>} : memref<32x256xf32, #tpu.memory_space<vmem>>, vector<1x16xf32>,
        %get3A_264 = arith.index_cast %scan3A_144 : i32 to index
        %get3A_265 = arith.constant 80 : index
        %get3A_266 = tpu.vector_load %arg10[%get3A_264, %get3A_265] {strides = array<i32>} : memref<32x256xf32, #tpu.memory_space<vmem>>, vector<1x16xf32>,
        %get3A_267 = vector.shape_cast %get3A_266 : vector<1x16xf32> to vector<16xf32>
        %mul3A_268 = arith.mulf %broadcast_in_dim3A, %get3A_267 : vector<16xf32>
        %get3A_269 = arith.index_cast %scan3A_144 : i32 to index
        %get3A_270 = arith.constant 80 : index
        %get3A_271 = tpu.vector_load %arg11[%get3A_269, %get3A_270] {strides = array<i32>} : memref<32x256xf32, #tpu.memory_space<vmem>>, vector<1x16xf32>,
        %get3A_272 = vector.shape_cast %get3A_271 : vector<1x16xf32> to vector<16xf32>
        %mul3A_273 = arith.mulf %broadcast_in_dim3A_151, %get3A_272 : vector<16xf32>
        %add3A_274 = arith.addf %mul3A_268, %mul3A_273 : vector<16xf32>
        %get3A_275 = arith.index_cast %scan3A_144 : i32 to index
        %get3A_276 = arith.constant 80 : index
        %get3A_277 = tpu.vector_load %arg12[%get3A_275, %get3A_276] {strides = array<i32>} : memref<32x256xf32, #tpu.memory_space<vmem>>, vector<1x16xf32>,
        %get3A_278 = vector.shape_cast %get3A_277 : vector<1x16xf32> to vector<16xf32>
        %mul3A_279 = arith.mulf %broadcast_in_dim3A_154, %get3A_278 : vector<16xf32>
        %add3A_280 = arith.addf %add3A_274, %mul3A_279 : vector<16xf32>
        %swap3A_281 = arith.index_cast %scan3A_144 : i32 to index
        %swap3A_282 = arith.constant 80 : index
        %swap3A_283 = tpu.vector_load %arg20[%swap3A_281, %swap3A_282] {strides = array<i32>} : memref<32x256xf32, #tpu.memory_space<vmem>>, vector<1x16xf32>,
        %swap3A_284 = vector.shape_cast %swap3A_283 : vector<1x16xf32> to vector<16xf32>
        %swap3A_285 = vector.shape_cast %add3A_280 : vector<16xf32> to vector<1x16xf32>
        tpu.vector_store %arg20[%swap3A_281, %swap3A_282], %swap3A_285 {strides = array<i32>} : memref<32x256xf32, #tpu.memory_space<vmem>>, vector<1x16xf32>,
        %get3A_286 = arith.index_cast %scan3A_144 : i32 to index
        %get3A_287 = arith.constant 96 : index
        %get3A_288 = tpu.vector_load %arg10[%get3A_286, %get3A_287] {strides = array<i32>} : memref<32x256xf32, #tpu.memory_space<vmem>>, vector<1x16xf32>,
        %get3A_289 = vector.shape_cast %get3A_288 : vector<1x16xf32> to vector<16xf32>
        %mul3A_290 = arith.mulf %broadcast_in_dim3A, %get3A_289 : vector<16xf32>
        %get3A_291 = arith.index_cast %scan3A_144 : i32 to index
        %get3A_292 = arith.constant 96 : index
        %get3A_293 = tpu.vector_load %arg11[%get3A_291, %get3A_292] {strides = array<i32>} : memref<32x256xf32, #tpu.memory_space<vmem>>, vector<1x16xf32>,
        %get3A_294 = vector.shape_cast %get3A_293 : vector<1x16xf32> to vector<16xf32>
        %mul3A_295 = arith.mulf %broadcast_in_dim3A_151, %get3A_294 : vector<16xf32>
        %add3A_296 = arith.addf %mul3A_290, %mul3A_295 : vector<16xf32>
        %get3A_297 = arith.index_cast %scan3A_144 : i32 to index
        %get3A_298 = arith.constant 96 : index
        %get3A_299 = tpu.vector_load %arg12[%get3A_297, %get3A_298] {strides = array<i32>} : memref<32x256xf32, #tpu.memory_space<vmem>>, vector<1x16xf32>,
        %get3A_300 = vector.shape_cast %get3A_299 : vector<1x16xf32> to vector<16xf32>
        %mul3A_301 = arith.mulf %broadcast_in_dim3A_154, %get3A_300 : vector<16xf32>
        %add3A_302 = arith.addf %add3A_296, %mul3A_301 : vector<16xf32>
        %swap3A_303 = arith.index_cast %scan3A_144 : i32 to index
        %swap3A_304 = arith.constant 96 : index
        %swap3A_305 = tpu.vector_load %arg20[%swap3A_303, %swap3A_304] {strides = array<i32>} : memref<32x256xf32, #tpu.memory_space<vmem>>, vector<1x16xf32>,
        %swap3A_306 = vector.shape_cast %swap3A_305 : vector<1x16xf32> to vector<16xf32>
        %swap3A_307 = vector.shape_cast %add3A_302 : vector<16xf32> to vector<1x16xf32>
        tpu.vector_store %arg20[%swap3A_303, %swap3A_304], %swap3A_307 {strides = array<i32>} : memref<32x256xf32, #tpu.memory_space<vmem>>, vector<1x16xf32>,
        %get3A_308 = arith.index_cast %scan3A_144 : i32 to index
        %get3A_309 = arith.constant 112 : index
        %get3A_310 = tpu.vector_load %arg10[%get3A_308, %get3A_309] {strides = array<i32>} : memref<32x256xf32, #tpu.memory_space<vmem>>, vector<1x16xf32>,
        %get3A_311 = vector.shape_cast %get3A_310 : vector<1x16xf32> to vector<16xf32>
        %mul3A_312 = arith.mulf %broadcast_in_dim3A, %get3A_311 : vector<16xf32>
        %get3A_313 = arith.index_cast %scan3A_144 : i32 to index
        %get3A_314 = arith.constant 112 : index
        %get3A_315 = tpu.vector_load %arg11[%get3A_313, %get3A_314] {strides = array<i32>} : memref<32x256xf32, #tpu.memory_space<vmem>>, vector<1x16xf32>,
        %get3A_316 = vector.shape_cast %get3A_315 : vector<1x16xf32> to vector<16xf32>
        %mul3A_317 = arith.mulf %broadcast_in_dim3A_151, %get3A_316 : vector<16xf32>
        %add3A_318 = arith.addf %mul3A_312, %mul3A_317 : vector<16xf32>
        %get3A_319 = arith.index_cast %scan3A_144 : i32 to index
        %get3A_320 = arith.constant 112 : index
        %get3A_321 = tpu.vector_load %arg12[%get3A_319, %get3A_320] {strides = array<i32>} : memref<32x256xf32, #tpu.memory_space<vmem>>, vector<1x16xf32>,
        %get3A_322 = vector.shape_cast %get3A_321 : vector<1x16xf32> to vector<16xf32>
        %mul3A_323 = arith.mulf %broadcast_in_dim3A_154, %get3A_322 : vector<16xf32>
        %add3A_324 = arith.addf %add3A_318, %mul3A_323 : vector<16xf32>
        %swap3A_325 = arith.index_cast %scan3A_144 : i32 to index
        %swap3A_326 = arith.constant 112 : index
        %swap3A_327 = tpu.vector_load %arg20[%swap3A_325, %swap3A_326] {strides = array<i32>} : memref<32x256xf32, #tpu.memory_space<vmem>>, vector<1x16xf32>,
        %swap3A_328 = vector.shape_cast %swap3A_327 : vector<1x16xf32> to vector<16xf32>
        %swap3A_329 = vector.shape_cast %add3A_324 : vector<16xf32> to vector<1x16xf32>
        tpu.vector_store %arg20[%swap3A_325, %swap3A_326], %swap3A_329 {strides = array<i32>} : memref<32x256xf32, #tpu.memory_space<vmem>>, vector<1x16xf32>,
        %get3A_330 = arith.index_cast %scan3A_144 : i32 to index
        %get3A_331 = arith.constant 128 : index
        %get3A_332 = tpu.vector_load %arg10[%get3A_330, %get3A_331] {strides = array<i32>} : memref<32x256xf32, #tpu.memory_space<vmem>>, vector<1x16xf32>,
        %get3A_333 = vector.shape_cast %get3A_332 : vector<1x16xf32> to vector<16xf32>
        %mul3A_334 = arith.mulf %broadcast_in_dim3A, %get3A_333 : vector<16xf32>
        %get3A_335 = arith.index_cast %scan3A_144 : i32 to index
        %get3A_336 = arith.constant 128 : index
        %get3A_337 = tpu.vector_load %arg11[%get3A_335, %get3A_336] {strides = array<i32>} : memref<32x256xf32, #tpu.memory_space<vmem>>, vector<1x16xf32>,
        %get3A_338 = vector.shape_cast %get3A_337 : vector<1x16xf32> to vector<16xf32>
        %mul3A_339 = arith.mulf %broadcast_in_dim3A_151, %get3A_338 : vector<16xf32>
        %add3A_340 = arith.addf %mul3A_334, %mul3A_339 : vector<16xf32>
        %get3A_341 = arith.index_cast %scan3A_144 : i32 to index
        %get3A_342 = arith.constant 128 : index
        %get3A_343 = tpu.vector_load %arg12[%get3A_341, %get3A_342] {strides = array<i32>} : memref<32x256xf32, #tpu.memory_space<vmem>>, vector<1x16xf32>,
        %get3A_344 = vector.shape_cast %get3A_343 : vector<1x16xf32> to vector<16xf32>
        %mul3A_345 = arith.mulf %broadcast_in_dim3A_154, %get3A_344 : vector<16xf32>
        %add3A_346 = arith.addf %add3A_340, %mul3A_345 : vector<16xf32>
        %swap3A_347 = arith.index_cast %scan3A_144 : i32 to index
        %swap3A_348 = arith.constant 128 : index
        %swap3A_349 = tpu.vector_load %arg20[%swap3A_347, %swap3A_348] {strides = array<i32>} : memref<32x256xf32, #tpu.memory_space<vmem>>, vector<1x16xf32>,
        %swap3A_350 = vector.shape_cast %swap3A_349 : vector<1x16xf32> to vector<16xf32>
        %swap3A_351 = vector.shape_cast %add3A_346 : vector<16xf32> to vector<1x16xf32>
        tpu.vector_store %arg20[%swap3A_347, %swap3A_348], %swap3A_351 {strides = array<i32>} : memref<32x256xf32, #tpu.memory_space<vmem>>, vector<1x16xf32>,
        %get3A_352 = arith.index_cast %scan3A_144 : i32 to index
        %get3A_353 = arith.constant 144 : index
        %get3A_354 = tpu.vector_load %arg10[%get3A_352, %get3A_353] {strides = array<i32>} : memref<32x256xf32, #tpu.memory_space<vmem>>, vector<1x16xf32>,
        %get3A_355 = vector.shape_cast %get3A_354 : vector<1x16xf32> to vector<16xf32>
        %mul3A_356 = arith.mulf %broadcast_in_dim3A, %get3A_355 : vector<16xf32>
        %get3A_357 = arith.index_cast %scan3A_144 : i32 to index
        %get3A_358 = arith.constant 144 : index
        %get3A_359 = tpu.vector_load %arg11[%get3A_357, %get3A_358] {strides = array<i32>} : memref<32x256xf32, #tpu.memory_space<vmem>>, vector<1x16xf32>,
        %get3A_360 = vector.shape_cast %get3A_359 : vector<1x16xf32> to vector<16xf32>
        %mul3A_361 = arith.mulf %broadcast_in_dim3A_151, %get3A_360 : vector<16xf32>
        %add3A_362 = arith.addf %mul3A_356, %mul3A_361 : vector<16xf32>
        %get3A_363 = arith.index_cast %scan3A_144 : i32 to index
        %get3A_364 = arith.constant 144 : index
        %get3A_365 = tpu.vector_load %arg12[%get3A_363, %get3A_364] {strides = array<i32>} : memref<32x256xf32, #tpu.memory_space<vmem>>, vector<1x16xf32>,
        %get3A_366 = vector.shape_cast %get3A_365 : vector<1x16xf32> to vector<16xf32>
        %mul3A_367 = arith.mulf %broadcast_in_dim3A_154, %get3A_366 : vector<16xf32>
        %add3A_368 = arith.addf %add3A_362, %mul3A_367 : vector<16xf32>
        %swap3A_369 = arith.index_cast %scan3A_144 : i32 to index
        %swap3A_370 = arith.constant 144 : index
        %swap3A_371 = tpu.vector_load %arg20[%swap3A_369, %swap3A_370] {strides = array<i32>} : memref<32x256xf32, #tpu.memory_space<vmem>>, vector<1x16xf32>,
        %swap3A_372 = vector.shape_cast %swap3A_371 : vector<1x16xf32> to vector<16xf32>
        %swap3A_373 = vector.shape_cast %add3A_368 : vector<16xf32> to vector<1x16xf32>
        tpu.vector_store %arg20[%swap3A_369, %swap3A_370], %swap3A_373 {strides = array<i32>} : memref<32x256xf32, #tpu.memory_space<vmem>>, vector<1x16xf32>,
        %get3A_374 = arith.index_cast %scan3A_144 : i32 to index
        %get3A_375 = arith.constant 160 : index
        %get3A_376 = tpu.vector_load %arg10[%get3A_374, %get3A_375] {strides = array<i32>} : memref<32x256xf32, #tpu.memory_space<vmem>>, vector<1x16xf32>,
        %get3A_377 = vector.shape_cast %get3A_376 : vector<1x16xf32> to vector<16xf32>
        %mul3A_378 = arith.mulf %broadcast_in_dim3A, %get3A_377 : vector<16xf32>
        %get3A_379 = arith.index_cast %scan3A_144 : i32 to index
        %get3A_380 = arith.constant 160 : index
        %get3A_381 = tpu.vector_load %arg11[%get3A_379, %get3A_380] {strides = array<i32>} : memref<32x256xf32, #tpu.memory_space<vmem>>, vector<1x16xf32>,
        %get3A_382 = vector.shape_cast %get3A_381 : vector<1x16xf32> to vector<16xf32>
        %mul3A_383 = arith.mulf %broadcast_in_dim3A_151, %get3A_382 : vector<16xf32>
        %add3A_384 = arith.addf %mul3A_378, %mul3A_383 : vector<16xf32>
        %get3A_385 = arith.index_cast %scan3A_144 : i32 to index
        %get3A_386 = arith.constant 160 : index
        %get3A_387 = tpu.vector_load %arg12[%get3A_385, %get3A_386] {strides = array<i32>} : memref<32x256xf32, #tpu.memory_space<vmem>>, vector<1x16xf32>,
        %get3A_388 = vector.shape_cast %get3A_387 : vector<1x16xf32> to vector<16xf32>
        %mul3A_389 = arith.mulf %broadcast_in_dim3A_154, %get3A_388 : vector<16xf32>
        %add3A_390 = arith.addf %add3A_384, %mul3A_389 : vector<16xf32>
        %swap3A_391 = arith.index_cast %scan3A_144 : i32 to index
        %swap3A_392 = arith.constant 160 : index
        %swap3A_393 = tpu.vector_load %arg20[%swap3A_391, %swap3A_392] {strides = array<i32>} : memref<32x256xf32, #tpu.memory_space<vmem>>, vector<1x16xf32>,
        %swap3A_394 = vector.shape_cast %swap3A_393 : vector<1x16xf32> to vector<16xf32>
        %swap3A_395 = vector.shape_cast %add3A_390 : vector<16xf32> to vector<1x16xf32>
        tpu.vector_store %arg20[%swap3A_391, %swap3A_392], %swap3A_395 {strides = array<i32>} : memref<32x256xf32, #tpu.memory_space<vmem>>, vector<1x16xf32>,
        %get3A_396 = arith.index_cast %scan3A_144 : i32 to index
        %get3A_397 = arith.constant 176 : index
        %get3A_398 = tpu.vector_load %arg10[%get3A_396, %get3A_397] {strides = array<i32>} : memref<32x256xf32, #tpu.memory_space<vmem>>, vector<1x16xf32>,
        %get3A_399 = vector.shape_cast %get3A_398 : vector<1x16xf32> to vector<16xf32>
        %mul3A_400 = arith.mulf %broadcast_in_dim3A, %get3A_399 : vector<16xf32>
        %get3A_401 = arith.index_cast %scan3A_144 : i32 to index
        %get3A_402 = arith.constant 176 : index
        %get3A_403 = tpu.vector_load %arg11[%get3A_401, %get3A_402] {strides = array<i32>} : memref<32x256xf32, #tpu.memory_space<vmem>>, vector<1x16xf32>,
        %get3A_404 = vector.shape_cast %get3A_403 : vector<1x16xf32> to vector<16xf32>
        %mul3A_405 = arith.mulf %broadcast_in_dim3A_151, %get3A_404 : vector<16xf32>
        %add3A_406 = arith.addf %mul3A_400, %mul3A_405 : vector<16xf32>
        %get3A_407 = arith.index_cast %scan3A_144 : i32 to index
        %get3A_408 = arith.constant 176 : index
        %get3A_409 = tpu.vector_load %arg12[%get3A_407, %get3A_408] {strides = array<i32>} : memref<32x256xf32, #tpu.memory_space<vmem>>, vector<1x16xf32>,
        %get3A_410 = vector.shape_cast %get3A_409 : vector<1x16xf32> to vector<16xf32>
        %mul3A_411 = arith.mulf %broadcast_in_dim3A_154, %get3A_410 : vector<16xf32>
        %add3A_412 = arith.addf %add3A_406, %mul3A_411 : vector<16xf32>
        %swap3A_413 = arith.index_cast %scan3A_144 : i32 to index
        %swap3A_414 = arith.constant 176 : index
        %swap3A_415 = tpu.vector_load %arg20[%swap3A_413, %swap3A_414] {strides = array<i32>} : memref<32x256xf32, #tpu.memory_space<vmem>>, vector<1x16xf32>,
        %swap3A_416 = vector.shape_cast %swap3A_415 : vector<1x16xf32> to vector<16xf32>
        %swap3A_417 = vector.shape_cast %add3A_412 : vector<16xf32> to vector<1x16xf32>
        tpu.vector_store %arg20[%swap3A_413, %swap3A_414], %swap3A_417 {strides = array<i32>} : memref<32x256xf32, #tpu.memory_space<vmem>>, vector<1x16xf32>,
        %get3A_418 = arith.index_cast %scan3A_144 : i32 to index
        %get3A_419 = arith.constant 192 : index
        %get3A_420 = tpu.vector_load %arg10[%get3A_418, %get3A_419] {strides = array<i32>} : memref<32x256xf32, #tpu.memory_space<vmem>>, vector<1x16xf32>,
        %get3A_421 = vector.shape_cast %get3A_420 : vector<1x16xf32> to vector<16xf32>
        %mul3A_422 = arith.mulf %broadcast_in_dim3A, %get3A_421 : vector<16xf32>
        %get3A_423 = arith.index_cast %scan3A_144 : i32 to index
        %get3A_424 = arith.constant 192 : index
        %get3A_425 = tpu.vector_load %arg11[%get3A_423, %get3A_424] {strides = array<i32>} : memref<32x256xf32, #tpu.memory_space<vmem>>, vector<1x16xf32>,
        %get3A_426 = vector.shape_cast %get3A_425 : vector<1x16xf32> to vector<16xf32>
        %mul3A_427 = arith.mulf %broadcast_in_dim3A_151, %get3A_426 : vector<16xf32>
        %add3A_428 = arith.addf %mul3A_422, %mul3A_427 : vector<16xf32>
        %get3A_429 = arith.index_cast %scan3A_144 : i32 to index
        %get3A_430 = arith.constant 192 : index
        %get3A_431 = tpu.vector_load %arg12[%get3A_429, %get3A_430] {strides = array<i32>} : memref<32x256xf32, #tpu.memory_space<vmem>>, vector<1x16xf32>,
        %get3A_432 = vector.shape_cast %get3A_431 : vector<1x16xf32> to vector<16xf32>
        %mul3A_433 = arith.mulf %broadcast_in_dim3A_154, %get3A_432 : vector<16xf32>
        %add3A_434 = arith.addf %add3A_428, %mul3A_433 : vector<16xf32>
        %swap3A_435 = arith.index_cast %scan3A_144 : i32 to index
        %swap3A_436 = arith.constant 192 : index
        %swap3A_437 = tpu.vector_load %arg20[%swap3A_435, %swap3A_436] {strides = array<i32>} : memref<32x256xf32, #tpu.memory_space<vmem>>, vector<1x16xf32>,
        %swap3A_438 = vector.shape_cast %swap3A_437 : vector<1x16xf32> to vector<16xf32>
        %swap3A_439 = vector.shape_cast %add3A_434 : vector<16xf32> to vector<1x16xf32>
        tpu.vector_store %arg20[%swap3A_435, %swap3A_436], %swap3A_439 {strides = array<i32>} : memref<32x256xf32, #tpu.memory_space<vmem>>, vector<1x16xf32>,
        %get3A_440 = arith.index_cast %scan3A_144 : i32 to index
        %get3A_441 = arith.constant 208 : index
        %get3A_442 = tpu.vector_load %arg10[%get3A_440, %get3A_441] {strides = array<i32>} : memref<32x256xf32, #tpu.memory_space<vmem>>, vector<1x16xf32>,
        %get3A_443 = vector.shape_cast %get3A_442 : vector<1x16xf32> to vector<16xf32>
        %mul3A_444 = arith.mulf %broadcast_in_dim3A, %get3A_443 : vector<16xf32>
        %get3A_445 = arith.index_cast %scan3A_144 : i32 to index
        %get3A_446 = arith.constant 208 : index
        %get3A_447 = tpu.vector_load %arg11[%get3A_445, %get3A_446] {strides = array<i32>} : memref<32x256xf32, #tpu.memory_space<vmem>>, vector<1x16xf32>,
        %get3A_448 = vector.shape_cast %get3A_447 : vector<1x16xf32> to vector<16xf32>
        %mul3A_449 = arith.mulf %broadcast_in_dim3A_151, %get3A_448 : vector<16xf32>
        %add3A_450 = arith.addf %mul3A_444, %mul3A_449 : vector<16xf32>
        %get3A_451 = arith.index_cast %scan3A_144 : i32 to index
        %get3A_452 = arith.constant 208 : index
        %get3A_453 = tpu.vector_load %arg12[%get3A_451, %get3A_452] {strides = array<i32>} : memref<32x256xf32, #tpu.memory_space<vmem>>, vector<1x16xf32>,
        %get3A_454 = vector.shape_cast %get3A_453 : vector<1x16xf32> to vector<16xf32>
        %mul3A_455 = arith.mulf %broadcast_in_dim3A_154, %get3A_454 : vector<16xf32>
        %add3A_456 = arith.addf %add3A_450, %mul3A_455 : vector<16xf32>
        %swap3A_457 = arith.index_cast %scan3A_144 : i32 to index
        %swap3A_458 = arith.constant 208 : index
        %swap3A_459 = tpu.vector_load %arg20[%swap3A_457, %swap3A_458] {strides = array<i32>} : memref<32x256xf32, #tpu.memory_space<vmem>>, vector<1x16xf32>,
        %swap3A_460 = vector.shape_cast %swap3A_459 : vector<1x16xf32> to vector<16xf32>
        %swap3A_461 = vector.shape_cast %add3A_456 : vector<16xf32> to vector<1x16xf32>
        tpu.vector_store %arg20[%swap3A_457, %swap3A_458], %swap3A_461 {strides = array<i32>} : memref<32x256xf32, #tpu.memory_space<vmem>>, vector<1x16xf32>,
        %get3A_462 = arith.index_cast %scan3A_144 : i32 to index
        %get3A_463 = arith.constant 224 : index
        %get3A_464 = tpu.vector_load %arg10[%get3A_462, %get3A_463] {strides = array<i32>} : memref<32x256xf32, #tpu.memory_space<vmem>>, vector<1x16xf32>,
        %get3A_465 = vector.shape_cast %get3A_464 : vector<1x16xf32> to vector<16xf32>
        %mul3A_466 = arith.mulf %broadcast_in_dim3A, %get3A_465 : vector<16xf32>
        %get3A_467 = arith.index_cast %scan3A_144 : i32 to index
        %get3A_468 = arith.constant 224 : index
        %get3A_469 = tpu.vector_load %arg11[%get3A_467, %get3A_468] {strides = array<i32>} : memref<32x256xf32, #tpu.memory_space<vmem>>, vector<1x16xf32>,
        %get3A_470 = vector.shape_cast %get3A_469 : vector<1x16xf32> to vector<16xf32>
        %mul3A_471 = arith.mulf %broadcast_in_dim3A_151, %get3A_470 : vector<16xf32>
        %add3A_472 = arith.addf %mul3A_466, %mul3A_471 : vector<16xf32>
        %get3A_473 = arith.index_cast %scan3A_144 : i32 to index
        %get3A_474 = arith.constant 224 : index
        %get3A_475 = tpu.vector_load %arg12[%get3A_473, %get3A_474] {strides = array<i32>} : memref<32x256xf32, #tpu.memory_space<vmem>>, vector<1x16xf32>,
        %get3A_476 = vector.shape_cast %get3A_475 : vector<1x16xf32> to vector<16xf32>
        %mul3A_477 = arith.mulf %broadcast_in_dim3A_154, %get3A_476 : vector<16xf32>
        %add3A_478 = arith.addf %add3A_472, %mul3A_477 : vector<16xf32>
        %swap3A_479 = arith.index_cast %scan3A_144 : i32 to index
        %swap3A_480 = arith.constant 224 : index
        %swap3A_481 = tpu.vector_load %arg20[%swap3A_479, %swap3A_480] {strides = array<i32>} : memref<32x256xf32, #tpu.memory_space<vmem>>, vector<1x16xf32>,
        %swap3A_482 = vector.shape_cast %swap3A_481 : vector<1x16xf32> to vector<16xf32>
        %swap3A_483 = vector.shape_cast %add3A_478 : vector<16xf32> to vector<1x16xf32>
        tpu.vector_store %arg20[%swap3A_479, %swap3A_480], %swap3A_483 {strides = array<i32>} : memref<32x256xf32, #tpu.memory_space<vmem>>, vector<1x16xf32>,
        %get3A_484 = arith.index_cast %scan3A_144 : i32 to index
        %get3A_485 = arith.constant 240 : index
        %get3A_486 = tpu.vector_load %arg10[%get3A_484, %get3A_485] {strides = array<i32>} : memref<32x256xf32, #tpu.memory_space<vmem>>, vector<1x16xf32>,
        %get3A_487 = vector.shape_cast %get3A_486 : vector<1x16xf32> to vector<16xf32>
        %mul3A_488 = arith.mulf %broadcast_in_dim3A, %get3A_487 : vector<16xf32>
        %get3A_489 = arith.index_cast %scan3A_144 : i32 to index
        %get3A_490 = arith.constant 240 : index
        %get3A_491 = tpu.vector_load %arg11[%get3A_489, %get3A_490] {strides = array<i32>} : memref<32x256xf32, #tpu.memory_space<vmem>>, vector<1x16xf32>,
        %get3A_492 = vector.shape_cast %get3A_491 : vector<1x16xf32> to vector<16xf32>
        %mul3A_493 = arith.mulf %broadcast_in_dim3A_151, %get3A_492 : vector<16xf32>
        %add3A_494 = arith.addf %mul3A_488, %mul3A_493 : vector<16xf32>
        %get3A_495 = arith.index_cast %scan3A_144 : i32 to index
        %get3A_496 = arith.constant 240 : index
        %get3A_497 = tpu.vector_load %arg12[%get3A_495, %get3A_496] {strides = array<i32>} : memref<32x256xf32, #tpu.memory_space<vmem>>, vector<1x16xf32>,
        %get3A_498 = vector.shape_cast %get3A_497 : vector<1x16xf32> to vector<16xf32>
        %mul3A_499 = arith.mulf %broadcast_in_dim3A_154, %get3A_498 : vector<16xf32>
        %add3A_500 = arith.addf %add3A_494, %mul3A_499 : vector<16xf32>
        %swap3A_501 = arith.index_cast %scan3A_144 : i32 to index
        %swap3A_502 = arith.constant 240 : index
        %swap3A_503 = tpu.vector_load %arg20[%swap3A_501, %swap3A_502] {strides = array<i32>} : memref<32x256xf32, #tpu.memory_space<vmem>>, vector<1x16xf32>,
        %swap3A_504 = vector.shape_cast %swap3A_503 : vector<1x16xf32> to vector<16xf32>
        %swap3A_505 = vector.shape_cast %add3A_500 : vector<16xf32> to vector<1x16xf32>
        tpu.vector_store %arg20[%swap3A_501, %swap3A_502], %swap3A_505 {strides = array<i32>} : memref<32x256xf32, #tpu.memory_space<vmem>>, vector<1x16xf32>,
        %scan3A_506 = arith.constant 0 : i32
        scf.yield %scan3A_506 : i32
      }
      %scan3A_112 = arith.constant 32 : i32
      %mul3A_113 = arith.constant 4096 : i32
      %mul3A_114 = arith.muli %select_n3A, %mul3A_113 : i32
      %add3A_115 = arith.addi %mul3A_114, %mul3A_32 : i32
      %mul3A_116 = arith.constant 32 : i32
      %mul3A_117 = arith.muli %mul3A_42, %mul3A_116 : i32
      %add3A_118 = arith.addi %add3A_115, %mul3A_117 : i32
      "tpu.region"() ({
        %run_scoped3A = tpu.sem_alloc : memref<!tpu.dma_semaphore, #tpu.memory_space<semaphore_mem>>
        %dma_start3A_144 = arith.constant 0 : i32
        %dma_start3A_145 = tpu.memref_slice %arg5[%add3A_118, %dma_start3A_144] : memref<32768x256xf32, #tpu.memory_space<hbm>> -> memref<32x256xf32, #tpu.memory_space<hbm>>
        %dma_start3A_146 = arith.constant 0 : i32
        %dma_start3A_147 = tpu.memref_slice %arg5[%add3A_118, %dma_start3A_146] : memref<32768x256xf32, #tpu.memory_space<hbm>> -> memref<32x256xf32, #tpu.memory_space<hbm>>
        tpu.enqueue_dma source(%arg20 : memref<32x256xf32, #tpu.memory_space<vmem>>) target(%dma_start3A_147 : memref<32x256xf32, #tpu.memory_space<hbm>>) target_semaphore(%run_scoped3A : memref<!tpu.dma_semaphore, #tpu.memory_space<semaphore_mem>>)
        %dma_wait3A_148 = arith.constant 0 : i32
        %dma_wait3A_149 = tpu.memref_slice %arg5[%add3A_118, %dma_wait3A_148] : memref<32768x256xf32, #tpu.memory_space<hbm>> -> memref<32x256xf32, #tpu.memory_space<hbm>>
        %dma_wait3A_150 = arith.constant 0 : i32
        %dma_wait3A_151 = tpu.memref_slice %arg5[%add3A_118, %dma_wait3A_150] : memref<32768x256xf32, #tpu.memory_space<hbm>> -> memref<32x256xf32, #tpu.memory_space<hbm>>
        tpu.wait_dma2 semaphore(%run_scoped3A : memref<!tpu.dma_semaphore, #tpu.memory_space<semaphore_mem>>) src(%arg20 : memref<32x256xf32, #tpu.memory_space<vmem>>) dst(%dma_wait3A_151 : memref<32x256xf32, #tpu.memory_space<hbm>>)
        tpu.yield
      }) : () -> ()
      %add3A_119 = arith.constant 1 : i32
      %add3A_120 = arith.addi %mul3A_42, %add3A_119 : i32
      %dma_wait3A_121 = arith.constant 0 : i32
      %dma_wait3A_122 = arith.constant 0 : i32
      %dma_wait3A_123 = tpu.memref_slice %arg2[%dma_wait3A_121, %dma_wait3A_122] : memref<16384x256xf32, #tpu.memory_space<hbm>> -> memref<16384x256xf32, #tpu.memory_space<hbm>>
      tpu.wait_indirect_dma semaphore(%arg22 : memref<!tpu.dma_semaphore, #tpu.memory_space<semaphore_mem>>) src(%dma_wait3A_123 : memref<16384x256xf32, #tpu.memory_space<hbm>>) dst(%arg17 : memref<32x256xf32, #tpu.memory_space<vmem>>)
      %dma_wait3A_124 = arith.constant 0 : i32
      %dma_wait3A_125 = arith.constant 0 : i32
      %dma_wait3A_126 = tpu.memref_slice %arg2[%dma_wait3A_124, %dma_wait3A_125] : memref<16384x256xf32, #tpu.memory_space<hbm>> -> memref<16384x256xf32, #tpu.memory_space<hbm>>
      tpu.wait_indirect_dma semaphore(%arg22 : memref<!tpu.dma_semaphore, #tpu.memory_space<semaphore_mem>>) src(%dma_wait3A_126 : memref<16384x256xf32, #tpu.memory_space<hbm>>) dst(%arg18 : memref<32x256xf32, #tpu.memory_space<vmem>>)
      %dma_wait3A_127 = arith.constant 0 : i32
      %dma_wait3A_128 = arith.constant 0 : i32
      %dma_wait3A_129 = tpu.memref_slice %arg2[%dma_wait3A_127, %dma_wait3A_128] : memref<16384x256xf32, #tpu.memory_space<hbm>> -> memref<16384x256xf32, #tpu.memory_space<hbm>>
      tpu.wait_indirect_dma semaphore(%arg22 : memref<!tpu.dma_semaphore, #tpu.memory_space<semaphore_mem>>) src(%dma_wait3A_129 : memref<16384x256xf32, #tpu.memory_space<hbm>>) dst(%arg19 : memref<32x256xf32, #tpu.memory_space<vmem>>)
      %scan3A_130 = arith.constant 0 : i32
      %scan3A_131 = arith.constant 0 : i32
      %scan3A_132 = arith.constant 32 : i32
      %scan3A_133 = arith.addi %scan3A_131, %scan3A_132 : i32
      %scan3A_134 = arith.constant 1 : i32
      %scan3A_135 = scf.for %scan3A_144 = %scan3A_131 to %scan3A_133 step %scan3A_134 iter_args(%scan3A_145 = %scan3A_130) -> (i32)  : i32 {
        %get3A = arith.index_cast %scan3A_144 : i32 to index
        %get3A_146 = arith.constant 0 : index
        %get3A_147 = tpu.vector_load %arg16[%get3A, %get3A_146] {strides = array<i32>} : memref<32x16xf32, #tpu.memory_space<vmem>>, vector<1x16xf32>,
        %get3A_148 = vector.shape_cast %get3A_147 : vector<1x16xf32> to vector<16xf32>
        %slice3A = vector.extract_strided_slice %get3A_148 {offsets = [0], sizes = [1], strides = [1]} : vector<16xf32> to vector<1xf32>
        %squeeze3A = vector.extract %slice3A[0] : f32 from vector<1xf32>
        %broadcast_in_dim3A = vector.broadcast %squeeze3A : f32 to vector<16xf32>
        %slice3A_149 = vector.extract_strided_slice %get3A_148 {offsets = [1], sizes = [1], strides = [1]} : vector<16xf32> to vector<1xf32>
        %squeeze3A_150 = vector.extract %slice3A_149[0] : f32 from vector<1xf32>
        %broadcast_in_dim3A_151 = vector.broadcast %squeeze3A_150 : f32 to vector<16xf32>
        %slice3A_152 = vector.extract_strided_slice %get3A_148 {offsets = [2], sizes = [1], strides = [1]} : vector<16xf32> to vector<1xf32>
        %squeeze3A_153 = vector.extract %slice3A_152[0] : f32 from vector<1xf32>
        %broadcast_in_dim3A_154 = vector.broadcast %squeeze3A_153 : f32 to vector<16xf32>
        %get3A_155 = arith.index_cast %scan3A_144 : i32 to index
        %get3A_156 = arith.constant 0 : index
        %get3A_157 = tpu.vector_load %arg17[%get3A_155, %get3A_156] {strides = array<i32>} : memref<32x256xf32, #tpu.memory_space<vmem>>, vector<1x16xf32>,
        %get3A_158 = vector.shape_cast %get3A_157 : vector<1x16xf32> to vector<16xf32>
        %mul3A_159 = arith.mulf %broadcast_in_dim3A, %get3A_158 : vector<16xf32>
        %get3A_160 = arith.index_cast %scan3A_144 : i32 to index
        %get3A_161 = arith.constant 0 : index
        %get3A_162 = tpu.vector_load %arg18[%get3A_160, %get3A_161] {strides = array<i32>} : memref<32x256xf32, #tpu.memory_space<vmem>>, vector<1x16xf32>,
        %get3A_163 = vector.shape_cast %get3A_162 : vector<1x16xf32> to vector<16xf32>
        %mul3A_164 = arith.mulf %broadcast_in_dim3A_151, %get3A_163 : vector<16xf32>
        %add3A_165 = arith.addf %mul3A_159, %mul3A_164 : vector<16xf32>
        %get3A_166 = arith.index_cast %scan3A_144 : i32 to index
        %get3A_167 = arith.constant 0 : index
        %get3A_168 = tpu.vector_load %arg19[%get3A_166, %get3A_167] {strides = array<i32>} : memref<32x256xf32, #tpu.memory_space<vmem>>, vector<1x16xf32>,
        %get3A_169 = vector.shape_cast %get3A_168 : vector<1x16xf32> to vector<16xf32>
        %mul3A_170 = arith.mulf %broadcast_in_dim3A_154, %get3A_169 : vector<16xf32>
        %add3A_171 = arith.addf %add3A_165, %mul3A_170 : vector<16xf32>
        %swap3A = arith.index_cast %scan3A_144 : i32 to index
        %swap3A_172 = arith.constant 0 : index
        %swap3A_173 = tpu.vector_load %arg20[%swap3A, %swap3A_172] {strides = array<i32>} : memref<32x256xf32, #tpu.memory_space<vmem>>, vector<1x16xf32>,
        %swap3A_174 = vector.shape_cast %swap3A_173 : vector<1x16xf32> to vector<16xf32>
        %swap3A_175 = vector.shape_cast %add3A_171 : vector<16xf32> to vector<1x16xf32>
        tpu.vector_store %arg20[%swap3A, %swap3A_172], %swap3A_175 {strides = array<i32>} : memref<32x256xf32, #tpu.memory_space<vmem>>, vector<1x16xf32>,
        %get3A_176 = arith.index_cast %scan3A_144 : i32 to index
        %get3A_177 = arith.constant 16 : index
        %get3A_178 = tpu.vector_load %arg17[%get3A_176, %get3A_177] {strides = array<i32>} : memref<32x256xf32, #tpu.memory_space<vmem>>, vector<1x16xf32>,
        %get3A_179 = vector.shape_cast %get3A_178 : vector<1x16xf32> to vector<16xf32>
        %mul3A_180 = arith.mulf %broadcast_in_dim3A, %get3A_179 : vector<16xf32>
        %get3A_181 = arith.index_cast %scan3A_144 : i32 to index
        %get3A_182 = arith.constant 16 : index
        %get3A_183 = tpu.vector_load %arg18[%get3A_181, %get3A_182] {strides = array<i32>} : memref<32x256xf32, #tpu.memory_space<vmem>>, vector<1x16xf32>,
        %get3A_184 = vector.shape_cast %get3A_183 : vector<1x16xf32> to vector<16xf32>
        %mul3A_185 = arith.mulf %broadcast_in_dim3A_151, %get3A_184 : vector<16xf32>
        %add3A_186 = arith.addf %mul3A_180, %mul3A_185 : vector<16xf32>
        %get3A_187 = arith.index_cast %scan3A_144 : i32 to index
        %get3A_188 = arith.constant 16 : index
        %get3A_189 = tpu.vector_load %arg19[%get3A_187, %get3A_188] {strides = array<i32>} : memref<32x256xf32, #tpu.memory_space<vmem>>, vector<1x16xf32>,
        %get3A_190 = vector.shape_cast %get3A_189 : vector<1x16xf32> to vector<16xf32>
        %mul3A_191 = arith.mulf %broadcast_in_dim3A_154, %get3A_190 : vector<16xf32>
        %add3A_192 = arith.addf %add3A_186, %mul3A_191 : vector<16xf32>
        %swap3A_193 = arith.index_cast %scan3A_144 : i32 to index
        %swap3A_194 = arith.constant 16 : index
        %swap3A_195 = tpu.vector_load %arg20[%swap3A_193, %swap3A_194] {strides = array<i32>} : memref<32x256xf32, #tpu.memory_space<vmem>>, vector<1x16xf32>,
        %swap3A_196 = vector.shape_cast %swap3A_195 : vector<1x16xf32> to vector<16xf32>
        %swap3A_197 = vector.shape_cast %add3A_192 : vector<16xf32> to vector<1x16xf32>
        tpu.vector_store %arg20[%swap3A_193, %swap3A_194], %swap3A_197 {strides = array<i32>} : memref<32x256xf32, #tpu.memory_space<vmem>>, vector<1x16xf32>,
        %get3A_198 = arith.index_cast %scan3A_144 : i32 to index
        %get3A_199 = arith.constant 32 : index
        %get3A_200 = tpu.vector_load %arg17[%get3A_198, %get3A_199] {strides = array<i32>} : memref<32x256xf32, #tpu.memory_space<vmem>>, vector<1x16xf32>,
        %get3A_201 = vector.shape_cast %get3A_200 : vector<1x16xf32> to vector<16xf32>
        %mul3A_202 = arith.mulf %broadcast_in_dim3A, %get3A_201 : vector<16xf32>
        %get3A_203 = arith.index_cast %scan3A_144 : i32 to index
        %get3A_204 = arith.constant 32 : index
        %get3A_205 = tpu.vector_load %arg18[%get3A_203, %get3A_204] {strides = array<i32>} : memref<32x256xf32, #tpu.memory_space<vmem>>, vector<1x16xf32>,
        %get3A_206 = vector.shape_cast %get3A_205 : vector<1x16xf32> to vector<16xf32>
        %mul3A_207 = arith.mulf %broadcast_in_dim3A_151, %get3A_206 : vector<16xf32>
        %add3A_208 = arith.addf %mul3A_202, %mul3A_207 : vector<16xf32>
        %get3A_209 = arith.index_cast %scan3A_144 : i32 to index
        %get3A_210 = arith.constant 32 : index
        %get3A_211 = tpu.vector_load %arg19[%get3A_209, %get3A_210] {strides = array<i32>} : memref<32x256xf32, #tpu.memory_space<vmem>>, vector<1x16xf32>,
        %get3A_212 = vector.shape_cast %get3A_211 : vector<1x16xf32> to vector<16xf32>
        %mul3A_213 = arith.mulf %broadcast_in_dim3A_154, %get3A_212 : vector<16xf32>
        %add3A_214 = arith.addf %add3A_208, %mul3A_213 : vector<16xf32>
        %swap3A_215 = arith.index_cast %scan3A_144 : i32 to index
        %swap3A_216 = arith.constant 32 : index
        %swap3A_217 = tpu.vector_load %arg20[%swap3A_215, %swap3A_216] {strides = array<i32>} : memref<32x256xf32, #tpu.memory_space<vmem>>, vector<1x16xf32>,
        %swap3A_218 = vector.shape_cast %swap3A_217 : vector<1x16xf32> to vector<16xf32>
        %swap3A_219 = vector.shape_cast %add3A_214 : vector<16xf32> to vector<1x16xf32>
        tpu.vector_store %arg20[%swap3A_215, %swap3A_216], %swap3A_219 {strides = array<i32>} : memref<32x256xf32, #tpu.memory_space<vmem>>, vector<1x16xf32>,
        %get3A_220 = arith.index_cast %scan3A_144 : i32 to index
        %get3A_221 = arith.constant 48 : index
        %get3A_222 = tpu.vector_load %arg17[%get3A_220, %get3A_221] {strides = array<i32>} : memref<32x256xf32, #tpu.memory_space<vmem>>, vector<1x16xf32>,
        %get3A_223 = vector.shape_cast %get3A_222 : vector<1x16xf32> to vector<16xf32>
        %mul3A_224 = arith.mulf %broadcast_in_dim3A, %get3A_223 : vector<16xf32>
        %get3A_225 = arith.index_cast %scan3A_144 : i32 to index
        %get3A_226 = arith.constant 48 : index
        %get3A_227 = tpu.vector_load %arg18[%get3A_225, %get3A_226] {strides = array<i32>} : memref<32x256xf32, #tpu.memory_space<vmem>>, vector<1x16xf32>,
        %get3A_228 = vector.shape_cast %get3A_227 : vector<1x16xf32> to vector<16xf32>
        %mul3A_229 = arith.mulf %broadcast_in_dim3A_151, %get3A_228 : vector<16xf32>
        %add3A_230 = arith.addf %mul3A_224, %mul3A_229 : vector<16xf32>
        %get3A_231 = arith.index_cast %scan3A_144 : i32 to index
        %get3A_232 = arith.constant 48 : index
        %get3A_233 = tpu.vector_load %arg19[%get3A_231, %get3A_232] {strides = array<i32>} : memref<32x256xf32, #tpu.memory_space<vmem>>, vector<1x16xf32>,
        %get3A_234 = vector.shape_cast %get3A_233 : vector<1x16xf32> to vector<16xf32>
        %mul3A_235 = arith.mulf %broadcast_in_dim3A_154, %get3A_234 : vector<16xf32>
        %add3A_236 = arith.addf %add3A_230, %mul3A_235 : vector<16xf32>
        %swap3A_237 = arith.index_cast %scan3A_144 : i32 to index
        %swap3A_238 = arith.constant 48 : index
        %swap3A_239 = tpu.vector_load %arg20[%swap3A_237, %swap3A_238] {strides = array<i32>} : memref<32x256xf32, #tpu.memory_space<vmem>>, vector<1x16xf32>,
        %swap3A_240 = vector.shape_cast %swap3A_239 : vector<1x16xf32> to vector<16xf32>
        %swap3A_241 = vector.shape_cast %add3A_236 : vector<16xf32> to vector<1x16xf32>
        tpu.vector_store %arg20[%swap3A_237, %swap3A_238], %swap3A_241 {strides = array<i32>} : memref<32x256xf32, #tpu.memory_space<vmem>>, vector<1x16xf32>,
        %get3A_242 = arith.index_cast %scan3A_144 : i32 to index
        %get3A_243 = arith.constant 64 : index
        %get3A_244 = tpu.vector_load %arg17[%get3A_242, %get3A_243] {strides = array<i32>} : memref<32x256xf32, #tpu.memory_space<vmem>>, vector<1x16xf32>,
        %get3A_245 = vector.shape_cast %get3A_244 : vector<1x16xf32> to vector<16xf32>
        %mul3A_246 = arith.mulf %broadcast_in_dim3A, %get3A_245 : vector<16xf32>
        %get3A_247 = arith.index_cast %scan3A_144 : i32 to index
        %get3A_248 = arith.constant 64 : index
        %get3A_249 = tpu.vector_load %arg18[%get3A_247, %get3A_248] {strides = array<i32>} : memref<32x256xf32, #tpu.memory_space<vmem>>, vector<1x16xf32>,
        %get3A_250 = vector.shape_cast %get3A_249 : vector<1x16xf32> to vector<16xf32>
        %mul3A_251 = arith.mulf %broadcast_in_dim3A_151, %get3A_250 : vector<16xf32>
        %add3A_252 = arith.addf %mul3A_246, %mul3A_251 : vector<16xf32>
        %get3A_253 = arith.index_cast %scan3A_144 : i32 to index
        %get3A_254 = arith.constant 64 : index
        %get3A_255 = tpu.vector_load %arg19[%get3A_253, %get3A_254] {strides = array<i32>} : memref<32x256xf32, #tpu.memory_space<vmem>>, vector<1x16xf32>,
        %get3A_256 = vector.shape_cast %get3A_255 : vector<1x16xf32> to vector<16xf32>
        %mul3A_257 = arith.mulf %broadcast_in_dim3A_154, %get3A_256 : vector<16xf32>
        %add3A_258 = arith.addf %add3A_252, %mul3A_257 : vector<16xf32>
        %swap3A_259 = arith.index_cast %scan3A_144 : i32 to index
        %swap3A_260 = arith.constant 64 : index
        %swap3A_261 = tpu.vector_load %arg20[%swap3A_259, %swap3A_260] {strides = array<i32>} : memref<32x256xf32, #tpu.memory_space<vmem>>, vector<1x16xf32>,
        %swap3A_262 = vector.shape_cast %swap3A_261 : vector<1x16xf32> to vector<16xf32>
        %swap3A_263 = vector.shape_cast %add3A_258 : vector<16xf32> to vector<1x16xf32>
        tpu.vector_store %arg20[%swap3A_259, %swap3A_260], %swap3A_263 {strides = array<i32>} : memref<32x256xf32, #tpu.memory_space<vmem>>, vector<1x16xf32>,
        %get3A_264 = arith.index_cast %scan3A_144 : i32 to index
        %get3A_265 = arith.constant 80 : index
        %get3A_266 = tpu.vector_load %arg17[%get3A_264, %get3A_265] {strides = array<i32>} : memref<32x256xf32, #tpu.memory_space<vmem>>, vector<1x16xf32>,
        %get3A_267 = vector.shape_cast %get3A_266 : vector<1x16xf32> to vector<16xf32>
        %mul3A_268 = arith.mulf %broadcast_in_dim3A, %get3A_267 : vector<16xf32>
        %get3A_269 = arith.index_cast %scan3A_144 : i32 to index
        %get3A_270 = arith.constant 80 : index
        %get3A_271 = tpu.vector_load %arg18[%get3A_269, %get3A_270] {strides = array<i32>} : memref<32x256xf32, #tpu.memory_space<vmem>>, vector<1x16xf32>,
        %get3A_272 = vector.shape_cast %get3A_271 : vector<1x16xf32> to vector<16xf32>
        %mul3A_273 = arith.mulf %broadcast_in_dim3A_151, %get3A_272 : vector<16xf32>
        %add3A_274 = arith.addf %mul3A_268, %mul3A_273 : vector<16xf32>
        %get3A_275 = arith.index_cast %scan3A_144 : i32 to index
        %get3A_276 = arith.constant 80 : index
        %get3A_277 = tpu.vector_load %arg19[%get3A_275, %get3A_276] {strides = array<i32>} : memref<32x256xf32, #tpu.memory_space<vmem>>, vector<1x16xf32>,
        %get3A_278 = vector.shape_cast %get3A_277 : vector<1x16xf32> to vector<16xf32>
        %mul3A_279 = arith.mulf %broadcast_in_dim3A_154, %get3A_278 : vector<16xf32>
        %add3A_280 = arith.addf %add3A_274, %mul3A_279 : vector<16xf32>
        %swap3A_281 = arith.index_cast %scan3A_144 : i32 to index
        %swap3A_282 = arith.constant 80 : index
        %swap3A_283 = tpu.vector_load %arg20[%swap3A_281, %swap3A_282] {strides = array<i32>} : memref<32x256xf32, #tpu.memory_space<vmem>>, vector<1x16xf32>,
        %swap3A_284 = vector.shape_cast %swap3A_283 : vector<1x16xf32> to vector<16xf32>
        %swap3A_285 = vector.shape_cast %add3A_280 : vector<16xf32> to vector<1x16xf32>
        tpu.vector_store %arg20[%swap3A_281, %swap3A_282], %swap3A_285 {strides = array<i32>} : memref<32x256xf32, #tpu.memory_space<vmem>>, vector<1x16xf32>,
        %get3A_286 = arith.index_cast %scan3A_144 : i32 to index
        %get3A_287 = arith.constant 96 : index
        %get3A_288 = tpu.vector_load %arg17[%get3A_286, %get3A_287] {strides = array<i32>} : memref<32x256xf32, #tpu.memory_space<vmem>>, vector<1x16xf32>,
        %get3A_289 = vector.shape_cast %get3A_288 : vector<1x16xf32> to vector<16xf32>
        %mul3A_290 = arith.mulf %broadcast_in_dim3A, %get3A_289 : vector<16xf32>
        %get3A_291 = arith.index_cast %scan3A_144 : i32 to index
        %get3A_292 = arith.constant 96 : index
        %get3A_293 = tpu.vector_load %arg18[%get3A_291, %get3A_292] {strides = array<i32>} : memref<32x256xf32, #tpu.memory_space<vmem>>, vector<1x16xf32>,
        %get3A_294 = vector.shape_cast %get3A_293 : vector<1x16xf32> to vector<16xf32>
        %mul3A_295 = arith.mulf %broadcast_in_dim3A_151, %get3A_294 : vector<16xf32>
        %add3A_296 = arith.addf %mul3A_290, %mul3A_295 : vector<16xf32>
        %get3A_297 = arith.index_cast %scan3A_144 : i32 to index
        %get3A_298 = arith.constant 96 : index
        %get3A_299 = tpu.vector_load %arg19[%get3A_297, %get3A_298] {strides = array<i32>} : memref<32x256xf32, #tpu.memory_space<vmem>>, vector<1x16xf32>,
        %get3A_300 = vector.shape_cast %get3A_299 : vector<1x16xf32> to vector<16xf32>
        %mul3A_301 = arith.mulf %broadcast_in_dim3A_154, %get3A_300 : vector<16xf32>
        %add3A_302 = arith.addf %add3A_296, %mul3A_301 : vector<16xf32>
        %swap3A_303 = arith.index_cast %scan3A_144 : i32 to index
        %swap3A_304 = arith.constant 96 : index
        %swap3A_305 = tpu.vector_load %arg20[%swap3A_303, %swap3A_304] {strides = array<i32>} : memref<32x256xf32, #tpu.memory_space<vmem>>, vector<1x16xf32>,
        %swap3A_306 = vector.shape_cast %swap3A_305 : vector<1x16xf32> to vector<16xf32>
        %swap3A_307 = vector.shape_cast %add3A_302 : vector<16xf32> to vector<1x16xf32>
        tpu.vector_store %arg20[%swap3A_303, %swap3A_304], %swap3A_307 {strides = array<i32>} : memref<32x256xf32, #tpu.memory_space<vmem>>, vector<1x16xf32>,
        %get3A_308 = arith.index_cast %scan3A_144 : i32 to index
        %get3A_309 = arith.constant 112 : index
        %get3A_310 = tpu.vector_load %arg17[%get3A_308, %get3A_309] {strides = array<i32>} : memref<32x256xf32, #tpu.memory_space<vmem>>, vector<1x16xf32>,
        %get3A_311 = vector.shape_cast %get3A_310 : vector<1x16xf32> to vector<16xf32>
        %mul3A_312 = arith.mulf %broadcast_in_dim3A, %get3A_311 : vector<16xf32>
        %get3A_313 = arith.index_cast %scan3A_144 : i32 to index
        %get3A_314 = arith.constant 112 : index
        %get3A_315 = tpu.vector_load %arg18[%get3A_313, %get3A_314] {strides = array<i32>} : memref<32x256xf32, #tpu.memory_space<vmem>>, vector<1x16xf32>,
        %get3A_316 = vector.shape_cast %get3A_315 : vector<1x16xf32> to vector<16xf32>
        %mul3A_317 = arith.mulf %broadcast_in_dim3A_151, %get3A_316 : vector<16xf32>
        %add3A_318 = arith.addf %mul3A_312, %mul3A_317 : vector<16xf32>
        %get3A_319 = arith.index_cast %scan3A_144 : i32 to index
        %get3A_320 = arith.constant 112 : index
        %get3A_321 = tpu.vector_load %arg19[%get3A_319, %get3A_320] {strides = array<i32>} : memref<32x256xf32, #tpu.memory_space<vmem>>, vector<1x16xf32>,
        %get3A_322 = vector.shape_cast %get3A_321 : vector<1x16xf32> to vector<16xf32>
        %mul3A_323 = arith.mulf %broadcast_in_dim3A_154, %get3A_322 : vector<16xf32>
        %add3A_324 = arith.addf %add3A_318, %mul3A_323 : vector<16xf32>
        %swap3A_325 = arith.index_cast %scan3A_144 : i32 to index
        %swap3A_326 = arith.constant 112 : index
        %swap3A_327 = tpu.vector_load %arg20[%swap3A_325, %swap3A_326] {strides = array<i32>} : memref<32x256xf32, #tpu.memory_space<vmem>>, vector<1x16xf32>,
        %swap3A_328 = vector.shape_cast %swap3A_327 : vector<1x16xf32> to vector<16xf32>
        %swap3A_329 = vector.shape_cast %add3A_324 : vector<16xf32> to vector<1x16xf32>
        tpu.vector_store %arg20[%swap3A_325, %swap3A_326], %swap3A_329 {strides = array<i32>} : memref<32x256xf32, #tpu.memory_space<vmem>>, vector<1x16xf32>,
        %get3A_330 = arith.index_cast %scan3A_144 : i32 to index
        %get3A_331 = arith.constant 128 : index
        %get3A_332 = tpu.vector_load %arg17[%get3A_330, %get3A_331] {strides = array<i32>} : memref<32x256xf32, #tpu.memory_space<vmem>>, vector<1x16xf32>,
        %get3A_333 = vector.shape_cast %get3A_332 : vector<1x16xf32> to vector<16xf32>
        %mul3A_334 = arith.mulf %broadcast_in_dim3A, %get3A_333 : vector<16xf32>
        %get3A_335 = arith.index_cast %scan3A_144 : i32 to index
        %get3A_336 = arith.constant 128 : index
        %get3A_337 = tpu.vector_load %arg18[%get3A_335, %get3A_336] {strides = array<i32>} : memref<32x256xf32, #tpu.memory_space<vmem>>, vector<1x16xf32>,
        %get3A_338 = vector.shape_cast %get3A_337 : vector<1x16xf32> to vector<16xf32>
        %mul3A_339 = arith.mulf %broadcast_in_dim3A_151, %get3A_338 : vector<16xf32>
        %add3A_340 = arith.addf %mul3A_334, %mul3A_339 : vector<16xf32>
        %get3A_341 = arith.index_cast %scan3A_144 : i32 to index
        %get3A_342 = arith.constant 128 : index
        %get3A_343 = tpu.vector_load %arg19[%get3A_341, %get3A_342] {strides = array<i32>} : memref<32x256xf32, #tpu.memory_space<vmem>>, vector<1x16xf32>,
        %get3A_344 = vector.shape_cast %get3A_343 : vector<1x16xf32> to vector<16xf32>
        %mul3A_345 = arith.mulf %broadcast_in_dim3A_154, %get3A_344 : vector<16xf32>
        %add3A_346 = arith.addf %add3A_340, %mul3A_345 : vector<16xf32>
        %swap3A_347 = arith.index_cast %scan3A_144 : i32 to index
        %swap3A_348 = arith.constant 128 : index
        %swap3A_349 = tpu.vector_load %arg20[%swap3A_347, %swap3A_348] {strides = array<i32>} : memref<32x256xf32, #tpu.memory_space<vmem>>, vector<1x16xf32>,
        %swap3A_350 = vector.shape_cast %swap3A_349 : vector<1x16xf32> to vector<16xf32>
        %swap3A_351 = vector.shape_cast %add3A_346 : vector<16xf32> to vector<1x16xf32>
        tpu.vector_store %arg20[%swap3A_347, %swap3A_348], %swap3A_351 {strides = array<i32>} : memref<32x256xf32, #tpu.memory_space<vmem>>, vector<1x16xf32>,
        %get3A_352 = arith.index_cast %scan3A_144 : i32 to index
        %get3A_353 = arith.constant 144 : index
        %get3A_354 = tpu.vector_load %arg17[%get3A_352, %get3A_353] {strides = array<i32>} : memref<32x256xf32, #tpu.memory_space<vmem>>, vector<1x16xf32>,
        %get3A_355 = vector.shape_cast %get3A_354 : vector<1x16xf32> to vector<16xf32>
        %mul3A_356 = arith.mulf %broadcast_in_dim3A, %get3A_355 : vector<16xf32>
        %get3A_357 = arith.index_cast %scan3A_144 : i32 to index
        %get3A_358 = arith.constant 144 : index
        %get3A_359 = tpu.vector_load %arg18[%get3A_357, %get3A_358] {strides = array<i32>} : memref<32x256xf32, #tpu.memory_space<vmem>>, vector<1x16xf32>,
        %get3A_360 = vector.shape_cast %get3A_359 : vector<1x16xf32> to vector<16xf32>
        %mul3A_361 = arith.mulf %broadcast_in_dim3A_151, %get3A_360 : vector<16xf32>
        %add3A_362 = arith.addf %mul3A_356, %mul3A_361 : vector<16xf32>
        %get3A_363 = arith.index_cast %scan3A_144 : i32 to index
        %get3A_364 = arith.constant 144 : index
        %get3A_365 = tpu.vector_load %arg19[%get3A_363, %get3A_364] {strides = array<i32>} : memref<32x256xf32, #tpu.memory_space<vmem>>, vector<1x16xf32>,
        %get3A_366 = vector.shape_cast %get3A_365 : vector<1x16xf32> to vector<16xf32>
        %mul3A_367 = arith.mulf %broadcast_in_dim3A_154, %get3A_366 : vector<16xf32>
        %add3A_368 = arith.addf %add3A_362, %mul3A_367 : vector<16xf32>
        %swap3A_369 = arith.index_cast %scan3A_144 : i32 to index
        %swap3A_370 = arith.constant 144 : index
        %swap3A_371 = tpu.vector_load %arg20[%swap3A_369, %swap3A_370] {strides = array<i32>} : memref<32x256xf32, #tpu.memory_space<vmem>>, vector<1x16xf32>,
        %swap3A_372 = vector.shape_cast %swap3A_371 : vector<1x16xf32> to vector<16xf32>
        %swap3A_373 = vector.shape_cast %add3A_368 : vector<16xf32> to vector<1x16xf32>
        tpu.vector_store %arg20[%swap3A_369, %swap3A_370], %swap3A_373 {strides = array<i32>} : memref<32x256xf32, #tpu.memory_space<vmem>>, vector<1x16xf32>,
        %get3A_374 = arith.index_cast %scan3A_144 : i32 to index
        %get3A_375 = arith.constant 160 : index
        %get3A_376 = tpu.vector_load %arg17[%get3A_374, %get3A_375] {strides = array<i32>} : memref<32x256xf32, #tpu.memory_space<vmem>>, vector<1x16xf32>,
        %get3A_377 = vector.shape_cast %get3A_376 : vector<1x16xf32> to vector<16xf32>
        %mul3A_378 = arith.mulf %broadcast_in_dim3A, %get3A_377 : vector<16xf32>
        %get3A_379 = arith.index_cast %scan3A_144 : i32 to index
        %get3A_380 = arith.constant 160 : index
        %get3A_381 = tpu.vector_load %arg18[%get3A_379, %get3A_380] {strides = array<i32>} : memref<32x256xf32, #tpu.memory_space<vmem>>, vector<1x16xf32>,
        %get3A_382 = vector.shape_cast %get3A_381 : vector<1x16xf32> to vector<16xf32>
        %mul3A_383 = arith.mulf %broadcast_in_dim3A_151, %get3A_382 : vector<16xf32>
        %add3A_384 = arith.addf %mul3A_378, %mul3A_383 : vector<16xf32>
        %get3A_385 = arith.index_cast %scan3A_144 : i32 to index
        %get3A_386 = arith.constant 160 : index
        %get3A_387 = tpu.vector_load %arg19[%get3A_385, %get3A_386] {strides = array<i32>} : memref<32x256xf32, #tpu.memory_space<vmem>>, vector<1x16xf32>,
        %get3A_388 = vector.shape_cast %get3A_387 : vector<1x16xf32> to vector<16xf32>
        %mul3A_389 = arith.mulf %broadcast_in_dim3A_154, %get3A_388 : vector<16xf32>
        %add3A_390 = arith.addf %add3A_384, %mul3A_389 : vector<16xf32>
        %swap3A_391 = arith.index_cast %scan3A_144 : i32 to index
        %swap3A_392 = arith.constant 160 : index
        %swap3A_393 = tpu.vector_load %arg20[%swap3A_391, %swap3A_392] {strides = array<i32>} : memref<32x256xf32, #tpu.memory_space<vmem>>, vector<1x16xf32>,
        %swap3A_394 = vector.shape_cast %swap3A_393 : vector<1x16xf32> to vector<16xf32>
        %swap3A_395 = vector.shape_cast %add3A_390 : vector<16xf32> to vector<1x16xf32>
        tpu.vector_store %arg20[%swap3A_391, %swap3A_392], %swap3A_395 {strides = array<i32>} : memref<32x256xf32, #tpu.memory_space<vmem>>, vector<1x16xf32>,
        %get3A_396 = arith.index_cast %scan3A_144 : i32 to index
        %get3A_397 = arith.constant 176 : index
        %get3A_398 = tpu.vector_load %arg17[%get3A_396, %get3A_397] {strides = array<i32>} : memref<32x256xf32, #tpu.memory_space<vmem>>, vector<1x16xf32>,
        %get3A_399 = vector.shape_cast %get3A_398 : vector<1x16xf32> to vector<16xf32>
        %mul3A_400 = arith.mulf %broadcast_in_dim3A, %get3A_399 : vector<16xf32>
        %get3A_401 = arith.index_cast %scan3A_144 : i32 to index
        %get3A_402 = arith.constant 176 : index
        %get3A_403 = tpu.vector_load %arg18[%get3A_401, %get3A_402] {strides = array<i32>} : memref<32x256xf32, #tpu.memory_space<vmem>>, vector<1x16xf32>,
        %get3A_404 = vector.shape_cast %get3A_403 : vector<1x16xf32> to vector<16xf32>
        %mul3A_405 = arith.mulf %broadcast_in_dim3A_151, %get3A_404 : vector<16xf32>
        %add3A_406 = arith.addf %mul3A_400, %mul3A_405 : vector<16xf32>
        %get3A_407 = arith.index_cast %scan3A_144 : i32 to index
        %get3A_408 = arith.constant 176 : index
        %get3A_409 = tpu.vector_load %arg19[%get3A_407, %get3A_408] {strides = array<i32>} : memref<32x256xf32, #tpu.memory_space<vmem>>, vector<1x16xf32>,
        %get3A_410 = vector.shape_cast %get3A_409 : vector<1x16xf32> to vector<16xf32>
        %mul3A_411 = arith.mulf %broadcast_in_dim3A_154, %get3A_410 : vector<16xf32>
        %add3A_412 = arith.addf %add3A_406, %mul3A_411 : vector<16xf32>
        %swap3A_413 = arith.index_cast %scan3A_144 : i32 to index
        %swap3A_414 = arith.constant 176 : index
        %swap3A_415 = tpu.vector_load %arg20[%swap3A_413, %swap3A_414] {strides = array<i32>} : memref<32x256xf32, #tpu.memory_space<vmem>>, vector<1x16xf32>,
        %swap3A_416 = vector.shape_cast %swap3A_415 : vector<1x16xf32> to vector<16xf32>
        %swap3A_417 = vector.shape_cast %add3A_412 : vector<16xf32> to vector<1x16xf32>
        tpu.vector_store %arg20[%swap3A_413, %swap3A_414], %swap3A_417 {strides = array<i32>} : memref<32x256xf32, #tpu.memory_space<vmem>>, vector<1x16xf32>,
        %get3A_418 = arith.index_cast %scan3A_144 : i32 to index
        %get3A_419 = arith.constant 192 : index
        %get3A_420 = tpu.vector_load %arg17[%get3A_418, %get3A_419] {strides = array<i32>} : memref<32x256xf32, #tpu.memory_space<vmem>>, vector<1x16xf32>,
        %get3A_421 = vector.shape_cast %get3A_420 : vector<1x16xf32> to vector<16xf32>
        %mul3A_422 = arith.mulf %broadcast_in_dim3A, %get3A_421 : vector<16xf32>
        %get3A_423 = arith.index_cast %scan3A_144 : i32 to index
        %get3A_424 = arith.constant 192 : index
        %get3A_425 = tpu.vector_load %arg18[%get3A_423, %get3A_424] {strides = array<i32>} : memref<32x256xf32, #tpu.memory_space<vmem>>, vector<1x16xf32>,
        %get3A_426 = vector.shape_cast %get3A_425 : vector<1x16xf32> to vector<16xf32>
        %mul3A_427 = arith.mulf %broadcast_in_dim3A_151, %get3A_426 : vector<16xf32>
        %add3A_428 = arith.addf %mul3A_422, %mul3A_427 : vector<16xf32>
        %get3A_429 = arith.index_cast %scan3A_144 : i32 to index
        %get3A_430 = arith.constant 192 : index
        %get3A_431 = tpu.vector_load %arg19[%get3A_429, %get3A_430] {strides = array<i32>} : memref<32x256xf32, #tpu.memory_space<vmem>>, vector<1x16xf32>,
        %get3A_432 = vector.shape_cast %get3A_431 : vector<1x16xf32> to vector<16xf32>
        %mul3A_433 = arith.mulf %broadcast_in_dim3A_154, %get3A_432 : vector<16xf32>
        %add3A_434 = arith.addf %add3A_428, %mul3A_433 : vector<16xf32>
        %swap3A_435 = arith.index_cast %scan3A_144 : i32 to index
        %swap3A_436 = arith.constant 192 : index
        %swap3A_437 = tpu.vector_load %arg20[%swap3A_435, %swap3A_436] {strides = array<i32>} : memref<32x256xf32, #tpu.memory_space<vmem>>, vector<1x16xf32>,
        %swap3A_438 = vector.shape_cast %swap3A_437 : vector<1x16xf32> to vector<16xf32>
        %swap3A_439 = vector.shape_cast %add3A_434 : vector<16xf32> to vector<1x16xf32>
        tpu.vector_store %arg20[%swap3A_435, %swap3A_436], %swap3A_439 {strides = array<i32>} : memref<32x256xf32, #tpu.memory_space<vmem>>, vector<1x16xf32>,
        %get3A_440 = arith.index_cast %scan3A_144 : i32 to index
        %get3A_441 = arith.constant 208 : index
        %get3A_442 = tpu.vector_load %arg17[%get3A_440, %get3A_441] {strides = array<i32>} : memref<32x256xf32, #tpu.memory_space<vmem>>, vector<1x16xf32>,
        %get3A_443 = vector.shape_cast %get3A_442 : vector<1x16xf32> to vector<16xf32>
        %mul3A_444 = arith.mulf %broadcast_in_dim3A, %get3A_443 : vector<16xf32>
        %get3A_445 = arith.index_cast %scan3A_144 : i32 to index
        %get3A_446 = arith.constant 208 : index
        %get3A_447 = tpu.vector_load %arg18[%get3A_445, %get3A_446] {strides = array<i32>} : memref<32x256xf32, #tpu.memory_space<vmem>>, vector<1x16xf32>,
        %get3A_448 = vector.shape_cast %get3A_447 : vector<1x16xf32> to vector<16xf32>
        %mul3A_449 = arith.mulf %broadcast_in_dim3A_151, %get3A_448 : vector<16xf32>
        %add3A_450 = arith.addf %mul3A_444, %mul3A_449 : vector<16xf32>
        %get3A_451 = arith.index_cast %scan3A_144 : i32 to index
        %get3A_452 = arith.constant 208 : index
        %get3A_453 = tpu.vector_load %arg19[%get3A_451, %get3A_452] {strides = array<i32>} : memref<32x256xf32, #tpu.memory_space<vmem>>, vector<1x16xf32>,
        %get3A_454 = vector.shape_cast %get3A_453 : vector<1x16xf32> to vector<16xf32>
        %mul3A_455 = arith.mulf %broadcast_in_dim3A_154, %get3A_454 : vector<16xf32>
        %add3A_456 = arith.addf %add3A_450, %mul3A_455 : vector<16xf32>
        %swap3A_457 = arith.index_cast %scan3A_144 : i32 to index
        %swap3A_458 = arith.constant 208 : index
        %swap3A_459 = tpu.vector_load %arg20[%swap3A_457, %swap3A_458] {strides = array<i32>} : memref<32x256xf32, #tpu.memory_space<vmem>>, vector<1x16xf32>,
        %swap3A_460 = vector.shape_cast %swap3A_459 : vector<1x16xf32> to vector<16xf32>
        %swap3A_461 = vector.shape_cast %add3A_456 : vector<16xf32> to vector<1x16xf32>
        tpu.vector_store %arg20[%swap3A_457, %swap3A_458], %swap3A_461 {strides = array<i32>} : memref<32x256xf32, #tpu.memory_space<vmem>>, vector<1x16xf32>,
        %get3A_462 = arith.index_cast %scan3A_144 : i32 to index
        %get3A_463 = arith.constant 224 : index
        %get3A_464 = tpu.vector_load %arg17[%get3A_462, %get3A_463] {strides = array<i32>} : memref<32x256xf32, #tpu.memory_space<vmem>>, vector<1x16xf32>,
        %get3A_465 = vector.shape_cast %get3A_464 : vector<1x16xf32> to vector<16xf32>
        %mul3A_466 = arith.mulf %broadcast_in_dim3A, %get3A_465 : vector<16xf32>
        %get3A_467 = arith.index_cast %scan3A_144 : i32 to index
        %get3A_468 = arith.constant 224 : index
        %get3A_469 = tpu.vector_load %arg18[%get3A_467, %get3A_468] {strides = array<i32>} : memref<32x256xf32, #tpu.memory_space<vmem>>, vector<1x16xf32>,
        %get3A_470 = vector.shape_cast %get3A_469 : vector<1x16xf32> to vector<16xf32>
        %mul3A_471 = arith.mulf %broadcast_in_dim3A_151, %get3A_470 : vector<16xf32>
        %add3A_472 = arith.addf %mul3A_466, %mul3A_471 : vector<16xf32>
        %get3A_473 = arith.index_cast %scan3A_144 : i32 to index
        %get3A_474 = arith.constant 224 : index
        %get3A_475 = tpu.vector_load %arg19[%get3A_473, %get3A_474] {strides = array<i32>} : memref<32x256xf32, #tpu.memory_space<vmem>>, vector<1x16xf32>,
        %get3A_476 = vector.shape_cast %get3A_475 : vector<1x16xf32> to vector<16xf32>
        %mul3A_477 = arith.mulf %broadcast_in_dim3A_154, %get3A_476 : vector<16xf32>
        %add3A_478 = arith.addf %add3A_472, %mul3A_477 : vector<16xf32>
        %swap3A_479 = arith.index_cast %scan3A_144 : i32 to index
        %swap3A_480 = arith.constant 224 : index
        %swap3A_481 = tpu.vector_load %arg20[%swap3A_479, %swap3A_480] {strides = array<i32>} : memref<32x256xf32, #tpu.memory_space<vmem>>, vector<1x16xf32>,
        %swap3A_482 = vector.shape_cast %swap3A_481 : vector<1x16xf32> to vector<16xf32>
        %swap3A_483 = vector.shape_cast %add3A_478 : vector<16xf32> to vector<1x16xf32>
        tpu.vector_store %arg20[%swap3A_479, %swap3A_480], %swap3A_483 {strides = array<i32>} : memref<32x256xf32, #tpu.memory_space<vmem>>, vector<1x16xf32>,
        %get3A_484 = arith.index_cast %scan3A_144 : i32 to index
        %get3A_485 = arith.constant 240 : index
        %get3A_486 = tpu.vector_load %arg17[%get3A_484, %get3A_485] {strides = array<i32>} : memref<32x256xf32, #tpu.memory_space<vmem>>, vector<1x16xf32>,
        %get3A_487 = vector.shape_cast %get3A_486 : vector<1x16xf32> to vector<16xf32>
        %mul3A_488 = arith.mulf %broadcast_in_dim3A, %get3A_487 : vector<16xf32>
        %get3A_489 = arith.index_cast %scan3A_144 : i32 to index
        %get3A_490 = arith.constant 240 : index
        %get3A_491 = tpu.vector_load %arg18[%get3A_489, %get3A_490] {strides = array<i32>} : memref<32x256xf32, #tpu.memory_space<vmem>>, vector<1x16xf32>,
        %get3A_492 = vector.shape_cast %get3A_491 : vector<1x16xf32> to vector<16xf32>
        %mul3A_493 = arith.mulf %broadcast_in_dim3A_151, %get3A_492 : vector<16xf32>
        %add3A_494 = arith.addf %mul3A_488, %mul3A_493 : vector<16xf32>
        %get3A_495 = arith.index_cast %scan3A_144 : i32 to index
        %get3A_496 = arith.constant 240 : index
        %get3A_497 = tpu.vector_load %arg19[%get3A_495, %get3A_496] {strides = array<i32>} : memref<32x256xf32, #tpu.memory_space<vmem>>, vector<1x16xf32>,
        %get3A_498 = vector.shape_cast %get3A_497 : vector<1x16xf32> to vector<16xf32>
        %mul3A_499 = arith.mulf %broadcast_in_dim3A_154, %get3A_498 : vector<16xf32>
        %add3A_500 = arith.addf %add3A_494, %mul3A_499 : vector<16xf32>
        %swap3A_501 = arith.index_cast %scan3A_144 : i32 to index
        %swap3A_502 = arith.constant 240 : index
        %swap3A_503 = tpu.vector_load %arg20[%swap3A_501, %swap3A_502] {strides = array<i32>} : memref<32x256xf32, #tpu.memory_space<vmem>>, vector<1x16xf32>,
        %swap3A_504 = vector.shape_cast %swap3A_503 : vector<1x16xf32> to vector<16xf32>
        %swap3A_505 = vector.shape_cast %add3A_500 : vector<16xf32> to vector<1x16xf32>
        tpu.vector_store %arg20[%swap3A_501, %swap3A_502], %swap3A_505 {strides = array<i32>} : memref<32x256xf32, #tpu.memory_space<vmem>>, vector<1x16xf32>,
        %scan3A_506 = arith.constant 0 : i32
        scf.yield %scan3A_506 : i32
      }
      %scan3A_136 = arith.constant 32 : i32
      %mul3A_137 = arith.constant 4096 : i32
      %mul3A_138 = arith.muli %select_n3A, %mul3A_137 : i32
      %add3A_139 = arith.addi %mul3A_138, %mul3A_32 : i32
      %mul3A_140 = arith.constant 32 : i32
      %mul3A_141 = arith.muli %add3A_120, %mul3A_140 : i32
      %add3A_142 = arith.addi %add3A_139, %mul3A_141 : i32
      "tpu.region"() ({
        %run_scoped3A = tpu.sem_alloc : memref<!tpu.dma_semaphore, #tpu.memory_space<semaphore_mem>>
        %dma_start3A_144 = arith.constant 0 : i32
        %dma_start3A_145 = tpu.memref_slice %arg5[%add3A_142, %dma_start3A_144] : memref<32768x256xf32, #tpu.memory_space<hbm>> -> memref<32x256xf32, #tpu.memory_space<hbm>>
        %dma_start3A_146 = arith.constant 0 : i32
        %dma_start3A_147 = tpu.memref_slice %arg5[%add3A_142, %dma_start3A_146] : memref<32768x256xf32, #tpu.memory_space<hbm>> -> memref<32x256xf32, #tpu.memory_space<hbm>>
        tpu.enqueue_dma source(%arg20 : memref<32x256xf32, #tpu.memory_space<vmem>>) target(%dma_start3A_147 : memref<32x256xf32, #tpu.memory_space<hbm>>) target_semaphore(%run_scoped3A : memref<!tpu.dma_semaphore, #tpu.memory_space<semaphore_mem>>)
        %dma_wait3A_148 = arith.constant 0 : i32
        %dma_wait3A_149 = tpu.memref_slice %arg5[%add3A_142, %dma_wait3A_148] : memref<32768x256xf32, #tpu.memory_space<hbm>> -> memref<32x256xf32, #tpu.memory_space<hbm>>
        %dma_wait3A_150 = arith.constant 0 : i32
        %dma_wait3A_151 = tpu.memref_slice %arg5[%add3A_142, %dma_wait3A_150] : memref<32768x256xf32, #tpu.memory_space<hbm>> -> memref<32x256xf32, #tpu.memory_space<hbm>>
        tpu.wait_dma2 semaphore(%run_scoped3A : memref<!tpu.dma_semaphore, #tpu.memory_space<semaphore_mem>>) src(%arg20 : memref<32x256xf32, #tpu.memory_space<vmem>>) dst(%dma_wait3A_151 : memref<32x256xf32, #tpu.memory_space<hbm>>)
        tpu.yield
      }) : () -> ()
      %scan3A_143 = arith.constant 0 : i32
      scf.yield %scan3A_143 : i32
    }
    %scan3A_38 = arith.constant 16 : i32
    return
  }
}

module attributes {stable_mosaic.version = 14 : i64} {
  func.func @_k1_body(%arg0: i32, %arg1: i32, %arg2: memref<1x256x72xf32, #tpu.memory_space<vmem>>, %arg3: memref<1x1024x72xf32, #tpu.memory_space<vmem>>, %arg4: memref<1x256x16xf32, #tpu.memory_space<vmem>>, %arg5: memref<1x8x256xi32, #tpu.memory_space<vmem>>) attributes {dimension_semantics = [#tpu.dimension_semantics<arbitrary>, #tpu.dimension_semantics<arbitrary>], iteration_bounds = array<i64: 8, 16>, scalar_prefetch = 0 : i64, scratch_operands = 0 : i64, tpu.core_type = #tpu.core_type<tc>, window_params = [{transform_indices = @transform_0, window_bounds = array<i64: 1, 256, 72>}, {transform_indices = @transform_1, window_bounds = array<i64: 1, 1024, 72>}, {transform_indices = @transform_2, window_bounds = array<i64: 1, 256, 16>}, {transform_indices = @transform_3, window_bounds = array<i64: 1, 8, 256>}]} {
    %get3A = arith.constant 0 : index
    %get3A_0 = arith.constant 0 : index
    %get3A_1 = arith.constant 0 : index
    %get3A_2 = vector.load %arg2[%get3A, %get3A_0, %get3A_1] : memref<1x256x72xf32, #tpu.memory_space<vmem>>, vector<1x256x72xf32>
    %get3A_3 = vector.shape_cast %get3A_2 : vector<1x256x72xf32> to vector<256x72xf32>
    %get3A_4 = arith.constant 0 : index
    %get3A_5 = arith.constant 0 : index
    %get3A_6 = arith.constant 0 : index
    %get3A_7 = vector.load %arg3[%get3A_4, %get3A_5, %get3A_6] : memref<1x1024x72xf32, #tpu.memory_space<vmem>>, vector<1x1024x72xf32>
    %get3A_8 = vector.shape_cast %get3A_7 : vector<1x1024x72xf32> to vector<1024x72xf32>
    %dot_general3A = arith.constant dense<0.000000e+00> : vector<1024x256xf32>
    %dot_general3A_9 = tpu.matmul %get3A_8, %get3A_3, %dot_general3A {dimension_numbers = #tpu.dot_dimension_numbers<[1], [1], [0], [0], [0, 0, 1, 0], [], []>, transpose_lhs_hint = false} : vector<1024x72xf32>, vector<256x72xf32>, vector<1024x256xf32> -> vector<1024x256xf32>
    %mul3A = arith.mulf %get3A_8, %get3A_8 : vector<1024x72xf32>
    %reduce_sum3A = arith.constant dense<0.000000e+00> : vector<1024xf32>
    %reduce_sum3A_10 = vector.multi_reduction <add>, %mul3A, %reduce_sum3A [1] : vector<1024x72xf32> to vector<1024xf32>
    %broadcast_in_dim3A = vector.shape_cast %reduce_sum3A_10 : vector<1024xf32> to vector<1024x1xf32>
    %broadcast_in_dim3A_11 = arith.constant 1.000000e+00 : f32
    %broadcast_in_dim3A_12 = vector.broadcast %broadcast_in_dim3A_11 : f32 to vector<8x72xf32>
    %mul3A_13 = arith.mulf %get3A_3, %get3A_3 : vector<256x72xf32>
    %dot_general3A_14 = arith.constant dense<0.000000e+00> : vector<8x256xf32>
    %dot_general3A_15 = tpu.matmul %broadcast_in_dim3A_12, %mul3A_13, %dot_general3A_14 {dimension_numbers = #tpu.dot_dimension_numbers<[1], [1], [0], [0], [0, 0, 1, 0], [], []>, transpose_lhs_hint = false} : vector<8x72xf32>, vector<256x72xf32>, vector<8x256xf32> -> vector<8x256xf32>
    %slice3A = vector.extract_strided_slice %dot_general3A_15 {offsets = [0, 0], sizes = [1, 256], strides = [1, 1]} : vector<8x256xf32> to vector<1x256xf32>
    %add3A = vector.broadcast %broadcast_in_dim3A : vector<1024x1xf32> to vector<1024x256xf32>
    %add3A_16 = vector.broadcast %slice3A : vector<1x256xf32> to vector<1024x256xf32>
    %add3A_17 = arith.addf %add3A, %add3A_16 : vector<1024x256xf32>
    %mul3A_18 = arith.constant 2.000000e+00 : f32
    %mul3A_19 = vector.broadcast %mul3A_18 : f32 to vector<1024x256xf32>
    %mul3A_20 = arith.mulf %mul3A_19, %dot_general3A_9 : vector<1024x256xf32>
    %sub3A = arith.subf %add3A_17, %mul3A_20 : vector<1024x256xf32>
    %reduce_min3A = arith.constant dense<0x7F800000> : vector<256xf32>
    %reduce_min3A_21 = vector.multi_reduction <minimumf>, %sub3A, %reduce_min3A [0] : vector<1024x256xf32> to vector<256xf32>
    %broadcast_in_dim3A_22 = vector.shape_cast %reduce_min3A_21 : vector<256xf32> to vector<1x256xf32>
    %eq3A = vector.broadcast %broadcast_in_dim3A_22 : vector<1x256xf32> to vector<1024x256xf32>
    %eq3A_23 = arith.cmpf oeq, %sub3A, %eq3A : vector<1024x256xf32>
    %jit3A = arith.constant 0x7F800000 : f32
    %broadcast_in_dim3A_24 = vector.broadcast %jit3A : f32 to vector<1024x256xf32>
    %select_n3A = arith.select %eq3A_23, %broadcast_in_dim3A_24, %sub3A : vector<1024x256xi1>, vector<1024x256xf32>
    %reduce_min3A_25 = arith.constant dense<0x7F800000> : vector<256xf32>
    %reduce_min3A_26 = vector.multi_reduction <minimumf>, %select_n3A, %reduce_min3A_25 [0] : vector<1024x256xf32> to vector<256xf32>
    %broadcast_in_dim3A_27 = vector.shape_cast %reduce_min3A_26 : vector<256xf32> to vector<1x256xf32>
    %eq3A_28 = vector.broadcast %broadcast_in_dim3A_27 : vector<1x256xf32> to vector<1024x256xf32>
    %eq3A_29 = arith.cmpf oeq, %select_n3A, %eq3A_28 : vector<1024x256xf32>
    %jit3A_30 = arith.constant 0x7F800000 : f32
    %broadcast_in_dim3A_31 = vector.broadcast %jit3A_30 : f32 to vector<1024x256xf32>
    %select_n3A_32 = arith.select %eq3A_29, %broadcast_in_dim3A_31, %select_n3A : vector<1024x256xi1>, vector<1024x256xf32>
    %reduce_min3A_33 = arith.constant dense<0x7F800000> : vector<256xf32>
    %reduce_min3A_34 = vector.multi_reduction <minimumf>, %select_n3A_32, %reduce_min3A_33 [0] : vector<1024x256xf32> to vector<256xf32>
    %broadcast_in_dim3A_35 = vector.shape_cast %reduce_min3A_34 : vector<256xf32> to vector<1x256xf32>
    %eq3A_36 = vector.broadcast %broadcast_in_dim3A_35 : vector<1x256xf32> to vector<1024x256xf32>
    %eq3A_37 = arith.cmpf oeq, %select_n3A_32, %eq3A_36 : vector<1024x256xf32>
    %iota3A = tpu.iota {dimensions = array<i32: 0>} : vector<1024x256xi32>
    %jit3A_38 = arith.constant 1024 : i32
    %broadcast_in_dim3A_39 = vector.broadcast %jit3A_38 : i32 to vector<1024x256xi32>
    %select_n3A_40 = arith.select %eq3A_23, %iota3A, %broadcast_in_dim3A_39 : vector<1024x256xi1>, vector<1024x256xi32>
    %reduce_min3A_41 = arith.constant dense<2147483647> : vector<256xi32>
    %reduce_min3A_42 = vector.multi_reduction <minsi>, %select_n3A_40, %reduce_min3A_41 [0] : vector<1024x256xi32> to vector<256xi32>
    %broadcast_in_dim3A_43 = vector.shape_cast %reduce_min3A_42 : vector<256xi32> to vector<1x256xi32>
    %jit3A_44 = arith.constant 1024 : i32
    %broadcast_in_dim3A_45 = vector.broadcast %jit3A_44 : i32 to vector<1024x256xi32>
    %select_n3A_46 = arith.select %eq3A_29, %iota3A, %broadcast_in_dim3A_45 : vector<1024x256xi1>, vector<1024x256xi32>
    %reduce_min3A_47 = arith.constant dense<2147483647> : vector<256xi32>
    %reduce_min3A_48 = vector.multi_reduction <minsi>, %select_n3A_46, %reduce_min3A_47 [0] : vector<1024x256xi32> to vector<256xi32>
    %broadcast_in_dim3A_49 = vector.shape_cast %reduce_min3A_48 : vector<256xi32> to vector<1x256xi32>
    %jit3A_50 = arith.constant 1024 : i32
    %broadcast_in_dim3A_51 = vector.broadcast %jit3A_50 : i32 to vector<1024x256xi32>
    %select_n3A_52 = arith.select %eq3A_37, %iota3A, %broadcast_in_dim3A_51 : vector<1024x256xi1>, vector<1024x256xi32>
    %reduce_min3A_53 = arith.constant dense<2147483647> : vector<256xi32>
    %reduce_min3A_54 = vector.multi_reduction <minsi>, %select_n3A_52, %reduce_min3A_53 [0] : vector<1024x256xi32> to vector<256xi32>
    %broadcast_in_dim3A_55 = vector.shape_cast %reduce_min3A_54 : vector<256xi32> to vector<1x256xi32>
    %add3A_56 = arith.constant 9.99999993E-9 : f32
    %add3A_57 = vector.broadcast %add3A_56 : f32 to vector<1x256xf32>
    %add3A_58 = arith.addf %broadcast_in_dim3A_22, %add3A_57 : vector<1x256xf32>
    %div3A = arith.constant 1.000000e+00 : f32
    %div3A_59 = vector.broadcast %div3A : f32 to vector<1x256xf32>
    %div3A_60 = arith.divf %div3A_59, %add3A_58 : vector<1x256xf32>
    %add3A_61 = arith.constant 9.99999993E-9 : f32
    %add3A_62 = vector.broadcast %add3A_61 : f32 to vector<1x256xf32>
    %add3A_63 = arith.addf %broadcast_in_dim3A_27, %add3A_62 : vector<1x256xf32>
    %div3A_64 = arith.constant 1.000000e+00 : f32
    %div3A_65 = vector.broadcast %div3A_64 : f32 to vector<1x256xf32>
    %div3A_66 = arith.divf %div3A_65, %add3A_63 : vector<1x256xf32>
    %add3A_67 = arith.constant 9.99999993E-9 : f32
    %add3A_68 = vector.broadcast %add3A_67 : f32 to vector<1x256xf32>
    %add3A_69 = arith.addf %broadcast_in_dim3A_35, %add3A_68 : vector<1x256xf32>
    %div3A_70 = arith.constant 1.000000e+00 : f32
    %div3A_71 = vector.broadcast %div3A_70 : f32 to vector<1x256xf32>
    %div3A_72 = arith.divf %div3A_71, %add3A_69 : vector<1x256xf32>
    %add3A_73 = arith.addf %div3A_60, %div3A_66 : vector<1x256xf32>
    %add3A_74 = arith.addf %add3A_73, %div3A_72 : vector<1x256xf32>
    %broadcast_in_dim3A_75 = arith.constant 0.000000e+00 : f32
    %broadcast_in_dim3A_76 = vector.broadcast %broadcast_in_dim3A_75 : f32 to vector<5x256xf32>
    %div3A_77 = arith.divf %div3A_60, %add3A_74 : vector<1x256xf32>
    %div3A_78 = arith.divf %div3A_66, %add3A_74 : vector<1x256xf32>
    %div3A_79 = arith.divf %div3A_72, %add3A_74 : vector<1x256xf32>
    %concatenate3A = tpu.concatenate %div3A_77, %div3A_78, %div3A_79, %broadcast_in_dim3A_76 in 0 : vector<1x256xf32>, vector<1x256xf32>, vector<1x256xf32>, vector<5x256xf32> -> vector<8x256xf32>
    %iota3A_80 = tpu.iota {dimensions = array<i32: 0>} : vector<8x16xi32>
    %iota3A_81 = tpu.iota {dimensions = array<i32: 1>} : vector<8x16xi32>
    %add3A_82 = arith.constant 0 : i32
    %add3A_83 = vector.broadcast %add3A_82 : i32 to vector<8x16xi32>
    %add3A_84 = arith.addi %iota3A_80, %add3A_83 : vector<8x16xi32>
    %eq3A_85 = arith.cmpi eq, %add3A_84, %iota3A_81 : vector<8x16xi32>
    %convert_element_type3A = arith.extui %eq3A_85 : vector<8x16xi1> to vector<8x16xi32>
    %convert_element_type3A_86 = arith.sitofp %convert_element_type3A : vector<8x16xi32> to vector<8x16xf32>
    %dot_general3A_87 = arith.constant dense<0.000000e+00> : vector<256x16xf32>
    %dot_general3A_88 = tpu.matmul %concatenate3A, %convert_element_type3A_86, %dot_general3A_87 {dimension_numbers = #tpu.dot_dimension_numbers<[0], [0], [1], [1], [0, 1, 1, 1], [], []>, transpose_lhs_hint = false} : vector<8x256xf32>, vector<8x16xf32>, vector<256x16xf32> -> vector<256x16xf32>
    %swap3A = arith.constant 0 : index
    %swap3A_89 = arith.constant 0 : index
    %swap3A_90 = arith.constant 0 : index
    %swap3A_91 = vector.load %arg4[%swap3A, %swap3A_89, %swap3A_90] : memref<1x256x16xf32, #tpu.memory_space<vmem>>, vector<1x256x16xf32>
    %swap3A_92 = vector.shape_cast %swap3A_91 : vector<1x256x16xf32> to vector<256x16xf32>
    %swap3A_93 = vector.shape_cast %dot_general3A_88 : vector<256x16xf32> to vector<1x256x16xf32>
    tpu.vector_store %arg4[%swap3A, %swap3A_89, %swap3A_90], %swap3A_93 {strides = array<i32>} : memref<1x256x16xf32, #tpu.memory_space<vmem>>, vector<1x256x16xf32>,
    %add3A_94 = arith.constant 8 : i32
    %add3A_95 = arith.addi %arg0, %add3A_94 : i32
    %mul3A_96 = arith.constant 1024 : i32
    %mul3A_97 = arith.muli %add3A_95, %mul3A_96 : i32
    %broadcast_in_dim3A_98 = arith.constant 0 : i32
    %broadcast_in_dim3A_99 = vector.broadcast %broadcast_in_dim3A_98 : i32 to vector<5x256xi32>
    %add3A_100 = vector.broadcast %mul3A_97 : i32 to vector<1x256xi32>
    %add3A_101 = arith.addi %broadcast_in_dim3A_43, %add3A_100 : vector<1x256xi32>
    %add3A_102 = vector.broadcast %mul3A_97 : i32 to vector<1x256xi32>
    %add3A_103 = arith.addi %broadcast_in_dim3A_49, %add3A_102 : vector<1x256xi32>
    %add3A_104 = vector.broadcast %mul3A_97 : i32 to vector<1x256xi32>
    %add3A_105 = arith.addi %broadcast_in_dim3A_55, %add3A_104 : vector<1x256xi32>
    %concatenate3A_106 = tpu.concatenate %add3A_101, %add3A_103, %add3A_105, %broadcast_in_dim3A_99 in 0 : vector<1x256xi32>, vector<1x256xi32>, vector<1x256xi32>, vector<5x256xi32> -> vector<8x256xi32>
    %swap3A_107 = arith.constant 0 : index
    %swap3A_108 = arith.constant 0 : index
    %swap3A_109 = arith.constant 0 : index
    %swap3A_110 = vector.load %arg5[%swap3A_107, %swap3A_108, %swap3A_109] : memref<1x8x256xi32, #tpu.memory_space<vmem>>, vector<1x8x256xi32>
    %swap3A_111 = vector.shape_cast %swap3A_110 : vector<1x8x256xi32> to vector<8x256xi32>
    %swap3A_112 = vector.shape_cast %concatenate3A_106 : vector<8x256xi32> to vector<1x8x256xi32>
    tpu.vector_store %arg5[%swap3A_107, %swap3A_108, %swap3A_109], %swap3A_112 {strides = array<i32>} : memref<1x8x256xi32, #tpu.memory_space<vmem>>, vector<1x8x256xi32>,
    return
  }
  func.func @transform_0(%arg0: i32, %arg1: i32) -> (i32, i32, i32) {
    %add3A = arith.constant 8 : i32
    %add3A_0 = arith.addi %arg0, %add3A : i32
    %c0_i32 = arith.constant 0 : i32
    %c0_i32_1 = arith.constant 0 : i32
    return %add3A_0, %arg1, %c0_i32 : i32, i32, i32
  }
  func.func @transform_1(%arg0: i32, %arg1: i32) -> (i32, i32, i32) {
    %add3A = arith.constant 8 : i32
    %add3A_0 = arith.addi %arg0, %add3A : i32
    %c0_i32 = arith.constant 0 : i32
    %c0_i32_1 = arith.constant 0 : i32
    %c0_i32_2 = arith.constant 0 : i32
    return %add3A_0, %c0_i32, %c0_i32_1 : i32, i32, i32
  }
  func.func @transform_2(%arg0: i32, %arg1: i32) -> (i32, i32, i32) {
    %c0_i32 = arith.constant 0 : i32
    %c0_i32_0 = arith.constant 0 : i32
    return %arg0, %arg1, %c0_i32 : i32, i32, i32
  }
  func.func @transform_3(%arg0: i32, %arg1: i32) -> (i32, i32, i32) {
    %c0_i32 = arith.constant 0 : i32
    %c0_i32_0 = arith.constant 0 : i32
    return %arg0, %c0_i32, %arg1 : i32, i32, i32
  }
}

module attributes {stable_mosaic.version = 14 : i64} {
  func.func @_k1_body(%arg0: i32, %arg1: i32, %arg2: memref<1x256x72xf32, #tpu.memory_space<vmem>>, %arg3: memref<1x1024x72xf32, #tpu.memory_space<vmem>>, %arg4: memref<1x256x16xf32, #tpu.memory_space<vmem>>, %arg5: memref<1x8x256xi32, #tpu.memory_space<vmem>>) attributes {dimension_semantics = [#tpu.dimension_semantics<arbitrary>, #tpu.dimension_semantics<arbitrary>], iteration_bounds = array<i64: 8, 16>, scalar_prefetch = 0 : i64, scratch_operands = 0 : i64, tpu.core_type = #tpu.core_type<tc>, window_params = [{transform_indices = @transform_0, window_bounds = array<i64: 1, 256, 72>}, {transform_indices = @transform_1, window_bounds = array<i64: 1, 1024, 72>}, {transform_indices = @transform_2, window_bounds = array<i64: 1, 256, 16>}, {transform_indices = @transform_3, window_bounds = array<i64: 1, 8, 256>}]} {
    %get3A = arith.constant 0 : index
    %get3A_0 = arith.constant 0 : index
    %get3A_1 = arith.constant 0 : index
    %get3A_2 = vector.load %arg2[%get3A, %get3A_0, %get3A_1] : memref<1x256x72xf32, #tpu.memory_space<vmem>>, vector<1x256x72xf32>
    %get3A_3 = vector.shape_cast %get3A_2 : vector<1x256x72xf32> to vector<256x72xf32>
    %get3A_4 = arith.constant 0 : index
    %get3A_5 = arith.constant 0 : index
    %get3A_6 = arith.constant 0 : index
    %get3A_7 = vector.load %arg3[%get3A_4, %get3A_5, %get3A_6] : memref<1x1024x72xf32, #tpu.memory_space<vmem>>, vector<1x1024x72xf32>
    %get3A_8 = vector.shape_cast %get3A_7 : vector<1x1024x72xf32> to vector<1024x72xf32>
    %dot_general3A = arith.constant dense<0.000000e+00> : vector<1024x256xf32>
    %dot_general3A_9 = tpu.matmul %get3A_8, %get3A_3, %dot_general3A {dimension_numbers = #tpu.dot_dimension_numbers<[1], [1], [0], [0], [0, 0, 1, 0], [], []>, transpose_lhs_hint = false} : vector<1024x72xf32>, vector<256x72xf32>, vector<1024x256xf32> -> vector<1024x256xf32>
    %mul3A = arith.mulf %get3A_8, %get3A_8 : vector<1024x72xf32>
    %reduce_sum3A = arith.constant dense<0.000000e+00> : vector<1024xf32>
    %reduce_sum3A_10 = vector.multi_reduction <add>, %mul3A, %reduce_sum3A [1] : vector<1024x72xf32> to vector<1024xf32>
    %broadcast_in_dim3A = vector.shape_cast %reduce_sum3A_10 : vector<1024xf32> to vector<1024x1xf32>
    %broadcast_in_dim3A_11 = arith.constant 1.000000e+00 : f32
    %broadcast_in_dim3A_12 = vector.broadcast %broadcast_in_dim3A_11 : f32 to vector<8x72xf32>
    %mul3A_13 = arith.mulf %get3A_3, %get3A_3 : vector<256x72xf32>
    %dot_general3A_14 = arith.constant dense<0.000000e+00> : vector<8x256xf32>
    %dot_general3A_15 = tpu.matmul %broadcast_in_dim3A_12, %mul3A_13, %dot_general3A_14 {dimension_numbers = #tpu.dot_dimension_numbers<[1], [1], [0], [0], [0, 0, 1, 0], [], []>, transpose_lhs_hint = false} : vector<8x72xf32>, vector<256x72xf32>, vector<8x256xf32> -> vector<8x256xf32>
    %slice3A = vector.extract_strided_slice %dot_general3A_15 {offsets = [0, 0], sizes = [1, 256], strides = [1, 1]} : vector<8x256xf32> to vector<1x256xf32>
    %add3A = vector.broadcast %broadcast_in_dim3A : vector<1024x1xf32> to vector<1024x256xf32>
    %add3A_16 = vector.broadcast %slice3A : vector<1x256xf32> to vector<1024x256xf32>
    %add3A_17 = arith.addf %add3A, %add3A_16 : vector<1024x256xf32>
    %mul3A_18 = arith.constant 2.000000e+00 : f32
    %mul3A_19 = vector.broadcast %mul3A_18 : f32 to vector<1024x256xf32>
    %mul3A_20 = arith.mulf %mul3A_19, %dot_general3A_9 : vector<1024x256xf32>
    %sub3A = arith.subf %add3A_17, %mul3A_20 : vector<1024x256xf32>
    %reduce_min3A = arith.constant dense<0x7F800000> : vector<256xf32>
    %reduce_min3A_21 = vector.multi_reduction <minimumf>, %sub3A, %reduce_min3A [0] : vector<1024x256xf32> to vector<256xf32>
    %broadcast_in_dim3A_22 = vector.shape_cast %reduce_min3A_21 : vector<256xf32> to vector<1x256xf32>
    %eq3A = vector.broadcast %broadcast_in_dim3A_22 : vector<1x256xf32> to vector<1024x256xf32>
    %eq3A_23 = arith.cmpf oeq, %sub3A, %eq3A : vector<1024x256xf32>
    %jit3A = arith.constant 0x7F800000 : f32
    %broadcast_in_dim3A_24 = vector.broadcast %jit3A : f32 to vector<1024x256xf32>
    %select_n3A = arith.select %eq3A_23, %broadcast_in_dim3A_24, %sub3A : vector<1024x256xi1>, vector<1024x256xf32>
    %reduce_min3A_25 = arith.constant dense<0x7F800000> : vector<256xf32>
    %reduce_min3A_26 = vector.multi_reduction <minimumf>, %select_n3A, %reduce_min3A_25 [0] : vector<1024x256xf32> to vector<256xf32>
    %broadcast_in_dim3A_27 = vector.shape_cast %reduce_min3A_26 : vector<256xf32> to vector<1x256xf32>
    %eq3A_28 = vector.broadcast %broadcast_in_dim3A_27 : vector<1x256xf32> to vector<1024x256xf32>
    %eq3A_29 = arith.cmpf oeq, %select_n3A, %eq3A_28 : vector<1024x256xf32>
    %jit3A_30 = arith.constant 0x7F800000 : f32
    %broadcast_in_dim3A_31 = vector.broadcast %jit3A_30 : f32 to vector<1024x256xf32>
    %select_n3A_32 = arith.select %eq3A_29, %broadcast_in_dim3A_31, %select_n3A : vector<1024x256xi1>, vector<1024x256xf32>
    %reduce_min3A_33 = arith.constant dense<0x7F800000> : vector<256xf32>
    %reduce_min3A_34 = vector.multi_reduction <minimumf>, %select_n3A_32, %reduce_min3A_33 [0] : vector<1024x256xf32> to vector<256xf32>
    %broadcast_in_dim3A_35 = vector.shape_cast %reduce_min3A_34 : vector<256xf32> to vector<1x256xf32>
    %eq3A_36 = vector.broadcast %broadcast_in_dim3A_35 : vector<1x256xf32> to vector<1024x256xf32>
    %eq3A_37 = arith.cmpf oeq, %select_n3A_32, %eq3A_36 : vector<1024x256xf32>
    %iota3A = tpu.iota {dimensions = array<i32: 0>} : vector<1024x256xi32>
    %jit3A_38 = arith.constant 1024 : i32
    %broadcast_in_dim3A_39 = vector.broadcast %jit3A_38 : i32 to vector<1024x256xi32>
    %select_n3A_40 = arith.select %eq3A_23, %iota3A, %broadcast_in_dim3A_39 : vector<1024x256xi1>, vector<1024x256xi32>
    %reduce_min3A_41 = arith.constant dense<2147483647> : vector<256xi32>
    %reduce_min3A_42 = vector.multi_reduction <minsi>, %select_n3A_40, %reduce_min3A_41 [0] : vector<1024x256xi32> to vector<256xi32>
    %broadcast_in_dim3A_43 = vector.shape_cast %reduce_min3A_42 : vector<256xi32> to vector<1x256xi32>
    %jit3A_44 = arith.constant 1024 : i32
    %broadcast_in_dim3A_45 = vector.broadcast %jit3A_44 : i32 to vector<1024x256xi32>
    %select_n3A_46 = arith.select %eq3A_29, %iota3A, %broadcast_in_dim3A_45 : vector<1024x256xi1>, vector<1024x256xi32>
    %reduce_min3A_47 = arith.constant dense<2147483647> : vector<256xi32>
    %reduce_min3A_48 = vector.multi_reduction <minsi>, %select_n3A_46, %reduce_min3A_47 [0] : vector<1024x256xi32> to vector<256xi32>
    %broadcast_in_dim3A_49 = vector.shape_cast %reduce_min3A_48 : vector<256xi32> to vector<1x256xi32>
    %jit3A_50 = arith.constant 1024 : i32
    %broadcast_in_dim3A_51 = vector.broadcast %jit3A_50 : i32 to vector<1024x256xi32>
    %select_n3A_52 = arith.select %eq3A_37, %iota3A, %broadcast_in_dim3A_51 : vector<1024x256xi1>, vector<1024x256xi32>
    %reduce_min3A_53 = arith.constant dense<2147483647> : vector<256xi32>
    %reduce_min3A_54 = vector.multi_reduction <minsi>, %select_n3A_52, %reduce_min3A_53 [0] : vector<1024x256xi32> to vector<256xi32>
    %broadcast_in_dim3A_55 = vector.shape_cast %reduce_min3A_54 : vector<256xi32> to vector<1x256xi32>
    %add3A_56 = arith.constant 9.99999993E-9 : f32
    %add3A_57 = vector.broadcast %add3A_56 : f32 to vector<1x256xf32>
    %add3A_58 = arith.addf %broadcast_in_dim3A_22, %add3A_57 : vector<1x256xf32>
    %div3A = arith.constant 1.000000e+00 : f32
    %div3A_59 = vector.broadcast %div3A : f32 to vector<1x256xf32>
    %div3A_60 = arith.divf %div3A_59, %add3A_58 : vector<1x256xf32>
    %add3A_61 = arith.constant 9.99999993E-9 : f32
    %add3A_62 = vector.broadcast %add3A_61 : f32 to vector<1x256xf32>
    %add3A_63 = arith.addf %broadcast_in_dim3A_27, %add3A_62 : vector<1x256xf32>
    %div3A_64 = arith.constant 1.000000e+00 : f32
    %div3A_65 = vector.broadcast %div3A_64 : f32 to vector<1x256xf32>
    %div3A_66 = arith.divf %div3A_65, %add3A_63 : vector<1x256xf32>
    %add3A_67 = arith.constant 9.99999993E-9 : f32
    %add3A_68 = vector.broadcast %add3A_67 : f32 to vector<1x256xf32>
    %add3A_69 = arith.addf %broadcast_in_dim3A_35, %add3A_68 : vector<1x256xf32>
    %div3A_70 = arith.constant 1.000000e+00 : f32
    %div3A_71 = vector.broadcast %div3A_70 : f32 to vector<1x256xf32>
    %div3A_72 = arith.divf %div3A_71, %add3A_69 : vector<1x256xf32>
    %add3A_73 = arith.addf %div3A_60, %div3A_66 : vector<1x256xf32>
    %add3A_74 = arith.addf %add3A_73, %div3A_72 : vector<1x256xf32>
    %broadcast_in_dim3A_75 = arith.constant 0.000000e+00 : f32
    %broadcast_in_dim3A_76 = vector.broadcast %broadcast_in_dim3A_75 : f32 to vector<5x256xf32>
    %div3A_77 = arith.divf %div3A_60, %add3A_74 : vector<1x256xf32>
    %div3A_78 = arith.divf %div3A_66, %add3A_74 : vector<1x256xf32>
    %div3A_79 = arith.divf %div3A_72, %add3A_74 : vector<1x256xf32>
    %concatenate3A = tpu.concatenate %div3A_77, %div3A_78, %div3A_79, %broadcast_in_dim3A_76 in 0 : vector<1x256xf32>, vector<1x256xf32>, vector<1x256xf32>, vector<5x256xf32> -> vector<8x256xf32>
    %iota3A_80 = tpu.iota {dimensions = array<i32: 0>} : vector<8x16xi32>
    %iota3A_81 = tpu.iota {dimensions = array<i32: 1>} : vector<8x16xi32>
    %add3A_82 = arith.constant 0 : i32
    %add3A_83 = vector.broadcast %add3A_82 : i32 to vector<8x16xi32>
    %add3A_84 = arith.addi %iota3A_80, %add3A_83 : vector<8x16xi32>
    %eq3A_85 = arith.cmpi eq, %add3A_84, %iota3A_81 : vector<8x16xi32>
    %convert_element_type3A = arith.extui %eq3A_85 : vector<8x16xi1> to vector<8x16xi32>
    %convert_element_type3A_86 = arith.sitofp %convert_element_type3A : vector<8x16xi32> to vector<8x16xf32>
    %dot_general3A_87 = arith.constant dense<0.000000e+00> : vector<256x16xf32>
    %dot_general3A_88 = tpu.matmul %concatenate3A, %convert_element_type3A_86, %dot_general3A_87 {dimension_numbers = #tpu.dot_dimension_numbers<[0], [0], [1], [1], [0, 1, 1, 1], [], []>, transpose_lhs_hint = false} : vector<8x256xf32>, vector<8x16xf32>, vector<256x16xf32> -> vector<256x16xf32>
    %swap3A = arith.constant 0 : index
    %swap3A_89 = arith.constant 0 : index
    %swap3A_90 = arith.constant 0 : index
    %swap3A_91 = vector.load %arg4[%swap3A, %swap3A_89, %swap3A_90] : memref<1x256x16xf32, #tpu.memory_space<vmem>>, vector<1x256x16xf32>
    %swap3A_92 = vector.shape_cast %swap3A_91 : vector<1x256x16xf32> to vector<256x16xf32>
    %swap3A_93 = vector.shape_cast %dot_general3A_88 : vector<256x16xf32> to vector<1x256x16xf32>
    tpu.vector_store %arg4[%swap3A, %swap3A_89, %swap3A_90], %swap3A_93 {strides = array<i32>} : memref<1x256x16xf32, #tpu.memory_space<vmem>>, vector<1x256x16xf32>,
    %add3A_94 = arith.constant 0 : i32
    %add3A_95 = arith.addi %arg0, %add3A_94 : i32
    %mul3A_96 = arith.constant 1024 : i32
    %mul3A_97 = arith.muli %add3A_95, %mul3A_96 : i32
    %broadcast_in_dim3A_98 = arith.constant 0 : i32
    %broadcast_in_dim3A_99 = vector.broadcast %broadcast_in_dim3A_98 : i32 to vector<5x256xi32>
    %add3A_100 = vector.broadcast %mul3A_97 : i32 to vector<1x256xi32>
    %add3A_101 = arith.addi %broadcast_in_dim3A_43, %add3A_100 : vector<1x256xi32>
    %add3A_102 = vector.broadcast %mul3A_97 : i32 to vector<1x256xi32>
    %add3A_103 = arith.addi %broadcast_in_dim3A_49, %add3A_102 : vector<1x256xi32>
    %add3A_104 = vector.broadcast %mul3A_97 : i32 to vector<1x256xi32>
    %add3A_105 = arith.addi %broadcast_in_dim3A_55, %add3A_104 : vector<1x256xi32>
    %concatenate3A_106 = tpu.concatenate %add3A_101, %add3A_103, %add3A_105, %broadcast_in_dim3A_99 in 0 : vector<1x256xi32>, vector<1x256xi32>, vector<1x256xi32>, vector<5x256xi32> -> vector<8x256xi32>
    %swap3A_107 = arith.constant 0 : index
    %swap3A_108 = arith.constant 0 : index
    %swap3A_109 = arith.constant 0 : index
    %swap3A_110 = vector.load %arg5[%swap3A_107, %swap3A_108, %swap3A_109] : memref<1x8x256xi32, #tpu.memory_space<vmem>>, vector<1x8x256xi32>
    %swap3A_111 = vector.shape_cast %swap3A_110 : vector<1x8x256xi32> to vector<8x256xi32>
    %swap3A_112 = vector.shape_cast %concatenate3A_106 : vector<8x256xi32> to vector<1x8x256xi32>
    tpu.vector_store %arg5[%swap3A_107, %swap3A_108, %swap3A_109], %swap3A_112 {strides = array<i32>} : memref<1x8x256xi32, #tpu.memory_space<vmem>>, vector<1x8x256xi32>,
    return
  }
  func.func @transform_0(%arg0: i32, %arg1: i32) -> (i32, i32, i32) {
    %add3A = arith.constant 0 : i32
    %add3A_0 = arith.addi %arg0, %add3A : i32
    %c0_i32 = arith.constant 0 : i32
    %c0_i32_1 = arith.constant 0 : i32
    return %add3A_0, %arg1, %c0_i32 : i32, i32, i32
  }
  func.func @transform_1(%arg0: i32, %arg1: i32) -> (i32, i32, i32) {
    %add3A = arith.constant 0 : i32
    %add3A_0 = arith.addi %arg0, %add3A : i32
    %c0_i32 = arith.constant 0 : i32
    %c0_i32_1 = arith.constant 0 : i32
    %c0_i32_2 = arith.constant 0 : i32
    return %add3A_0, %c0_i32, %c0_i32_1 : i32, i32, i32
  }
  func.func @transform_2(%arg0: i32, %arg1: i32) -> (i32, i32, i32) {
    %c0_i32 = arith.constant 0 : i32
    %c0_i32_0 = arith.constant 0 : i32
    return %arg0, %arg1, %c0_i32 : i32, i32, i32
  }
  func.func @transform_3(%arg0: i32, %arg1: i32) -> (i32, i32, i32) {
    %c0_i32 = arith.constant 0 : i32
    %c0_i32_0 = arith.constant 0 : i32
    return %arg0, %c0_i32, %arg1 : i32, i32, i32
  }
}

module attributes {stable_mosaic.version = 14 : i64} {
  func.func @_k2_body(%arg0: i32, %arg1: i32, %arg2: memref<1x256x256xf32, #tpu.memory_space<vmem>>, %arg3: memref<1x128x256xbf16, #tpu.memory_space<vmem>>, %arg4: memref<256x128xbf16, #tpu.memory_space<vmem>>, %arg5: memref<256x256xbf16, #tpu.memory_space<vmem>>, %arg6: memref<1x256x256xbf16, #tpu.memory_space<vmem>>, %arg7: memref<256x2xf32, #tpu.memory_space<vmem>>) attributes {dimension_semantics = [#tpu.dimension_semantics<arbitrary>, #tpu.dimension_semantics<arbitrary>], iteration_bounds = array<i64: 8, 16>, scalar_prefetch = 0 : i64, scratch_operands = 0 : i64, tpu.core_type = #tpu.core_type<tc>, window_params = [{transform_indices = @transform_0, window_bounds = array<i64: 1, 256, 256>}, {transform_indices = @transform_1, window_bounds = array<i64: 1, 128, 256>}, {pipeline_mode = #tpu.pipeline_mode<synchronous>, transform_indices = @transform_2, window_bounds = array<i64: 256, 128>}, {pipeline_mode = #tpu.pipeline_mode<synchronous>, transform_indices = @transform_3, window_bounds = array<i64: 256, 256>}, {transform_indices = @transform_4, window_bounds = array<i64: 1, 256, 256>}, {pipeline_mode = #tpu.pipeline_mode<synchronous>, transform_indices = @transform_5, window_bounds = array<i64: 256, 2>}]} {
    %get3A = arith.constant 0 : index
    %get3A_0 = arith.constant 0 : index
    %get3A_1 = arith.constant 0 : index
    %get3A_2 = vector.load %arg2[%get3A, %get3A_0, %get3A_1] : memref<1x256x256xf32, #tpu.memory_space<vmem>>, vector<1x256x256xf32>
    %get3A_3 = vector.shape_cast %get3A_2 : vector<1x256x256xf32> to vector<256x256xf32>
    %convert_element_type3A = arith.truncf %get3A_3 : vector<256x256xf32> to vector<256x256xbf16>
    %get3A_4 = arith.constant 0 : index
    %get3A_5 = arith.constant 0 : index
    %get3A_6 = vector.load %arg5[%get3A_4, %get3A_5] : memref<256x256xbf16, #tpu.memory_space<vmem>>, vector<256x256xbf16>
    %dot_general3A = arith.constant dense<0.000000e+00> : vector<256x256xf32>
    %dot_general3A_7 = tpu.matmul %get3A_6, %convert_element_type3A, %dot_general3A {dimension_numbers = #tpu.dot_dimension_numbers<[1], [1], [0], [0], [0, 0, 1, 0], [], []>, transpose_lhs_hint = false} : vector<256x256xbf16>, vector<256x256xbf16>, vector<256x256xf32> -> vector<256x256xf32>
    %get3A_8 = arith.constant 0 : index
    %get3A_9 = arith.constant 0 : index
    %get3A_10 = vector.load %arg4[%get3A_8, %get3A_9] : memref<256x128xbf16, #tpu.memory_space<vmem>>, vector<256x128xbf16>
    %get3A_11 = arith.constant 0 : index
    %get3A_12 = arith.constant 0 : index
    %get3A_13 = arith.constant 0 : index
    %get3A_14 = vector.load %arg3[%get3A_11, %get3A_12, %get3A_13] : memref<1x128x256xbf16, #tpu.memory_space<vmem>>, vector<1x128x256xbf16>
    %get3A_15 = vector.shape_cast %get3A_14 : vector<1x128x256xbf16> to vector<128x256xbf16>
    %dot_general3A_16 = arith.constant dense<0.000000e+00> : vector<256x256xf32>
    %dot_general3A_17 = tpu.matmul %get3A_10, %get3A_15, %dot_general3A_16 {dimension_numbers = #tpu.dot_dimension_numbers<[1], [0], [0], [1], [0, 0, 1, 1], [], []>, transpose_lhs_hint = false} : vector<256x128xbf16>, vector<128x256xbf16>, vector<256x256xf32> -> vector<256x256xf32>
    %add3A = arith.addf %dot_general3A_7, %dot_general3A_17 : vector<256x256xf32>
    %convert_element_type3A_18 = arith.truncf %add3A : vector<256x256xf32> to vector<256x256xbf16>
    %swap3A = arith.constant 0 : index
    %swap3A_19 = arith.constant 0 : index
    %swap3A_20 = arith.constant 0 : index
    %swap3A_21 = vector.load %arg6[%swap3A, %swap3A_19, %swap3A_20] : memref<1x256x256xbf16, #tpu.memory_space<vmem>>, vector<1x256x256xbf16>
    %swap3A_22 = vector.shape_cast %swap3A_21 : vector<1x256x256xbf16> to vector<256x256xbf16>
    %swap3A_23 = vector.shape_cast %convert_element_type3A_18 : vector<256x256xbf16> to vector<1x256x256xbf16>
    tpu.vector_store %arg6[%swap3A, %swap3A_19, %swap3A_20], %swap3A_23 {strides = array<i32>} : memref<1x256x256xbf16, #tpu.memory_space<vmem>>, vector<1x256x256xbf16>,
    %reduce_sum3A = arith.constant dense<0.000000e+00> : vector<256xf32>
    %reduce_sum3A_24 = vector.multi_reduction <add>, %add3A, %reduce_sum3A [1] : vector<256x256xf32> to vector<256xf32>
    %broadcast_in_dim3A = vector.shape_cast %reduce_sum3A_24 : vector<256xf32> to vector<256x1xf32>
    %mul3A = arith.mulf %add3A, %add3A : vector<256x256xf32>
    %reduce_sum3A_25 = arith.constant dense<0.000000e+00> : vector<256xf32>
    %reduce_sum3A_26 = vector.multi_reduction <add>, %mul3A, %reduce_sum3A_25 [1] : vector<256x256xf32> to vector<256xf32>
    %broadcast_in_dim3A_27 = vector.shape_cast %reduce_sum3A_26 : vector<256xf32> to vector<256x1xf32>
    %concatenate3A = tpu.concatenate %broadcast_in_dim3A, %broadcast_in_dim3A_27 in 1 : vector<256x1xf32>, vector<256x1xf32> -> vector<256x2xf32>
    %eq3A = arith.constant 0 : i32
    %eq3A_28 = arith.cmpi eq, %arg0, %eq3A : i32
    %eq3A_29 = arith.constant 0 : i32
    %eq3A_30 = arith.cmpi eq, %arg1, %eq3A_29 : i32
    %and3A = arith.andi %eq3A_28, %eq3A_30 : i1
    %convert_element_type3A_31 = arith.extui %and3A : i1 to i32
    %cond3A = arith.constant 0 : i32
    %cond3A_32 = arith.cmpi ne, %convert_element_type3A_31, %cond3A : i32
    scf.if %cond3A_32 {
      %swap3A_37 = arith.constant 0 : index
      %swap3A_38 = arith.constant 0 : index
      %swap3A_39 = vector.load %arg7[%swap3A_37, %swap3A_38] : memref<256x2xf32, #tpu.memory_space<vmem>>, vector<256x2xf32>
      tpu.vector_store %arg7[%swap3A_37, %swap3A_38], %concatenate3A {strides = array<i32>} : memref<256x2xf32, #tpu.memory_space<vmem>>, vector<256x2xf32>,
    } else {
    }
    %not3A = arith.constant true
    %not3A_33 = arith.xori %and3A, %not3A : i1
    %convert_element_type3A_34 = arith.extui %not3A_33 : i1 to i32
    %cond3A_35 = arith.constant 0 : i32
    %cond3A_36 = arith.cmpi ne, %convert_element_type3A_34, %cond3A_35 : i32
    scf.if %cond3A_36 {
      %get3A_37 = arith.constant 0 : index
      %get3A_38 = arith.constant 0 : index
      %get3A_39 = vector.load %arg7[%get3A_37, %get3A_38] : memref<256x2xf32, #tpu.memory_space<vmem>>, vector<256x2xf32>
      %add3A_40 = arith.addf %get3A_39, %concatenate3A : vector<256x2xf32>
      %swap3A_41 = arith.constant 0 : index
      %swap3A_42 = arith.constant 0 : index
      %swap3A_43 = vector.load %arg7[%swap3A_41, %swap3A_42] : memref<256x2xf32, #tpu.memory_space<vmem>>, vector<256x2xf32>
      tpu.vector_store %arg7[%swap3A_41, %swap3A_42], %add3A_40 {strides = array<i32>} : memref<256x2xf32, #tpu.memory_space<vmem>>, vector<256x2xf32>,
    } else {
    }
    return
  }
  func.func @transform_0(%arg0: i32, %arg1: i32) -> (i32, i32, i32) {
    %c0_i32 = arith.constant 0 : i32
    %c0_i32_0 = arith.constant 0 : i32
    return %arg0, %arg1, %c0_i32 : i32, i32, i32
  }
  func.func @transform_1(%arg0: i32, %arg1: i32) -> (i32, i32, i32) {
    %add3A = arith.constant 8 : i32
    %add3A_0 = arith.addi %arg0, %add3A : i32
    %c0_i32 = arith.constant 0 : i32
    %c0_i32_1 = arith.constant 0 : i32
    return %add3A_0, %c0_i32, %arg1 : i32, i32, i32
  }
  func.func @transform_2(%arg0: i32, %arg1: i32) -> (i32, i32) {
    %c0_i32 = arith.constant 0 : i32
    %c0_i32_0 = arith.constant 0 : i32
    %c0_i32_1 = arith.constant 0 : i32
    return %c0_i32, %c0_i32_0 : i32, i32
  }
  func.func @transform_3(%arg0: i32, %arg1: i32) -> (i32, i32) {
    %c0_i32 = arith.constant 0 : i32
    %c0_i32_0 = arith.constant 0 : i32
    %c0_i32_1 = arith.constant 0 : i32
    return %c0_i32, %c0_i32_0 : i32, i32
  }
  func.func @transform_4(%arg0: i32, %arg1: i32) -> (i32, i32, i32) {
    %c0_i32 = arith.constant 0 : i32
    %c0_i32_0 = arith.constant 0 : i32
    return %arg0, %c0_i32, %arg1 : i32, i32, i32
  }
  func.func @transform_5(%arg0: i32, %arg1: i32) -> (i32, i32) {
    %c0_i32 = arith.constant 0 : i32
    %c0_i32_0 = arith.constant 0 : i32
    %c0_i32_1 = arith.constant 0 : i32
    return %c0_i32, %c0_i32_0 : i32, i32
  }
}

module attributes {stable_mosaic.version = 14 : i64} {
  func.func @_k3_body(%arg0: i32, %arg1: i32, %arg2: memref<1x256x256xbf16, #tpu.memory_space<vmem>>, %arg3: memref<1x256x256xbf16, #tpu.memory_space<vmem>>, %arg4: memref<256x2xf32, #tpu.memory_space<vmem>>, %arg5: memref<256x1xf32, #tpu.memory_space<vmem>>, %arg6: memref<256x1xf32, #tpu.memory_space<vmem>>, %arg7: memref<256x256xbf16, #tpu.memory_space<vmem>>, %arg8: memref<1x256x256xbf16, #tpu.memory_space<vmem>>, %arg9: memref<256x2xf32, #tpu.memory_space<vmem>>) attributes {dimension_semantics = [#tpu.dimension_semantics<arbitrary>, #tpu.dimension_semantics<arbitrary>], iteration_bounds = array<i64: 16, 16>, scalar_prefetch = 0 : i64, scratch_operands = 0 : i64, tpu.core_type = #tpu.core_type<tc>, window_params = [{transform_indices = @transform_0, window_bounds = array<i64: 1, 256, 256>}, {transform_indices = @transform_1, window_bounds = array<i64: 1, 256, 256>}, {pipeline_mode = #tpu.pipeline_mode<synchronous>, transform_indices = @transform_2, window_bounds = array<i64: 256, 2>}, {pipeline_mode = #tpu.pipeline_mode<synchronous>, transform_indices = @transform_3, window_bounds = array<i64: 256, 1>}, {pipeline_mode = #tpu.pipeline_mode<synchronous>, transform_indices = @transform_4, window_bounds = array<i64: 256, 1>}, {pipeline_mode = #tpu.pipeline_mode<synchronous>, transform_indices = @transform_5, window_bounds = array<i64: 256, 256>}, {transform_indices = @transform_6, window_bounds = array<i64: 1, 256, 256>}, {pipeline_mode = #tpu.pipeline_mode<synchronous>, transform_indices = @transform_7, window_bounds = array<i64: 256, 2>}]} {
    %get3A = arith.constant 0 : index
    %get3A_0 = arith.constant 0 : index
    %get3A_1 = vector.load %arg4[%get3A, %get3A_0] : memref<256x2xf32, #tpu.memory_space<vmem>>, vector<256x1xf32>
    %get3A_2 = arith.constant 0 : index
    %get3A_3 = arith.constant 1 : index
    %get3A_4 = vector.load %arg4[%get3A_2, %get3A_3] : memref<256x2xf32, #tpu.memory_space<vmem>>, vector<256x1xf32>
    %div3A = arith.constant 6.553600e+04 : f32
    %div3A_5 = vector.broadcast %div3A : f32 to vector<256x1xf32>
    %div3A_6 = arith.divf %get3A_1, %div3A_5 : vector<256x1xf32>
    %div3A_7 = arith.constant 6.553600e+04 : f32
    %div3A_8 = vector.broadcast %div3A_7 : f32 to vector<256x1xf32>
    %div3A_9 = arith.divf %get3A_4, %div3A_8 : vector<256x1xf32>
    %mul3A = arith.mulf %div3A_6, %div3A_6 : vector<256x1xf32>
    %sub3A = arith.subf %div3A_9, %mul3A : vector<256x1xf32>
    %get3A_10 = arith.constant 0 : index
    %get3A_11 = arith.constant 0 : index
    %get3A_12 = vector.load %arg5[%get3A_10, %get3A_11] : memref<256x1xf32, #tpu.memory_space<vmem>>, vector<256x1xf32>
    %add3A = arith.constant 9.99999974E-6 : f32
    %add3A_13 = vector.broadcast %add3A : f32 to vector<256x1xf32>
    %add3A_14 = arith.addf %sub3A, %add3A_13 : vector<256x1xf32>
    %rsqrt3A = math.rsqrt %add3A_14 : vector<256x1xf32>
    %mul3A_15 = arith.mulf %get3A_12, %rsqrt3A : vector<256x1xf32>
    %get3A_16 = arith.constant 0 : index
    %get3A_17 = arith.constant 0 : index
    %get3A_18 = vector.load %arg6[%get3A_16, %get3A_17] : memref<256x1xf32, #tpu.memory_space<vmem>>, vector<256x1xf32>
    %mul3A_19 = arith.mulf %div3A_6, %mul3A_15 : vector<256x1xf32>
    %sub3A_20 = arith.subf %get3A_18, %mul3A_19 : vector<256x1xf32>
    %lt3A = arith.constant 8 : i32
    %lt3A_21 = arith.cmpi slt, %arg0, %lt3A : i32
    %get3A_22 = arith.constant 0 : index
    %get3A_23 = arith.constant 0 : index
    %get3A_24 = arith.constant 0 : index
    %get3A_25 = vector.load %arg2[%get3A_22, %get3A_23, %get3A_24] : memref<1x256x256xbf16, #tpu.memory_space<vmem>>, vector<1x256x256xbf16>
    %get3A_26 = vector.shape_cast %get3A_25 : vector<1x256x256xbf16> to vector<256x256xbf16>
    %get3A_27 = arith.constant 0 : index
    %get3A_28 = arith.constant 0 : index
    %get3A_29 = arith.constant 0 : index
    %get3A_30 = vector.load %arg3[%get3A_27, %get3A_28, %get3A_29] : memref<1x256x256xbf16, #tpu.memory_space<vmem>>, vector<1x256x256xbf16>
    %get3A_31 = vector.shape_cast %get3A_30 : vector<1x256x256xbf16> to vector<256x256xbf16>
    %select_n3A = arith.select %lt3A_21, %get3A_26, %get3A_31 : vector<256x256xbf16>
    %convert_element_type3A = arith.extf %select_n3A : vector<256x256xbf16> to vector<256x256xf32>
    %mul3A_32 = vector.broadcast %mul3A_15 : vector<256x1xf32> to vector<256x256xf32>
    %mul3A_33 = arith.mulf %convert_element_type3A, %mul3A_32 : vector<256x256xf32>
    %add3A_34 = vector.broadcast %sub3A_20 : vector<256x1xf32> to vector<256x256xf32>
    %add3A_35 = arith.addf %mul3A_33, %add3A_34 : vector<256x256xf32>
    %max3A = arith.constant 0.000000e+00 : f32
    %max3A_36 = vector.broadcast %max3A : f32 to vector<256x256xf32>
    %max3A_37 = arith.maximumf %add3A_35, %max3A_36 : vector<256x256xf32>
    %convert_element_type3A_38 = arith.truncf %max3A_37 : vector<256x256xf32> to vector<256x256xbf16>
    %get3A_39 = arith.constant 0 : index
    %get3A_40 = arith.constant 0 : index
    %get3A_41 = vector.load %arg7[%get3A_39, %get3A_40] : memref<256x256xbf16, #tpu.memory_space<vmem>>, vector<256x256xbf16>
    %dot_general3A = arith.constant dense<0.000000e+00> : vector<256x256xf32>
    %dot_general3A_42 = tpu.matmul %get3A_41, %convert_element_type3A_38, %dot_general3A {dimension_numbers = #tpu.dot_dimension_numbers<[1], [0], [0], [1], [0, 0, 1, 1], [], []>, transpose_lhs_hint = false} : vector<256x256xbf16>, vector<256x256xbf16>, vector<256x256xf32> -> vector<256x256xf32>
    %convert_element_type3A_43 = arith.truncf %dot_general3A_42 : vector<256x256xf32> to vector<256x256xbf16>
    %swap3A = arith.constant 0 : index
    %swap3A_44 = arith.constant 0 : index
    %swap3A_45 = arith.constant 0 : index
    %swap3A_46 = vector.load %arg8[%swap3A, %swap3A_44, %swap3A_45] : memref<1x256x256xbf16, #tpu.memory_space<vmem>>, vector<1x256x256xbf16>
    %swap3A_47 = vector.shape_cast %swap3A_46 : vector<1x256x256xbf16> to vector<256x256xbf16>
    %swap3A_48 = vector.shape_cast %convert_element_type3A_43 : vector<256x256xbf16> to vector<1x256x256xbf16>
    tpu.vector_store %arg8[%swap3A, %swap3A_44, %swap3A_45], %swap3A_48 {strides = array<i32>} : memref<1x256x256xbf16, #tpu.memory_space<vmem>>, vector<1x256x256xbf16>,
    %reduce_sum3A = arith.constant dense<0.000000e+00> : vector<256xf32>
    %reduce_sum3A_49 = vector.multi_reduction <add>, %dot_general3A_42, %reduce_sum3A [1] : vector<256x256xf32> to vector<256xf32>
    %broadcast_in_dim3A = vector.shape_cast %reduce_sum3A_49 : vector<256xf32> to vector<256x1xf32>
    %mul3A_50 = arith.mulf %dot_general3A_42, %dot_general3A_42 : vector<256x256xf32>
    %reduce_sum3A_51 = arith.constant dense<0.000000e+00> : vector<256xf32>
    %reduce_sum3A_52 = vector.multi_reduction <add>, %mul3A_50, %reduce_sum3A_51 [1] : vector<256x256xf32> to vector<256xf32>
    %broadcast_in_dim3A_53 = vector.shape_cast %reduce_sum3A_52 : vector<256xf32> to vector<256x1xf32>
    %concatenate3A = tpu.concatenate %broadcast_in_dim3A, %broadcast_in_dim3A_53 in 1 : vector<256x1xf32>, vector<256x1xf32> -> vector<256x2xf32>
    %eq3A = arith.constant 0 : i32
    %eq3A_54 = arith.cmpi eq, %arg0, %eq3A : i32
    %eq3A_55 = arith.constant 0 : i32
    %eq3A_56 = arith.cmpi eq, %arg1, %eq3A_55 : i32
    %and3A = arith.andi %eq3A_54, %eq3A_56 : i1
    %convert_element_type3A_57 = arith.extui %and3A : i1 to i32
    %cond3A = arith.constant 0 : i32
    %cond3A_58 = arith.cmpi ne, %convert_element_type3A_57, %cond3A : i32
    scf.if %cond3A_58 {
      %swap3A_63 = arith.constant 0 : index
      %swap3A_64 = arith.constant 0 : index
      %swap3A_65 = vector.load %arg9[%swap3A_63, %swap3A_64] : memref<256x2xf32, #tpu.memory_space<vmem>>, vector<256x2xf32>
      tpu.vector_store %arg9[%swap3A_63, %swap3A_64], %concatenate3A {strides = array<i32>} : memref<256x2xf32, #tpu.memory_space<vmem>>, vector<256x2xf32>,
    } else {
    }
    %not3A = arith.constant true
    %not3A_59 = arith.xori %and3A, %not3A : i1
    %convert_element_type3A_60 = arith.extui %not3A_59 : i1 to i32
    %cond3A_61 = arith.constant 0 : i32
    %cond3A_62 = arith.cmpi ne, %convert_element_type3A_60, %cond3A_61 : i32
    scf.if %cond3A_62 {
      %get3A_63 = arith.constant 0 : index
      %get3A_64 = arith.constant 0 : index
      %get3A_65 = vector.load %arg9[%get3A_63, %get3A_64] : memref<256x2xf32, #tpu.memory_space<vmem>>, vector<256x2xf32>
      %add3A_66 = arith.addf %get3A_65, %concatenate3A : vector<256x2xf32>
      %swap3A_67 = arith.constant 0 : index
      %swap3A_68 = arith.constant 0 : index
      %swap3A_69 = vector.load %arg9[%swap3A_67, %swap3A_68] : memref<256x2xf32, #tpu.memory_space<vmem>>, vector<256x2xf32>
      tpu.vector_store %arg9[%swap3A_67, %swap3A_68], %add3A_66 {strides = array<i32>} : memref<256x2xf32, #tpu.memory_space<vmem>>, vector<256x2xf32>,
    } else {
    }
    return
  }
  func.func @transform_0(%arg0: i32, %arg1: i32) -> (i32, i32, i32) {
    %jit3A = arith.constant 8 : i32
    %eq3A = arith.constant 0 : i32
    %eq3A_0 = arith.cmpi eq, %jit3A, %eq3A : i32
    %jit3A_1 = arith.constant 1 : i32
    %select_n3A = arith.select %eq3A_0, %jit3A_1, %jit3A : i32
    %rem3A = arith.remsi %arg0, %select_n3A : i32
    %ne3A = arith.constant 0 : i32
    %ne3A_2 = arith.cmpi ne, %rem3A, %ne3A : i32
    %lt3A = arith.constant 0 : i32
    %lt3A_3 = arith.cmpi slt, %rem3A, %lt3A : i32
    %lt3A_4 = arith.constant 0 : i32
    %lt3A_5 = arith.cmpi slt, %select_n3A, %lt3A_4 : i32
    %ne3A_6 = arith.xori %lt3A_3, %lt3A_5 : i1
    %and3A = arith.andi %ne3A_6, %ne3A_2 : i1
    %add3A = arith.addi %rem3A, %select_n3A : i32
    %select_n3A_7 = arith.select %and3A, %add3A, %rem3A : i32
    %c0_i32 = arith.constant 0 : i32
    %c0_i32_8 = arith.constant 0 : i32
    return %select_n3A_7, %c0_i32, %arg1 : i32, i32, i32
  }
  func.func @transform_1(%arg0: i32, %arg1: i32) -> (i32, i32, i32) {
    %jit3A = arith.constant 8 : i32
    %eq3A = arith.constant 0 : i32
    %eq3A_0 = arith.cmpi eq, %jit3A, %eq3A : i32
    %jit3A_1 = arith.constant 1 : i32
    %select_n3A = arith.select %eq3A_0, %jit3A_1, %jit3A : i32
    %rem3A = arith.remsi %arg0, %select_n3A : i32
    %ne3A = arith.constant 0 : i32
    %ne3A_2 = arith.cmpi ne, %rem3A, %ne3A : i32
    %lt3A = arith.constant 0 : i32
    %lt3A_3 = arith.cmpi slt, %rem3A, %lt3A : i32
    %lt3A_4 = arith.constant 0 : i32
    %lt3A_5 = arith.cmpi slt, %select_n3A, %lt3A_4 : i32
    %ne3A_6 = arith.xori %lt3A_3, %lt3A_5 : i1
    %and3A = arith.andi %ne3A_6, %ne3A_2 : i1
    %add3A = arith.addi %rem3A, %select_n3A : i32
    %select_n3A_7 = arith.select %and3A, %add3A, %rem3A : i32
    %c0_i32 = arith.constant 0 : i32
    %c0_i32_8 = arith.constant 0 : i32
    return %select_n3A_7, %c0_i32, %arg1 : i32, i32, i32
  }
  func.func @transform_2(%arg0: i32, %arg1: i32) -> (i32, i32) {
    %c0_i32 = arith.constant 0 : i32
    %c0_i32_0 = arith.constant 0 : i32
    %c0_i32_1 = arith.constant 0 : i32
    return %c0_i32, %c0_i32_0 : i32, i32
  }
  func.func @transform_3(%arg0: i32, %arg1: i32) -> (i32, i32) {
    %c0_i32 = arith.constant 0 : i32
    %c0_i32_0 = arith.constant 0 : i32
    %c0_i32_1 = arith.constant 0 : i32
    return %c0_i32, %c0_i32_0 : i32, i32
  }
  func.func @transform_4(%arg0: i32, %arg1: i32) -> (i32, i32) {
    %c0_i32 = arith.constant 0 : i32
    %c0_i32_0 = arith.constant 0 : i32
    %c0_i32_1 = arith.constant 0 : i32
    return %c0_i32, %c0_i32_0 : i32, i32
  }
  func.func @transform_5(%arg0: i32, %arg1: i32) -> (i32, i32) {
    %c0_i32 = arith.constant 0 : i32
    %c0_i32_0 = arith.constant 0 : i32
    %c0_i32_1 = arith.constant 0 : i32
    return %c0_i32, %c0_i32_0 : i32, i32
  }
  func.func @transform_6(%arg0: i32, %arg1: i32) -> (i32, i32, i32) {
    %c0_i32 = arith.constant 0 : i32
    %c0_i32_0 = arith.constant 0 : i32
    return %arg0, %c0_i32, %arg1 : i32, i32, i32
  }
  func.func @transform_7(%arg0: i32, %arg1: i32) -> (i32, i32) {
    %c0_i32 = arith.constant 0 : i32
    %c0_i32_0 = arith.constant 0 : i32
    %c0_i32_1 = arith.constant 0 : i32
    return %c0_i32, %c0_i32_0 : i32, i32
  }
}

module attributes {stable_mosaic.version = 14 : i64} {
  func.func @_k4_body(%arg0: i32, %arg1: i32, %arg2: memref<1x256x256xbf16, #tpu.memory_space<vmem>>, %arg3: memref<256x2xf32, #tpu.memory_space<vmem>>, %arg4: memref<256x1xf32, #tpu.memory_space<vmem>>, %arg5: memref<256x1xf32, #tpu.memory_space<vmem>>, %arg6: memref<1x256x256xf32, #tpu.memory_space<vmem>>) attributes {dimension_semantics = [#tpu.dimension_semantics<arbitrary>, #tpu.dimension_semantics<arbitrary>], iteration_bounds = array<i64: 16, 16>, scalar_prefetch = 0 : i64, scratch_operands = 0 : i64, tpu.core_type = #tpu.core_type<tc>, window_params = [{transform_indices = @transform_0, window_bounds = array<i64: 1, 256, 256>}, {pipeline_mode = #tpu.pipeline_mode<synchronous>, transform_indices = @transform_1, window_bounds = array<i64: 256, 2>}, {pipeline_mode = #tpu.pipeline_mode<synchronous>, transform_indices = @transform_2, window_bounds = array<i64: 256, 1>}, {pipeline_mode = #tpu.pipeline_mode<synchronous>, transform_indices = @transform_3, window_bounds = array<i64: 256, 1>}, {transform_indices = @transform_4, window_bounds = array<i64: 1, 256, 256>}]} {
    %get3A = arith.constant 0 : index
    %get3A_0 = arith.constant 0 : index
    %get3A_1 = vector.load %arg3[%get3A, %get3A_0] : memref<256x2xf32, #tpu.memory_space<vmem>>, vector<256x1xf32>
    %get3A_2 = arith.constant 0 : index
    %get3A_3 = arith.constant 1 : index
    %get3A_4 = vector.load %arg3[%get3A_2, %get3A_3] : memref<256x2xf32, #tpu.memory_space<vmem>>, vector<256x1xf32>
    %div3A = arith.constant 6.553600e+04 : f32
    %div3A_5 = vector.broadcast %div3A : f32 to vector<256x1xf32>
    %div3A_6 = arith.divf %get3A_1, %div3A_5 : vector<256x1xf32>
    %div3A_7 = arith.constant 6.553600e+04 : f32
    %div3A_8 = vector.broadcast %div3A_7 : f32 to vector<256x1xf32>
    %div3A_9 = arith.divf %get3A_4, %div3A_8 : vector<256x1xf32>
    %mul3A = arith.mulf %div3A_6, %div3A_6 : vector<256x1xf32>
    %sub3A = arith.subf %div3A_9, %mul3A : vector<256x1xf32>
    %get3A_10 = arith.constant 0 : index
    %get3A_11 = arith.constant 0 : index
    %get3A_12 = vector.load %arg4[%get3A_10, %get3A_11] : memref<256x1xf32, #tpu.memory_space<vmem>>, vector<256x1xf32>
    %add3A = arith.constant 9.99999974E-6 : f32
    %add3A_13 = vector.broadcast %add3A : f32 to vector<256x1xf32>
    %add3A_14 = arith.addf %sub3A, %add3A_13 : vector<256x1xf32>
    %rsqrt3A = math.rsqrt %add3A_14 : vector<256x1xf32>
    %mul3A_15 = arith.mulf %get3A_12, %rsqrt3A : vector<256x1xf32>
    %get3A_16 = arith.constant 0 : index
    %get3A_17 = arith.constant 0 : index
    %get3A_18 = vector.load %arg5[%get3A_16, %get3A_17] : memref<256x1xf32, #tpu.memory_space<vmem>>, vector<256x1xf32>
    %mul3A_19 = arith.mulf %div3A_6, %mul3A_15 : vector<256x1xf32>
    %sub3A_20 = arith.subf %get3A_18, %mul3A_19 : vector<256x1xf32>
    %get3A_21 = arith.constant 0 : index
    %get3A_22 = arith.constant 0 : index
    %get3A_23 = arith.constant 0 : index
    %get3A_24 = vector.load %arg2[%get3A_21, %get3A_22, %get3A_23] : memref<1x256x256xbf16, #tpu.memory_space<vmem>>, vector<1x256x256xbf16>
    %get3A_25 = vector.shape_cast %get3A_24 : vector<1x256x256xbf16> to vector<256x256xbf16>
    %convert_element_type3A = arith.extf %get3A_25 : vector<256x256xbf16> to vector<256x256xf32>
    %mul3A_26 = vector.broadcast %mul3A_15 : vector<256x1xf32> to vector<256x256xf32>
    %mul3A_27 = arith.mulf %convert_element_type3A, %mul3A_26 : vector<256x256xf32>
    %add3A_28 = vector.broadcast %sub3A_20 : vector<256x1xf32> to vector<256x256xf32>
    %add3A_29 = arith.addf %mul3A_27, %add3A_28 : vector<256x256xf32>
    %max3A = arith.constant 0.000000e+00 : f32
    %max3A_30 = vector.broadcast %max3A : f32 to vector<256x256xf32>
    %max3A_31 = arith.maximumf %add3A_29, %max3A_30 : vector<256x256xf32>
    %swap3A = arith.constant 0 : index
    %swap3A_32 = arith.constant 0 : index
    %swap3A_33 = arith.constant 0 : index
    %swap3A_34 = vector.load %arg6[%swap3A, %swap3A_32, %swap3A_33] : memref<1x256x256xf32, #tpu.memory_space<vmem>>, vector<1x256x256xf32>
    %swap3A_35 = vector.shape_cast %swap3A_34 : vector<1x256x256xf32> to vector<256x256xf32>
    %swap3A_36 = vector.shape_cast %max3A_31 : vector<256x256xf32> to vector<1x256x256xf32>
    tpu.vector_store %arg6[%swap3A, %swap3A_32, %swap3A_33], %swap3A_36 {strides = array<i32>} : memref<1x256x256xf32, #tpu.memory_space<vmem>>, vector<1x256x256xf32>,
    return
  }
  func.func @transform_0(%arg0: i32, %arg1: i32) -> (i32, i32, i32) {
    %c0_i32 = arith.constant 0 : i32
    %c0_i32_0 = arith.constant 0 : i32
    return %arg0, %c0_i32, %arg1 : i32, i32, i32
  }
  func.func @transform_1(%arg0: i32, %arg1: i32) -> (i32, i32) {
    %c0_i32 = arith.constant 0 : i32
    %c0_i32_0 = arith.constant 0 : i32
    %c0_i32_1 = arith.constant 0 : i32
    return %c0_i32, %c0_i32_0 : i32, i32
  }
  func.func @transform_2(%arg0: i32, %arg1: i32) -> (i32, i32) {
    %c0_i32 = arith.constant 0 : i32
    %c0_i32_0 = arith.constant 0 : i32
    %c0_i32_1 = arith.constant 0 : i32
    return %c0_i32, %c0_i32_0 : i32, i32
  }
  func.func @transform_3(%arg0: i32, %arg1: i32) -> (i32, i32) {
    %c0_i32 = arith.constant 0 : i32
    %c0_i32_0 = arith.constant 0 : i32
    %c0_i32_1 = arith.constant 0 : i32
    return %c0_i32, %c0_i32_0 : i32, i32
  }
  func.func @transform_4(%arg0: i32, %arg1: i32) -> (i32, i32, i32) {
    %c0_i32 = arith.constant 0 : i32
    %c0_i32_0 = arith.constant 0 : i32
    return %arg0, %c0_i32, %arg1 : i32, i32, i32
  }
}

module attributes {stable_mosaic.version = 14 : i64} {
  func.func @_k2_body(%arg0: i32, %arg1: i32, %arg2: memref<1x256x256xf32, #tpu.memory_space<vmem>>, %arg3: memref<1x128x256xbf16, #tpu.memory_space<vmem>>, %arg4: memref<256x128xbf16, #tpu.memory_space<vmem>>, %arg5: memref<256x256xbf16, #tpu.memory_space<vmem>>, %arg6: memref<1x256x256xbf16, #tpu.memory_space<vmem>>, %arg7: memref<256x2xf32, #tpu.memory_space<vmem>>) attributes {dimension_semantics = [#tpu.dimension_semantics<arbitrary>, #tpu.dimension_semantics<arbitrary>], iteration_bounds = array<i64: 8, 16>, scalar_prefetch = 0 : i64, scratch_operands = 0 : i64, tpu.core_type = #tpu.core_type<tc>, window_params = [{transform_indices = @transform_0, window_bounds = array<i64: 1, 256, 256>}, {transform_indices = @transform_1, window_bounds = array<i64: 1, 128, 256>}, {pipeline_mode = #tpu.pipeline_mode<synchronous>, transform_indices = @transform_2, window_bounds = array<i64: 256, 128>}, {pipeline_mode = #tpu.pipeline_mode<synchronous>, transform_indices = @transform_3, window_bounds = array<i64: 256, 256>}, {transform_indices = @transform_4, window_bounds = array<i64: 1, 256, 256>}, {pipeline_mode = #tpu.pipeline_mode<synchronous>, transform_indices = @transform_5, window_bounds = array<i64: 256, 2>}]} {
    %get3A = arith.constant 0 : index
    %get3A_0 = arith.constant 0 : index
    %get3A_1 = arith.constant 0 : index
    %get3A_2 = vector.load %arg2[%get3A, %get3A_0, %get3A_1] : memref<1x256x256xf32, #tpu.memory_space<vmem>>, vector<1x256x256xf32>
    %get3A_3 = vector.shape_cast %get3A_2 : vector<1x256x256xf32> to vector<256x256xf32>
    %convert_element_type3A = arith.truncf %get3A_3 : vector<256x256xf32> to vector<256x256xbf16>
    %get3A_4 = arith.constant 0 : index
    %get3A_5 = arith.constant 0 : index
    %get3A_6 = vector.load %arg5[%get3A_4, %get3A_5] : memref<256x256xbf16, #tpu.memory_space<vmem>>, vector<256x256xbf16>
    %dot_general3A = arith.constant dense<0.000000e+00> : vector<256x256xf32>
    %dot_general3A_7 = tpu.matmul %get3A_6, %convert_element_type3A, %dot_general3A {dimension_numbers = #tpu.dot_dimension_numbers<[1], [1], [0], [0], [0, 0, 1, 0], [], []>, transpose_lhs_hint = false} : vector<256x256xbf16>, vector<256x256xbf16>, vector<256x256xf32> -> vector<256x256xf32>
    %get3A_8 = arith.constant 0 : index
    %get3A_9 = arith.constant 0 : index
    %get3A_10 = vector.load %arg4[%get3A_8, %get3A_9] : memref<256x128xbf16, #tpu.memory_space<vmem>>, vector<256x128xbf16>
    %get3A_11 = arith.constant 0 : index
    %get3A_12 = arith.constant 0 : index
    %get3A_13 = arith.constant 0 : index
    %get3A_14 = vector.load %arg3[%get3A_11, %get3A_12, %get3A_13] : memref<1x128x256xbf16, #tpu.memory_space<vmem>>, vector<1x128x256xbf16>
    %get3A_15 = vector.shape_cast %get3A_14 : vector<1x128x256xbf16> to vector<128x256xbf16>
    %dot_general3A_16 = arith.constant dense<0.000000e+00> : vector<256x256xf32>
    %dot_general3A_17 = tpu.matmul %get3A_10, %get3A_15, %dot_general3A_16 {dimension_numbers = #tpu.dot_dimension_numbers<[1], [0], [0], [1], [0, 0, 1, 1], [], []>, transpose_lhs_hint = false} : vector<256x128xbf16>, vector<128x256xbf16>, vector<256x256xf32> -> vector<256x256xf32>
    %add3A = arith.addf %dot_general3A_7, %dot_general3A_17 : vector<256x256xf32>
    %convert_element_type3A_18 = arith.truncf %add3A : vector<256x256xf32> to vector<256x256xbf16>
    %swap3A = arith.constant 0 : index
    %swap3A_19 = arith.constant 0 : index
    %swap3A_20 = arith.constant 0 : index
    %swap3A_21 = vector.load %arg6[%swap3A, %swap3A_19, %swap3A_20] : memref<1x256x256xbf16, #tpu.memory_space<vmem>>, vector<1x256x256xbf16>
    %swap3A_22 = vector.shape_cast %swap3A_21 : vector<1x256x256xbf16> to vector<256x256xbf16>
    %swap3A_23 = vector.shape_cast %convert_element_type3A_18 : vector<256x256xbf16> to vector<1x256x256xbf16>
    tpu.vector_store %arg6[%swap3A, %swap3A_19, %swap3A_20], %swap3A_23 {strides = array<i32>} : memref<1x256x256xbf16, #tpu.memory_space<vmem>>, vector<1x256x256xbf16>,
    %reduce_sum3A = arith.constant dense<0.000000e+00> : vector<256xf32>
    %reduce_sum3A_24 = vector.multi_reduction <add>, %add3A, %reduce_sum3A [1] : vector<256x256xf32> to vector<256xf32>
    %broadcast_in_dim3A = vector.shape_cast %reduce_sum3A_24 : vector<256xf32> to vector<256x1xf32>
    %mul3A = arith.mulf %add3A, %add3A : vector<256x256xf32>
    %reduce_sum3A_25 = arith.constant dense<0.000000e+00> : vector<256xf32>
    %reduce_sum3A_26 = vector.multi_reduction <add>, %mul3A, %reduce_sum3A_25 [1] : vector<256x256xf32> to vector<256xf32>
    %broadcast_in_dim3A_27 = vector.shape_cast %reduce_sum3A_26 : vector<256xf32> to vector<256x1xf32>
    %concatenate3A = tpu.concatenate %broadcast_in_dim3A, %broadcast_in_dim3A_27 in 1 : vector<256x1xf32>, vector<256x1xf32> -> vector<256x2xf32>
    %eq3A = arith.constant 0 : i32
    %eq3A_28 = arith.cmpi eq, %arg0, %eq3A : i32
    %eq3A_29 = arith.constant 0 : i32
    %eq3A_30 = arith.cmpi eq, %arg1, %eq3A_29 : i32
    %and3A = arith.andi %eq3A_28, %eq3A_30 : i1
    %convert_element_type3A_31 = arith.extui %and3A : i1 to i32
    %cond3A = arith.constant 0 : i32
    %cond3A_32 = arith.cmpi ne, %convert_element_type3A_31, %cond3A : i32
    scf.if %cond3A_32 {
      %swap3A_37 = arith.constant 0 : index
      %swap3A_38 = arith.constant 0 : index
      %swap3A_39 = vector.load %arg7[%swap3A_37, %swap3A_38] : memref<256x2xf32, #tpu.memory_space<vmem>>, vector<256x2xf32>
      tpu.vector_store %arg7[%swap3A_37, %swap3A_38], %concatenate3A {strides = array<i32>} : memref<256x2xf32, #tpu.memory_space<vmem>>, vector<256x2xf32>,
    } else {
    }
    %not3A = arith.constant true
    %not3A_33 = arith.xori %and3A, %not3A : i1
    %convert_element_type3A_34 = arith.extui %not3A_33 : i1 to i32
    %cond3A_35 = arith.constant 0 : i32
    %cond3A_36 = arith.cmpi ne, %convert_element_type3A_34, %cond3A_35 : i32
    scf.if %cond3A_36 {
      %get3A_37 = arith.constant 0 : index
      %get3A_38 = arith.constant 0 : index
      %get3A_39 = vector.load %arg7[%get3A_37, %get3A_38] : memref<256x2xf32, #tpu.memory_space<vmem>>, vector<256x2xf32>
      %add3A_40 = arith.addf %get3A_39, %concatenate3A : vector<256x2xf32>
      %swap3A_41 = arith.constant 0 : index
      %swap3A_42 = arith.constant 0 : index
      %swap3A_43 = vector.load %arg7[%swap3A_41, %swap3A_42] : memref<256x2xf32, #tpu.memory_space<vmem>>, vector<256x2xf32>
      tpu.vector_store %arg7[%swap3A_41, %swap3A_42], %add3A_40 {strides = array<i32>} : memref<256x2xf32, #tpu.memory_space<vmem>>, vector<256x2xf32>,
    } else {
    }
    return
  }
  func.func @transform_0(%arg0: i32, %arg1: i32) -> (i32, i32, i32) {
    %c0_i32 = arith.constant 0 : i32
    %c0_i32_0 = arith.constant 0 : i32
    return %arg0, %arg1, %c0_i32 : i32, i32, i32
  }
  func.func @transform_1(%arg0: i32, %arg1: i32) -> (i32, i32, i32) {
    %add3A = arith.constant 0 : i32
    %add3A_0 = arith.addi %arg0, %add3A : i32
    %c0_i32 = arith.constant 0 : i32
    %c0_i32_1 = arith.constant 0 : i32
    return %add3A_0, %c0_i32, %arg1 : i32, i32, i32
  }
  func.func @transform_2(%arg0: i32, %arg1: i32) -> (i32, i32) {
    %c0_i32 = arith.constant 0 : i32
    %c0_i32_0 = arith.constant 0 : i32
    %c0_i32_1 = arith.constant 0 : i32
    return %c0_i32, %c0_i32_0 : i32, i32
  }
  func.func @transform_3(%arg0: i32, %arg1: i32) -> (i32, i32) {
    %c0_i32 = arith.constant 0 : i32
    %c0_i32_0 = arith.constant 0 : i32
    %c0_i32_1 = arith.constant 0 : i32
    return %c0_i32, %c0_i32_0 : i32, i32
  }
  func.func @transform_4(%arg0: i32, %arg1: i32) -> (i32, i32, i32) {
    %c0_i32 = arith.constant 0 : i32
    %c0_i32_0 = arith.constant 0 : i32
    return %arg0, %c0_i32, %arg1 : i32, i32, i32
  }
  func.func @transform_5(%arg0: i32, %arg1: i32) -> (i32, i32) {
    %c0_i32 = arith.constant 0 : i32
    %c0_i32_0 = arith.constant 0 : i32
    %c0_i32_1 = arith.constant 0 : i32
    return %c0_i32, %c0_i32_0 : i32, i32
  }
}

</mosaic_0001>

<sc_bundles>
// kernel: kernel.10.cloned.1.call-start
scs
__scs_entry_jumppad:
0x0: {  	(pc) =	sbr.rel $0x88, $3  }
0x1: {  	(tag) =	ssettag $0x0;
	lr =	simm.s32 $0x1  }
0x2: {  	[smem:$0x3F95] =	sst lr;
	_ =	strace $0xD0000000  }
0x3: {  	_ = 	snop  }
0x4: {  	_ = 	snop  }
0x5: {  	_ = 	snop  }
0x6: {  	_ = 	snop  }
0x7: {  	_ = 	snop  }
__scs_overlays_trampoline_lowered:
0x8: {  	[smem:$0x3FA4] =	sst s0  }
0x9: {  	[smem:$0x3FA5] =	sst s1  }
0xa: {  	[smem:$0x3FA6] =	sst s2  }
0xb: {  	[smem:$0x3FA7] =	sst s3  }
0xc: {  	[smem:$0x3FA8] =	sst s4  }
0xd: {  	[smem:$0x3FA9] =	sst s5  }
0xe: {  	[smem:$0x3FAA] =	sst s6  }
0xf: {  	[smem:$0x3FAB] =	sst s7  }
0x10: {  	[smem:$0x3FAC] =	sst s8  }
0x11: {  	[smem:$0x3FAD] =	sst s9;
	s0 =	simm.s32 @!p0 $0x0  }
0x12: {  	s1 =	sld [smem:$0x3F93];
	s0 =	simm.s32 @p0 $0x1  }
0x13: {  	[smem:$0x3FAE] =	sst s0;
	s0 =	simm.s32 @!p1 $0x0  }
0x14: {  	s2 =	sld [smem:$0x3F92];
	s0 =	simm.s32 @p1 $0x1  }
0x15: {  	[smem:$0x3FAF] =	sst s0;
	s0 =	simm.s32 @!p2 $0x0  }
0x16: {  	s3 =	sld [smem:$0x3FDB];
	s0 =	simm.s32 @p2 $0x1  }
0x17: {  	s4 =	simm.s32 $0x1BF5;
	[smem:$0x3FB1] =	sst s0  }
0x18: {  	s0 =	sld [smem:$0x3F94];
	_ =	swait.ge [sflag:s4], $0x0  }
0x19: {  	s7 =	sld [smem:$0x3F95]  }
0x1a: {  	s8 =	sadd.s32 $0xFFFFE003, lr  }
0x1b: {  	s9 =	sadd.s32 $0xFFFFFEF7, lr;
	s5 =	simm.s32 $0xFFFFFFFF;
	p2 =	slt.u32 s8, $0xFFFFF086  }
0x1c: {  	p1 =	slt.u32 s9, $0xF7A;
	s5 =	simm.s32 @!p2 $0x0  }
0x1d: {  	s5 =	simm.s32 @p1 $0x1;
	p0 =	seq.s32 s7, s2  }
0x1e: {  	s7 =	smul.u32 @!p0 $0xF7A, s2;
	p2 =	seq.s32 @!p0 s5, $0x0  }
0x1f: {  	s9 =	smul.u32 $0xF7A, s1;
	s8 =	simm.s32 @!p0 $0x1BF5;
	p2 =	por !p2, p0  }
0x20: {  	[sflag:s8] =	ssyncset.s32 @!p0 $0xFFFFF086;
	s6 =	sadd.s32 @!p0 s3, s7;
	s7 =	simm.s32 @!p0 $0x108  }
0x21: {  	s3 =	sadd.s32 s3, s9;
	s6 =	sadd.s32 @!p0 $0x88, s6;
	s7 =	simm.s32 @p2 $0x1082  }
0x22: {  	[simem:s7], [sflag:s8] =	dma.local @!p0 [hbm:s6], $0xF7A  }
0x23: {  	s9 =	sor.u32 $0xD0000000, s2;
	s6 =	simm.s32 $0x108;
	_ =	swait.ge @!p0 [sflag:s8], $0x0  }
0x24: {  	s3 =	sadd.s32 $0x88, s3;
	s6 =	simm.s32 @!p1 $0x1082;
	[sflag:s4] =	ssyncset.s32 $0xFFFFF086  }
0x25: {  	[simem:s6], [sflag:s4] =	dma.local [hbm:s3], $0xF7A  }
0x26: {  	[smem:$0x3F95] =	sst s1;
	(tag) =	ssettag s2;
	_ =	strace s9  }
0x27: {  	s1 =	sld [smem:$0x3FA5]  }
0x28: {  	s2 =	sld [smem:$0x3FA6]  }
0x29: {  	s4 =	sld [smem:$0x3FA8]  }
0x2a: {  	p0 =	seq.s32 s5, $0x0;
	s5 =	sld [smem:$0x3FA9]  }
0x2b: {  	s6 =	sld [smem:$0x3FAA]  }
0x2c: {  	s7 =	sld [smem:$0x3FAB]  }
0x2d: {  	s3 =	simm.s32 $0x108;
	s8 =	sld [smem:$0x3FAC]  }
0x2e: {  	s3 =	simm.s32 @!p0 $0x1082;
	s9 =	sld [smem:$0x3FAD]  }
0x2f: {  	lr =	sadd.s32 s0, s3;
	s0 =	sld [smem:$0x3FA4]  }
0x30: {  	s3 =	sld [smem:$0x3FA7]  }
0x31: {  	[smem:$0x3FB0] =	sst s10  }
0x32: {  	s10 =	sld [smem:$0x3FAE];
	_ =	sdelay $0x3  }
0x33: {  	p0 =	seq.s32 s10, $0x1;
	s10 =	sld [smem:$0x3FB0];
	_ =	sdelay $0x3  }
0x34: {  	[smem:$0x3FB0] =	sst s10  }
0x35: {  	s10 =	sld [smem:$0x3FAF];
	_ =	sdelay $0x3  }
0x36: {  	p1 =	seq.s32 s10, $0x1;
	s10 =	sld [smem:$0x3FB0];
	_ =	sdelay $0x3  }
0x37: {  	[smem:$0x3FB0] =	sst s10  }
0x38: {  	s10 =	sld [smem:$0x3FB1]  }
0x39: {  	_ = 	snop;
	(pc) =	sbr.ind lr, $3  }
0x3a: {  	_ = 	snop  }
0x3b: {  	_ = 	snop  }
0x3c: {  	p2 =	seq.s32 s10, $0x1;
	s10 =	sld [smem:$0x3FB0]  }
0x3d: {  	_ =	shalt  }
0x3e: {  	_ =	shalt  }
0x3f: {  	_ =	shalt  }
0x40: {  	_ =	shalt  }
0x41: {  	_ =	shalt  }
0x42: {  	_ =	shalt  }
0x43: {  	_ =	shalt  }
0x44: {  	_ =	shalt  }
0x45: {  	_ =	shalt  }
0x46: {  	_ =	shalt  }
0x47: {  	_ =	shalt  }
0x48: {  	_ =	shalt  }
0x49: {  	_ =	shalt  }
0x4a: {  	_ =	shalt  }
0x4b: {  	_ =	shalt  }
0x4c: {  	_ =	shalt  }
0x4d: {  	_ =	shalt  }
0x4e: {  	_ =	shalt  }
0x4f: {  	_ =	shalt  }
0x50: {  	_ =	shalt  }
0x51: {  	_ =	shalt  }
0x52: {  	_ =	shalt  }
0x53: {  	_ =	shalt  }
0x54: {  	_ =	shalt  }
0x55: {  	_ =	shalt  }
0x56: {  	_ =	shalt  }
0x57: {  	_ =	shalt  }
0x58: {  	_ =	shalt  }
0x59: {  	_ =	shalt  }
0x5a: {  	_ =	shalt  }
0x5b: {  	_ =	shalt  }
0x5c: {  	_ =	shalt  }
0x5d: {  	_ =	shalt  }
0x5e: {  	_ =	shalt  }
0x5f: {  	_ =	shalt  }
0x60: {  	_ =	shalt  }
0x61: {  	_ =	shalt  }
0x62: {  	_ =	shalt  }
0x63: {  	_ =	shalt  }
0x64: {  	_ =	shalt  }
0x65: {  	_ =	shalt  }
0x66: {  	_ =	shalt  }
0x67: {  	_ =	shalt  }
0x68: {  	_ =	shalt  }
0x69: {  	_ =	shalt  }
0x6a: {  	_ =	shalt  }
0x6b: {  	_ =	shalt  }
0x6c: {  	_ =	shalt  }
0x6d: {  	_ =	shalt  }
0x6e: {  	_ =	shalt  }
0x6f: {  	_ =	shalt  }
0x70: {  	_ =	shalt  }
0x71: {  	_ =	shalt  }
0x72: {  	_ =	shalt  }
0x73: {  	_ =	shalt  }
0x74: {  	_ =	shalt  }
0x75: {  	_ =	shalt  }
0x76: {  	_ =	shalt  }
0x77: {  	_ =	shalt  }
0x78: {  	_ =	shalt  }
0x79: {  	_ =	shalt  }
0x7a: {  	_ =	shalt  }
0x7b: {  	_ =	shalt  }
0x7c: {  	_ =	shalt  }
0x7d: {  	_ =	shalt  }
0x7e: {  	_ =	shalt  }
0x7f: {  	_ =	shalt  }
0x80: {  	_ =	shalt  }
0x81: {  	_ =	shalt  }
0x82: {  	_ =	shalt  }
0x83: {  	_ =	shalt  }
0x84: {  	_ =	shalt  }
0x85: {  	_ =	shalt  }
0x86: {  	_ =	shalt  }
0x87: {  	_ =	shalt  }
.Lfunc_end0:
.L_simem_size_0:
called_computation_lowered:
.L_overlay_start_0:
0x88: {  	s2 =	sld [smem:$0x3FD9]  }
0x89: {  	s3 =	sld [smem:$0x3FFE];
	_ =	sdelay $0x1  }
0x8a: {  	s1 =	srdreg.scid  }
0x8b: {  	s0 =	sand.u32 $0x1, s1  }
0x8c: {  	s17 =	sshll.u32 s0, $0xA;
	s2 =	sadd.s32 s3, s2  }
0x8d: {  	s2 =	sadd.s32 s2, s17  }
0x8e: {  	[smem:$0x3FBC] =	sst s2  }
0x8f: {  	_ = 	snop  }
0x90: {  	s18 =	sld [smem:$0x3FD0];
	(tm) =	ssettm $0x1  }
0x91: {  	s19 =	sld [smem:$0x3FFB];
	_ =	sdelay $0x3  }
0x92: {  	_ =	strace s19  }
0x93: {  	s2 =	sld [smem:$0x3FFC];
	_ =	sdelay $0x3  }
0x94: {  	_ =	strace s2  }
0x95: {  	s2 =	sld [smem:$0x3FFD];
	_ =	sdelay $0x3  }
0x96: {  	_ =	strace s2  }
0x97: {  	_ =	strace $0x8FFFFFFF  }
0x98: {  	s20 =	sld [smem:$0x3FDB];
	_ =	sdelay $0x1  }
0x99: {  	s4 =	simm.s32 $_scs_section_size  }
0x9a: {  	s5 =	simm.s32 $_size__tile_overlayer_lowered;
	s6 =	simm.s32 $_tile_overlayer_lowered  }
0x9b: {  	s7 =	simm.s32 $0x1BFF;
	s21 =	sshll.u32 s6, $0x1;
	s4 =	sadd.s32 s4, s20  }
0x9c: {  	s22 =	simm.s32 $0x0;
	s5 =	sshll.u32 s5, $0x1;
	s6 =	sadd.s32 s21, s4  }
0x9d: {  	[timem:s22], [sflag:s7] =	dma.local [hbm:s6], s5  }
0x9e: {  	_ =	swait.ge [sflag:s7], s5  }
0x9f: {  	s5 =	ssub.s32 $0x0, s5;
	[sflag:s7] =	ssyncset.done $0x0  }
0xa0: {  	[sflag:s7] =	ssyncadd.s32 s5;
	_ =	sdelay $0x1  }
0xa1: {  	s23 =	simm.s32 $0x1B8B  }
0xa2: {  	_ =	swait.ge [sflag:s23], $0x1  }
0xa3: {  	[sflag:s23] =	ssyncset.done $0x0  }
0xa4: {  	[sflag:s23] =	ssyncadd.s32 $0xFFFFFFFF  }
0xa5: {  	s5 =	sld [smem:$0x0]  }
0xa6: {  	s6 =	sand.u32 $0xFFFFFFFE, s1  }
0xa7: {  	p0 =	sne.s32 s1, s6  }
0xa8: {  	s6 =	sshll.u32 @p0 s6, $0xE  }
0xa9: {  	s6 =	sadd.s32 @p0 $0x11B8D, s6;
	s7 =	sshll.u32 @p0 s5, $0x11  }
0xaa: {  	s6 =	sor.u32 @p0 s7, s6  }
0xab: {  	[sflag:s6] =	ssyncadd.remote.s32 @p0 $0x1;
	_ =	sdelay $0x1  }
0xac: {  	s6 =	simm.s32 @p0 $0x1B8D  }
0xad: {  	_ =	swait.eq @p0 [sflag:s6], $0x1  }
0xae: {  	[sflag:s6] =	ssyncadd.s32 @p0 $0xFFFFFFFF  }
0xaf: {  	s7 =	sshll.u32 @!p0 s1, $0xE  }
0xb0: {  	s7 =	sor.u32 @!p0 $0x4000, s7;
	s6 =	simm.s32 @!p0 $0x1B8D  }
0xb1: {  	s5 =	sshll.u32 @!p0 s5, $0x11;
	s7 =	sadd.s32 @!p0 $0x11B8D, s7;
	_ =	swait.eq @!p0 [sflag:s6], $0x1  }
0xb2: {  	s5 =	sor.u32 @!p0 s5, s7;
	[sflag:s6] =	ssyncadd.s32 @!p0 $0xFFFFFFFF  }
0xb3: {  	s25 =	simm.s32 $0x1B8E;
	s24 =	sld [smem:$0x3FFE];
	[sflag:s5] =	ssyncadd.remote.s32 @!p0 $0x1  }
0xb4: {  	s26 =	simm.s32 $execute0_lowered;
	[smem:$0x3FD2] =	sst s25  }
0xb5: {  	s6 =	sshll.u32 s26, $0x1;
	_ =	strace $0x80000049;
	[dreg:$0x1] =	wrdreg $0xFFFFFFFF  }
0xb6: {  	s28 =	simm.s32 $_size_execute0_lowered;
	s4 =	sadd.s32 s4, s6;
	[dreg:$0x0] =	wrdreg $0x0  }
0xb7: {  	s6 =	sshll.u32 s28, $0x1;
	[dreg:$0x2] =	wrdreg s4  }
0xb8: {  	[dreg:$0x3] =	wrdreg s6  }
0xb9: {  	[dreg:$0x4] =	wrdreg $0xC0  }
0xba: {  	_ =	task [dreg:s22], $0x5FFFF  }
0xbb: {  	[dreg:$0x1] =	wrdreg $0xFFFFFFFF  }
0xbc: {  	[dreg:$0x0] =	wrdreg $0x60  }
0xbd: {  	[dreg:$0x2] =	wrdreg s24  }
0xbe: {  	[dreg:$0x3] =	wrdreg s18  }
0xbf: {  	[dreg:$0x4] =	wrdreg $0x9  }
0xc0: {  	_ =	task.clear_ibuf [dreg:s22], $0x5FFFF;
	_ =	strace $0x90000049  }
0xc1: {  	s29 =	simm.s32 $0x9;
	_ =	strace $0x8000004B  }
0xc2: {  	_ =	swait.ge [sflag:s29], $0x1  }
0xc3: {  	[sflag:s29] =	ssyncadd.s32 $0xFFFFFFFF  }
0xc4: {  	_ =	strace $0x9000004B  }
0xc5: {  	_ =	sfence  }
0xc6: {  	s30 =	sld [smem:$0x0];
	_ =	sdelay $0x2  }
0xc7: {  	s31 =	sshll.u32 s1, $0xD;
	s1 =	sshrl.u32 s1, $0x2  }
0xc8: {  	s4 =	sand.u32 $0x4000, s31;
	s1 =	sadd.s32 s1, s30  }
0xc9: {  	s0 =	sor.u32 s4, s0;
	s1 =	sshll.u32 s1, $0x11  }
0xca: {  	s0 =	sor.u32 s1, s0  }
0xcb: {  	s0 =	sadd.s32 $0x8F2B, s0  }
0xcc: {  	[sflag:s0] =	ssyncadd.remote.s32 $0x1  }
0xcd: {  	_ =	sfence.sel $0xFFFF  }
0xce: {  	[dreg:$0x0] =	wrdreg $0xFFFFFFFF;
	(pc) =	sbr.abs _section_cstart, $3  }
0xcf: {  	[dreg:$0x1] =	wrdreg $0xFFFFFFFF  }
0xd0: {  	_ =	task.clear_ibuf [dreg:s22], $0x2FFFF;
	_ =	strace $0x9FFFFFFF  }
0xd1: {  	(tm) =	ssettm $0x7FFFFFFF  }
tec
execute0_lowered:
.L_overlay_start_1:
0x0: {  	(tag) =	ssettag $0x1  }
0x1: {  	s0 =	rddreg [dreg:$0x0]  }
0x2: {  	s1 =	rddreg [dreg:$0x1];
	s2 =	simm.s32 $0x0  }
0x3: {  	s30 =	srdreg.scid;
	s9 =	stileid.u32;
	s14 =	simm.s32 $0x3  }
0x4: {  	s17 =	simm.s32 $0xA300;
	s18 =	simm.s32 $0xAB00;
	s19 =	simm.s32 $0xB300  }
0x5: {  	s20 =	simm.s32 $0xBB00;
	s21 =	simm.s32 $0xC300;
	s22 =	simm.s32 $0xCB00  }
0x6: {  	s23 =	simm.s32 $0xD300;
	s24 =	simm.s32 $0xDB00;
	s25 =	simm.s32 $0x1  }
0x7: {  	s26 =	simm.s32 $0xE300;
	s28 =	simm.s32 $0x2;
	[smem:$0x7FF] =	sst s2  }
0x8: {  	s4 =	sadd.s32 $0x102E00, s0;
	s2 =	sand.u32 $0x1, s30;
	s5 =	sadd.s32 $0x8AE00, s0  }
0x9: {  	s7 =	sshll.u32 s9, $0x1;
	s6 =	sadd.s32 $0x382E00, s0;
	s9 =	sshrl.u32 s9, $0x1  }
0xa: {  	s10 =	sadd.s32 $0x8AE10, s0;
	s3 =	ssub.s32 $0x2, s2;
	s7 =	sand.u32 $0x2, s7  }
0xb: {  	s11 =	sadd.s32 $0x8AE20, s0;
	s8 =	sshrl.u32 s3, $0x1;
	s2 =	sor.u32 s2, s7  }
0xc: {  	v2 =	vlaneseq.u32;
	_ =	strace $0x8000004A;
	s3 =	ssub.s32 s3, s8;
	s7 =	sshll.u32 s2, $0xA  }
0xd: {  	vm0 =	vmmov $0xffff;
	v1 =	vshrl.u32 v2, $0x3;
	s8 =	sshll.u32 s9, $0xF;
	s9 =	sshll.u32 s9, $0xC;
	s31 =	smax.u32 s3, $0x1  }
0xe: {  	v0 =	vand.u32 $0x7, v2;
	v2 =	vor.u32 $0x8, v2;
	v1 =	vmul.u32 $0x8, v1;
	s2 =	simm.s32 $0x0;
	s12 =	sor.u32 s9, s7;
	[dreg:$0x3] =	wrdreg s31  }
.LBB2_1:
0xf: {  	[dreg:$0x4] =	wrdreg s2;
	s29 =	simm.s32 $0x0  }
.LBB2_2:
0x10: {  	s31 =	sshll.u32 s29, $0x6  }
0x11: {  	s2 =	sor.u32 s7, s31  }
0x12: {  	s0 =	sshll.u32 s2, $0x3  }
0x13: {  	s3 =	sand.u32 $0x40, s31;
	s0 =	sand.u32 $0x7C00, s0  }
0x14: {  	s0 =	sor.u32 s0, s3  }
0x15: {  	s0 =	sor.u32 s8, s0  }
0x16: {  	s3 =	sshrl.u32 s0, $0x3  }
0x17: {  	s0 =	simm.s32 $0x0;
	s13 =	sadd.s32 s5, s3  }
0x18: {  	[tilespmem:s0], [sflag:$0x3] =	stream.linear.gather [hbm4b:s13+s0], $0x20, $0x38;
	[tilespmem:$0x10300] =	vst v63  }
0x19: {  	_ =	swait.ge [sflag:s14], $0x20  }
0x1a: {  	[sflag:s14] =	ssyncset.done $0x0  }
0x1b: {  	s15 =	simm.s32 $0x80;
	s16 =	sadd.s32 s3, s10;
	[sflag:s14] =	ssyncadd.s32 $0xFFFFFFE0  }
0x1c: {  	[tilespmem:s15], [sflag:$0x3] =	stream.linear.gather [hbm4b:s16+s0], $0x20, $0x38;
	[tilespmem:$0x10300] =	vst v63  }
0x1d: {  	_ =	swait.ge [sflag:s14], $0x20  }
0x1e: {  	[sflag:s14] =	ssyncset.done $0x0  }
0x1f: {  	s3 =	sadd.s32 s3, s11;
	s16 =	simm.s32 $0x100;
	[sflag:s14] =	ssyncadd.s32 $0xFFFFFFE0  }
0x20: {  	[tilespmem:s16], [sflag:$0x3] =	stream.linear.gather [hbm4b:s3+s0], $0x20, $0x38;
	[tilespmem:$0x10300] =	vst v63  }
0x21: {  	s2 =	sadd.s32 s9, s2;
	_ =	swait.ge [sflag:s14], $0x20  }
0x22: {  	s2 =	sshll.u32 s2, $0x4;
	[sflag:s14] =	ssyncset.done $0x0  }
0x23: {  	s2 =	sadd.s32 s6, s2;
	s3 =	simm.s32 $0x180;
	[sflag:s14] =	ssyncadd.s32 $0xFFFFFFE0  }
0x24: {  	[tilespmem:s3], [sflag:$0x3] =	stream.linear.gather [hbm4b:s2+s0], $0x1000, $0x38;
	[tilespmem:$0x10300] =	vst v63  }
0x25: {  	_ =	swait.ge [sflag:s14], $0x1000  }
0x26: {  	[sflag:s14] =	ssyncset.done $0x0  }
0x27: {  	[sflag:s14] =	ssyncadd.s32 $0xFFFFF000  }
0x28: {  	v3 =	vld [tilespmem:$0x0];
	_ =	sdelay $0x4  }
0x29: {  	v4 =	vshll.u32 v3, $0x1  }
0x2a: {  	v3 =	vand.u32 $0x7, v3;
	v4 =	vand.u32 $0xFFFFFFF0, v4  }
0x2b: {  	v3 =	vor.u32 v3, v4  }
0x2c: {  	v4 =	vperm.xlane v3, v0;
	_ =	sdelay $0x1  }
0x2d: {  	v3 =	vperm.xlane v3, v2;
	v4 =	vadd.s32 v1, v4;
	_ =	sdelay $0x1  }
0x2e: {  	v3 =	vadd.s32 v1, v3;
	_ =	sdelay $0x1  }
0x2f: {  	s15 =	simm.s32 $0x1180  }
0x30: {  	[tilespmem:s15], [sflag:$0x1] =	stream.indirect_vreg.gather [hbm4b:s4+s0], $0x80, v4, vm0, $0xb8;
	[tilespmem:$0x10300] =	vst v63  }
0x31: {  	s16 =	simm.s32 $0x1980  }
0x32: {  	[tilespmem:s16], [sflag:$0x1] =	stream.indirect_vreg.gather [hbm4b:s4+s0], $0x80, v3, vm0, $0xb8;
	[tilespmem:$0x10300] =	vst v63  }
0x33: {  	v3 =	vld [tilespmem:$0x10];
	_ =	sdelay $0x4  }
0x34: {  	v4 =	vshll.u32 v3, $0x1  }
0x35: {  	v3 =	vand.u32 $0x7, v3;
	v4 =	vand.u32 $0xFFFFFFF0, v4  }
0x36: {  	v3 =	vor.u32 v3, v4  }
0x37: {  	v4 =	vperm.xlane v3, v0;
	_ =	sdelay $0x1  }
0x38: {  	v3 =	vperm.xlane v3, v2;
	v4 =	vadd.s32 v1, v4;
	_ =	sdelay $0x1  }
0x39: {  	v3 =	vadd.s32 v1, v3;
	_ =	sdelay $0x1  }
0x3a: {  	s13 =	simm.s32 $0x2180  }
0x3b: {  	[tilespmem:s13], [sflag:$0x1] =	stream.indirect_vreg.gather [hbm4b:s4+s0], $0x80, v4, vm0, $0xb8;
	[tilespmem:$0x10300] =	vst v63  }
0x3c: {  	s15 =	simm.s32 $0x2980  }
0x3d: {  	[tilespmem:s15], [sflag:$0x1] =	stream.indirect_vreg.gather [hbm4b:s4+s0], $0x80, v3, vm0, $0xb8;
	[tilespmem:$0x10300] =	vst v63  }
0x3e: {  	v3 =	vld [tilespmem:$0x80];
	_ =	sdelay $0x4  }
0x3f: {  	v4 =	vshll.u32 v3, $0x1  }
0x40: {  	v3 =	vand.u32 $0x7, v3;
	v4 =	vand.u32 $0xFFFFFFF0, v4  }
0x41: {  	v3 =	vor.u32 v3, v4  }
0x42: {  	v4 =	vperm.xlane v3, v0;
	_ =	sdelay $0x1  }
0x43: {  	v3 =	vperm.xlane v3, v2;
	v4 =	vadd.s32 v1, v4;
	_ =	sdelay $0x1  }
0x44: {  	v3 =	vadd.s32 v1, v3;
	_ =	sdelay $0x1  }
0x45: {  	s16 =	simm.s32 $0x3180  }
0x46: {  	[tilespmem:s16], [sflag:$0x1] =	stream.indirect_vreg.gather [hbm4b:s4+s0], $0x80, v4, vm0, $0xb8;
	[tilespmem:$0x10300] =	vst v63  }
0x47: {  	s13 =	simm.s32 $0x3980  }
0x48: {  	[tilespmem:s13], [sflag:$0x1] =	stream.indirect_vreg.gather [hbm4b:s4+s0], $0x80, v3, vm0, $0xb8;
	[tilespmem:$0x10300] =	vst v63  }
0x49: {  	v3 =	vld [tilespmem:$0x90];
	_ =	sdelay $0x4  }
0x4a: {  	v4 =	vshll.u32 v3, $0x1  }
0x4b: {  	v3 =	vand.u32 $0x7, v3;
	v4 =	vand.u32 $0xFFFFFFF0, v4  }
0x4c: {  	v3 =	vor.u32 v3, v4  }
0x4d: {  	v4 =	vperm.xlane v3, v0;
	_ =	sdelay $0x1  }
0x4e: {  	v3 =	vperm.xlane v3, v2;
	v4 =	vadd.s32 v1, v4;
	_ =	sdelay $0x1  }
0x4f: {  	v3 =	vadd.s32 v1, v3;
	_ =	sdelay $0x1  }
0x50: {  	s15 =	simm.s32 $0x4180  }
0x51: {  	[tilespmem:s15], [sflag:$0x1] =	stream.indirect_vreg.gather [hbm4b:s4+s0], $0x80, v4, vm0, $0xb8;
	[tilespmem:$0x10300] =	vst v63  }
0x52: {  	s16 =	simm.s32 $0x4980  }
0x53: {  	[tilespmem:s16], [sflag:$0x1] =	stream.indirect_vreg.gather [hbm4b:s4+s0], $0x80, v3, vm0, $0xb8;
	[tilespmem:$0x10300] =	vst v63  }
0x54: {  	v3 =	vld [tilespmem:$0x100];
	_ =	sdelay $0x4  }
0x55: {  	v4 =	vshll.u32 v3, $0x1  }
0x56: {  	v3 =	vand.u32 $0x7, v3;
	v4 =	vand.u32 $0xFFFFFFF0, v4  }
0x57: {  	v3 =	vor.u32 v3, v4  }
0x58: {  	v4 =	vperm.xlane v3, v0;
	_ =	sdelay $0x1  }
0x59: {  	v3 =	vperm.xlane v3, v2;
	v4 =	vadd.s32 v1, v4;
	_ =	sdelay $0x1  }
0x5a: {  	v3 =	vadd.s32 v1, v3;
	_ =	sdelay $0x1  }
0x5b: {  	s13 =	simm.s32 $0x5180  }
0x5c: {  	[tilespmem:s13], [sflag:$0x1] =	stream.indirect_vreg.gather [hbm4b:s4+s0], $0x80, v4, vm0, $0xb8;
	[tilespmem:$0x10300] =	vst v63  }
0x5d: {  	s15 =	simm.s32 $0x5980  }
0x5e: {  	[tilespmem:s15], [sflag:$0x1] =	stream.indirect_vreg.gather [hbm4b:s4+s0], $0x80, v3, vm0, $0xb8;
	[tilespmem:$0x10300] =	vst v63  }
0x5f: {  	v3 =	vld [tilespmem:$0x110];
	_ =	sdelay $0x4  }
0x60: {  	v4 =	vshll.u32 v3, $0x1  }
0x61: {  	v3 =	vand.u32 $0x7, v3;
	v4 =	vand.u32 $0xFFFFFFF0, v4  }
0x62: {  	v3 =	vor.u32 v3, v4  }
0x63: {  	v4 =	vperm.xlane v3, v0;
	_ =	sdelay $0x1  }
0x64: {  	v3 =	vperm.xlane v3, v2;
	v4 =	vadd.s32 v1, v4;
	_ =	sdelay $0x1  }
0x65: {  	v3 =	vadd.s32 v1, v3  }
0x66: {  	s30 =	sor.u32 $0x20, s31  }
0x67: {  	s2 =	sor.u32 s7, s30;
	s16 =	simm.s32 $0x6180  }
0x68: {  	[tilespmem:s16], [sflag:$0x1] =	stream.indirect_vreg.gather [hbm4b:s4+s0], $0x80, v4, vm0, $0xb8;
	[tilespmem:$0x10300] =	vst v63  }
0x69: {  	s13 =	simm.s32 $0x6980;
	s15 =	sshll.u32 s2, $0x3  }
0x6a: {  	[tilespmem:s13], [sflag:$0x1] =	stream.indirect_vreg.gather [hbm4b:s4+s0], $0x80, v3, vm0, $0xb8;
	[tilespmem:$0x10300] =	vst v63  }
0x6b: {  	s16 =	sand.u32 $0x60, s30;
	s13 =	sand.u32 $0x7C00, s15  }
0x6c: {  	s13 =	sor.u32 s13, s16  }
0x6d: {  	s13 =	sor.u32 s8, s13  }
0x6e: {  	s13 =	sshrl.u32 s13, $0x3  }
0x6f: {  	s16 =	simm.s32 $0x7180;
	s15 =	sadd.s32 s5, s13  }
0x70: {  	[tilespmem:s16], [sflag:$0x3] =	stream.linear.gather [hbm4b:s15+s0], $0x20, $0x38;
	[tilespmem:$0x10300] =	vst v63  }
0x71: {  	_ =	swait.ge [sflag:s14], $0x20  }
0x72: {  	[sflag:s14] =	ssyncset.done $0x0  }
0x73: {  	s15 =	sadd.s32 s13, s10;
	s16 =	simm.s32 $0x7200;
	[sflag:s14] =	ssyncadd.s32 $0xFFFFFFE0  }
0x74: {  	[tilespmem:s16], [sflag:$0x3] =	stream.linear.gather [hbm4b:s15+s0], $0x20, $0x38;
	[tilespmem:$0x10300] =	vst v63  }
0x75: {  	_ =	swait.ge [sflag:s14], $0x20  }
0x76: {  	[sflag:s14] =	ssyncset.done $0x0  }
0x77: {  	s13 =	sadd.s32 s13, s11;
	s16 =	simm.s32 $0x7280;
	[sflag:s14] =	ssyncadd.s32 $0xFFFFFFE0  }
0x78: {  	[tilespmem:s16], [sflag:$0x3] =	stream.linear.gather [hbm4b:s13+s0], $0x20, $0x38;
	[tilespmem:$0x10300] =	vst v63  }
0x79: {  	s2 =	sadd.s32 s9, s2;
	_ =	swait.ge [sflag:s14], $0x20  }
0x7a: {  	s2 =	sshll.u32 s2, $0x4;
	[sflag:s14] =	ssyncset.done $0x0  }
0x7b: {  	s2 =	sadd.s32 s6, s2;
	s16 =	simm.s32 $0x7300;
	[sflag:s14] =	ssyncadd.s32 $0xFFFFFFE0  }
0x7c: {  	[tilespmem:s16], [sflag:$0x3] =	stream.linear.gather [hbm4b:s2+s0], $0x1000, $0x38;
	[tilespmem:$0x10300] =	vst v63  }
0x7d: {  	_ =	swait.ge [sflag:s14], $0x1000  }
0x7e: {  	[sflag:s14] =	ssyncset.done $0x0  }
0x7f: {  	[sflag:s14] =	ssyncadd.s32 $0xFFFFF000  }
0x80: {  	v3 =	vld [tilespmem:$0x7180];
	_ =	sdelay $0x4  }
0x81: {  	v4 =	vshll.u32 v3, $0x1  }
0x82: {  	v3 =	vand.u32 $0x7, v3;
	v4 =	vand.u32 $0xFFFFFFF0, v4  }
0x83: {  	v3 =	vor.u32 v3, v4  }
0x84: {  	v4 =	vperm.xlane v3, v0;
	_ =	sdelay $0x1  }
0x85: {  	v3 =	vperm.xlane v3, v2;
	v4 =	vadd.s32 v1, v4;
	_ =	sdelay $0x1  }
0x86: {  	v3 =	vadd.s32 v1, v3;
	_ =	sdelay $0x1  }
0x87: {  	s13 =	simm.s32 $0x8300  }
0x88: {  	[tilespmem:s13], [sflag:$0x2] =	stream.indirect_vreg.gather [hbm4b:s4+s0], $0x80, v4, vm0, $0xb8;
	[tilespmem:$0x10300] =	vst v63  }
0x89: {  	s15 =	simm.s32 $0x8B00  }
0x8a: {  	[tilespmem:s15], [sflag:$0x2] =	stream.indirect_vreg.gather [hbm4b:s4+s0], $0x80, v3, vm0, $0xb8;
	[tilespmem:$0x10300] =	vst v63  }
0x8b: {  	v3 =	vld [tilespmem:$0x7190];
	_ =	sdelay $0x4  }
0x8c: {  	v4 =	vshll.u32 v3, $0x1  }
0x8d: {  	v3 =	vand.u32 $0x7, v3;
	v4 =	vand.u32 $0xFFFFFFF0, v4  }
0x8e: {  	v3 =	vor.u32 v3, v4  }
0x8f: {  	v4 =	vperm.xlane v3, v0;
	_ =	sdelay $0x1  }
0x90: {  	v3 =	vperm.xlane v3, v2;
	v4 =	vadd.s32 v1, v4;
	_ =	sdelay $0x1  }
0x91: {  	v3 =	vadd.s32 v1, v3;
	_ =	sdelay $0x1  }
0x92: {  	s16 =	simm.s32 $0x9300  }
0x93: {  	[tilespmem:s16], [sflag:$0x2] =	stream.indirect_vreg.gather [hbm4b:s4+s0], $0x80, v4, vm0, $0xb8;
	[tilespmem:$0x10300] =	vst v63  }
0x94: {  	s13 =	simm.s32 $0x9B00  }
0x95: {  	[tilespmem:s13], [sflag:$0x2] =	stream.indirect_vreg.gather [hbm4b:s4+s0], $0x80, v3, vm0, $0xb8;
	[tilespmem:$0x10300] =	vst v63  }
0x96: {  	v3 =	vld [tilespmem:$0x7200];
	_ =	sdelay $0x4  }
0x97: {  	v4 =	vshll.u32 v3, $0x1  }
0x98: {  	v3 =	vand.u32 $0x7, v3;
	v4 =	vand.u32 $0xFFFFFFF0, v4  }
0x99: {  	v3 =	vor.u32 v3, v4  }
0x9a: {  	v4 =	vperm.xlane v3, v0;
	_ =	sdelay $0x1  }
0x9b: {  	v3 =	vperm.xlane v3, v2;
	v4 =	vadd.s32 v1, v4;
	_ =	sdelay $0x1  }
0x9c: {  	v3 =	vadd.s32 v1, v3;
	_ =	sdelay $0x2  }
0x9d: {  	[tilespmem:s17], [sflag:$0x2] =	stream.indirect_vreg.gather [hbm4b:s4+s0], $0x80, v4, vm0, $0xb8;
	[tilespmem:$0x10300] =	vst v63  }
0x9e: {  	_ = 	snop  }
0x9f: {  	[tilespmem:s18], [sflag:$0x2] =	stream.indirect_vreg.gather [hbm4b:s4+s0], $0x80, v3, vm0, $0xb8;
	[tilespmem:$0x10300] =	vst v63  }
0xa0: {  	v3 =	vld [tilespmem:$0x7210];
	_ =	sdelay $0x4  }
0xa1: {  	v4 =	vshll.u32 v3, $0x1  }
0xa2: {  	v3 =	vand.u32 $0x7, v3;
	v4 =	vand.u32 $0xFFFFFFF0, v4  }
0xa3: {  	v3 =	vor.u32 v3, v4  }
0xa4: {  	v4 =	vperm.xlane v3, v0;
	_ =	sdelay $0x1  }
0xa5: {  	v3 =	vperm.xlane v3, v2;
	v4 =	vadd.s32 v1, v4;
	_ =	sdelay $0x1  }
0xa6: {  	v3 =	vadd.s32 v1, v3;
	_ =	sdelay $0x2  }
0xa7: {  	[tilespmem:s19], [sflag:$0x2] =	stream.indirect_vreg.gather [hbm4b:s4+s0], $0x80, v4, vm0, $0xb8;
	[tilespmem:$0x10300] =	vst v63  }
0xa8: {  	_ = 	snop  }
0xa9: {  	[tilespmem:s20], [sflag:$0x2] =	stream.indirect_vreg.gather [hbm4b:s4+s0], $0x80, v3, vm0, $0xb8;
	[tilespmem:$0x10300] =	vst v63  }
0xaa: {  	v3 =	vld [tilespmem:$0x7280];
	_ =	sdelay $0x4  }
0xab: {  	v4 =	vshll.u32 v3, $0x1  }
0xac: {  	v3 =	vand.u32 $0x7, v3;
	v4 =	vand.u32 $0xFFFFFFF0, v4  }
0xad: {  	v3 =	vor.u32 v3, v4  }
0xae: {  	v4 =	vperm.xlane v3, v0;
	_ =	sdelay $0x1  }
0xaf: {  	v3 =	vperm.xlane v3, v2;
	v4 =	vadd.s32 v1, v4;
	_ =	sdelay $0x1  }
0xb0: {  	v3 =	vadd.s32 v1, v3;
	_ =	sdelay $0x2  }
0xb1: {  	[tilespmem:s21], [sflag:$0x2] =	stream.indirect_vreg.gather [hbm4b:s4+s0], $0x80, v4, vm0, $0xb8;
	[tilespmem:$0x10300] =	vst v63  }
0xb2: {  	_ = 	snop  }
0xb3: {  	[tilespmem:s22], [sflag:$0x2] =	stream.indirect_vreg.gather [hbm4b:s4+s0], $0x80, v3, vm0, $0xb8;
	[tilespmem:$0x10300] =	vst v63  }
0xb4: {  	v3 =	vld [tilespmem:$0x7290];
	_ =	sdelay $0x4  }
0xb5: {  	v4 =	vshll.u32 v3, $0x1  }
0xb6: {  	v3 =	vand.u32 $0x7, v3;
	v4 =	vand.u32 $0xFFFFFFF0, v4  }
0xb7: {  	v3 =	vor.u32 v3, v4  }
0xb8: {  	v4 =	vperm.xlane v3, v0;
	_ =	sdelay $0x1  }
0xb9: {  	v3 =	vperm.xlane v3, v2;
	v4 =	vadd.s32 v1, v4;
	_ =	sdelay $0x1  }
0xba: {  	v3 =	vadd.s32 v1, v3;
	_ =	sdelay $0x2  }
0xbb: {  	[tilespmem:s23], [sflag:$0x2] =	stream.indirect_vreg.gather [hbm4b:s4+s0], $0x80, v4, vm0, $0xb8;
	[tilespmem:$0x10300] =	vst v63  }
0xbc: {  	_ = 	snop  }
0xbd: {  	[tilespmem:s24], [sflag:$0x2] =	stream.indirect_vreg.gather [hbm4b:s4+s0], $0x80, v3, vm0, $0xb8;
	[tilespmem:$0x10300] =	vst v63  }
0xbe: {  	_ =	swait.ge [sflag:s25], $0x2000  }
0xbf: {  	[sflag:s25] =	ssyncset.done $0x0  }
0xc0: {  	[sflag:s25] =	ssyncadd.s32 $0xFFFFE000  }
0xc1: {  	_ =	swait.ge [sflag:s25], $0x2000  }
0xc2: {  	[sflag:s25] =	ssyncset.done $0x0  }
0xc3: {  	[sflag:s25] =	ssyncadd.s32 $0xFFFFE000  }
0xc4: {  	_ =	swait.ge [sflag:s25], $0x2000  }
0xc5: {  	s15 =	sand.u32 $0x1800, s0;
	s16 =	sand.u32 $0x380, s0;
	[sflag:s25] =	ssyncset.done $0x0  }
0xc6: {  	s13 =	sor.u32 s16, s15;
	[sflag:s25] =	ssyncadd.s32 $0xFFFFE000  }
0xc7: {  	v19 =	vld [tilespmem:s13+$0x5180]  }
0xc8: {  	v20 =	vld [tilespmem:s13+$0x5190]  }
0xc9: {  	v18 =	vld [tilespmem:s13+$0x51A0]  }
0xca: {  	v17 =	vld [tilespmem:s13+$0x51B0]  }
0xcb: {  	v15 =	vld [tilespmem:s13+$0x51C0]  }
0xcc: {  	v12 =	vld [tilespmem:s13+$0x51D0]  }
0xcd: {  	v11 =	vld [tilespmem:s13+$0x51E0]  }
0xce: {  	v10 =	vld [tilespmem:s13+$0x51F0]  }
0xcf: {  	v9 =	vld [tilespmem:s13+$0x5580]  }
0xd0: {  	v8 =	vld [tilespmem:s13+$0x5590]  }
0xd1: {  	v7 =	vld [tilespmem:s13+$0x55A0]  }
0xd2: {  	v6 =	vld [tilespmem:s13+$0x55B0]  }
0xd3: {  	v5 =	vld [tilespmem:s13+$0x55C0]  }
0xd4: {  	v4 =	vld [tilespmem:s13+$0x55D0]  }
0xd5: {  	v3 =	vld [tilespmem:s13+$0x55E0]  }
0xd6: {  	v21 =	vld [tilespmem:s13+$0x1180]  }
0xd7: {  	s2 =	simm.s32 $0x100;
	v14 =	vld [tilespmem:s3+$0x0]  }
.LBB2_3:
0xd8: {  	p0 =	sne.s32 s2, $0x1F00;
	v22 =	vld [tilespmem:s13+$0x3180]  }
0xd9: {  	v23 =	vld [tilespmem:s13+$0x1190]  }
0xda: {  	v24 =	vld [tilespmem:s13+$0x3190]  }
0xdb: {  	v25 =	vld [tilespmem:s13+$0x11A0]  }
0xdc: {  	v16 =	vbroadcast v14, $0x0;
	v13 =	vbroadcast v14, $0x1;
	v26 =	vld [tilespmem:s13+$0x31A0]  }
0xdd: {  	v14 =	vbroadcast v14, $0x2;
	v27 =	vld [tilespmem:s13+$0x11B0]  }
0xde: {  	v21 =	vmul.f32 v21, v16;
	v22 =	vmul.f32 v22, v13;
	v28 =	vld [tilespmem:s13+$0x31B0]  }
0xdf: {  	v23 =	vmul.f32 v23, v16;
	v24 =	vmul.f32 v24, v13;
	v29 =	vld [tilespmem:s13+$0x11C0]  }
0xe0: {  	v19 =	vmul.f32 v19, v14;
	v20 =	vmul.f32 v20, v14;
	v21 =	vadd.f32 v22, v21;
	v22 =	vld [tilespmem:s13+$0x31C0]  }
0xe1: {  	v23 =	vadd.f32 v24, v23;
	v24 =	vmul.f32 v25, v16;
	v25 =	vmul.f32 v26, v13;
	v26 =	vld [tilespmem:s13+$0x11D0]  }
0xe2: {  	v18 =	vmul.f32 v18, v14;
	v19 =	vadd.f32 v19, v21;
	v21 =	vmul.f32 v27, v16;
	v27 =	vld [tilespmem:s13+$0x31D0]  }
0xe3: {  	v20 =	vadd.f32 v20, v23;
	v23 =	vadd.f32 v25, v24;
	v24 =	vmul.f32 v28, v13;
	v25 =	vld [tilespmem:s13+$0x11E0]  }
0xe4: {  	v17 =	vmul.f32 v17, v14;
	[tilespmem:s13+$0xE300] =	vst v19;
	v19 =	vmul.f32 v29, v16;
	v28 =	vld [tilespmem:s13+$0x31E0]  }
0xe5: {  	[tilespmem:s13+$0xE310] =	vst v20;
	v18 =	vadd.f32 v18, v23;
	v20 =	vadd.f32 v24, v21;
	v21 =	vmul.f32 v22, v13;
	v22 =	vld [tilespmem:s13+$0x11F0]  }
0xe6: {  	v15 =	vmul.f32 v15, v14;
	v23 =	vmul.f32 v26, v16;
	v24 =	vld [tilespmem:s13+$0x31F0]  }
0xe7: {  	[tilespmem:s13+$0xE320] =	vst v18;
	v17 =	vadd.f32 v17, v20;
	v18 =	vadd.f32 v21, v19;
	v19 =	vmul.f32 v27, v13;
	v20 =	vld [tilespmem:s13+$0x1580]  }
0xe8: {  	v12 =	vmul.f32 v12, v14;
	v21 =	vmul.f32 v25, v16;
	v25 =	vld [tilespmem:s13+$0x3580]  }
0xe9: {  	[tilespmem:s13+$0xE330] =	vst v17;
	v15 =	vadd.f32 v15, v18;
	v17 =	vadd.f32 v19, v23;
	v18 =	vmul.f32 v28, v13;
	v19 =	vld [tilespmem:s13+$0x1590]  }
0xea: {  	v11 =	vmul.f32 v11, v14;
	v22 =	vmul.f32 v22, v16;
	v23 =	vld [tilespmem:s13+$0x3590]  }
0xeb: {  	[tilespmem:s13+$0xE340] =	vst v15;
	v12 =	vadd.f32 v12, v17;
	v15 =	vadd.f32 v18, v21;
	v17 =	vmul.f32 v24, v13;
	v18 =	vld [tilespmem:s13+$0x15A0]  }
0xec: {  	v10 =	vmul.f32 v10, v14;
	v20 =	vmul.f32 v20, v16;
	v21 =	vld [tilespmem:s13+$0x35A0]  }
0xed: {  	[tilespmem:s13+$0xE350] =	vst v12;
	v11 =	vadd.f32 v11, v15;
	v12 =	vadd.f32 v17, v22;
	v15 =	vmul.f32 v25, v13;
	v17 =	vld [tilespmem:s13+$0x15B0]  }
0xee: {  	v9 =	vmul.f32 v9, v14;
	v19 =	vmul.f32 v19, v16;
	v22 =	vld [tilespmem:s13+$0x35B0]  }
0xef: {  	[tilespmem:s13+$0xE360] =	vst v11;
	v10 =	vadd.f32 v10, v12;
	v11 =	vadd.f32 v15, v20;
	v12 =	vmul.f32 v23, v13;
	v15 =	vld [tilespmem:s13+$0x15C0]  }
0xf0: {  	v8 =	vmul.f32 v8, v14;
	v18 =	vmul.f32 v18, v16;
	v20 =	vld [tilespmem:s13+$0x35C0]  }
0xf1: {  	[tilespmem:s13+$0xE370] =	vst v10;
	v9 =	vadd.f32 v9, v11;
	v10 =	vadd.f32 v12, v19;
	v11 =	vmul.f32 v21, v13;
	v12 =	vld [tilespmem:s13+$0x15D0]  }
0xf2: {  	v7 =	vmul.f32 v7, v14;
	v17 =	vmul.f32 v17, v16;
	v19 =	vld [tilespmem:s13+$0x35D0]  }
0xf3: {  	[tilespmem:s13+$0xE700] =	vst v9;
	v8 =	vadd.f32 v8, v10;
	v9 =	vadd.f32 v11, v18;
	v10 =	vmul.f32 v22, v13;
	v11 =	vld [tilespmem:s13+$0x15E0]  }
0xf4: {  	v6 =	vmul.f32 v6, v14;
	v15 =	vmul.f32 v15, v16;
	v18 =	vld [tilespmem:s13+$0x35E0]  }
0xf5: {  	s0 =	sadd.s32 $0x80, s0;
	[tilespmem:s13+$0xE710] =	vst v8;
	v7 =	vadd.f32 v7, v9;
	v8 =	vadd.f32 v10, v17;
	v9 =	vmul.f32 v20, v13;
	v10 =	vld [tilespmem:s13+$0x15F0]  }
0xf6: {  	s15 =	sand.u32 $0x1800, s2;
	s16 =	sand.u32 $0x380, s0;
	v5 =	vmul.f32 v5, v14;
	v12 =	vmul.f32 v12, v16;
	v21 =	vld [tilespmem:s13+$0x35F0]  }
0xf7: {  	s15 =	sor.u32 s16, s15;
	[tilespmem:s13+$0xE720] =	vst v7;
	v6 =	vadd.f32 v6, v8;
	v7 =	vadd.f32 v9, v15;
	v8 =	vmul.f32 v19, v13;
	v9 =	vld [tilespmem:s13+$0x55F0]  }
0xf8: {  	v4 =	vmul.f32 v4, v14;
	v19 =	vld [tilespmem:s15+$0x5180];
	v11 =	vmul.f32 v11, v16  }
0xf9: {  	v20 =	vld [tilespmem:s15+$0x5190];
	[tilespmem:s13+$0xE730] =	vst v6;
	v5 =	vadd.f32 v5, v7;
	v6 =	vadd.f32 v8, v12;
	v7 =	vmul.f32 v18, v13  }
0xfa: {  	v3 =	vmul.f32 v3, v14;
	v18 =	vld [tilespmem:s15+$0x51A0];
	v8 =	vmul.f32 v10, v16  }
0xfb: {  	v17 =	vld [tilespmem:s15+$0x51B0];
	[tilespmem:s13+$0xE740] =	vst v5;
	v4 =	vadd.f32 v4, v6;
	v5 =	vadd.f32 v7, v11;
	v6 =	vmul.f32 v21, v13  }
0xfc: {  	v15 =	vld [tilespmem:s15+$0x51C0];
	v7 =	vmul.f32 v9, v14  }
0xfd: {  	v12 =	vld [tilespmem:s15+$0x51D0];
	[tilespmem:s13+$0xE750] =	vst v4;
	v3 =	vadd.f32 v3, v5;
	v4 =	vadd.f32 v6, v8  }
0xfe: {  	v11 =	vld [tilespmem:s15+$0x51E0]  }
0xff: {  	v10 =	vld [tilespmem:s15+$0x51F0];
	[tilespmem:s13+$0xE760] =	vst v3;
	v3 =	vadd.f32 v7, v4  }
0x100: {  	v9 =	vld [tilespmem:s15+$0x5580]  }
0x101: {  	v8 =	vld [tilespmem:s15+$0x5590];
	[tilespmem:s13+$0xE770] =	vst v3;
	s13 =	smov.u32 s15  }
0x102: {  	v7 =	vld [tilespmem:s13+$0x55A0]  }
0x103: {  	v6 =	vld [tilespmem:s13+$0x55B0]  }
.Ltmp0:
0x104: {  	v5 =	vld [tilespmem:s13+$0x55C0];
	(pc) =	sbr.rel @p0 .LBB2_3-.Ltmp0, $4  }
0x105: {  	v4 =	vld [tilespmem:s13+$0x55D0]  }
0x106: {  	v3 =	vld [tilespmem:s13+$0x55E0]  }
0x107: {  	s3 =	sadd.s32 $0x80, s3;
	v21 =	vld [tilespmem:s13+$0x1180]  }
0x108: {  	s2 =	sadd.s32 $0x100, s2;
	v14 =	vld [tilespmem:s3+$0x0]  }
0x109: {  	_ = 	snop  }
0x10a: {  	v13 =	vld [tilespmem:s13+$0x3180]  }
0x10b: {  	v16 =	vld [tilespmem:s13+$0x1190]  }
0x10c: {  	v22 =	vld [tilespmem:s13+$0x3190]  }
0x10d: {  	v24 =	vbroadcast v14, $0x0;
	v25 =	vbroadcast v14, $0x1  }
0x10e: {  	v23 =	vld [tilespmem:s13+$0x11A0];
	v14 =	vbroadcast v14, $0x2  }
0x10f: {  	v26 =	vld [tilespmem:s13+$0x31A0];
	v21 =	vmul.f32 v21, v24;
	v13 =	vmul.f32 v13, v25  }
0x110: {  	v27 =	vld [tilespmem:s13+$0x11B0];
	v16 =	vmul.f32 v16, v24  }
0x111: {  	v28 =	vld [tilespmem:s13+$0x31B0];
	v22 =	vmul.f32 v22, v25;
	v19 =	vmul.f32 v19, v14;
	v13 =	vadd.f32 v13, v21  }
0x112: {  	v29 =	vld [tilespmem:s13+$0x11C0]  }
0x113: {  	v30 =	vld [tilespmem:s13+$0x11D0];
	v20 =	vmul.f32 v20, v14;
	v16 =	vadd.f32 v22, v16;
	v13 =	vadd.f32 v19, v13  }
0x114: {  	v21 =	vld [tilespmem:s13+$0x31C0];
	v22 =	vmul.f32 v23, v24;
	v23 =	vmul.f32 v26, v25  }
0x115: {  	v63 =	vld [tilespmem:s13+$0x11E0];
	v16 =	vadd.f32 v20, v16;
	[tilespmem:s13+$0xE300] =	vst v13;
	v13 =	vmul.f32 v18, v14  }
0x116: {  	v19 =	vld [tilespmem:s13+$0x31D0];
	v18 =	vadd.f32 v23, v22;
	v22 =	vmul.f32 v27, v24;
	v23 =	vmul.f32 v28, v25  }
0x117: {  	v20 =	vld [tilespmem:s13+$0x31E0]  }
0x118: {  	v17 =	vmul.f32 v17, v14;
	[tilespmem:s13+$0xE310] =	vst v16;
	v16 =	vld [tilespmem:s13+$0x11F0];
	v13 =	vadd.f32 v13, v18;
	v18 =	vadd.f32 v23, v22  }
0x119: {  	v21 =	vmul.f32 v21, v25;
	v22 =	vld [tilespmem:s13+$0x31F0];
	v23 =	vmul.f32 v29, v24  }
0x11a: {  	v15 =	vmul.f32 v15, v14;
	v12 =	vmul.f32 v12, v14;
	[tilespmem:s13+$0xE320] =	vst v13;
	v13 =	vadd.f32 v17, v18;
	v17 =	vld [tilespmem:s13+$0x1580]  }
0x11b: {  	v19 =	vmul.f32 v19, v25;
	v18 =	vadd.f32 v21, v23;
	v21 =	vld [tilespmem:s13+$0x3580];
	v23 =	vmul.f32 v30, v24  }
0x11c: {  	v11 =	vmul.f32 v11, v14;
	v20 =	vmul.f32 v20, v25  }
0x11d: {  	[tilespmem:s13+$0xE330] =	vst v13;
	v13 =	vadd.f32 v15, v18;
	v15 =	vld [tilespmem:s13+$0x1590];
	v18 =	vadd.f32 v19, v23;
	v23 =	vmul.f32 v63, v24  }
0x11e: {  	v16 =	vmul.f32 v16, v24;
	v19 =	vld [tilespmem:s13+$0x3590];
	v22 =	vmul.f32 v22, v25  }
0x11f: {  	v10 =	vmul.f32 v10, v14;
	[tilespmem:s13+$0xE340] =	vst v13;
	v12 =	vadd.f32 v12, v18;
	v13 =	vld [tilespmem:s13+$0x15A0];
	v18 =	vadd.f32 v20, v23  }
0x120: {  	v20 =	vld [tilespmem:s13+$0x35A0];
	v16 =	vadd.f32 v22, v16;
	v17 =	vmul.f32 v17, v24;
	v21 =	vmul.f32 v21, v25  }
0x121: {  	[tilespmem:s13+$0xE350] =	vst v12;
	v11 =	vadd.f32 v11, v18;
	v12 =	vld [tilespmem:s13+$0x15B0]  }
0x122: {  	v9 =	vmul.f32 v9, v14;
	v18 =	vld [tilespmem:s13+$0x35B0];
	v10 =	vadd.f32 v10, v16;
	v16 =	vadd.f32 v21, v17  }
0x123: {  	v17 =	vld [tilespmem:s13+$0x35C0];
	v15 =	vmul.f32 v15, v24;
	v19 =	vmul.f32 v19, v25  }
0x124: {  	v8 =	vmul.f32 v8, v14;
	[tilespmem:s13+$0xE360] =	vst v11;
	v11 =	vld [tilespmem:s13+$0x15C0];
	v9 =	vadd.f32 v9, v16  }
0x125: {  	[tilespmem:s13+$0xE370] =	vst v10;
	v10 =	vld [tilespmem:s13+$0x15D0];
	v15 =	vadd.f32 v19, v15;
	v13 =	vmul.f32 v13, v24;
	v19 =	vmul.f32 v20, v25  }
0x126: {  	v16 =	vld [tilespmem:s13+$0x35D0]  }
0x127: {  	v7 =	vmul.f32 v7, v14;
	[tilespmem:s13+$0xE700] =	vst v9;
	v8 =	vadd.f32 v8, v15;
	v9 =	vld [tilespmem:s13+$0x15E0];
	v13 =	vadd.f32 v19, v13  }
0x128: {  	v15 =	vld [tilespmem:s13+$0x35E0]  }
0x129: {  	[tilespmem:s13+$0xE710] =	vst v8;
	v8 =	vmul.f32 v12, v24;
	v12 =	vmul.f32 v18, v25;
	v7 =	vadd.f32 v7, v13;
	v13 =	vld [tilespmem:s13+$0x15F0]  }
0x12a: {  	v6 =	vmul.f32 v6, v14;
	v18 =	vld [tilespmem:s13+$0x35F0]  }
0x12b: {  	v5 =	vmul.f32 v5, v14;
	v11 =	vmul.f32 v11, v24;
	v8 =	vadd.f32 v12, v8  }
0x12c: {  	v12 =	vmul.f32 v17, v25;
	[tilespmem:s13+$0xE720] =	vst v7;
	v7 =	vmul.f32 v10, v24;
	v10 =	vld [tilespmem:s13+$0x55F0]  }
0x12d: {  	v4 =	vmul.f32 v4, v14;
	v6 =	vadd.f32 v6, v8;
	v8 =	vmul.f32 v16, v25  }
0x12e: {  	v9 =	vmul.f32 v9, v24;
	v11 =	vadd.f32 v12, v11;
	v12 =	vmul.f32 v15, v25  }
0x12f: {  	v7 =	vadd.f32 v8, v7;
	v8 =	vmul.f32 v13, v24;
	v13 =	vmul.f32 v18, v25  }
0x130: {  	v3 =	vmul.f32 v3, v14;
	v5 =	vadd.f32 v5, v11;
	v9 =	vadd.f32 v12, v9  }
0x131: {  	[tilespmem:s13+$0xE730] =	vst v6;
	v6 =	vmul.f32 v10, v14;
	v4 =	vadd.f32 v4, v7;
	v7 =	vadd.f32 v13, v8  }
0x132: {  	[tilespmem:s13+$0xE740] =	vst v5;
	v3 =	vadd.f32 v3, v9  }
0x133: {  	s0 =	sadd.s32 s12, s31;
	[tilespmem:s13+$0xE750] =	vst v4;
	v4 =	vadd.f32 v6, v7  }
0x134: {  	s0 =	sshll.u32 s0, $0x5;
	[tilespmem:s13+$0xE760] =	vst v3  }
0x135: {  	s3 =	simm.s32 $0x0;
	s0 =	sadd.s32 s1, s0;
	[tilespmem:s13+$0xE770] =	vst v4  }
0x136: {  	[hbm4b:s0+s3] =	stream.linear.scatter [tilespmem:s26], [sflag:$0x3], $0x2000, $0x38;
	[tilespmem:$0x10300] =	vst v63  }
0x137: {  	_ =	swait.ge [sflag:s14], $0x2000  }
0x138: {  	[sflag:s14] =	ssyncset.done $0x0  }
0x139: {  	[sflag:s14] =	ssyncadd.s32 $0xFFFFE000  }
0x13a: {  	_ =	swait.ge [sflag:s28], $0x2000  }
0x13b: {  	[sflag:s28] =	ssyncset.done $0x0  }
0x13c: {  	[sflag:s28] =	ssyncadd.s32 $0xFFFFE000  }
0x13d: {  	_ =	swait.ge [sflag:s28], $0x2000  }
0x13e: {  	[sflag:s28] =	ssyncset.done $0x0  }
0x13f: {  	[sflag:s28] =	ssyncadd.s32 $0xFFFFE000  }
0x140: {  	_ =	swait.ge [sflag:s28], $0x2000  }
0x141: {  	s31 =	sand.u32 $0x1800, s3;
	s2 =	sand.u32 $0x380, s3;
	[sflag:s28] =	ssyncset.done $0x0  }
0x142: {  	s0 =	sor.u32 s2, s31;
	[sflag:s28] =	ssyncadd.s32 $0xFFFFE000  }
0x143: {  	v19 =	vld [tilespmem:s0+$0xC300]  }
0x144: {  	v20 =	vld [tilespmem:s0+$0xC310]  }
0x145: {  	v18 =	vld [tilespmem:s0+$0xC320]  }
0x146: {  	v17 =	vld [tilespmem:s0+$0xC330]  }
0x147: {  	v15 =	vld [tilespmem:s0+$0xC340]  }
0x148: {  	v12 =	vld [tilespmem:s0+$0xC350]  }
0x149: {  	v11 =	vld [tilespmem:s0+$0xC360]  }
0x14a: {  	v10 =	vld [tilespmem:s0+$0xC370]  }
0x14b: {  	v9 =	vld [tilespmem:s0+$0xC700]  }
0x14c: {  	v8 =	vld [tilespmem:s0+$0xC710]  }
0x14d: {  	v7 =	vld [tilespmem:s0+$0xC720]  }
0x14e: {  	v6 =	vld [tilespmem:s0+$0xC730]  }
0x14f: {  	v5 =	vld [tilespmem:s0+$0xC740]  }
0x150: {  	v4 =	vld [tilespmem:s0+$0xC750]  }
0x151: {  	v3 =	vld [tilespmem:s0+$0xC760]  }
0x152: {  	s13 =	simm.s32 $0x7300;
	v21 =	vld [tilespmem:s0+$0x8300]  }
0x153: {  	s2 =	simm.s32 $0x100;
	v14 =	vld [tilespmem:s13+$0x0]  }
.LBB2_5:
0x154: {  	p0 =	sne.s32 s2, $0x1F00;
	v22 =	vld [tilespmem:s0+$0xA300]  }
0x155: {  	v23 =	vld [tilespmem:s0+$0x8310]  }
0x156: {  	v24 =	vld [tilespmem:s0+$0xA310]  }
0x157: {  	v25 =	vld [tilespmem:s0+$0x8320]  }
0x158: {  	v16 =	vbroadcast v14, $0x0;
	v13 =	vbroadcast v14, $0x1;
	v26 =	vld [tilespmem:s0+$0xA320]  }
0x159: {  	v14 =	vbroadcast v14, $0x2;
	v27 =	vld [tilespmem:s0+$0x8330]  }
0x15a: {  	v21 =	vmul.f32 v21, v16;
	v22 =	vmul.f32 v22, v13;
	v28 =	vld [tilespmem:s0+$0xA330]  }
0x15b: {  	v23 =	vmul.f32 v23, v16;
	v24 =	vmul.f32 v24, v13;
	v29 =	vld [tilespmem:s0+$0x8340]  }
0x15c: {  	v19 =	vmul.f32 v19, v14;
	v20 =	vmul.f32 v20, v14;
	v21 =	vadd.f32 v22, v21;
	v22 =	vld [tilespmem:s0+$0xA340]  }
0x15d: {  	v23 =	vadd.f32 v24, v23;
	v24 =	vmul.f32 v25, v16;
	v25 =	vmul.f32 v26, v13;
	v26 =	vld [tilespmem:s0+$0x8350]  }
0x15e: {  	v18 =	vmul.f32 v18, v14;
	v19 =	vadd.f32 v19, v21;
	v21 =	vmul.f32 v27, v16;
	v27 =	vld [tilespmem:s0+$0xA350]  }
0x15f: {  	v20 =	vadd.f32 v20, v23;
	v23 =	vadd.f32 v25, v24;
	v24 =	vmul.f32 v28, v13;
	v25 =	vld [tilespmem:s0+$0x8360]  }
0x160: {  	v17 =	vmul.f32 v17, v14;
	[tilespmem:s0+$0xE300] =	vst v19;
	v19 =	vmul.f32 v29, v16;
	v28 =	vld [tilespmem:s0+$0xA360]  }
0x161: {  	[tilespmem:s0+$0xE310] =	vst v20;
	v18 =	vadd.f32 v18, v23;
	v20 =	vadd.f32 v24, v21;
	v21 =	vmul.f32 v22, v13;
	v22 =	vld [tilespmem:s0+$0x8370]  }
0x162: {  	v15 =	vmul.f32 v15, v14;
	v23 =	vmul.f32 v26, v16;
	v24 =	vld [tilespmem:s0+$0xA370]  }
0x163: {  	[tilespmem:s0+$0xE320] =	vst v18;
	v17 =	vadd.f32 v17, v20;
	v18 =	vadd.f32 v21, v19;
	v19 =	vmul.f32 v27, v13;
	v20 =	vld [tilespmem:s0+$0x8700]  }
0x164: {  	v12 =	vmul.f32 v12, v14;
	v21 =	vmul.f32 v25, v16;
	v25 =	vld [tilespmem:s0+$0xA700]  }
0x165: {  	[tilespmem:s0+$0xE330] =	vst v17;
	v15 =	vadd.f32 v15, v18;
	v17 =	vadd.f32 v19, v23;
	v18 =	vmul.f32 v28, v13;
	v19 =	vld [tilespmem:s0+$0x8710]  }
0x166: {  	v11 =	vmul.f32 v11, v14;
	v22 =	vmul.f32 v22, v16;
	v23 =	vld [tilespmem:s0+$0xA710]  }
0x167: {  	[tilespmem:s0+$0xE340] =	vst v15;
	v12 =	vadd.f32 v12, v17;
	v15 =	vadd.f32 v18, v21;
	v17 =	vmul.f32 v24, v13;
	v18 =	vld [tilespmem:s0+$0x8720]  }
0x168: {  	v10 =	vmul.f32 v10, v14;
	v20 =	vmul.f32 v20, v16;
	v21 =	vld [tilespmem:s0+$0xA720]  }
0x169: {  	[tilespmem:s0+$0xE350] =	vst v12;
	v11 =	vadd.f32 v11, v15;
	v12 =	vadd.f32 v17, v22;
	v15 =	vmul.f32 v25, v13;
	v17 =	vld [tilespmem:s0+$0x8730]  }
0x16a: {  	v9 =	vmul.f32 v9, v14;
	v19 =	vmul.f32 v19, v16;
	v22 =	vld [tilespmem:s0+$0xA730]  }
0x16b: {  	[tilespmem:s0+$0xE360] =	vst v11;
	v10 =	vadd.f32 v10, v12;
	v11 =	vadd.f32 v15, v20;
	v12 =	vmul.f32 v23, v13;
	v15 =	vld [tilespmem:s0+$0x8740]  }
0x16c: {  	v8 =	vmul.f32 v8, v14;
	v18 =	vmul.f32 v18, v16;
	v20 =	vld [tilespmem:s0+$0xA740]  }
0x16d: {  	[tilespmem:s0+$0xE370] =	vst v10;
	v9 =	vadd.f32 v9, v11;
	v10 =	vadd.f32 v12, v19;
	v11 =	vmul.f32 v21, v13;
	v12 =	vld [tilespmem:s0+$0x8750]  }
0x16e: {  	v7 =	vmul.f32 v7, v14;
	v17 =	vmul.f32 v17, v16;
	v19 =	vld [tilespmem:s0+$0xA750]  }
0x16f: {  	[tilespmem:s0+$0xE700] =	vst v9;
	v8 =	vadd.f32 v8, v10;
	v9 =	vadd.f32 v11, v18;
	v10 =	vmul.f32 v22, v13;
	v11 =	vld [tilespmem:s0+$0x8760]  }
0x170: {  	v6 =	vmul.f32 v6, v14;
	v15 =	vmul.f32 v15, v16;
	v18 =	vld [tilespmem:s0+$0xA760]  }
0x171: {  	s3 =	sadd.s32 $0x80, s3;
	[tilespmem:s0+$0xE710] =	vst v8;
	v7 =	vadd.f32 v7, v9;
	v8 =	vadd.f32 v10, v17;
	v9 =	vmul.f32 v20, v13;
	v10 =	vld [tilespmem:s0+$0x8770]  }
0x172: {  	s15 =	sand.u32 $0x1800, s2;
	s16 =	sand.u32 $0x380, s3;
	v5 =	vmul.f32 v5, v14;
	v12 =	vmul.f32 v12, v16;
	v21 =	vld [tilespmem:s0+$0xA770]  }
0x173: {  	s15 =	sor.u32 s16, s15;
	[tilespmem:s0+$0xE720] =	vst v7;
	v6 =	vadd.f32 v6, v8;
	v7 =	vadd.f32 v9, v15;
	v8 =	vmul.f32 v19, v13;
	v9 =	vld [tilespmem:s0+$0xC770]  }
0x174: {  	v4 =	vmul.f32 v4, v14;
	v19 =	vld [tilespmem:s15+$0xC300];
	v11 =	vmul.f32 v11, v16  }
0x175: {  	v20 =	vld [tilespmem:s15+$0xC310];
	[tilespmem:s0+$0xE730] =	vst v6;
	v5 =	vadd.f32 v5, v7;
	v6 =	vadd.f32 v8, v12;
	v7 =	vmul.f32 v18, v13  }
0x176: {  	v3 =	vmul.f32 v3, v14;
	v18 =	vld [tilespmem:s15+$0xC320];
	v8 =	vmul.f32 v10, v16  }
0x177: {  	v17 =	vld [tilespmem:s15+$0xC330];
	[tilespmem:s0+$0xE740] =	vst v5;
	v4 =	vadd.f32 v4, v6;
	v5 =	vadd.f32 v7, v11;
	v6 =	vmul.f32 v21, v13  }
0x178: {  	v15 =	vld [tilespmem:s15+$0xC340];
	v7 =	vmul.f32 v9, v14  }
0x179: {  	v12 =	vld [tilespmem:s15+$0xC350];
	[tilespmem:s0+$0xE750] =	vst v4;
	v3 =	vadd.f32 v3, v5;
	v4 =	vadd.f32 v6, v8  }
0x17a: {  	v11 =	vld [tilespmem:s15+$0xC360]  }
0x17b: {  	v10 =	vld [tilespmem:s15+$0xC370];
	[tilespmem:s0+$0xE760] =	vst v3;
	v3 =	vadd.f32 v7, v4  }
0x17c: {  	v9 =	vld [tilespmem:s15+$0xC700]  }
0x17d: {  	v8 =	vld [tilespmem:s15+$0xC710];
	[tilespmem:s0+$0xE770] =	vst v3;
	s0 =	smov.u32 s15  }
0x17e: {  	v7 =	vld [tilespmem:s0+$0xC720]  }
0x17f: {  	v6 =	vld [tilespmem:s0+$0xC730]  }
.Ltmp1:
0x180: {  	v5 =	vld [tilespmem:s0+$0xC740];
	(pc) =	sbr.rel @p0 .LBB2_5-.Ltmp1, $4  }
0x181: {  	v4 =	vld [tilespmem:s0+$0xC750]  }
0x182: {  	v3 =	vld [tilespmem:s0+$0xC760]  }
0x183: {  	s13 =	sadd.s32 $0x80, s13;
	v21 =	vld [tilespmem:s0+$0x8300]  }
0x184: {  	s2 =	sadd.s32 $0x100, s2;
	v14 =	vld [tilespmem:s13+$0x0]  }
0x185: {  	v13 =	vld [tilespmem:s0+$0xA300]  }
0x186: {  	v16 =	vld [tilespmem:s0+$0x8310]  }
0x187: {  	v22 =	vld [tilespmem:s0+$0xA310]  }
0x188: {  	v23 =	vld [tilespmem:s0+$0x8320]  }
0x189: {  	v26 =	vld [tilespmem:s0+$0xA320]  }
0x18a: {  	v27 =	vld [tilespmem:s0+$0x8330]  }
0x18b: {  	v28 =	vld [tilespmem:s0+$0xA330]  }
0x18c: {  	v29 =	vld [tilespmem:s0+$0x8340];
	v24 =	vbroadcast v14, $0x0;
	v25 =	vbroadcast v14, $0x1  }
0x18d: {  	v49 =	vld [tilespmem:s0+$0xA340];
	v14 =	vbroadcast v14, $0x2  }
0x18e: {  	v30 =	vld [tilespmem:s0+$0x8350];
	v21 =	vmul.f32 v21, v24;
	v13 =	vmul.f32 v13, v25  }
0x18f: {  	v50 =	vld [tilespmem:s0+$0xA350];
	v16 =	vmul.f32 v16, v24;
	v22 =	vmul.f32 v22, v25  }
0x190: {  	v53 =	vld [tilespmem:s0+$0x8360];
	v19 =	vmul.f32 v19, v14;
	v20 =	vmul.f32 v20, v14  }
0x191: {  	v56 =	vld [tilespmem:s0+$0xA360];
	v51 =	vmul.f32 v23, v24;
	v52 =	vmul.f32 v26, v25  }
0x192: {  	v59 =	vld [tilespmem:s0+$0x8370];
	v54 =	vmul.f32 v18, v14;
	v57 =	vmul.f32 v27, v24  }
0x193: {  	v39 =	vld [tilespmem:s0+$0xA720];
	v58 =	vmul.f32 v28, v25;
	v17 =	vmul.f32 v17, v14  }
0x194: {  	v61 =	vld [tilespmem:s0+$0xA370];
	v62 =	vmul.f32 v29, v24;
	v15 =	vmul.f32 v15, v14  }
0x195: {  	v33 =	vld [tilespmem:s0+$0x8710];
	v31 =	vmul.f32 v30, v24;
	v12 =	vmul.f32 v12, v14  }
0x196: {  	v41 =	vld [tilespmem:s0+$0xA730];
	v36 =	vmul.f32 v53, v24;
	v11 =	vmul.f32 v11, v14  }
0x197: {  	v46 =	vld [tilespmem:s0+$0xA750];
	v10 =	vmul.f32 v10, v14;
	v9 =	vmul.f32 v9, v14  }
0x198: {  	v40 =	vld [tilespmem:s0+$0x8730];
	v8 =	vmul.f32 v8, v14;
	v47 =	vmul.f32 v39, v25  }
0x199: {  	v27 =	vld [tilespmem:s0+$0x8700];
	v7 =	vmul.f32 v7, v14;
	v6 =	vmul.f32 v6, v14  }
0x19a: {  	v29 =	vld [tilespmem:s0+$0xA700];
	v5 =	vmul.f32 v5, v14;
	v13 =	vadd.f32 v13, v21;
	v16 =	vadd.f32 v22, v16  }
0x19b: {  	v53 =	vld [tilespmem:s0+$0xA770];
	v55 =	vadd.f32 v52, v51;
	v21 =	vmul.f32 v49, v25;
	v22 =	vmul.f32 v61, v25  }
0x19c: {  	v35 =	vld [tilespmem:s0+$0xA710];
	v60 =	vadd.f32 v58, v57;
	v51 =	vmul.f32 v41, v25;
	v57 =	vmul.f32 v46, v25  }
0x19d: {  	v44 =	vld [tilespmem:s0+$0xA740];
	v13 =	vadd.f32 v19, v13;
	v16 =	vadd.f32 v20, v16;
	v19 =	vmul.f32 v50, v25  }
0x19e: {  	v49 =	vld [tilespmem:s0+$0xA760];
	v28 =	vadd.f32 v21, v62;
	v20 =	vmul.f32 v56, v25;
	v50 =	vmul.f32 v40, v24  }
0x19f: {  	v52 =	vld [tilespmem:s0+$0x8770];
	v63 =	vadd.f32 v17, v60;
	v17 =	vmul.f32 v27, v24;
	v21 =	vmul.f32 v29, v25  }
0x1a0: {  	v37 =	vld [tilespmem:s0+$0x8720];
	v60 =	vmul.f32 v53, v25;
	[tilespmem:s0+$0xE300] =	vst v13;
	v13 =	vadd.f32 v54, v55;
	v32 =	vadd.f32 v15, v28  }
0x1a1: {  	v56 =	vld [tilespmem:s0+$0xC770];
	[tilespmem:s0+$0xE310] =	vst v16;
	v34 =	vadd.f32 v19, v31;
	v16 =	vmul.f32 v59, v24;
	v15 =	vmul.f32 v33, v24  }
0x1a2: {  	v42 =	vld [tilespmem:s0+$0x8740];
	[tilespmem:s0+$0xE330] =	vst v63;
	v38 =	vadd.f32 v20, v36;
	v19 =	vmul.f32 v35, v25;
	v54 =	vmul.f32 v44, v25  }
0x1a3: {  	v48 =	vld [tilespmem:s0+$0x8760];
	v43 =	vadd.f32 v21, v17;
	v58 =	vmul.f32 v49, v25;
	[tilespmem:s0+$0xE320] =	vst v13;
	v12 =	vadd.f32 v12, v34  }
0x1a4: {  	v45 =	vld [tilespmem:s0+$0x8750];
	v59 =	vmul.f32 v52, v24;
	[tilespmem:s0+$0xE340] =	vst v32;
	v11 =	vadd.f32 v11, v38;
	v15 =	vadd.f32 v19, v15  }
0x1a5: {  	v16 =	vadd.f32 v22, v16;
	v13 =	vmul.f32 v37, v24;
	v9 =	vadd.f32 v9, v43;
	[tilespmem:s0+$0xE350] =	vst v12  }
0x1a6: {  	v61 =	vmul.f32 v56, v14;
	v62 =	vadd.f32 v60, v59;
	[tilespmem:s0+$0xE360] =	vst v11;
	v8 =	vadd.f32 v8, v15  }
0x1a7: {  	v10 =	vadd.f32 v10, v16;
	v13 =	vadd.f32 v47, v13;
	v11 =	vmul.f32 v42, v24;
	[tilespmem:s0+$0xE700] =	vst v9  }
0x1a8: {  	v9 =	vmul.f32 v48, v24;
	v63 =	vadd.f32 v61, v62;
	[tilespmem:s0+$0xE710] =	vst v8;
	v8 =	vadd.f32 v51, v50  }
0x1a9: {  	v55 =	vmul.f32 v45, v24;
	[tilespmem:s0+$0xE370] =	vst v10;
	v7 =	vadd.f32 v7, v13;
	v11 =	vadd.f32 v54, v11  }
0x1aa: {  	v3 =	vmul.f32 v3, v14;
	v9 =	vadd.f32 v58, v9;
	[tilespmem:s0+$0xE770] =	vst v63;
	v6 =	vadd.f32 v6, v8  }
0x1ab: {  	v4 =	vmul.f32 v4, v14;
	[tilespmem:s0+$0xE720] =	vst v7;
	v7 =	vadd.f32 v57, v55;
	v5 =	vadd.f32 v5, v11  }
0x1ac: {  	v3 =	vadd.f32 v3, v9;
	[tilespmem:s0+$0xE730] =	vst v6  }
0x1ad: {  	s2 =	sadd.s32 s12, s30;
	s29 =	sadd.s32 $0x1, s29;
	v4 =	vadd.f32 v4, v7;
	[tilespmem:s0+$0xE740] =	vst v5  }
0x1ae: {  	s2 =	sshll.u32 s2, $0x5;
	p0 =	sne.s32 s29, $0x10;
	[tilespmem:s0+$0xE760] =	vst v3  }
.Ltmp2:
0x1af: {  	s31 =	simm.s32 $0x0;
	s30 =	sadd.s32 s1, s2;
	[tilespmem:s0+$0xE750] =	vst v4;
	(pc) =	sbr.rel @p0 .LBB2_2-.Ltmp2, $4  }
0x1b0: {  	[hbm4b:s30+s31] =	stream.linear.scatter [tilespmem:s26], [sflag:$0x3], $0x2000, $0x38;
	[tilespmem:$0x10300] =	vst v63  }
0x1b1: {  	_ =	swait.ge [sflag:s14], $0x2000  }
0x1b2: {  	[sflag:s14] =	ssyncset.done $0x0  }
0x1b3: {  	[sflag:s14] =	ssyncadd.s32 $0xFFFFE000  }
0x1b4: {  	s2 =	rddreg [dreg:$0x4]  }
0x1b5: {  	s0 =	rddreg [dreg:$0x3];
	s2 =	sadd.s32 $0x1, s2  }
0x1b6: {  	p0 =	sne.s32 s2, s0  }
.Ltmp3:
0x1b7: {  	_ = 	snop;
	(pc) =	sbr.rel @p0 .LBB2_1-.Ltmp3, $1  }
0x1b8: {  	_ =	sdelay $0x3  }
0x1b9: {  	_ =	sfence.sel $0x180000  }
0x1ba: {  	[bflag:$0x0] =	sbarrier.arrive $0xFFFF  }
0x1bb: {  	_ =	strace $0x9000004A  }
0x1bc: {  	s0 =	stileid.u32;
	[bflag:$0x2] =	sbarrier.arrive $0xFFFF  }
0x1bd: {  	p0 =	sne.s32 s0, $0x0;
	s0 =	rddreg [dreg:$0x2]  }
0x1be: {  	s0 =	sadd.s32 @!p0 $0x100000, s0  }
0x1bf: {  	[sflag:s0] =	ssyncadd.tile.s32 @!p0 $0x1;
	_ =	shalt  }
.Lfunc_end2:
_tile_overlayer_lowered:
.L_overlay_start_2:
0x1c0: {  	(tag) =	ssettag $0x2  }
0x1c1: {  	s0 =	rddreg [dreg:$0x0];
	s2 =	stileid.u32  }
0x1c2: {  	s1 =	rddreg [dreg:$0x1];
	p0 =	sne.s32 s2, $0x0  }
0x1c3: {  	s3 =	rddreg [dreg:$0x2];
	[bflag:$0x3] =	sbarrier.arrive $0xFFFF;
	s2 =	simm.s32 @!p0 $0x1C03  }
0x1c4: {  	[timem:s3], [sflag:s2] =	dma.local @!p0 [hbm:s0], s1  }
0x1c5: {  	s0 =	simm.s32 @!p0 $0x3  }
0x1c6: {  	_ =	swait.ge @!p0 [sflag:s0], s1  }
0x1c7: {  	s1 =	ssub.s32 @!p0 $0x0, s1;
	[sflag:s0] =	ssyncset.done @!p0 $0x0  }
0x1c8: {  	[sflag:s0] =	ssyncadd.s32 @!p0 s1  }
0x1c9: {  	[bflag:$0x3] =	sbarrier.arrive $0xFFFF  }
0x1ca: {  	_ =	shalt  }

// kernel: kernel.13.cloned.1.call-start
scs
__scs_entry_jumppad:
0x0: {  	(pc) =	sbr.rel $0x88, $3  }
0x1: {  	(tag) =	ssettag $0x0;
	lr =	simm.s32 $0x1  }
0x2: {  	[smem:$0x3F95] =	sst lr;
	_ =	strace $0xD0000000  }
0x3: {  	_ = 	snop  }
0x4: {  	_ = 	snop  }
0x5: {  	_ = 	snop  }
0x6: {  	_ = 	snop  }
0x7: {  	_ = 	snop  }
__scs_overlays_trampoline_lowered:
0x8: {  	[smem:$0x3FA4] =	sst s0  }
0x9: {  	[smem:$0x3FA5] =	sst s1  }
0xa: {  	[smem:$0x3FA6] =	sst s2  }
0xb: {  	[smem:$0x3FA7] =	sst s3  }
0xc: {  	[smem:$0x3FA8] =	sst s4  }
0xd: {  	[smem:$0x3FA9] =	sst s5  }
0xe: {  	[smem:$0x3FAA] =	sst s6  }
0xf: {  	[smem:$0x3FAB] =	sst s7  }
0x10: {  	[smem:$0x3FAC] =	sst s8  }
0x11: {  	[smem:$0x3FAD] =	sst s9;
	s0 =	simm.s32 @!p0 $0x0  }
0x12: {  	s1 =	sld [smem:$0x3F93];
	s0 =	simm.s32 @p0 $0x1  }
0x13: {  	[smem:$0x3FAE] =	sst s0;
	s0 =	simm.s32 @!p1 $0x0  }
0x14: {  	s2 =	sld [smem:$0x3F92];
	s0 =	simm.s32 @p1 $0x1  }
0x15: {  	[smem:$0x3FAF] =	sst s0;
	s0 =	simm.s32 @!p2 $0x0  }
0x16: {  	s3 =	sld [smem:$0x3FDB];
	s0 =	simm.s32 @p2 $0x1  }
0x17: {  	s4 =	simm.s32 $0x1BF5;
	[smem:$0x3FB1] =	sst s0  }
0x18: {  	s0 =	sld [smem:$0x3F94];
	_ =	swait.ge [sflag:s4], $0x0  }
0x19: {  	s7 =	sld [smem:$0x3F95]  }
0x1a: {  	s8 =	sadd.s32 $0xFFFFE003, lr  }
0x1b: {  	s9 =	sadd.s32 $0xFFFFFEF7, lr;
	s5 =	simm.s32 $0xFFFFFFFF;
	p2 =	slt.u32 s8, $0xFFFFF086  }
0x1c: {  	p1 =	slt.u32 s9, $0xF7A;
	s5 =	simm.s32 @!p2 $0x0  }
0x1d: {  	s5 =	simm.s32 @p1 $0x1;
	p0 =	seq.s32 s7, s2  }
0x1e: {  	s7 =	smul.u32 @!p0 $0xF7A, s2;
	p2 =	seq.s32 @!p0 s5, $0x0  }
0x1f: {  	s9 =	smul.u32 $0xF7A, s1;
	s8 =	simm.s32 @!p0 $0x1BF5;
	p2 =	por !p2, p0  }
0x20: {  	[sflag:s8] =	ssyncset.s32 @!p0 $0xFFFFF086;
	s6 =	sadd.s32 @!p0 s3, s7;
	s7 =	simm.s32 @!p0 $0x108  }
0x21: {  	s3 =	sadd.s32 s3, s9;
	s6 =	sadd.s32 @!p0 $0x88, s6;
	s7 =	simm.s32 @p2 $0x1082  }
0x22: {  	[simem:s7], [sflag:s8] =	dma.local @!p0 [hbm:s6], $0xF7A  }
0x23: {  	s9 =	sor.u32 $0xD0000000, s2;
	s6 =	simm.s32 $0x108;
	_ =	swait.ge @!p0 [sflag:s8], $0x0  }
0x24: {  	s3 =	sadd.s32 $0x88, s3;
	s6 =	simm.s32 @!p1 $0x1082;
	[sflag:s4] =	ssyncset.s32 $0xFFFFF086  }
0x25: {  	[simem:s6], [sflag:s4] =	dma.local [hbm:s3], $0xF7A  }
0x26: {  	[smem:$0x3F95] =	sst s1;
	(tag) =	ssettag s2;
	_ =	strace s9  }
0x27: {  	s1 =	sld [smem:$0x3FA5]  }
0x28: {  	s2 =	sld [smem:$0x3FA6]  }
0x29: {  	s4 =	sld [smem:$0x3FA8]  }
0x2a: {  	p0 =	seq.s32 s5, $0x0;
	s5 =	sld [smem:$0x3FA9]  }
0x2b: {  	s6 =	sld [smem:$0x3FAA]  }
0x2c: {  	s7 =	sld [smem:$0x3FAB]  }
0x2d: {  	s3 =	simm.s32 $0x108;
	s8 =	sld [smem:$0x3FAC]  }
0x2e: {  	s3 =	simm.s32 @!p0 $0x1082;
	s9 =	sld [smem:$0x3FAD]  }
0x2f: {  	lr =	sadd.s32 s0, s3;
	s0 =	sld [smem:$0x3FA4]  }
0x30: {  	s3 =	sld [smem:$0x3FA7]  }
0x31: {  	[smem:$0x3FB0] =	sst s10  }
0x32: {  	s10 =	sld [smem:$0x3FAE];
	_ =	sdelay $0x3  }
0x33: {  	p0 =	seq.s32 s10, $0x1;
	s10 =	sld [smem:$0x3FB0];
	_ =	sdelay $0x3  }
0x34: {  	[smem:$0x3FB0] =	sst s10  }
0x35: {  	s10 =	sld [smem:$0x3FAF];
	_ =	sdelay $0x3  }
0x36: {  	p1 =	seq.s32 s10, $0x1;
	s10 =	sld [smem:$0x3FB0];
	_ =	sdelay $0x3  }
0x37: {  	[smem:$0x3FB0] =	sst s10  }
0x38: {  	s10 =	sld [smem:$0x3FB1]  }
0x39: {  	_ = 	snop;
	(pc) =	sbr.ind lr, $3  }
0x3a: {  	_ = 	snop  }
0x3b: {  	_ = 	snop  }
0x3c: {  	p2 =	seq.s32 s10, $0x1;
	s10 =	sld [smem:$0x3FB0]  }
0x3d: {  	_ =	shalt  }
0x3e: {  	_ =	shalt  }
0x3f: {  	_ =	shalt  }
0x40: {  	_ =	shalt  }
0x41: {  	_ =	shalt  }
0x42: {  	_ =	shalt  }
0x43: {  	_ =	shalt  }
0x44: {  	_ =	shalt  }
0x45: {  	_ =	shalt  }
0x46: {  	_ =	shalt  }
0x47: {  	_ =	shalt  }
0x48: {  	_ =	shalt  }
0x49: {  	_ =	shalt  }
0x4a: {  	_ =	shalt  }
0x4b: {  	_ =	shalt  }
0x4c: {  	_ =	shalt  }
0x4d: {  	_ =	shalt  }
0x4e: {  	_ =	shalt  }
0x4f: {  	_ =	shalt  }
0x50: {  	_ =	shalt  }
0x51: {  	_ =	shalt  }
0x52: {  	_ =	shalt  }
0x53: {  	_ =	shalt  }
0x54: {  	_ =	shalt  }
0x55: {  	_ =	shalt  }
0x56: {  	_ =	shalt  }
0x57: {  	_ =	shalt  }
0x58: {  	_ =	shalt  }
0x59: {  	_ =	shalt  }
0x5a: {  	_ =	shalt  }
0x5b: {  	_ =	shalt  }
0x5c: {  	_ =	shalt  }
0x5d: {  	_ =	shalt  }
0x5e: {  	_ =	shalt  }
0x5f: {  	_ =	shalt  }
0x60: {  	_ =	shalt  }
0x61: {  	_ =	shalt  }
0x62: {  	_ =	shalt  }
0x63: {  	_ =	shalt  }
0x64: {  	_ =	shalt  }
0x65: {  	_ =	shalt  }
0x66: {  	_ =	shalt  }
0x67: {  	_ =	shalt  }
0x68: {  	_ =	shalt  }
0x69: {  	_ =	shalt  }
0x6a: {  	_ =	shalt  }
0x6b: {  	_ =	shalt  }
0x6c: {  	_ =	shalt  }
0x6d: {  	_ =	shalt  }
0x6e: {  	_ =	shalt  }
0x6f: {  	_ =	shalt  }
0x70: {  	_ =	shalt  }
0x71: {  	_ =	shalt  }
0x72: {  	_ =	shalt  }
0x73: {  	_ =	shalt  }
0x74: {  	_ =	shalt  }
0x75: {  	_ =	shalt  }
0x76: {  	_ =	shalt  }
0x77: {  	_ =	shalt  }
0x78: {  	_ =	shalt  }
0x79: {  	_ =	shalt  }
0x7a: {  	_ =	shalt  }
0x7b: {  	_ =	shalt  }
0x7c: {  	_ =	shalt  }
0x7d: {  	_ =	shalt  }
0x7e: {  	_ =	shalt  }
0x7f: {  	_ =	shalt  }
0x80: {  	_ =	shalt  }
0x81: {  	_ =	shalt  }
0x82: {  	_ =	shalt  }
0x83: {  	_ =	shalt  }
0x84: {  	_ =	shalt  }
0x85: {  	_ =	shalt  }
0x86: {  	_ =	shalt  }
0x87: {  	_ =	shalt  }
.Lfunc_end0:
.L_simem_size_0:
called_computation.1_lowered:
.L_overlay_start_0:
0x88: {  	s2 =	sld [smem:$0x3FD9]  }
0x89: {  	s3 =	sld [smem:$0x3FFE];
	_ =	sdelay $0x1  }
0x8a: {  	s1 =	srdreg.scid  }
0x8b: {  	s0 =	sand.u32 $0x1, s1  }
0x8c: {  	s16 =	sshll.u32 s0, $0xA;
	s2 =	sadd.s32 s3, s2  }
0x8d: {  	s2 =	sadd.s32 s2, s16  }
0x8e: {  	[smem:$0x3FBC] =	sst s2  }
0x8f: {  	_ = 	snop  }
0x90: {  	(tm) =	ssettm $0x1  }
0x91: {  	s17 =	sld [smem:$0x3FFB];
	_ =	sdelay $0x3  }
0x92: {  	_ =	strace s17  }
0x93: {  	s2 =	sld [smem:$0x3FFC];
	_ =	sdelay $0x3  }
0x94: {  	_ =	strace s2  }
0x95: {  	s2 =	sld [smem:$0x3FFD];
	_ =	sdelay $0x3  }
0x96: {  	_ =	strace s2  }
0x97: {  	_ =	strace $0x8FFFFFFF  }
0x98: {  	s18 =	sld [smem:$0x3FDB];
	_ =	sdelay $0x1  }
0x99: {  	s19 =	simm.s32 $_scs_section_size  }
0x9a: {  	s4 =	simm.s32 $_size__tile_overlayer_lowered;
	s5 =	simm.s32 $_tile_overlayer_lowered  }
0x9b: {  	s22 =	simm.s32 $0x1BFF;
	s21 =	sshll.u32 s5, $0x1;
	s2 =	sadd.s32 s19, s18  }
0x9c: {  	s6 =	simm.s32 $0x0;
	s20 =	sshll.u32 s4, $0x1;
	s4 =	sadd.s32 s21, s2  }
0x9d: {  	[timem:s6], [sflag:s22] =	dma.local [hbm:s4], s20  }
0x9e: {  	_ =	swait.ge [sflag:s22], s20  }
0x9f: {  	s3 =	ssub.s32 $0x0, s20;
	[sflag:s22] =	ssyncset.done $0x0  }
0xa0: {  	[sflag:s22] =	ssyncadd.s32 s3;
	_ =	sdelay $0x1  }
0xa1: {  	s23 =	simm.s32 $0x1B8B  }
0xa2: {  	_ =	swait.ge [sflag:s23], $0x1  }
0xa3: {  	[sflag:s23] =	ssyncset.done $0x0  }
0xa4: {  	s25 =	simm.s32 $0x1B8E;
	s24 =	sld [smem:$0x3FFE];
	[sflag:s23] =	ssyncadd.s32 $0xFFFFFFFF  }
0xa5: {  	s26 =	simm.s32 $execute0_lowered;
	[smem:$0x3FD2] =	sst s25  }
0xa6: {  	s4 =	sshll.u32 s26, $0x1;
	_ =	strace $0x80000046;
	[dreg:$0x1] =	wrdreg $0xFFFFFFFF  }
0xa7: {  	s28 =	simm.s32 $_size_execute0_lowered;
	s2 =	sadd.s32 s2, s4;
	[dreg:$0x0] =	wrdreg $0x0  }
0xa8: {  	s4 =	sshll.u32 s28, $0x1;
	[dreg:$0x2] =	wrdreg s2  }
0xa9: {  	[dreg:$0x3] =	wrdreg s4  }
0xaa: {  	[dreg:$0x4] =	wrdreg $0xC0  }
0xab: {  	_ =	task [dreg:s6], $0x5FFFF  }
0xac: {  	[dreg:$0x1] =	wrdreg $0xFFFFFFFF  }
0xad: {  	[dreg:$0x0] =	wrdreg $0x60  }
0xae: {  	[dreg:$0x2] =	wrdreg s24  }
0xaf: {  	[dreg:$0x3] =	wrdreg $0xA  }
0xb0: {  	_ =	task.clear_ibuf [dreg:s6], $0x4FFFF;
	_ =	strace $0x90000046  }
0xb1: {  	s29 =	simm.s32 $0xA;
	_ =	strace $0x80000048  }
0xb2: {  	_ =	swait.ge [sflag:s29], $0x1  }
0xb3: {  	[sflag:s29] =	ssyncadd.s32 $0xFFFFFFFF  }
0xb4: {  	_ =	strace $0x90000048  }
0xb5: {  	_ =	sfence  }
0xb6: {  	s30 =	sld [smem:$0x0];
	_ =	sdelay $0x2  }
0xb7: {  	s31 =	sshll.u32 s1, $0xD;
	s1 =	sshrl.u32 s1, $0x2  }
0xb8: {  	s3 =	sand.u32 $0x4000, s31;
	s1 =	sadd.s32 s1, s30  }
0xb9: {  	s0 =	sor.u32 s3, s0;
	s1 =	sshll.u32 s1, $0x11  }
0xba: {  	s0 =	sor.u32 s1, s0  }
0xbb: {  	s0 =	sadd.s32 $0x8F2B, s0  }
0xbc: {  	[sflag:s0] =	ssyncadd.remote.s32 $0x1  }
0xbd: {  	_ =	sfence.sel $0xFFFF  }
0xbe: {  	[dreg:$0x0] =	wrdreg $0xFFFFFFFF;
	(pc) =	sbr.abs _section_cstart, $3  }
0xbf: {  	[dreg:$0x1] =	wrdreg $0xFFFFFFFF  }
0xc0: {  	_ =	task.clear_ibuf [dreg:s6], $0x2FFFF;
	_ =	strace $0x9FFFFFFF  }
0xc1: {  	(tm) =	ssettm $0x7FFFFFFF  }
tec
execute0_lowered:
.L_overlay_start_1:
0x0: {  	(tag) =	ssettag $0x1  }
0x1: {  	s0 =	rddreg [dreg:$0x0];
	s1 =	simm.s32 $0x0;
	s30 =	srdreg.scid  }
0x2: {  	s9 =	stileid.u32;
	s14 =	simm.s32 $0x3;
	s17 =	simm.s32 $0xA300  }
0x3: {  	s18 =	simm.s32 $0xAB00;
	s19 =	simm.s32 $0xB300;
	s20 =	simm.s32 $0xBB00  }
0x4: {  	s21 =	simm.s32 $0xC300;
	s22 =	simm.s32 $0xCB00;
	s23 =	simm.s32 $0xD300  }
0x5: {  	s24 =	simm.s32 $0xDB00;
	s25 =	simm.s32 $0x1;
	s26 =	simm.s32 $0xE300  }
0x6: {  	s28 =	simm.s32 $0x2;
	[smem:$0x7FF] =	sst s1;
	s3 =	sadd.s32 $0x102E00, s0  }
0x7: {  	s4 =	sadd.s32 $0x82E00, s0;
	s1 =	sand.u32 $0x1, s30;
	s5 =	sadd.s32 $0x2E00, s0  }
0x8: {  	s7 =	sshll.u32 s9, $0x1;
	s6 =	sadd.s32 $0x282E00, s0;
	s9 =	sshrl.u32 s9, $0x1  }
0x9: {  	s10 =	sadd.s32 $0x82E10, s0;
	s2 =	ssub.s32 $0x2, s1;
	s7 =	sand.u32 $0x2, s7  }
0xa: {  	s11 =	sadd.s32 $0x82E20, s0;
	s8 =	sshrl.u32 s2, $0x1;
	s1 =	sor.u32 s1, s7  }
0xb: {  	v2 =	vlaneseq.u32;
	_ =	strace $0x80000047;
	s2 =	ssub.s32 s2, s8;
	s7 =	sshll.u32 s1, $0xA  }
0xc: {  	vm0 =	vmmov $0xffff;
	v1 =	vshrl.u32 v2, $0x3;
	s8 =	sshll.u32 s9, $0xF;
	s9 =	sshll.u32 s9, $0xC;
	s31 =	smax.u32 s2, $0x1  }
0xd: {  	v0 =	vand.u32 $0x7, v2;
	v2 =	vor.u32 $0x8, v2;
	v1 =	vmul.u32 $0x8, v1;
	s1 =	simm.s32 $0x0;
	s12 =	sor.u32 s9, s7;
	[dreg:$0x2] =	wrdreg s31  }
.LBB2_1:
0xe: {  	[dreg:$0x3] =	wrdreg s1;
	s29 =	simm.s32 $0x0  }
.LBB2_2:
0xf: {  	s31 =	sshll.u32 s29, $0x6  }
0x10: {  	s1 =	sor.u32 s7, s31  }
0x11: {  	s0 =	sshll.u32 s1, $0x3  }
0x12: {  	s2 =	sand.u32 $0x40, s31;
	s0 =	sand.u32 $0x7C00, s0  }
0x13: {  	s0 =	sor.u32 s0, s2  }
0x14: {  	s0 =	sor.u32 s8, s0  }
0x15: {  	s2 =	sshrl.u32 s0, $0x3  }
0x16: {  	s0 =	simm.s32 $0x0;
	s13 =	sadd.s32 s4, s2  }
0x17: {  	[tilespmem:s0], [sflag:$0x3] =	stream.linear.gather [hbm4b:s13+s0], $0x20, $0x38;
	[tilespmem:$0x10300] =	vst v63  }
0x18: {  	_ =	swait.ge [sflag:s14], $0x20  }
0x19: {  	[sflag:s14] =	ssyncset.done $0x0  }
0x1a: {  	s15 =	simm.s32 $0x80;
	s16 =	sadd.s32 s2, s10;
	[sflag:s14] =	ssyncadd.s32 $0xFFFFFFE0  }
0x1b: {  	[tilespmem:s15], [sflag:$0x3] =	stream.linear.gather [hbm4b:s16+s0], $0x20, $0x38;
	[tilespmem:$0x10300] =	vst v63  }
0x1c: {  	_ =	swait.ge [sflag:s14], $0x20  }
0x1d: {  	[sflag:s14] =	ssyncset.done $0x0  }
0x1e: {  	s2 =	sadd.s32 s2, s11;
	s16 =	simm.s32 $0x100;
	[sflag:s14] =	ssyncadd.s32 $0xFFFFFFE0  }
0x1f: {  	[tilespmem:s16], [sflag:$0x3] =	stream.linear.gather [hbm4b:s2+s0], $0x20, $0x38;
	[tilespmem:$0x10300] =	vst v63  }
0x20: {  	s1 =	sadd.s32 s9, s1;
	_ =	swait.ge [sflag:s14], $0x20  }
0x21: {  	s1 =	sshll.u32 s1, $0x4;
	[sflag:s14] =	ssyncset.done $0x0  }
0x22: {  	s1 =	sadd.s32 s5, s1;
	s2 =	simm.s32 $0x180;
	[sflag:s14] =	ssyncadd.s32 $0xFFFFFFE0  }
0x23: {  	[tilespmem:s2], [sflag:$0x3] =	stream.linear.gather [hbm4b:s1+s0], $0x1000, $0x38;
	[tilespmem:$0x10300] =	vst v63  }
0x24: {  	_ =	swait.ge [sflag:s14], $0x1000  }
0x25: {  	[sflag:s14] =	ssyncset.done $0x0  }
0x26: {  	[sflag:s14] =	ssyncadd.s32 $0xFFFFF000  }
0x27: {  	v3 =	vld [tilespmem:$0x0];
	_ =	sdelay $0x4  }
0x28: {  	v4 =	vshll.u32 v3, $0x1  }
0x29: {  	v3 =	vand.u32 $0x7, v3;
	v4 =	vand.u32 $0xFFFFFFF0, v4  }
0x2a: {  	v3 =	vor.u32 v3, v4  }
0x2b: {  	v4 =	vperm.xlane v3, v0;
	_ =	sdelay $0x1  }
0x2c: {  	v3 =	vperm.xlane v3, v2;
	v4 =	vadd.s32 v1, v4;
	_ =	sdelay $0x1  }
0x2d: {  	v3 =	vadd.s32 v1, v3;
	_ =	sdelay $0x1  }
0x2e: {  	s15 =	simm.s32 $0x1180  }
0x2f: {  	[tilespmem:s15], [sflag:$0x1] =	stream.indirect_vreg.gather [hbm4b:s3+s0], $0x80, v4, vm0, $0xb8;
	[tilespmem:$0x10300] =	vst v63  }
0x30: {  	s16 =	simm.s32 $0x1980  }
0x31: {  	[tilespmem:s16], [sflag:$0x1] =	stream.indirect_vreg.gather [hbm4b:s3+s0], $0x80, v3, vm0, $0xb8;
	[tilespmem:$0x10300] =	vst v63  }
0x32: {  	v3 =	vld [tilespmem:$0x10];
	_ =	sdelay $0x4  }
0x33: {  	v4 =	vshll.u32 v3, $0x1  }
0x34: {  	v3 =	vand.u32 $0x7, v3;
	v4 =	vand.u32 $0xFFFFFFF0, v4  }
0x35: {  	v3 =	vor.u32 v3, v4  }
0x36: {  	v4 =	vperm.xlane v3, v0;
	_ =	sdelay $0x1  }
0x37: {  	v3 =	vperm.xlane v3, v2;
	v4 =	vadd.s32 v1, v4;
	_ =	sdelay $0x1  }
0x38: {  	v3 =	vadd.s32 v1, v3;
	_ =	sdelay $0x1  }
0x39: {  	s13 =	simm.s32 $0x2180  }
0x3a: {  	[tilespmem:s13], [sflag:$0x1] =	stream.indirect_vreg.gather [hbm4b:s3+s0], $0x80, v4, vm0, $0xb8;
	[tilespmem:$0x10300] =	vst v63  }
0x3b: {  	s15 =	simm.s32 $0x2980  }
0x3c: {  	[tilespmem:s15], [sflag:$0x1] =	stream.indirect_vreg.gather [hbm4b:s3+s0], $0x80, v3, vm0, $0xb8;
	[tilespmem:$0x10300] =	vst v63  }
0x3d: {  	v3 =	vld [tilespmem:$0x80];
	_ =	sdelay $0x4  }
0x3e: {  	v4 =	vshll.u32 v3, $0x1  }
0x3f: {  	v3 =	vand.u32 $0x7, v3;
	v4 =	vand.u32 $0xFFFFFFF0, v4  }
0x40: {  	v3 =	vor.u32 v3, v4  }
0x41: {  	v4 =	vperm.xlane v3, v0;
	_ =	sdelay $0x1  }
0x42: {  	v3 =	vperm.xlane v3, v2;
	v4 =	vadd.s32 v1, v4;
	_ =	sdelay $0x1  }
0x43: {  	v3 =	vadd.s32 v1, v3;
	_ =	sdelay $0x1  }
0x44: {  	s16 =	simm.s32 $0x3180  }
0x45: {  	[tilespmem:s16], [sflag:$0x1] =	stream.indirect_vreg.gather [hbm4b:s3+s0], $0x80, v4, vm0, $0xb8;
	[tilespmem:$0x10300] =	vst v63  }
0x46: {  	s13 =	simm.s32 $0x3980  }
0x47: {  	[tilespmem:s13], [sflag:$0x1] =	stream.indirect_vreg.gather [hbm4b:s3+s0], $0x80, v3, vm0, $0xb8;
	[tilespmem:$0x10300] =	vst v63  }
0x48: {  	v3 =	vld [tilespmem:$0x90];
	_ =	sdelay $0x4  }
0x49: {  	v4 =	vshll.u32 v3, $0x1  }
0x4a: {  	v3 =	vand.u32 $0x7, v3;
	v4 =	vand.u32 $0xFFFFFFF0, v4  }
0x4b: {  	v3 =	vor.u32 v3, v4  }
0x4c: {  	v4 =	vperm.xlane v3, v0;
	_ =	sdelay $0x1  }
0x4d: {  	v3 =	vperm.xlane v3, v2;
	v4 =	vadd.s32 v1, v4;
	_ =	sdelay $0x1  }
0x4e: {  	v3 =	vadd.s32 v1, v3;
	_ =	sdelay $0x1  }
0x4f: {  	s15 =	simm.s32 $0x4180  }
0x50: {  	[tilespmem:s15], [sflag:$0x1] =	stream.indirect_vreg.gather [hbm4b:s3+s0], $0x80, v4, vm0, $0xb8;
	[tilespmem:$0x10300] =	vst v63  }
0x51: {  	s16 =	simm.s32 $0x4980  }
0x52: {  	[tilespmem:s16], [sflag:$0x1] =	stream.indirect_vreg.gather [hbm4b:s3+s0], $0x80, v3, vm0, $0xb8;
	[tilespmem:$0x10300] =	vst v63  }
0x53: {  	v3 =	vld [tilespmem:$0x100];
	_ =	sdelay $0x4  }
0x54: {  	v4 =	vshll.u32 v3, $0x1  }
0x55: {  	v3 =	vand.u32 $0x7, v3;
	v4 =	vand.u32 $0xFFFFFFF0, v4  }
0x56: {  	v3 =	vor.u32 v3, v4  }
0x57: {  	v4 =	vperm.xlane v3, v0;
	_ =	sdelay $0x1  }
0x58: {  	v3 =	vperm.xlane v3, v2;
	v4 =	vadd.s32 v1, v4;
	_ =	sdelay $0x1  }
0x59: {  	v3 =	vadd.s32 v1, v3;
	_ =	sdelay $0x1  }
0x5a: {  	s13 =	simm.s32 $0x5180  }
0x5b: {  	[tilespmem:s13], [sflag:$0x1] =	stream.indirect_vreg.gather [hbm4b:s3+s0], $0x80, v4, vm0, $0xb8;
	[tilespmem:$0x10300] =	vst v63  }
0x5c: {  	s15 =	simm.s32 $0x5980  }
0x5d: {  	[tilespmem:s15], [sflag:$0x1] =	stream.indirect_vreg.gather [hbm4b:s3+s0], $0x80, v3, vm0, $0xb8;
	[tilespmem:$0x10300] =	vst v63  }
0x5e: {  	v3 =	vld [tilespmem:$0x110];
	_ =	sdelay $0x4  }
0x5f: {  	v4 =	vshll.u32 v3, $0x1  }
0x60: {  	v3 =	vand.u32 $0x7, v3;
	v4 =	vand.u32 $0xFFFFFFF0, v4  }
0x61: {  	v3 =	vor.u32 v3, v4  }
0x62: {  	v4 =	vperm.xlane v3, v0;
	_ =	sdelay $0x1  }
0x63: {  	v3 =	vperm.xlane v3, v2;
	v4 =	vadd.s32 v1, v4;
	_ =	sdelay $0x1  }
0x64: {  	v3 =	vadd.s32 v1, v3  }
0x65: {  	s30 =	sor.u32 $0x20, s31  }
0x66: {  	s1 =	sor.u32 s7, s30;
	s16 =	simm.s32 $0x6180  }
0x67: {  	[tilespmem:s16], [sflag:$0x1] =	stream.indirect_vreg.gather [hbm4b:s3+s0], $0x80, v4, vm0, $0xb8;
	[tilespmem:$0x10300] =	vst v63  }
0x68: {  	s13 =	simm.s32 $0x6980;
	s15 =	sshll.u32 s1, $0x3  }
0x69: {  	[tilespmem:s13], [sflag:$0x1] =	stream.indirect_vreg.gather [hbm4b:s3+s0], $0x80, v3, vm0, $0xb8;
	[tilespmem:$0x10300] =	vst v63  }
0x6a: {  	s16 =	sand.u32 $0x60, s30;
	s13 =	sand.u32 $0x7C00, s15  }
0x6b: {  	s13 =	sor.u32 s13, s16  }
0x6c: {  	s13 =	sor.u32 s8, s13  }
0x6d: {  	s13 =	sshrl.u32 s13, $0x3  }
0x6e: {  	s16 =	simm.s32 $0x7180;
	s15 =	sadd.s32 s4, s13  }
0x6f: {  	[tilespmem:s16], [sflag:$0x3] =	stream.linear.gather [hbm4b:s15+s0], $0x20, $0x38;
	[tilespmem:$0x10300] =	vst v63  }
0x70: {  	_ =	swait.ge [sflag:s14], $0x20  }
0x71: {  	[sflag:s14] =	ssyncset.done $0x0  }
0x72: {  	s15 =	sadd.s32 s13, s10;
	s16 =	simm.s32 $0x7200;
	[sflag:s14] =	ssyncadd.s32 $0xFFFFFFE0  }
0x73: {  	[tilespmem:s16], [sflag:$0x3] =	stream.linear.gather [hbm4b:s15+s0], $0x20, $0x38;
	[tilespmem:$0x10300] =	vst v63  }
0x74: {  	_ =	swait.ge [sflag:s14], $0x20  }
0x75: {  	[sflag:s14] =	ssyncset.done $0x0  }
0x76: {  	s13 =	sadd.s32 s13, s11;
	s16 =	simm.s32 $0x7280;
	[sflag:s14] =	ssyncadd.s32 $0xFFFFFFE0  }
0x77: {  	[tilespmem:s16], [sflag:$0x3] =	stream.linear.gather [hbm4b:s13+s0], $0x20, $0x38;
	[tilespmem:$0x10300] =	vst v63  }
0x78: {  	s1 =	sadd.s32 s9, s1;
	_ =	swait.ge [sflag:s14], $0x20  }
0x79: {  	s1 =	sshll.u32 s1, $0x4;
	[sflag:s14] =	ssyncset.done $0x0  }
0x7a: {  	s1 =	sadd.s32 s5, s1;
	s16 =	simm.s32 $0x7300;
	[sflag:s14] =	ssyncadd.s32 $0xFFFFFFE0  }
0x7b: {  	[tilespmem:s16], [sflag:$0x3] =	stream.linear.gather [hbm4b:s1+s0], $0x1000, $0x38;
	[tilespmem:$0x10300] =	vst v63  }
0x7c: {  	_ =	swait.ge [sflag:s14], $0x1000  }
0x7d: {  	[sflag:s14] =	ssyncset.done $0x0  }
0x7e: {  	[sflag:s14] =	ssyncadd.s32 $0xFFFFF000  }
0x7f: {  	v3 =	vld [tilespmem:$0x7180];
	_ =	sdelay $0x4  }
0x80: {  	v4 =	vshll.u32 v3, $0x1  }
0x81: {  	v3 =	vand.u32 $0x7, v3;
	v4 =	vand.u32 $0xFFFFFFF0, v4  }
0x82: {  	v3 =	vor.u32 v3, v4  }
0x83: {  	v4 =	vperm.xlane v3, v0;
	_ =	sdelay $0x1  }
0x84: {  	v3 =	vperm.xlane v3, v2;
	v4 =	vadd.s32 v1, v4;
	_ =	sdelay $0x1  }
0x85: {  	v3 =	vadd.s32 v1, v3;
	_ =	sdelay $0x1  }
0x86: {  	s13 =	simm.s32 $0x8300  }
0x87: {  	[tilespmem:s13], [sflag:$0x2] =	stream.indirect_vreg.gather [hbm4b:s3+s0], $0x80, v4, vm0, $0xb8;
	[tilespmem:$0x10300] =	vst v63  }
0x88: {  	s15 =	simm.s32 $0x8B00  }
0x89: {  	[tilespmem:s15], [sflag:$0x2] =	stream.indirect_vreg.gather [hbm4b:s3+s0], $0x80, v3, vm0, $0xb8;
	[tilespmem:$0x10300] =	vst v63  }
0x8a: {  	v3 =	vld [tilespmem:$0x7190];
	_ =	sdelay $0x4  }
0x8b: {  	v4 =	vshll.u32 v3, $0x1  }
0x8c: {  	v3 =	vand.u32 $0x7, v3;
	v4 =	vand.u32 $0xFFFFFFF0, v4  }
0x8d: {  	v3 =	vor.u32 v3, v4  }
0x8e: {  	v4 =	vperm.xlane v3, v0;
	_ =	sdelay $0x1  }
0x8f: {  	v3 =	vperm.xlane v3, v2;
	v4 =	vadd.s32 v1, v4;
	_ =	sdelay $0x1  }
0x90: {  	v3 =	vadd.s32 v1, v3;
	_ =	sdelay $0x1  }
0x91: {  	s16 =	simm.s32 $0x9300  }
0x92: {  	[tilespmem:s16], [sflag:$0x2] =	stream.indirect_vreg.gather [hbm4b:s3+s0], $0x80, v4, vm0, $0xb8;
	[tilespmem:$0x10300] =	vst v63  }
0x93: {  	s13 =	simm.s32 $0x9B00  }
0x94: {  	[tilespmem:s13], [sflag:$0x2] =	stream.indirect_vreg.gather [hbm4b:s3+s0], $0x80, v3, vm0, $0xb8;
	[tilespmem:$0x10300] =	vst v63  }
0x95: {  	v3 =	vld [tilespmem:$0x7200];
	_ =	sdelay $0x4  }
0x96: {  	v4 =	vshll.u32 v3, $0x1  }
0x97: {  	v3 =	vand.u32 $0x7, v3;
	v4 =	vand.u32 $0xFFFFFFF0, v4  }
0x98: {  	v3 =	vor.u32 v3, v4  }
0x99: {  	v4 =	vperm.xlane v3, v0;
	_ =	sdelay $0x1  }
0x9a: {  	v3 =	vperm.xlane v3, v2;
	v4 =	vadd.s32 v1, v4;
	_ =	sdelay $0x1  }
0x9b: {  	v3 =	vadd.s32 v1, v3;
	_ =	sdelay $0x2  }
0x9c: {  	[tilespmem:s17], [sflag:$0x2] =	stream.indirect_vreg.gather [hbm4b:s3+s0], $0x80, v4, vm0, $0xb8;
	[tilespmem:$0x10300] =	vst v63  }
0x9d: {  	_ = 	snop  }
0x9e: {  	[tilespmem:s18], [sflag:$0x2] =	stream.indirect_vreg.gather [hbm4b:s3+s0], $0x80, v3, vm0, $0xb8;
	[tilespmem:$0x10300] =	vst v63  }
0x9f: {  	v3 =	vld [tilespmem:$0x7210];
	_ =	sdelay $0x4  }
0xa0: {  	v4 =	vshll.u32 v3, $0x1  }
0xa1: {  	v3 =	vand.u32 $0x7, v3;
	v4 =	vand.u32 $0xFFFFFFF0, v4  }
0xa2: {  	v3 =	vor.u32 v3, v4  }
0xa3: {  	v4 =	vperm.xlane v3, v0;
	_ =	sdelay $0x1  }
0xa4: {  	v3 =	vperm.xlane v3, v2;
	v4 =	vadd.s32 v1, v4;
	_ =	sdelay $0x1  }
0xa5: {  	v3 =	vadd.s32 v1, v3;
	_ =	sdelay $0x2  }
0xa6: {  	[tilespmem:s19], [sflag:$0x2] =	stream.indirect_vreg.gather [hbm4b:s3+s0], $0x80, v4, vm0, $0xb8;
	[tilespmem:$0x10300] =	vst v63  }
0xa7: {  	_ = 	snop  }
0xa8: {  	[tilespmem:s20], [sflag:$0x2] =	stream.indirect_vreg.gather [hbm4b:s3+s0], $0x80, v3, vm0, $0xb8;
	[tilespmem:$0x10300] =	vst v63  }
0xa9: {  	v3 =	vld [tilespmem:$0x7280];
	_ =	sdelay $0x4  }
0xaa: {  	v4 =	vshll.u32 v3, $0x1  }
0xab: {  	v3 =	vand.u32 $0x7, v3;
	v4 =	vand.u32 $0xFFFFFFF0, v4  }
0xac: {  	v3 =	vor.u32 v3, v4  }
0xad: {  	v4 =	vperm.xlane v3, v0;
	_ =	sdelay $0x1  }
0xae: {  	v3 =	vperm.xlane v3, v2;
	v4 =	vadd.s32 v1, v4;
	_ =	sdelay $0x1  }
0xaf: {  	v3 =	vadd.s32 v1, v3;
	_ =	sdelay $0x2  }
0xb0: {  	[tilespmem:s21], [sflag:$0x2] =	stream.indirect_vreg.gather [hbm4b:s3+s0], $0x80, v4, vm0, $0xb8;
	[tilespmem:$0x10300] =	vst v63  }
0xb1: {  	_ = 	snop  }
0xb2: {  	[tilespmem:s22], [sflag:$0x2] =	stream.indirect_vreg.gather [hbm4b:s3+s0], $0x80, v3, vm0, $0xb8;
	[tilespmem:$0x10300] =	vst v63  }
0xb3: {  	v3 =	vld [tilespmem:$0x7290];
	_ =	sdelay $0x4  }
0xb4: {  	v4 =	vshll.u32 v3, $0x1  }
0xb5: {  	v3 =	vand.u32 $0x7, v3;
	v4 =	vand.u32 $0xFFFFFFF0, v4  }
0xb6: {  	v3 =	vor.u32 v3, v4  }
0xb7: {  	v4 =	vperm.xlane v3, v0;
	_ =	sdelay $0x1  }
0xb8: {  	v3 =	vperm.xlane v3, v2;
	v4 =	vadd.s32 v1, v4;
	_ =	sdelay $0x1  }
0xb9: {  	v3 =	vadd.s32 v1, v3;
	_ =	sdelay $0x2  }
0xba: {  	[tilespmem:s23], [sflag:$0x2] =	stream.indirect_vreg.gather [hbm4b:s3+s0], $0x80, v4, vm0, $0xb8;
	[tilespmem:$0x10300] =	vst v63  }
0xbb: {  	_ = 	snop  }
0xbc: {  	[tilespmem:s24], [sflag:$0x2] =	stream.indirect_vreg.gather [hbm4b:s3+s0], $0x80, v3, vm0, $0xb8;
	[tilespmem:$0x10300] =	vst v63  }
0xbd: {  	_ =	swait.ge [sflag:s25], $0x2000  }
0xbe: {  	[sflag:s25] =	ssyncset.done $0x0  }
0xbf: {  	[sflag:s25] =	ssyncadd.s32 $0xFFFFE000  }
0xc0: {  	_ =	swait.ge [sflag:s25], $0x2000  }
0xc1: {  	[sflag:s25] =	ssyncset.done $0x0  }
0xc2: {  	[sflag:s25] =	ssyncadd.s32 $0xFFFFE000  }
0xc3: {  	_ =	swait.ge [sflag:s25], $0x2000  }
0xc4: {  	s15 =	sand.u32 $0x1800, s0;
	s16 =	sand.u32 $0x380, s0;
	[sflag:s25] =	ssyncset.done $0x0  }
0xc5: {  	s13 =	sor.u32 s16, s15;
	[sflag:s25] =	ssyncadd.s32 $0xFFFFE000  }
0xc6: {  	v19 =	vld [tilespmem:s13+$0x5180]  }
0xc7: {  	v20 =	vld [tilespmem:s13+$0x5190]  }
0xc8: {  	v18 =	vld [tilespmem:s13+$0x51A0]  }
0xc9: {  	v17 =	vld [tilespmem:s13+$0x51B0]  }
0xca: {  	v15 =	vld [tilespmem:s13+$0x51C0]  }
0xcb: {  	v12 =	vld [tilespmem:s13+$0x51D0]  }
0xcc: {  	v11 =	vld [tilespmem:s13+$0x51E0]  }
0xcd: {  	v10 =	vld [tilespmem:s13+$0x51F0]  }
0xce: {  	v9 =	vld [tilespmem:s13+$0x5580]  }
0xcf: {  	v8 =	vld [tilespmem:s13+$0x5590]  }
0xd0: {  	v7 =	vld [tilespmem:s13+$0x55A0]  }
0xd1: {  	v6 =	vld [tilespmem:s13+$0x55B0]  }
0xd2: {  	v5 =	vld [tilespmem:s13+$0x55C0]  }
0xd3: {  	v4 =	vld [tilespmem:s13+$0x55D0]  }
0xd4: {  	v3 =	vld [tilespmem:s13+$0x55E0]  }
0xd5: {  	v21 =	vld [tilespmem:s13+$0x1180]  }
0xd6: {  	s1 =	simm.s32 $0x100;
	v14 =	vld [tilespmem:s2+$0x0]  }
.LBB2_3:
0xd7: {  	p0 =	sne.s32 s1, $0x1F00;
	v22 =	vld [tilespmem:s13+$0x3180]  }
0xd8: {  	v23 =	vld [tilespmem:s13+$0x1190]  }
0xd9: {  	v24 =	vld [tilespmem:s13+$0x3190]  }
0xda: {  	v25 =	vld [tilespmem:s13+$0x11A0]  }
0xdb: {  	v16 =	vbroadcast v14, $0x0;
	v13 =	vbroadcast v14, $0x1;
	v26 =	vld [tilespmem:s13+$0x31A0]  }
0xdc: {  	v14 =	vbroadcast v14, $0x2;
	v27 =	vld [tilespmem:s13+$0x11B0]  }
0xdd: {  	v21 =	vmul.f32 v21, v16;
	v22 =	vmul.f32 v22, v13;
	v28 =	vld [tilespmem:s13+$0x31B0]  }
0xde: {  	v23 =	vmul.f32 v23, v16;
	v24 =	vmul.f32 v24, v13;
	v29 =	vld [tilespmem:s13+$0x11C0]  }
0xdf: {  	v19 =	vmul.f32 v19, v14;
	v20 =	vmul.f32 v20, v14;
	v21 =	vadd.f32 v22, v21;
	v22 =	vld [tilespmem:s13+$0x31C0]  }
0xe0: {  	v23 =	vadd.f32 v24, v23;
	v24 =	vmul.f32 v25, v16;
	v25 =	vmul.f32 v26, v13;
	v26 =	vld [tilespmem:s13+$0x11D0]  }
0xe1: {  	v18 =	vmul.f32 v18, v14;
	v19 =	vadd.f32 v19, v21;
	v21 =	vmul.f32 v27, v16;
	v27 =	vld [tilespmem:s13+$0x31D0]  }
0xe2: {  	v20 =	vadd.f32 v20, v23;
	v23 =	vadd.f32 v25, v24;
	v24 =	vmul.f32 v28, v13;
	v25 =	vld [tilespmem:s13+$0x11E0]  }
0xe3: {  	v17 =	vmul.f32 v17, v14;
	[tilespmem:s13+$0xE300] =	vst v19;
	v19 =	vmul.f32 v29, v16;
	v28 =	vld [tilespmem:s13+$0x31E0]  }
0xe4: {  	[tilespmem:s13+$0xE310] =	vst v20;
	v18 =	vadd.f32 v18, v23;
	v20 =	vadd.f32 v24, v21;
	v21 =	vmul.f32 v22, v13;
	v22 =	vld [tilespmem:s13+$0x11F0]  }
0xe5: {  	v15 =	vmul.f32 v15, v14;
	v23 =	vmul.f32 v26, v16;
	v24 =	vld [tilespmem:s13+$0x31F0]  }
0xe6: {  	[tilespmem:s13+$0xE320] =	vst v18;
	v17 =	vadd.f32 v17, v20;
	v18 =	vadd.f32 v21, v19;
	v19 =	vmul.f32 v27, v13;
	v20 =	vld [tilespmem:s13+$0x1580]  }
0xe7: {  	v12 =	vmul.f32 v12, v14;
	v21 =	vmul.f32 v25, v16;
	v25 =	vld [tilespmem:s13+$0x3580]  }
0xe8: {  	[tilespmem:s13+$0xE330] =	vst v17;
	v15 =	vadd.f32 v15, v18;
	v17 =	vadd.f32 v19, v23;
	v18 =	vmul.f32 v28, v13;
	v19 =	vld [tilespmem:s13+$0x1590]  }
0xe9: {  	v11 =	vmul.f32 v11, v14;
	v22 =	vmul.f32 v22, v16;
	v23 =	vld [tilespmem:s13+$0x3590]  }
0xea: {  	[tilespmem:s13+$0xE340] =	vst v15;
	v12 =	vadd.f32 v12, v17;
	v15 =	vadd.f32 v18, v21;
	v17 =	vmul.f32 v24, v13;
	v18 =	vld [tilespmem:s13+$0x15A0]  }
0xeb: {  	v10 =	vmul.f32 v10, v14;
	v20 =	vmul.f32 v20, v16;
	v21 =	vld [tilespmem:s13+$0x35A0]  }
0xec: {  	[tilespmem:s13+$0xE350] =	vst v12;
	v11 =	vadd.f32 v11, v15;
	v12 =	vadd.f32 v17, v22;
	v15 =	vmul.f32 v25, v13;
	v17 =	vld [tilespmem:s13+$0x15B0]  }
0xed: {  	v9 =	vmul.f32 v9, v14;
	v19 =	vmul.f32 v19, v16;
	v22 =	vld [tilespmem:s13+$0x35B0]  }
0xee: {  	[tilespmem:s13+$0xE360] =	vst v11;
	v10 =	vadd.f32 v10, v12;
	v11 =	vadd.f32 v15, v20;
	v12 =	vmul.f32 v23, v13;
	v15 =	vld [tilespmem:s13+$0x15C0]  }
0xef: {  	v8 =	vmul.f32 v8, v14;
	v18 =	vmul.f32 v18, v16;
	v20 =	vld [tilespmem:s13+$0x35C0]  }
0xf0: {  	[tilespmem:s13+$0xE370] =	vst v10;
	v9 =	vadd.f32 v9, v11;
	v10 =	vadd.f32 v12, v19;
	v11 =	vmul.f32 v21, v13;
	v12 =	vld [tilespmem:s13+$0x15D0]  }
0xf1: {  	v7 =	vmul.f32 v7, v14;
	v17 =	vmul.f32 v17, v16;
	v19 =	vld [tilespmem:s13+$0x35D0]  }
0xf2: {  	[tilespmem:s13+$0xE700] =	vst v9;
	v8 =	vadd.f32 v8, v10;
	v9 =	vadd.f32 v11, v18;
	v10 =	vmul.f32 v22, v13;
	v11 =	vld [tilespmem:s13+$0x15E0]  }
0xf3: {  	v6 =	vmul.f32 v6, v14;
	v15 =	vmul.f32 v15, v16;
	v18 =	vld [tilespmem:s13+$0x35E0]  }
0xf4: {  	s0 =	sadd.s32 $0x80, s0;
	[tilespmem:s13+$0xE710] =	vst v8;
	v7 =	vadd.f32 v7, v9;
	v8 =	vadd.f32 v10, v17;
	v9 =	vmul.f32 v20, v13;
	v10 =	vld [tilespmem:s13+$0x15F0]  }
0xf5: {  	s15 =	sand.u32 $0x1800, s1;
	s16 =	sand.u32 $0x380, s0;
	v5 =	vmul.f32 v5, v14;
	v12 =	vmul.f32 v12, v16;
	v21 =	vld [tilespmem:s13+$0x35F0]  }
0xf6: {  	s15 =	sor.u32 s16, s15;
	[tilespmem:s13+$0xE720] =	vst v7;
	v6 =	vadd.f32 v6, v8;
	v7 =	vadd.f32 v9, v15;
	v8 =	vmul.f32 v19, v13;
	v9 =	vld [tilespmem:s13+$0x55F0]  }
0xf7: {  	v4 =	vmul.f32 v4, v14;
	v19 =	vld [tilespmem:s15+$0x5180];
	v11 =	vmul.f32 v11, v16  }
0xf8: {  	v20 =	vld [tilespmem:s15+$0x5190];
	[tilespmem:s13+$0xE730] =	vst v6;
	v5 =	vadd.f32 v5, v7;
	v6 =	vadd.f32 v8, v12;
	v7 =	vmul.f32 v18, v13  }
0xf9: {  	v3 =	vmul.f32 v3, v14;
	v18 =	vld [tilespmem:s15+$0x51A0];
	v8 =	vmul.f32 v10, v16  }
0xfa: {  	v17 =	vld [tilespmem:s15+$0x51B0];
	[tilespmem:s13+$0xE740] =	vst v5;
	v4 =	vadd.f32 v4, v6;
	v5 =	vadd.f32 v7, v11;
	v6 =	vmul.f32 v21, v13  }
0xfb: {  	v15 =	vld [tilespmem:s15+$0x51C0];
	v7 =	vmul.f32 v9, v14  }
0xfc: {  	v12 =	vld [tilespmem:s15+$0x51D0];
	[tilespmem:s13+$0xE750] =	vst v4;
	v3 =	vadd.f32 v3, v5;
	v4 =	vadd.f32 v6, v8  }
0xfd: {  	v11 =	vld [tilespmem:s15+$0x51E0]  }
0xfe: {  	v10 =	vld [tilespmem:s15+$0x51F0];
	[tilespmem:s13+$0xE760] =	vst v3;
	v3 =	vadd.f32 v7, v4  }
0xff: {  	v9 =	vld [tilespmem:s15+$0x5580]  }
0x100: {  	v8 =	vld [tilespmem:s15+$0x5590];
	[tilespmem:s13+$0xE770] =	vst v3;
	s13 =	smov.u32 s15  }
0x101: {  	v7 =	vld [tilespmem:s13+$0x55A0]  }
0x102: {  	v6 =	vld [tilespmem:s13+$0x55B0]  }
.Ltmp0:
0x103: {  	v5 =	vld [tilespmem:s13+$0x55C0];
	(pc) =	sbr.rel @p0 .LBB2_3-.Ltmp0, $4  }
0x104: {  	v4 =	vld [tilespmem:s13+$0x55D0]  }
0x105: {  	v3 =	vld [tilespmem:s13+$0x55E0]  }
0x106: {  	s2 =	sadd.s32 $0x80, s2;
	v21 =	vld [tilespmem:s13+$0x1180]  }
0x107: {  	s1 =	sadd.s32 $0x100, s1;
	v14 =	vld [tilespmem:s2+$0x0]  }
0x108: {  	_ = 	snop  }
0x109: {  	v13 =	vld [tilespmem:s13+$0x3180]  }
0x10a: {  	v16 =	vld [tilespmem:s13+$0x1190]  }
0x10b: {  	v22 =	vld [tilespmem:s13+$0x3190]  }
0x10c: {  	v24 =	vbroadcast v14, $0x0;
	v25 =	vbroadcast v14, $0x1  }
0x10d: {  	v23 =	vld [tilespmem:s13+$0x11A0];
	v14 =	vbroadcast v14, $0x2  }
0x10e: {  	v26 =	vld [tilespmem:s13+$0x31A0];
	v21 =	vmul.f32 v21, v24;
	v13 =	vmul.f32 v13, v25  }
0x10f: {  	v27 =	vld [tilespmem:s13+$0x11B0];
	v16 =	vmul.f32 v16, v24  }
0x110: {  	v28 =	vld [tilespmem:s13+$0x31B0];
	v22 =	vmul.f32 v22, v25;
	v19 =	vmul.f32 v19, v14;
	v13 =	vadd.f32 v13, v21  }
0x111: {  	v29 =	vld [tilespmem:s13+$0x11C0]  }
0x112: {  	v30 =	vld [tilespmem:s13+$0x11D0];
	v20 =	vmul.f32 v20, v14;
	v16 =	vadd.f32 v22, v16;
	v13 =	vadd.f32 v19, v13  }
0x113: {  	v21 =	vld [tilespmem:s13+$0x31C0];
	v22 =	vmul.f32 v23, v24;
	v23 =	vmul.f32 v26, v25  }
0x114: {  	v63 =	vld [tilespmem:s13+$0x11E0];
	v16 =	vadd.f32 v20, v16;
	[tilespmem:s13+$0xE300] =	vst v13;
	v13 =	vmul.f32 v18, v14  }
0x115: {  	v19 =	vld [tilespmem:s13+$0x31D0];
	v18 =	vadd.f32 v23, v22;
	v22 =	vmul.f32 v27, v24;
	v23 =	vmul.f32 v28, v25  }
0x116: {  	v20 =	vld [tilespmem:s13+$0x31E0]  }
0x117: {  	v17 =	vmul.f32 v17, v14;
	[tilespmem:s13+$0xE310] =	vst v16;
	v16 =	vld [tilespmem:s13+$0x11F0];
	v13 =	vadd.f32 v13, v18;
	v18 =	vadd.f32 v23, v22  }
0x118: {  	v21 =	vmul.f32 v21, v25;
	v22 =	vld [tilespmem:s13+$0x31F0];
	v23 =	vmul.f32 v29, v24  }
0x119: {  	v15 =	vmul.f32 v15, v14;
	v12 =	vmul.f32 v12, v14;
	[tilespmem:s13+$0xE320] =	vst v13;
	v13 =	vadd.f32 v17, v18;
	v17 =	vld [tilespmem:s13+$0x1580]  }
0x11a: {  	v19 =	vmul.f32 v19, v25;
	v18 =	vadd.f32 v21, v23;
	v21 =	vld [tilespmem:s13+$0x3580];
	v23 =	vmul.f32 v30, v24  }
0x11b: {  	v11 =	vmul.f32 v11, v14;
	v20 =	vmul.f32 v20, v25  }
0x11c: {  	[tilespmem:s13+$0xE330] =	vst v13;
	v13 =	vadd.f32 v15, v18;
	v15 =	vld [tilespmem:s13+$0x1590];
	v18 =	vadd.f32 v19, v23;
	v23 =	vmul.f32 v63, v24  }
0x11d: {  	v16 =	vmul.f32 v16, v24;
	v19 =	vld [tilespmem:s13+$0x3590];
	v22 =	vmul.f32 v22, v25  }
0x11e: {  	v10 =	vmul.f32 v10, v14;
	[tilespmem:s13+$0xE340] =	vst v13;
	v12 =	vadd.f32 v12, v18;
	v13 =	vld [tilespmem:s13+$0x15A0];
	v18 =	vadd.f32 v20, v23  }
0x11f: {  	v20 =	vld [tilespmem:s13+$0x35A0];
	v16 =	vadd.f32 v22, v16;
	v17 =	vmul.f32 v17, v24;
	v21 =	vmul.f32 v21, v25  }
0x120: {  	[tilespmem:s13+$0xE350] =	vst v12;
	v11 =	vadd.f32 v11, v18;
	v12 =	vld [tilespmem:s13+$0x15B0]  }
0x121: {  	v9 =	vmul.f32 v9, v14;
	v18 =	vld [tilespmem:s13+$0x35B0];
	v10 =	vadd.f32 v10, v16;
	v16 =	vadd.f32 v21, v17  }
0x122: {  	v17 =	vld [tilespmem:s13+$0x35C0];
	v15 =	vmul.f32 v15, v24;
	v19 =	vmul.f32 v19, v25  }
0x123: {  	v8 =	vmul.f32 v8, v14;
	[tilespmem:s13+$0xE360] =	vst v11;
	v11 =	vld [tilespmem:s13+$0x15C0];
	v9 =	vadd.f32 v9, v16  }
0x124: {  	[tilespmem:s13+$0xE370] =	vst v10;
	v10 =	vld [tilespmem:s13+$0x15D0];
	v15 =	vadd.f32 v19, v15;
	v13 =	vmul.f32 v13, v24;
	v19 =	vmul.f32 v20, v25  }
0x125: {  	v16 =	vld [tilespmem:s13+$0x35D0]  }
0x126: {  	v7 =	vmul.f32 v7, v14;
	[tilespmem:s13+$0xE700] =	vst v9;
	v8 =	vadd.f32 v8, v15;
	v9 =	vld [tilespmem:s13+$0x15E0];
	v13 =	vadd.f32 v19, v13  }
0x127: {  	v15 =	vld [tilespmem:s13+$0x35E0]  }
0x128: {  	[tilespmem:s13+$0xE710] =	vst v8;
	v8 =	vmul.f32 v12, v24;
	v12 =	vmul.f32 v18, v25;
	v7 =	vadd.f32 v7, v13;
	v13 =	vld [tilespmem:s13+$0x15F0]  }
0x129: {  	v6 =	vmul.f32 v6, v14;
	v18 =	vld [tilespmem:s13+$0x35F0]  }
0x12a: {  	v5 =	vmul.f32 v5, v14;
	v11 =	vmul.f32 v11, v24;
	v8 =	vadd.f32 v12, v8  }
0x12b: {  	v12 =	vmul.f32 v17, v25;
	[tilespmem:s13+$0xE720] =	vst v7;
	v7 =	vmul.f32 v10, v24;
	v10 =	vld [tilespmem:s13+$0x55F0]  }
0x12c: {  	v4 =	vmul.f32 v4, v14;
	v6 =	vadd.f32 v6, v8;
	v8 =	vmul.f32 v16, v25  }
0x12d: {  	v9 =	vmul.f32 v9, v24;
	v11 =	vadd.f32 v12, v11;
	v12 =	vmul.f32 v15, v25  }
0x12e: {  	v7 =	vadd.f32 v8, v7;
	v8 =	vmul.f32 v13, v24;
	v13 =	vmul.f32 v18, v25  }
0x12f: {  	v3 =	vmul.f32 v3, v14;
	v5 =	vadd.f32 v5, v11;
	v9 =	vadd.f32 v12, v9  }
0x130: {  	[tilespmem:s13+$0xE730] =	vst v6;
	v6 =	vmul.f32 v10, v14;
	v4 =	vadd.f32 v4, v7;
	v7 =	vadd.f32 v13, v8  }
0x131: {  	[tilespmem:s13+$0xE740] =	vst v5;
	v3 =	vadd.f32 v3, v9  }
0x132: {  	s0 =	sadd.s32 s12, s31;
	[tilespmem:s13+$0xE750] =	vst v4;
	v4 =	vadd.f32 v6, v7  }
0x133: {  	s0 =	sshll.u32 s0, $0x5;
	[tilespmem:s13+$0xE760] =	vst v3  }
0x134: {  	s2 =	simm.s32 $0x0;
	s0 =	sadd.s32 s6, s0;
	[tilespmem:s13+$0xE770] =	vst v4  }
0x135: {  	[hbm4b:s0+s2] =	stream.linear.scatter [tilespmem:s26], [sflag:$0x3], $0x2000, $0x38;
	[tilespmem:$0x10300] =	vst v63  }
0x136: {  	_ =	swait.ge [sflag:s14], $0x2000  }
0x137: {  	[sflag:s14] =	ssyncset.done $0x0  }
0x138: {  	[sflag:s14] =	ssyncadd.s32 $0xFFFFE000  }
0x139: {  	_ =	swait.ge [sflag:s28], $0x2000  }
0x13a: {  	[sflag:s28] =	ssyncset.done $0x0  }
0x13b: {  	[sflag:s28] =	ssyncadd.s32 $0xFFFFE000  }
0x13c: {  	_ =	swait.ge [sflag:s28], $0x2000  }
0x13d: {  	[sflag:s28] =	ssyncset.done $0x0  }
0x13e: {  	[sflag:s28] =	ssyncadd.s32 $0xFFFFE000  }
0x13f: {  	_ =	swait.ge [sflag:s28], $0x2000  }
0x140: {  	s31 =	sand.u32 $0x1800, s2;
	s1 =	sand.u32 $0x380, s2;
	[sflag:s28] =	ssyncset.done $0x0  }
0x141: {  	s0 =	sor.u32 s1, s31;
	[sflag:s28] =	ssyncadd.s32 $0xFFFFE000  }
0x142: {  	v19 =	vld [tilespmem:s0+$0xC300]  }
0x143: {  	v20 =	vld [tilespmem:s0+$0xC310]  }
0x144: {  	v18 =	vld [tilespmem:s0+$0xC320]  }
0x145: {  	v17 =	vld [tilespmem:s0+$0xC330]  }
0x146: {  	v15 =	vld [tilespmem:s0+$0xC340]  }
0x147: {  	v12 =	vld [tilespmem:s0+$0xC350]  }
0x148: {  	v11 =	vld [tilespmem:s0+$0xC360]  }
0x149: {  	v10 =	vld [tilespmem:s0+$0xC370]  }
0x14a: {  	v9 =	vld [tilespmem:s0+$0xC700]  }
0x14b: {  	v8 =	vld [tilespmem:s0+$0xC710]  }
0x14c: {  	v7 =	vld [tilespmem:s0+$0xC720]  }
0x14d: {  	v6 =	vld [tilespmem:s0+$0xC730]  }
0x14e: {  	v5 =	vld [tilespmem:s0+$0xC740]  }
0x14f: {  	v4 =	vld [tilespmem:s0+$0xC750]  }
0x150: {  	v3 =	vld [tilespmem:s0+$0xC760]  }
0x151: {  	s13 =	simm.s32 $0x7300;
	v21 =	vld [tilespmem:s0+$0x8300]  }
0x152: {  	s1 =	simm.s32 $0x100;
	v14 =	vld [tilespmem:s13+$0x0]  }
.LBB2_5:
0x153: {  	p0 =	sne.s32 s1, $0x1F00;
	v22 =	vld [tilespmem:s0+$0xA300]  }
0x154: {  	v23 =	vld [tilespmem:s0+$0x8310]  }
0x155: {  	v24 =	vld [tilespmem:s0+$0xA310]  }
0x156: {  	v25 =	vld [tilespmem:s0+$0x8320]  }
0x157: {  	v16 =	vbroadcast v14, $0x0;
	v13 =	vbroadcast v14, $0x1;
	v26 =	vld [tilespmem:s0+$0xA320]  }
0x158: {  	v14 =	vbroadcast v14, $0x2;
	v27 =	vld [tilespmem:s0+$0x8330]  }
0x159: {  	v21 =	vmul.f32 v21, v16;
	v22 =	vmul.f32 v22, v13;
	v28 =	vld [tilespmem:s0+$0xA330]  }
0x15a: {  	v23 =	vmul.f32 v23, v16;
	v24 =	vmul.f32 v24, v13;
	v29 =	vld [tilespmem:s0+$0x8340]  }
0x15b: {  	v19 =	vmul.f32 v19, v14;
	v20 =	vmul.f32 v20, v14;
	v21 =	vadd.f32 v22, v21;
	v22 =	vld [tilespmem:s0+$0xA340]  }
0x15c: {  	v23 =	vadd.f32 v24, v23;
	v24 =	vmul.f32 v25, v16;
	v25 =	vmul.f32 v26, v13;
	v26 =	vld [tilespmem:s0+$0x8350]  }
0x15d: {  	v18 =	vmul.f32 v18, v14;
	v19 =	vadd.f32 v19, v21;
	v21 =	vmul.f32 v27, v16;
	v27 =	vld [tilespmem:s0+$0xA350]  }
0x15e: {  	v20 =	vadd.f32 v20, v23;
	v23 =	vadd.f32 v25, v24;
	v24 =	vmul.f32 v28, v13;
	v25 =	vld [tilespmem:s0+$0x8360]  }
0x15f: {  	v17 =	vmul.f32 v17, v14;
	[tilespmem:s0+$0xE300] =	vst v19;
	v19 =	vmul.f32 v29, v16;
	v28 =	vld [tilespmem:s0+$0xA360]  }
0x160: {  	[tilespmem:s0+$0xE310] =	vst v20;
	v18 =	vadd.f32 v18, v23;
	v20 =	vadd.f32 v24, v21;
	v21 =	vmul.f32 v22, v13;
	v22 =	vld [tilespmem:s0+$0x8370]  }
0x161: {  	v15 =	vmul.f32 v15, v14;
	v23 =	vmul.f32 v26, v16;
	v24 =	vld [tilespmem:s0+$0xA370]  }
0x162: {  	[tilespmem:s0+$0xE320] =	vst v18;
	v17 =	vadd.f32 v17, v20;
	v18 =	vadd.f32 v21, v19;
	v19 =	vmul.f32 v27, v13;
	v20 =	vld [tilespmem:s0+$0x8700]  }
0x163: {  	v12 =	vmul.f32 v12, v14;
	v21 =	vmul.f32 v25, v16;
	v25 =	vld [tilespmem:s0+$0xA700]  }
0x164: {  	[tilespmem:s0+$0xE330] =	vst v17;
	v15 =	vadd.f32 v15, v18;
	v17 =	vadd.f32 v19, v23;
	v18 =	vmul.f32 v28, v13;
	v19 =	vld [tilespmem:s0+$0x8710]  }
0x165: {  	v11 =	vmul.f32 v11, v14;
	v22 =	vmul.f32 v22, v16;
	v23 =	vld [tilespmem:s0+$0xA710]  }
0x166: {  	[tilespmem:s0+$0xE340] =	vst v15;
	v12 =	vadd.f32 v12, v17;
	v15 =	vadd.f32 v18, v21;
	v17 =	vmul.f32 v24, v13;
	v18 =	vld [tilespmem:s0+$0x8720]  }
0x167: {  	v10 =	vmul.f32 v10, v14;
	v20 =	vmul.f32 v20, v16;
	v21 =	vld [tilespmem:s0+$0xA720]  }
0x168: {  	[tilespmem:s0+$0xE350] =	vst v12;
	v11 =	vadd.f32 v11, v15;
	v12 =	vadd.f32 v17, v22;
	v15 =	vmul.f32 v25, v13;
	v17 =	vld [tilespmem:s0+$0x8730]  }
0x169: {  	v9 =	vmul.f32 v9, v14;
	v19 =	vmul.f32 v19, v16;
	v22 =	vld [tilespmem:s0+$0xA730]  }
0x16a: {  	[tilespmem:s0+$0xE360] =	vst v11;
	v10 =	vadd.f32 v10, v12;
	v11 =	vadd.f32 v15, v20;
	v12 =	vmul.f32 v23, v13;
	v15 =	vld [tilespmem:s0+$0x8740]  }
0x16b: {  	v8 =	vmul.f32 v8, v14;
	v18 =	vmul.f32 v18, v16;
	v20 =	vld [tilespmem:s0+$0xA740]  }
0x16c: {  	[tilespmem:s0+$0xE370] =	vst v10;
	v9 =	vadd.f32 v9, v11;
	v10 =	vadd.f32 v12, v19;
	v11 =	vmul.f32 v21, v13;
	v12 =	vld [tilespmem:s0+$0x8750]  }
0x16d: {  	v7 =	vmul.f32 v7, v14;
	v17 =	vmul.f32 v17, v16;
	v19 =	vld [tilespmem:s0+$0xA750]  }
0x16e: {  	[tilespmem:s0+$0xE700] =	vst v9;
	v8 =	vadd.f32 v8, v10;
	v9 =	vadd.f32 v11, v18;
	v10 =	vmul.f32 v22, v13;
	v11 =	vld [tilespmem:s0+$0x8760]  }
0x16f: {  	v6 =	vmul.f32 v6, v14;
	v15 =	vmul.f32 v15, v16;
	v18 =	vld [tilespmem:s0+$0xA760]  }
0x170: {  	s2 =	sadd.s32 $0x80, s2;
	[tilespmem:s0+$0xE710] =	vst v8;
	v7 =	vadd.f32 v7, v9;
	v8 =	vadd.f32 v10, v17;
	v9 =	vmul.f32 v20, v13;
	v10 =	vld [tilespmem:s0+$0x8770]  }
0x171: {  	s15 =	sand.u32 $0x1800, s1;
	s16 =	sand.u32 $0x380, s2;
	v5 =	vmul.f32 v5, v14;
	v12 =	vmul.f32 v12, v16;
	v21 =	vld [tilespmem:s0+$0xA770]  }
0x172: {  	s15 =	sor.u32 s16, s15;
	[tilespmem:s0+$0xE720] =	vst v7;
	v6 =	vadd.f32 v6, v8;
	v7 =	vadd.f32 v9, v15;
	v8 =	vmul.f32 v19, v13;
	v9 =	vld [tilespmem:s0+$0xC770]  }
0x173: {  	v4 =	vmul.f32 v4, v14;
	v19 =	vld [tilespmem:s15+$0xC300];
	v11 =	vmul.f32 v11, v16  }
0x174: {  	v20 =	vld [tilespmem:s15+$0xC310];
	[tilespmem:s0+$0xE730] =	vst v6;
	v5 =	vadd.f32 v5, v7;
	v6 =	vadd.f32 v8, v12;
	v7 =	vmul.f32 v18, v13  }
0x175: {  	v3 =	vmul.f32 v3, v14;
	v18 =	vld [tilespmem:s15+$0xC320];
	v8 =	vmul.f32 v10, v16  }
0x176: {  	v17 =	vld [tilespmem:s15+$0xC330];
	[tilespmem:s0+$0xE740] =	vst v5;
	v4 =	vadd.f32 v4, v6;
	v5 =	vadd.f32 v7, v11;
	v6 =	vmul.f32 v21, v13  }
0x177: {  	v15 =	vld [tilespmem:s15+$0xC340];
	v7 =	vmul.f32 v9, v14  }
0x178: {  	v12 =	vld [tilespmem:s15+$0xC350];
	[tilespmem:s0+$0xE750] =	vst v4;
	v3 =	vadd.f32 v3, v5;
	v4 =	vadd.f32 v6, v8  }
0x179: {  	v11 =	vld [tilespmem:s15+$0xC360]  }
0x17a: {  	v10 =	vld [tilespmem:s15+$0xC370];
	[tilespmem:s0+$0xE760] =	vst v3;
	v3 =	vadd.f32 v7, v4  }
0x17b: {  	v9 =	vld [tilespmem:s15+$0xC700]  }
0x17c: {  	v8 =	vld [tilespmem:s15+$0xC710];
	[tilespmem:s0+$0xE770] =	vst v3;
	s0 =	smov.u32 s15  }
0x17d: {  	v7 =	vld [tilespmem:s0+$0xC720]  }
0x17e: {  	v6 =	vld [tilespmem:s0+$0xC730]  }
.Ltmp1:
0x17f: {  	v5 =	vld [tilespmem:s0+$0xC740];
	(pc) =	sbr.rel @p0 .LBB2_5-.Ltmp1, $4  }
0x180: {  	v4 =	vld [tilespmem:s0+$0xC750]  }
0x181: {  	v3 =	vld [tilespmem:s0+$0xC760]  }
0x182: {  	s13 =	sadd.s32 $0x80, s13;
	v21 =	vld [tilespmem:s0+$0x8300]  }
0x183: {  	s1 =	sadd.s32 $0x100, s1;
	v14 =	vld [tilespmem:s13+$0x0]  }
0x184: {  	v13 =	vld [tilespmem:s0+$0xA300]  }
0x185: {  	v16 =	vld [tilespmem:s0+$0x8310]  }
0x186: {  	v22 =	vld [tilespmem:s0+$0xA310]  }
0x187: {  	v23 =	vld [tilespmem:s0+$0x8320]  }
0x188: {  	v26 =	vld [tilespmem:s0+$0xA320]  }
0x189: {  	v27 =	vld [tilespmem:s0+$0x8330]  }
0x18a: {  	v28 =	vld [tilespmem:s0+$0xA330]  }
0x18b: {  	v29 =	vld [tilespmem:s0+$0x8340];
	v24 =	vbroadcast v14, $0x0;
	v25 =	vbroadcast v14, $0x1  }
0x18c: {  	v49 =	vld [tilespmem:s0+$0xA340];
	v14 =	vbroadcast v14, $0x2  }
0x18d: {  	v30 =	vld [tilespmem:s0+$0x8350];
	v21 =	vmul.f32 v21, v24;
	v13 =	vmul.f32 v13, v25  }
0x18e: {  	v50 =	vld [tilespmem:s0+$0xA350];
	v16 =	vmul.f32 v16, v24;
	v22 =	vmul.f32 v22, v25  }
0x18f: {  	v53 =	vld [tilespmem:s0+$0x8360];
	v19 =	vmul.f32 v19, v14;
	v20 =	vmul.f32 v20, v14  }
0x190: {  	v56 =	vld [tilespmem:s0+$0xA360];
	v51 =	vmul.f32 v23, v24;
	v52 =	vmul.f32 v26, v25  }
0x191: {  	v59 =	vld [tilespmem:s0+$0x8370];
	v54 =	vmul.f32 v18, v14;
	v57 =	vmul.f32 v27, v24  }
0x192: {  	v39 =	vld [tilespmem:s0+$0xA720];
	v58 =	vmul.f32 v28, v25;
	v17 =	vmul.f32 v17, v14  }
0x193: {  	v61 =	vld [tilespmem:s0+$0xA370];
	v62 =	vmul.f32 v29, v24;
	v15 =	vmul.f32 v15, v14  }
0x194: {  	v33 =	vld [tilespmem:s0+$0x8710];
	v31 =	vmul.f32 v30, v24;
	v12 =	vmul.f32 v12, v14  }
0x195: {  	v41 =	vld [tilespmem:s0+$0xA730];
	v36 =	vmul.f32 v53, v24;
	v11 =	vmul.f32 v11, v14  }
0x196: {  	v46 =	vld [tilespmem:s0+$0xA750];
	v10 =	vmul.f32 v10, v14;
	v9 =	vmul.f32 v9, v14  }
0x197: {  	v40 =	vld [tilespmem:s0+$0x8730];
	v8 =	vmul.f32 v8, v14;
	v47 =	vmul.f32 v39, v25  }
0x198: {  	v27 =	vld [tilespmem:s0+$0x8700];
	v7 =	vmul.f32 v7, v14;
	v6 =	vmul.f32 v6, v14  }
0x199: {  	v29 =	vld [tilespmem:s0+$0xA700];
	v5 =	vmul.f32 v5, v14;
	v13 =	vadd.f32 v13, v21;
	v16 =	vadd.f32 v22, v16  }
0x19a: {  	v53 =	vld [tilespmem:s0+$0xA770];
	v55 =	vadd.f32 v52, v51;
	v21 =	vmul.f32 v49, v25;
	v22 =	vmul.f32 v61, v25  }
0x19b: {  	v35 =	vld [tilespmem:s0+$0xA710];
	v60 =	vadd.f32 v58, v57;
	v51 =	vmul.f32 v41, v25;
	v57 =	vmul.f32 v46, v25  }
0x19c: {  	v44 =	vld [tilespmem:s0+$0xA740];
	v13 =	vadd.f32 v19, v13;
	v16 =	vadd.f32 v20, v16;
	v19 =	vmul.f32 v50, v25  }
0x19d: {  	v49 =	vld [tilespmem:s0+$0xA760];
	v28 =	vadd.f32 v21, v62;
	v20 =	vmul.f32 v56, v25;
	v50 =	vmul.f32 v40, v24  }
0x19e: {  	v52 =	vld [tilespmem:s0+$0x8770];
	v63 =	vadd.f32 v17, v60;
	v17 =	vmul.f32 v27, v24;
	v21 =	vmul.f32 v29, v25  }
0x19f: {  	v37 =	vld [tilespmem:s0+$0x8720];
	v60 =	vmul.f32 v53, v25;
	[tilespmem:s0+$0xE300] =	vst v13;
	v13 =	vadd.f32 v54, v55;
	v32 =	vadd.f32 v15, v28  }
0x1a0: {  	v56 =	vld [tilespmem:s0+$0xC770];
	[tilespmem:s0+$0xE310] =	vst v16;
	v34 =	vadd.f32 v19, v31;
	v16 =	vmul.f32 v59, v24;
	v15 =	vmul.f32 v33, v24  }
0x1a1: {  	v42 =	vld [tilespmem:s0+$0x8740];
	[tilespmem:s0+$0xE330] =	vst v63;
	v38 =	vadd.f32 v20, v36;
	v19 =	vmul.f32 v35, v25;
	v54 =	vmul.f32 v44, v25  }
0x1a2: {  	v48 =	vld [tilespmem:s0+$0x8760];
	v43 =	vadd.f32 v21, v17;
	v58 =	vmul.f32 v49, v25;
	[tilespmem:s0+$0xE320] =	vst v13;
	v12 =	vadd.f32 v12, v34  }
0x1a3: {  	v45 =	vld [tilespmem:s0+$0x8750];
	v59 =	vmul.f32 v52, v24;
	[tilespmem:s0+$0xE340] =	vst v32;
	v11 =	vadd.f32 v11, v38;
	v15 =	vadd.f32 v19, v15  }
0x1a4: {  	v16 =	vadd.f32 v22, v16;
	v13 =	vmul.f32 v37, v24;
	v9 =	vadd.f32 v9, v43;
	[tilespmem:s0+$0xE350] =	vst v12  }
0x1a5: {  	v61 =	vmul.f32 v56, v14;
	v62 =	vadd.f32 v60, v59;
	[tilespmem:s0+$0xE360] =	vst v11;
	v8 =	vadd.f32 v8, v15  }
0x1a6: {  	v10 =	vadd.f32 v10, v16;
	v13 =	vadd.f32 v47, v13;
	v11 =	vmul.f32 v42, v24;
	[tilespmem:s0+$0xE700] =	vst v9  }
0x1a7: {  	v9 =	vmul.f32 v48, v24;
	v63 =	vadd.f32 v61, v62;
	[tilespmem:s0+$0xE710] =	vst v8;
	v8 =	vadd.f32 v51, v50  }
0x1a8: {  	v55 =	vmul.f32 v45, v24;
	[tilespmem:s0+$0xE370] =	vst v10;
	v7 =	vadd.f32 v7, v13;
	v11 =	vadd.f32 v54, v11  }
0x1a9: {  	v3 =	vmul.f32 v3, v14;
	v9 =	vadd.f32 v58, v9;
	[tilespmem:s0+$0xE770] =	vst v63;
	v6 =	vadd.f32 v6, v8  }
0x1aa: {  	v4 =	vmul.f32 v4, v14;
	[tilespmem:s0+$0xE720] =	vst v7;
	v7 =	vadd.f32 v57, v55;
	v5 =	vadd.f32 v5, v11  }
0x1ab: {  	v3 =	vadd.f32 v3, v9;
	[tilespmem:s0+$0xE730] =	vst v6  }
0x1ac: {  	s1 =	sadd.s32 s12, s30;
	s29 =	sadd.s32 $0x1, s29;
	v4 =	vadd.f32 v4, v7;
	[tilespmem:s0+$0xE740] =	vst v5  }
0x1ad: {  	s1 =	sshll.u32 s1, $0x5;
	p0 =	sne.s32 s29, $0x10;
	[tilespmem:s0+$0xE760] =	vst v3  }
.Ltmp2:
0x1ae: {  	s31 =	simm.s32 $0x0;
	s30 =	sadd.s32 s6, s1;
	[tilespmem:s0+$0xE750] =	vst v4;
	(pc) =	sbr.rel @p0 .LBB2_2-.Ltmp2, $4  }
0x1af: {  	[hbm4b:s30+s31] =	stream.linear.scatter [tilespmem:s26], [sflag:$0x3], $0x2000, $0x38;
	[tilespmem:$0x10300] =	vst v63  }
0x1b0: {  	_ =	swait.ge [sflag:s14], $0x2000  }
0x1b1: {  	[sflag:s14] =	ssyncset.done $0x0  }
0x1b2: {  	[sflag:s14] =	ssyncadd.s32 $0xFFFFE000  }
0x1b3: {  	s1 =	rddreg [dreg:$0x3]  }
0x1b4: {  	s0 =	rddreg [dreg:$0x2];
	s1 =	sadd.s32 $0x1, s1  }
0x1b5: {  	p0 =	sne.s32 s1, s0  }
.Ltmp3:
0x1b6: {  	_ = 	snop;
	(pc) =	sbr.rel @p0 .LBB2_1-.Ltmp3, $1  }
0x1b7: {  	_ =	sdelay $0x3  }
0x1b8: {  	_ =	sfence.sel $0x180000  }
0x1b9: {  	[bflag:$0x0] =	sbarrier.arrive $0xFFFF  }
0x1ba: {  	_ =	strace $0x90000047  }
0x1bb: {  	s0 =	stileid.u32;
	[bflag:$0x2] =	sbarrier.arrive $0xFFFF  }
0x1bc: {  	p0 =	sne.s32 s0, $0x0;
	s0 =	rddreg [dreg:$0x1]  }
0x1bd: {  	s0 =	sadd.s32 @!p0 $0x100000, s0  }
0x1be: {  	[sflag:s0] =	ssyncadd.tile.s32 @!p0 $0x1;
	_ =	shalt  }
.Lfunc_end2:
_tile_overlayer_lowered:
.L_overlay_start_2:
0x1bf: {  	(tag) =	ssettag $0x2  }
0x1c0: {  	s0 =	rddreg [dreg:$0x0];
	s2 =	stileid.u32  }
0x1c1: {  	s1 =	rddreg [dreg:$0x1];
	p0 =	sne.s32 s2, $0x0  }
0x1c2: {  	s3 =	rddreg [dreg:$0x2];
	[bflag:$0x3] =	sbarrier.arrive $0xFFFF;
	s2 =	simm.s32 @!p0 $0x1C03  }
0x1c3: {  	[timem:s3], [sflag:s2] =	dma.local @!p0 [hbm:s0], s1  }
0x1c4: {  	s0 =	simm.s32 @!p0 $0x3  }
0x1c5: {  	_ =	swait.ge @!p0 [sflag:s0], s1  }
0x1c6: {  	s1 =	ssub.s32 @!p0 $0x0, s1;
	[sflag:s0] =	ssyncset.done @!p0 $0x0  }
0x1c7: {  	[sflag:s0] =	ssyncadd.s32 @!p0 s1  }
0x1c8: {  	[bflag:$0x3] =	sbarrier.arrive $0xFFFF  }
0x1c9: {  	_ =	shalt  }

</sc_bundles>
